<compile_context>
chip_gen: v7x
topology: tpu7x:2x2x1
jax: 0.10.2.dev20260603
libtpu: 0.0.44.dev20260713+nightly
codegen_flags: <defaults>
</compile_context>

<pallas_src>
import functools

import jax
import jax.numpy as jnp
from jax import lax
from jax.experimental import pallas as pl
from jax.experimental.pallas import tpu as pltpu
from jax.experimental.pallas import tpu_sc as plsc

D_OUT = 64
SCALE = 8.0
LANES = 16
BLK = 128
TPAD = 129


@functools.cache
def _build(S0: int, S1: int, V: int):
    info = plsc.get_sparse_core_info()
    NC, NS = info.num_cores, info.num_subcores
    NW = NC * NS
    s0_blocks = S0 // BLK
    n_blocks = S1 * s0_blocks
    assert n_blocks % (2 * NW) == 0, (S0, S1, NW)
    blocks_per_w = n_blocks // NW
    n_pair = blocks_per_w // 2
    b_per_w = blocks_per_w * BLK
    mesh = plsc.VectorSubcoreMesh(core_axis_name="c", subcore_axis_name="s")

    def body(x_hbm, table_hbm, out_hbm, idx_v, rows_a, rows_b, rows_c, rows_d,
             trans_a, trans_b, sem_a, sem_b, sem_c, sem_d, sem_oa, sem_ob):
        wid = lax.axis_index("s") * NC + lax.axis_index("c")
        base = wid * b_per_w
        pltpu.sync_copy(x_hbm.at[pl.ds(base, b_per_w)], idx_v)
        iota16 = lax.iota(jnp.int32, 16)
        rowv = [iota16 + j0 for j0 in range(0, D_OUT, LANES)]

        def fire_gather(b, buf, sem):
            pltpu.async_copy(
                table_hbm.at[idx_v.at[pl.ds(b * BLK, BLK)]], buf, sem
            )

        def drain_gather(b, buf, sem):
            pltpu.make_async_copy(
                table_hbm.at[idx_v.at[pl.ds(b * BLK, BLK)]], buf, sem
            ).wait()

        def out_tiles(b, trans, sem, fire):
            blk_id = wid * blocks_per_w + b
            s1 = blk_id // s0_blocks
            s0b = lax.rem(blk_id, s0_blocks)
            for jb in range(D_OUT // 8):
                src = trans.at[pl.ds(jb * 8, 8), pl.ds(0, BLK)]
                dst = out_hbm.at[s1, jb, s0b]
                if fire:
                    pltpu.async_copy(src, dst, sem)
                else:
                    pltpu.make_async_copy(src, dst, sem).wait()

        def transpose_scale(rows, trans):
            def tok4(i, carry):
                t0 = i * 4
                for dt in range(4):
                    t = t0 + dt
                    colv = jnp.full((LANES,), 0, jnp.int32) + t
                    for k, j0 in enumerate(range(0, D_OUT, LANES)):
                        v = rows[t, pl.ds(j0, LANES)] * SCALE
                        plsc.store_scatter(trans, [rowv[k], colv], v)
                return carry

            lax.fori_loop(0, BLK // 4, tok4, 0)

        rows = [rows_a, rows_b, rows_c, rows_d]
        sems = [sem_a, sem_b, sem_c, sem_d]
        trans = [trans_a, trans_b]
        osems = [sem_oa, sem_ob]

        for b in range(4):
            fire_gather(b, rows[b], sems[b])

        def quad(g, carry):
            c0 = 4 * g
            for b in range(4):
                c = c0 + b
                drain_gather(c, rows[b], sems[b])
                p = b % 2

                @pl.when(c >= 2)
                def _():
                    out_tiles(c - 2, trans[p], osems[p], False)

                transpose_scale(rows[b], trans[p])
                out_tiles(c, trans[p], osems[p], True)

                @pl.when(c + 4 < blocks_per_w)
                def _():
                    fire_gather(c + 4, rows[b], sems[b])

            return carry

        lax.fori_loop(0, blocks_per_w // 4, quad, 0)
        out_tiles(blocks_per_w - 2, trans[0], osems[0], False)
        out_tiles(blocks_per_w - 1, trans[1], osems[1], False)

    return pl.kernel(
        body,
        out_type=jax.ShapeDtypeStruct(
            (S1, D_OUT // 8, S0 // BLK, 8, BLK), jnp.float32
        ),
        mesh=mesh,
        compiler_params=pltpu.CompilerParams(
            use_tc_tiling_on_sc=False,
            needs_layout_passes=False,
            disable_bounds_checks=True,
        ),
        scratch_types=[
            pltpu.VMEM((b_per_w,), jnp.int32),
            pltpu.VMEM((BLK, D_OUT), jnp.float32),
            pltpu.VMEM((BLK, D_OUT), jnp.float32),
            pltpu.VMEM((BLK, D_OUT), jnp.float32),
            pltpu.VMEM((BLK, D_OUT), jnp.float32),
            pltpu.VMEM((D_OUT, TPAD), jnp.float32),
            pltpu.VMEM((D_OUT, TPAD), jnp.float32),
            pltpu.SemaphoreType.DMA,
            pltpu.SemaphoreType.DMA,
            pltpu.SemaphoreType.DMA,
            pltpu.SemaphoreType.DMA,
            pltpu.SemaphoreType.DMA,
            pltpu.SemaphoreType.DMA,
        ],
    )


def kernel(x, table):
    s0, s1 = x.shape
    v, d = table.shape
    xt = x.T.reshape(s0 * s1).astype(jnp.int32)
    out5d = _build(s0, s1, v)(xt, table)
    return out5d.transpose(2, 4, 0, 1, 3).reshape(s0, s1, d)

# --- scband reference (transcript-rebuilt; emitter-appended) ---
"""Pipeline reference for scband-embeddings-90847148245352 (READ-ONLY COPY).

The authoritative reference and input builder live on the scoring server;
editing this copy changes nothing except your own understanding.
"""

import jax, jax.numpy as jnp
import numpy as np

N_VOCAB = 1000000
D_OUTPUT = 64
PADDING_IDX = 0


def setup_inputs(seed: int = 0) -> dict:
    key = jax.random.key(seed)
    k1, k2 = jax.random.split(key)
    x = jax.random.randint(k1, (4096, 200), 0, N_VOCAB, dtype=jnp.int64 if jax.config.jax_enable_x64 else jnp.int32)
    table = jax.random.normal(k2, (N_VOCAB, D_OUTPUT), dtype=jnp.float32)
    # nn.Embedding zeros the padding_idx row at init
    table = table.at[PADDING_IDX].set(0.0)
    return {"x": x, "table": table}


def reference(x, table):
    sqrt_d = jnp.sqrt(jnp.asarray(D_OUTPUT, dtype=jnp.float32))
    emb = jnp.take(table, x, axis=0)
    return emb * sqrt_d

if __name__ == "__main__":
    import jax
    _d = setup_inputs()
    print(jax.jit(kernel)(*tuple(_d.values())))

</pallas_src>

<mosaic_0001>
#map = affine_map<(d0, d1) -> (0)>
#map1 = affine_map<(d0, d1) -> (0, 0)>
#map2 = affine_map<(d0, d1) -> (0, 0, 0, 0, 0)>
module attributes {stable_mosaic.version = 14 : i64} {
  func.func @body(%arg0: i32, %arg1: i32, %arg2: memref<819200xi32, #tpu.memory_space<hbm>>, %arg3: memref<1000000x64xf32, #tpu.memory_space<hbm>>, %arg4: memref<200x8x32x8x128xf32, #tpu.memory_space<hbm>>, %arg5: memref<25600xi32, #tpu.memory_space<vmem>>, %arg6: memref<128x64xf32, #tpu.memory_space<vmem>>, %arg7: memref<128x64xf32, #tpu.memory_space<vmem>>, %arg8: memref<128x64xf32, #tpu.memory_space<vmem>>, %arg9: memref<128x64xf32, #tpu.memory_space<vmem>>, %arg10: memref<64x129xf32, #tpu.memory_space<vmem>>, %arg11: memref<64x129xf32, #tpu.memory_space<vmem>>, %arg12: memref<!tpu.dma_semaphore, #tpu.memory_space<semaphore_mem>>, %arg13: memref<!tpu.dma_semaphore, #tpu.memory_space<semaphore_mem>>, %arg14: memref<!tpu.dma_semaphore, #tpu.memory_space<semaphore_mem>>, %arg15: memref<!tpu.dma_semaphore, #tpu.memory_space<semaphore_mem>>, %arg16: memref<!tpu.dma_semaphore, #tpu.memory_space<semaphore_mem>>, %arg17: memref<!tpu.dma_semaphore, #tpu.memory_space<semaphore_mem>>) attributes {dimension_semantics = [#tpu.dimension_semantics<core_parallel>, #tpu.dimension_semantics<subcore_parallel>], iteration_bounds = array<i64: 2, 16>, scalar_prefetch = 0 : i64, scratch_operands = 13 : i64, tpu.core_type = #tpu.core_type<sc_vector_subcore>, window_params = [{transform_indices = #map}, {transform_indices = #map1}, {transform_indices = #map2}]} {
    %mul3A = arith.constant 2 : i32
    %mul3A_0 = arith.muli %arg1, %mul3A : i32
    %add3A = arith.addi %mul3A_0, %arg0 : i32
    %mul3A_1 = arith.constant 25600 : i32
    %mul3A_2 = arith.muli %add3A, %mul3A_1 : i32
    "tpu.region"() ({
      %run_scoped3A = tpu.sem_alloc : memref<!tpu.dma_semaphore, #tpu.memory_space<semaphore_mem>>
      %dma_start3A_330 = tpu.memref_slice %arg2[%mul3A_2] : memref<819200xi32, #tpu.memory_space<hbm>> -> memref<25600xi32, #tpu.memory_space<hbm>>
      %dma_start3A_331 = tpu.memref_slice %arg2[%mul3A_2] : memref<819200xi32, #tpu.memory_space<hbm>> -> memref<25600xi32, #tpu.memory_space<hbm>>
      tpu.enqueue_dma source(%dma_start3A_331 : memref<25600xi32, #tpu.memory_space<hbm>>) target(%arg5 : memref<25600xi32, #tpu.memory_space<vmem>>) target_semaphore(%run_scoped3A : memref<!tpu.dma_semaphore, #tpu.memory_space<semaphore_mem>>)
      %dma_wait3A_332 = tpu.memref_slice %arg2[%mul3A_2] : memref<819200xi32, #tpu.memory_space<hbm>> -> memref<25600xi32, #tpu.memory_space<hbm>>
      %dma_wait3A_333 = tpu.memref_slice %arg2[%mul3A_2] : memref<819200xi32, #tpu.memory_space<hbm>> -> memref<25600xi32, #tpu.memory_space<hbm>>
      tpu.wait_dma2 semaphore(%run_scoped3A : memref<!tpu.dma_semaphore, #tpu.memory_space<semaphore_mem>>) src(%dma_wait3A_333 : memref<25600xi32, #tpu.memory_space<hbm>>) dst(%arg5 : memref<25600xi32, #tpu.memory_space<vmem>>)
      tpu.yield
    }) : () -> ()
    %iota3A = tpu.iota {dimensions = array<i32: 0>} : vector<16xi32>
    %add3A_3 = arith.constant 0 : i32
    %add3A_4 = vector.broadcast %add3A_3 : i32 to vector<16xi32>
    %add3A_5 = arith.addi %iota3A, %add3A_4 : vector<16xi32>
    %add3A_6 = arith.constant 16 : i32
    %add3A_7 = vector.broadcast %add3A_6 : i32 to vector<16xi32>
    %add3A_8 = arith.addi %iota3A, %add3A_7 : vector<16xi32>
    %add3A_9 = arith.constant 32 : i32
    %add3A_10 = vector.broadcast %add3A_9 : i32 to vector<16xi32>
    %add3A_11 = arith.addi %iota3A, %add3A_10 : vector<16xi32>
    %add3A_12 = arith.constant 48 : i32
    %add3A_13 = vector.broadcast %add3A_12 : i32 to vector<16xi32>
    %add3A_14 = arith.addi %iota3A, %add3A_13 : vector<16xi32>
    %dma_start3A = arith.constant 0 : i32
    %dma_start3A_15 = tpu.memref_slice %arg5[%dma_start3A] : memref<25600xi32, #tpu.memory_space<vmem>> -> memref<128xi32, #tpu.memory_space<vmem>>
    %dma_start3A_16 = arith.constant 0 : i32
    %dma_start3A_17 = arith.constant 0 : i32
    %dma_start3A_18 = tpu.memref_slice %arg3[%dma_start3A_16, %dma_start3A_17] : memref<1000000x64xf32, #tpu.memory_space<hbm>> -> memref<1000000x64xf32, #tpu.memory_space<hbm>>
    tpu.enqueue_indirect_dma source(%dma_start3A_18 : memref<1000000x64xf32, #tpu.memory_space<hbm>>) target(%arg6 : memref<128x64xf32, #tpu.memory_space<vmem>>) offsets(%dma_start3A_15 : memref<128xi32, #tpu.memory_space<vmem>>) semaphore(%arg12 : memref<!tpu.dma_semaphore, #tpu.memory_space<semaphore_mem>>)
    %dma_start3A_19 = arith.constant 128 : i32
    %dma_start3A_20 = tpu.memref_slice %arg5[%dma_start3A_19] : memref<25600xi32, #tpu.memory_space<vmem>> -> memref<128xi32, #tpu.memory_space<vmem>>
    %dma_start3A_21 = arith.constant 0 : i32
    %dma_start3A_22 = arith.constant 0 : i32
    %dma_start3A_23 = tpu.memref_slice %arg3[%dma_start3A_21, %dma_start3A_22] : memref<1000000x64xf32, #tpu.memory_space<hbm>> -> memref<1000000x64xf32, #tpu.memory_space<hbm>>
    tpu.enqueue_indirect_dma source(%dma_start3A_23 : memref<1000000x64xf32, #tpu.memory_space<hbm>>) target(%arg7 : memref<128x64xf32, #tpu.memory_space<vmem>>) offsets(%dma_start3A_20 : memref<128xi32, #tpu.memory_space<vmem>>) semaphore(%arg13 : memref<!tpu.dma_semaphore, #tpu.memory_space<semaphore_mem>>)
    %dma_start3A_24 = arith.constant 256 : i32
    %dma_start3A_25 = tpu.memref_slice %arg5[%dma_start3A_24] : memref<25600xi32, #tpu.memory_space<vmem>> -> memref<128xi32, #tpu.memory_space<vmem>>
    %dma_start3A_26 = arith.constant 0 : i32
    %dma_start3A_27 = arith.constant 0 : i32
    %dma_start3A_28 = tpu.memref_slice %arg3[%dma_start3A_26, %dma_start3A_27] : memref<1000000x64xf32, #tpu.memory_space<hbm>> -> memref<1000000x64xf32, #tpu.memory_space<hbm>>
    tpu.enqueue_indirect_dma source(%dma_start3A_28 : memref<1000000x64xf32, #tpu.memory_space<hbm>>) target(%arg8 : memref<128x64xf32, #tpu.memory_space<vmem>>) offsets(%dma_start3A_25 : memref<128xi32, #tpu.memory_space<vmem>>) semaphore(%arg14 : memref<!tpu.dma_semaphore, #tpu.memory_space<semaphore_mem>>)
    %dma_start3A_29 = arith.constant 384 : i32
    %dma_start3A_30 = tpu.memref_slice %arg5[%dma_start3A_29] : memref<25600xi32, #tpu.memory_space<vmem>> -> memref<128xi32, #tpu.memory_space<vmem>>
    %dma_start3A_31 = arith.constant 0 : i32
    %dma_start3A_32 = arith.constant 0 : i32
    %dma_start3A_33 = tpu.memref_slice %arg3[%dma_start3A_31, %dma_start3A_32] : memref<1000000x64xf32, #tpu.memory_space<hbm>> -> memref<1000000x64xf32, #tpu.memory_space<hbm>>
    tpu.enqueue_indirect_dma source(%dma_start3A_33 : memref<1000000x64xf32, #tpu.memory_space<hbm>>) target(%arg9 : memref<128x64xf32, #tpu.memory_space<vmem>>) offsets(%dma_start3A_30 : memref<128xi32, #tpu.memory_space<vmem>>) semaphore(%arg15 : memref<!tpu.dma_semaphore, #tpu.memory_space<semaphore_mem>>)
    %scan3A = arith.constant 0 : i32
    %scan3A_34 = arith.constant 0 : i32
    %scan3A_35 = arith.constant 50 : i32
    %scan3A_36 = arith.addi %scan3A_34, %scan3A_35 : i32
    %scan3A_37 = arith.constant 1 : i32
    scf.for %scan3A_330 = %scan3A_34 to %scan3A_36 step %scan3A_37  : i32 {
      %mul3A_331 = arith.constant 4 : i32
      %mul3A_332 = arith.muli %mul3A_331, %scan3A_330 : i32
      %add3A_333 = arith.constant 0 : i32
      %add3A_334 = arith.addi %mul3A_332, %add3A_333 : i32
      %mul3A_335 = arith.constant 128 : i32
      %mul3A_336 = arith.muli %add3A_334, %mul3A_335 : i32
      %dma_wait3A_337 = tpu.memref_slice %arg5[%mul3A_336] : memref<25600xi32, #tpu.memory_space<vmem>> -> memref<128xi32, #tpu.memory_space<vmem>>
      %dma_wait3A_338 = arith.constant 0 : i32
      %dma_wait3A_339 = arith.constant 0 : i32
      %dma_wait3A_340 = tpu.memref_slice %arg3[%dma_wait3A_338, %dma_wait3A_339] : memref<1000000x64xf32, #tpu.memory_space<hbm>> -> memref<1000000x64xf32, #tpu.memory_space<hbm>>
      tpu.wait_indirect_dma semaphore(%arg12 : memref<!tpu.dma_semaphore, #tpu.memory_space<semaphore_mem>>) src(%dma_wait3A_340 : memref<1000000x64xf32, #tpu.memory_space<hbm>>) dst(%arg6 : memref<128x64xf32, #tpu.memory_space<vmem>>)
      %ge3A = arith.constant 2 : i32
      %ge3A_341 = arith.cmpi sge, %add3A_334, %ge3A : i32
      %convert_element_type3A = arith.extui %ge3A_341 : i1 to i32
      %cond3A = arith.constant 0 : i32
      %cond3A_342 = arith.cmpi ne, %convert_element_type3A, %cond3A : i32
      scf.if %cond3A_342 {
        %sub3A_1029 = arith.constant 2 : i32
        %sub3A_1030 = arith.subi %add3A_334, %sub3A_1029 : i32
        %mul3A_1031 = arith.constant 200 : i32
        %mul3A_1032 = arith.muli %add3A, %mul3A_1031 : i32
        %add3A_1033 = arith.addi %mul3A_1032, %sub3A_1030 : i32
        %jit3A_1034 = arith.constant 32 : i32
        %div3A_1035 = arith.divsi %add3A_1033, %jit3A_1034 : i32
        %sign3A_1036 = arith.constant 0 : i32
        %sign3A_1037 = arith.cmpi sgt, %add3A_1033, %sign3A_1036 : i32
        %sign3A_1038 = arith.extui %sign3A_1037 : i1 to i32
        %sign3A_1039 = arith.constant 0 : i32
        %sign3A_1040 = arith.cmpi slt, %add3A_1033, %sign3A_1039 : i32
        %sign3A_1041 = arith.extui %sign3A_1040 : i1 to i32
        %sign3A_1042 = arith.subi %sign3A_1038, %sign3A_1041 : i32
        %sign3A_1043 = arith.constant 0 : i32
        %sign3A_1044 = arith.cmpi sgt, %jit3A_1034, %sign3A_1043 : i32
        %sign3A_1045 = arith.extui %sign3A_1044 : i1 to i32
        %sign3A_1046 = arith.constant 0 : i32
        %sign3A_1047 = arith.cmpi slt, %jit3A_1034, %sign3A_1046 : i32
        %sign3A_1048 = arith.extui %sign3A_1047 : i1 to i32
        %sign3A_1049 = arith.subi %sign3A_1045, %sign3A_1048 : i32
        %ne3A_1050 = arith.cmpi ne, %sign3A_1042, %sign3A_1049 : i32
        %rem3A_1051 = arith.remsi %add3A_1033, %jit3A_1034 : i32
        %ne3A_1052 = arith.constant 0 : i32
        %ne3A_1053 = arith.cmpi ne, %rem3A_1051, %ne3A_1052 : i32
        %and3A_1054 = arith.andi %ne3A_1050, %ne3A_1053 : i1
        %sub3A_1055 = arith.constant 1 : i32
        %sub3A_1056 = arith.subi %div3A_1035, %sub3A_1055 : i32
        %select_n3A_1057 = arith.select %and3A_1054, %sub3A_1056, %div3A_1035 : i32
        %rem3A_1058 = arith.constant 32 : i32
        %rem3A_1059 = arith.remsi %add3A_1033, %rem3A_1058 : i32
        %dma_wait3A_1060 = arith.constant 0 : i32
        %dma_wait3A_1061 = arith.constant 0 : i32
        %dma_wait3A_1062 = arith.constant 0 : i32
        %dma_wait3A_1063 = tpu.memref_slice %arg10[%dma_wait3A_1061, %dma_wait3A_1062] : memref<64x129xf32, #tpu.memory_space<vmem>> -> memref<8x128xf32, #tpu.memory_space<vmem>>
        %dma_wait3A_1064 = arith.constant 0 : i32
        %dma_wait3A_1065 = arith.constant 0 : i32
        %dma_wait3A_1066 = tpu.memref_slice %arg4[%select_n3A_1057, %dma_wait3A_1060, %rem3A_1059, %dma_wait3A_1064, %dma_wait3A_1065] : memref<200x8x32x8x128xf32, #tpu.memory_space<hbm>> -> memref<1x1x1x8x128xf32, #tpu.memory_space<hbm>>
        %dma_wait3A_1067 = tpu.memref_squeeze %dma_wait3A_1066 : memref<1x1x1x8x128xf32, #tpu.memory_space<hbm>> -> memref<8x128xf32, #tpu.memory_space<hbm>>
        %dma_wait3A_1068 = arith.constant 0 : i32
        %dma_wait3A_1069 = arith.constant 0 : i32
        %dma_wait3A_1070 = tpu.memref_slice %arg4[%select_n3A_1057, %dma_wait3A_1060, %rem3A_1059, %dma_wait3A_1068, %dma_wait3A_1069] : memref<200x8x32x8x128xf32, #tpu.memory_space<hbm>> -> memref<1x1x1x8x128xf32, #tpu.memory_space<hbm>>
        %dma_wait3A_1071 = tpu.memref_squeeze %dma_wait3A_1070 : memref<1x1x1x8x128xf32, #tpu.memory_space<hbm>> -> memref<8x128xf32, #tpu.memory_space<hbm>>
        %dma_wait3A_1072 = arith.constant 0 : i32
        %dma_wait3A_1073 = arith.constant 0 : i32
        %dma_wait3A_1074 = tpu.memref_slice %arg10[%dma_wait3A_1072, %dma_wait3A_1073] : memref<64x129xf32, #tpu.memory_space<vmem>> -> memref<8x128xf32, #tpu.memory_space<vmem>>
        tpu.wait_dma2 semaphore(%arg16 : memref<!tpu.dma_semaphore, #tpu.memory_space<semaphore_mem>>) src(%dma_wait3A_1074 : memref<8x128xf32, #tpu.memory_space<vmem>>) dst(%dma_wait3A_1071 : memref<8x128xf32, #tpu.memory_space<hbm>>)
        %dma_wait3A_1075 = arith.constant 1 : i32
        %dma_wait3A_1076 = arith.constant 8 : i32
        %dma_wait3A_1077 = arith.constant 0 : i32
        %dma_wait3A_1078 = tpu.memref_slice %arg10[%dma_wait3A_1076, %dma_wait3A_1077] : memref<64x129xf32, #tpu.memory_space<vmem>> -> memref<8x128xf32, #tpu.memory_space<vmem>>
        %dma_wait3A_1079 = arith.constant 0 : i32
        %dma_wait3A_1080 = arith.constant 0 : i32
        %dma_wait3A_1081 = tpu.memref_slice %arg4[%select_n3A_1057, %dma_wait3A_1075, %rem3A_1059, %dma_wait3A_1079, %dma_wait3A_1080] : memref<200x8x32x8x128xf32, #tpu.memory_space<hbm>> -> memref<1x1x1x8x128xf32, #tpu.memory_space<hbm>>
        %dma_wait3A_1082 = tpu.memref_squeeze %dma_wait3A_1081 : memref<1x1x1x8x128xf32, #tpu.memory_space<hbm>> -> memref<8x128xf32, #tpu.memory_space<hbm>>
        %dma_wait3A_1083 = arith.constant 0 : i32
        %dma_wait3A_1084 = arith.constant 0 : i32
        %dma_wait3A_1085 = tpu.memref_slice %arg4[%select_n3A_1057, %dma_wait3A_1075, %rem3A_1059, %dma_wait3A_1083, %dma_wait3A_1084] : memref<200x8x32x8x128xf32, #tpu.memory_space<hbm>> -> memref<1x1x1x8x128xf32, #tpu.memory_space<hbm>>
        %dma_wait3A_1086 = tpu.memref_squeeze %dma_wait3A_1085 : memref<1x1x1x8x128xf32, #tpu.memory_space<hbm>> -> memref<8x128xf32, #tpu.memory_space<hbm>>
        %dma_wait3A_1087 = arith.constant 8 : i32
        %dma_wait3A_1088 = arith.constant 0 : i32
        %dma_wait3A_1089 = tpu.memref_slice %arg10[%dma_wait3A_1087, %dma_wait3A_1088] : memref<64x129xf32, #tpu.memory_space<vmem>> -> memref<8x128xf32, #tpu.memory_space<vmem>>
        tpu.wait_dma2 semaphore(%arg16 : memref<!tpu.dma_semaphore, #tpu.memory_space<semaphore_mem>>) src(%dma_wait3A_1089 : memref<8x128xf32, #tpu.memory_space<vmem>>) dst(%dma_wait3A_1086 : memref<8x128xf32, #tpu.memory_space<hbm>>)
        %dma_wait3A_1090 = arith.constant 2 : i32
        %dma_wait3A_1091 = arith.constant 16 : i32
        %dma_wait3A_1092 = arith.constant 0 : i32
        %dma_wait3A_1093 = tpu.memref_slice %arg10[%dma_wait3A_1091, %dma_wait3A_1092] : memref<64x129xf32, #tpu.memory_space<vmem>> -> memref<8x128xf32, #tpu.memory_space<vmem>>
        %dma_wait3A_1094 = arith.constant 0 : i32
        %dma_wait3A_1095 = arith.constant 0 : i32
        %dma_wait3A_1096 = tpu.memref_slice %arg4[%select_n3A_1057, %dma_wait3A_1090, %rem3A_1059, %dma_wait3A_1094, %dma_wait3A_1095] : memref<200x8x32x8x128xf32, #tpu.memory_space<hbm>> -> memref<1x1x1x8x128xf32, #tpu.memory_space<hbm>>
        %dma_wait3A_1097 = tpu.memref_squeeze %dma_wait3A_1096 : memref<1x1x1x8x128xf32, #tpu.memory_space<hbm>> -> memref<8x128xf32, #tpu.memory_space<hbm>>
        %dma_wait3A_1098 = arith.constant 0 : i32
        %dma_wait3A_1099 = arith.constant 0 : i32
        %dma_wait3A_1100 = tpu.memref_slice %arg4[%select_n3A_1057, %dma_wait3A_1090, %rem3A_1059, %dma_wait3A_1098, %dma_wait3A_1099] : memref<200x8x32x8x128xf32, #tpu.memory_space<hbm>> -> memref<1x1x1x8x128xf32, #tpu.memory_space<hbm>>
        %dma_wait3A_1101 = tpu.memref_squeeze %dma_wait3A_1100 : memref<1x1x1x8x128xf32, #tpu.memory_space<hbm>> -> memref<8x128xf32, #tpu.memory_space<hbm>>
        %dma_wait3A_1102 = arith.constant 16 : i32
        %dma_wait3A_1103 = arith.constant 0 : i32
        %dma_wait3A_1104 = tpu.memref_slice %arg10[%dma_wait3A_1102, %dma_wait3A_1103] : memref<64x129xf32, #tpu.memory_space<vmem>> -> memref<8x128xf32, #tpu.memory_space<vmem>>
        tpu.wait_dma2 semaphore(%arg16 : memref<!tpu.dma_semaphore, #tpu.memory_space<semaphore_mem>>) src(%dma_wait3A_1104 : memref<8x128xf32, #tpu.memory_space<vmem>>) dst(%dma_wait3A_1101 : memref<8x128xf32, #tpu.memory_space<hbm>>)
        %dma_wait3A_1105 = arith.constant 3 : i32
        %dma_wait3A_1106 = arith.constant 24 : i32
        %dma_wait3A_1107 = arith.constant 0 : i32
        %dma_wait3A_1108 = tpu.memref_slice %arg10[%dma_wait3A_1106, %dma_wait3A_1107] : memref<64x129xf32, #tpu.memory_space<vmem>> -> memref<8x128xf32, #tpu.memory_space<vmem>>
        %dma_wait3A_1109 = arith.constant 0 : i32
        %dma_wait3A_1110 = arith.constant 0 : i32
        %dma_wait3A_1111 = tpu.memref_slice %arg4[%select_n3A_1057, %dma_wait3A_1105, %rem3A_1059, %dma_wait3A_1109, %dma_wait3A_1110] : memref<200x8x32x8x128xf32, #tpu.memory_space<hbm>> -> memref<1x1x1x8x128xf32, #tpu.memory_space<hbm>>
        %dma_wait3A_1112 = tpu.memref_squeeze %dma_wait3A_1111 : memref<1x1x1x8x128xf32, #tpu.memory_space<hbm>> -> memref<8x128xf32, #tpu.memory_space<hbm>>
        %dma_wait3A_1113 = arith.constant 0 : i32
        %dma_wait3A_1114 = arith.constant 0 : i32
        %dma_wait3A_1115 = tpu.memref_slice %arg4[%select_n3A_1057, %dma_wait3A_1105, %rem3A_1059, %dma_wait3A_1113, %dma_wait3A_1114] : memref<200x8x32x8x128xf32, #tpu.memory_space<hbm>> -> memref<1x1x1x8x128xf32, #tpu.memory_space<hbm>>
        %dma_wait3A_1116 = tpu.memref_squeeze %dma_wait3A_1115 : memref<1x1x1x8x128xf32, #tpu.memory_space<hbm>> -> memref<8x128xf32, #tpu.memory_space<hbm>>
        %dma_wait3A_1117 = arith.constant 24 : i32
        %dma_wait3A_1118 = arith.constant 0 : i32
        %dma_wait3A_1119 = tpu.memref_slice %arg10[%dma_wait3A_1117, %dma_wait3A_1118] : memref<64x129xf32, #tpu.memory_space<vmem>> -> memref<8x128xf32, #tpu.memory_space<vmem>>
        tpu.wait_dma2 semaphore(%arg16 : memref<!tpu.dma_semaphore, #tpu.memory_space<semaphore_mem>>) src(%dma_wait3A_1119 : memref<8x128xf32, #tpu.memory_space<vmem>>) dst(%dma_wait3A_1116 : memref<8x128xf32, #tpu.memory_space<hbm>>)
        %dma_wait3A_1120 = arith.constant 4 : i32
        %dma_wait3A_1121 = arith.constant 32 : i32
        %dma_wait3A_1122 = arith.constant 0 : i32
        %dma_wait3A_1123 = tpu.memref_slice %arg10[%dma_wait3A_1121, %dma_wait3A_1122] : memref<64x129xf32, #tpu.memory_space<vmem>> -> memref<8x128xf32, #tpu.memory_space<vmem>>
        %dma_wait3A_1124 = arith.constant 0 : i32
        %dma_wait3A_1125 = arith.constant 0 : i32
        %dma_wait3A_1126 = tpu.memref_slice %arg4[%select_n3A_1057, %dma_wait3A_1120, %rem3A_1059, %dma_wait3A_1124, %dma_wait3A_1125] : memref<200x8x32x8x128xf32, #tpu.memory_space<hbm>> -> memref<1x1x1x8x128xf32, #tpu.memory_space<hbm>>
        %dma_wait3A_1127 = tpu.memref_squeeze %dma_wait3A_1126 : memref<1x1x1x8x128xf32, #tpu.memory_space<hbm>> -> memref<8x128xf32, #tpu.memory_space<hbm>>
        %dma_wait3A_1128 = arith.constant 0 : i32
        %dma_wait3A_1129 = arith.constant 0 : i32
        %dma_wait3A_1130 = tpu.memref_slice %arg4[%select_n3A_1057, %dma_wait3A_1120, %rem3A_1059, %dma_wait3A_1128, %dma_wait3A_1129] : memref<200x8x32x8x128xf32, #tpu.memory_space<hbm>> -> memref<1x1x1x8x128xf32, #tpu.memory_space<hbm>>
        %dma_wait3A_1131 = tpu.memref_squeeze %dma_wait3A_1130 : memref<1x1x1x8x128xf32, #tpu.memory_space<hbm>> -> memref<8x128xf32, #tpu.memory_space<hbm>>
        %dma_wait3A_1132 = arith.constant 32 : i32
        %dma_wait3A_1133 = arith.constant 0 : i32
        %dma_wait3A_1134 = tpu.memref_slice %arg10[%dma_wait3A_1132, %dma_wait3A_1133] : memref<64x129xf32, #tpu.memory_space<vmem>> -> memref<8x128xf32, #tpu.memory_space<vmem>>
        tpu.wait_dma2 semaphore(%arg16 : memref<!tpu.dma_semaphore, #tpu.memory_space<semaphore_mem>>) src(%dma_wait3A_1134 : memref<8x128xf32, #tpu.memory_space<vmem>>) dst(%dma_wait3A_1131 : memref<8x128xf32, #tpu.memory_space<hbm>>)
        %dma_wait3A_1135 = arith.constant 5 : i32
        %dma_wait3A_1136 = arith.constant 40 : i32
        %dma_wait3A_1137 = arith.constant 0 : i32
        %dma_wait3A_1138 = tpu.memref_slice %arg10[%dma_wait3A_1136, %dma_wait3A_1137] : memref<64x129xf32, #tpu.memory_space<vmem>> -> memref<8x128xf32, #tpu.memory_space<vmem>>
        %dma_wait3A_1139 = arith.constant 0 : i32
        %dma_wait3A_1140 = arith.constant 0 : i32
        %dma_wait3A_1141 = tpu.memref_slice %arg4[%select_n3A_1057, %dma_wait3A_1135, %rem3A_1059, %dma_wait3A_1139, %dma_wait3A_1140] : memref<200x8x32x8x128xf32, #tpu.memory_space<hbm>> -> memref<1x1x1x8x128xf32, #tpu.memory_space<hbm>>
        %dma_wait3A_1142 = tpu.memref_squeeze %dma_wait3A_1141 : memref<1x1x1x8x128xf32, #tpu.memory_space<hbm>> -> memref<8x128xf32, #tpu.memory_space<hbm>>
        %dma_wait3A_1143 = arith.constant 0 : i32
        %dma_wait3A_1144 = arith.constant 0 : i32
        %dma_wait3A_1145 = tpu.memref_slice %arg4[%select_n3A_1057, %dma_wait3A_1135, %rem3A_1059, %dma_wait3A_1143, %dma_wait3A_1144] : memref<200x8x32x8x128xf32, #tpu.memory_space<hbm>> -> memref<1x1x1x8x128xf32, #tpu.memory_space<hbm>>
        %dma_wait3A_1146 = tpu.memref_squeeze %dma_wait3A_1145 : memref<1x1x1x8x128xf32, #tpu.memory_space<hbm>> -> memref<8x128xf32, #tpu.memory_space<hbm>>
        %dma_wait3A_1147 = arith.constant 40 : i32
        %dma_wait3A_1148 = arith.constant 0 : i32
        %dma_wait3A_1149 = tpu.memref_slice %arg10[%dma_wait3A_1147, %dma_wait3A_1148] : memref<64x129xf32, #tpu.memory_space<vmem>> -> memref<8x128xf32, #tpu.memory_space<vmem>>
        tpu.wait_dma2 semaphore(%arg16 : memref<!tpu.dma_semaphore, #tpu.memory_space<semaphore_mem>>) src(%dma_wait3A_1149 : memref<8x128xf32, #tpu.memory_space<vmem>>) dst(%dma_wait3A_1146 : memref<8x128xf32, #tpu.memory_space<hbm>>)
        %dma_wait3A_1150 = arith.constant 6 : i32
        %dma_wait3A_1151 = arith.constant 48 : i32
        %dma_wait3A_1152 = arith.constant 0 : i32
        %dma_wait3A_1153 = tpu.memref_slice %arg10[%dma_wait3A_1151, %dma_wait3A_1152] : memref<64x129xf32, #tpu.memory_space<vmem>> -> memref<8x128xf32, #tpu.memory_space<vmem>>
        %dma_wait3A_1154 = arith.constant 0 : i32
        %dma_wait3A_1155 = arith.constant 0 : i32
        %dma_wait3A_1156 = tpu.memref_slice %arg4[%select_n3A_1057, %dma_wait3A_1150, %rem3A_1059, %dma_wait3A_1154, %dma_wait3A_1155] : memref<200x8x32x8x128xf32, #tpu.memory_space<hbm>> -> memref<1x1x1x8x128xf32, #tpu.memory_space<hbm>>
        %dma_wait3A_1157 = tpu.memref_squeeze %dma_wait3A_1156 : memref<1x1x1x8x128xf32, #tpu.memory_space<hbm>> -> memref<8x128xf32, #tpu.memory_space<hbm>>
        %dma_wait3A_1158 = arith.constant 0 : i32
        %dma_wait3A_1159 = arith.constant 0 : i32
        %dma_wait3A_1160 = tpu.memref_slice %arg4[%select_n3A_1057, %dma_wait3A_1150, %rem3A_1059, %dma_wait3A_1158, %dma_wait3A_1159] : memref<200x8x32x8x128xf32, #tpu.memory_space<hbm>> -> memref<1x1x1x8x128xf32, #tpu.memory_space<hbm>>
        %dma_wait3A_1161 = tpu.memref_squeeze %dma_wait3A_1160 : memref<1x1x1x8x128xf32, #tpu.memory_space<hbm>> -> memref<8x128xf32, #tpu.memory_space<hbm>>
        %dma_wait3A_1162 = arith.constant 48 : i32
        %dma_wait3A_1163 = arith.constant 0 : i32
        %dma_wait3A_1164 = tpu.memref_slice %arg10[%dma_wait3A_1162, %dma_wait3A_1163] : memref<64x129xf32, #tpu.memory_space<vmem>> -> memref<8x128xf32, #tpu.memory_space<vmem>>
        tpu.wait_dma2 semaphore(%arg16 : memref<!tpu.dma_semaphore, #tpu.memory_space<semaphore_mem>>) src(%dma_wait3A_1164 : memref<8x128xf32, #tpu.memory_space<vmem>>) dst(%dma_wait3A_1161 : memref<8x128xf32, #tpu.memory_space<hbm>>)
        %dma_wait3A_1165 = arith.constant 7 : i32
        %dma_wait3A_1166 = arith.constant 56 : i32
        %dma_wait3A_1167 = arith.constant 0 : i32
        %dma_wait3A_1168 = tpu.memref_slice %arg10[%dma_wait3A_1166, %dma_wait3A_1167] : memref<64x129xf32, #tpu.memory_space<vmem>> -> memref<8x128xf32, #tpu.memory_space<vmem>>
        %dma_wait3A_1169 = arith.constant 0 : i32
        %dma_wait3A_1170 = arith.constant 0 : i32
        %dma_wait3A_1171 = tpu.memref_slice %arg4[%select_n3A_1057, %dma_wait3A_1165, %rem3A_1059, %dma_wait3A_1169, %dma_wait3A_1170] : memref<200x8x32x8x128xf32, #tpu.memory_space<hbm>> -> memref<1x1x1x8x128xf32, #tpu.memory_space<hbm>>
        %dma_wait3A_1172 = tpu.memref_squeeze %dma_wait3A_1171 : memref<1x1x1x8x128xf32, #tpu.memory_space<hbm>> -> memref<8x128xf32, #tpu.memory_space<hbm>>
        %dma_wait3A_1173 = arith.constant 0 : i32
        %dma_wait3A_1174 = arith.constant 0 : i32
        %dma_wait3A_1175 = tpu.memref_slice %arg4[%select_n3A_1057, %dma_wait3A_1165, %rem3A_1059, %dma_wait3A_1173, %dma_wait3A_1174] : memref<200x8x32x8x128xf32, #tpu.memory_space<hbm>> -> memref<1x1x1x8x128xf32, #tpu.memory_space<hbm>>
        %dma_wait3A_1176 = tpu.memref_squeeze %dma_wait3A_1175 : memref<1x1x1x8x128xf32, #tpu.memory_space<hbm>> -> memref<8x128xf32, #tpu.memory_space<hbm>>
        %dma_wait3A_1177 = arith.constant 56 : i32
        %dma_wait3A_1178 = arith.constant 0 : i32
        %dma_wait3A_1179 = tpu.memref_slice %arg10[%dma_wait3A_1177, %dma_wait3A_1178] : memref<64x129xf32, #tpu.memory_space<vmem>> -> memref<8x128xf32, #tpu.memory_space<vmem>>
        tpu.wait_dma2 semaphore(%arg16 : memref<!tpu.dma_semaphore, #tpu.memory_space<semaphore_mem>>) src(%dma_wait3A_1179 : memref<8x128xf32, #tpu.memory_space<vmem>>) dst(%dma_wait3A_1176 : memref<8x128xf32, #tpu.memory_space<hbm>>)
      } else {
      }
      %scan3A_343 = arith.constant 0 : i32
      %scan3A_344 = arith.constant 0 : i32
      %scan3A_345 = arith.constant 32 : i32
      %scan3A_346 = arith.addi %scan3A_344, %scan3A_345 : i32
      %scan3A_347 = arith.constant 1 : i32
      scf.for %scan3A_1029 = %scan3A_344 to %scan3A_346 step %scan3A_347  : i32 {
        %mul3A_1030 = arith.constant 4 : i32
        %mul3A_1031 = arith.muli %scan3A_1029, %mul3A_1030 : i32
        %add3A_1032 = arith.constant 0 : i32
        %add3A_1033 = arith.addi %mul3A_1031, %add3A_1032 : i32
        %broadcast_in_dim3A = arith.constant 0 : i32
        %broadcast_in_dim3A_1034 = vector.broadcast %broadcast_in_dim3A : i32 to vector<16xi32>
        %add3A_1035 = vector.broadcast %add3A_1033 : i32 to vector<16xi32>
        %add3A_1036 = arith.addi %broadcast_in_dim3A_1034, %add3A_1035 : vector<16xi32>
        %get3A = arith.index_cast %add3A_1033 : i32 to index
        %get3A_1037 = arith.constant 0 : index
        %get3A_1038 = tpu.vector_load %arg6[%get3A, %get3A_1037] {strides = array<i32>} : memref<128x64xf32, #tpu.memory_space<vmem>>, vector<16xf32>,
        %mul3A_1039 = arith.constant 8.000000e+00 : f32
        %mul3A_1040 = vector.broadcast %mul3A_1039 : f32 to vector<16xf32>
        %mul3A_1041 = arith.mulf %get3A_1038, %mul3A_1040 : vector<16xf32>
        tpu.vector_store_idx %arg10[%add3A_5, %add3A_1036], %mul3A_1041 : memref<64x129xf32, #tpu.memory_space<vmem>>[vector<16xi32>, vector<16xi32>], vector<16xf32>,
        %get3A_1042 = arith.index_cast %add3A_1033 : i32 to index
        %get3A_1043 = arith.constant 16 : index
        %get3A_1044 = tpu.vector_load %arg6[%get3A_1042, %get3A_1043] {strides = array<i32>} : memref<128x64xf32, #tpu.memory_space<vmem>>, vector<16xf32>,
        %mul3A_1045 = arith.constant 8.000000e+00 : f32
        %mul3A_1046 = vector.broadcast %mul3A_1045 : f32 to vector<16xf32>
        %mul3A_1047 = arith.mulf %get3A_1044, %mul3A_1046 : vector<16xf32>
        tpu.vector_store_idx %arg10[%add3A_8, %add3A_1036], %mul3A_1047 : memref<64x129xf32, #tpu.memory_space<vmem>>[vector<16xi32>, vector<16xi32>], vector<16xf32>,
        %get3A_1048 = arith.index_cast %add3A_1033 : i32 to index
        %get3A_1049 = arith.constant 32 : index
        %get3A_1050 = tpu.vector_load %arg6[%get3A_1048, %get3A_1049] {strides = array<i32>} : memref<128x64xf32, #tpu.memory_space<vmem>>, vector<16xf32>,
        %mul3A_1051 = arith.constant 8.000000e+00 : f32
        %mul3A_1052 = vector.broadcast %mul3A_1051 : f32 to vector<16xf32>
        %mul3A_1053 = arith.mulf %get3A_1050, %mul3A_1052 : vector<16xf32>
        tpu.vector_store_idx %arg10[%add3A_11, %add3A_1036], %mul3A_1053 : memref<64x129xf32, #tpu.memory_space<vmem>>[vector<16xi32>, vector<16xi32>], vector<16xf32>,
        %get3A_1054 = arith.index_cast %add3A_1033 : i32 to index
        %get3A_1055 = arith.constant 48 : index
        %get3A_1056 = tpu.vector_load %arg6[%get3A_1054, %get3A_1055] {strides = array<i32>} : memref<128x64xf32, #tpu.memory_space<vmem>>, vector<16xf32>,
        %mul3A_1057 = arith.constant 8.000000e+00 : f32
        %mul3A_1058 = vector.broadcast %mul3A_1057 : f32 to vector<16xf32>
        %mul3A_1059 = arith.mulf %get3A_1056, %mul3A_1058 : vector<16xf32>
        tpu.vector_store_idx %arg10[%add3A_14, %add3A_1036], %mul3A_1059 : memref<64x129xf32, #tpu.memory_space<vmem>>[vector<16xi32>, vector<16xi32>], vector<16xf32>,
        %add3A_1060 = arith.constant 1 : i32
        %add3A_1061 = arith.addi %mul3A_1031, %add3A_1060 : i32
        %broadcast_in_dim3A_1062 = arith.constant 0 : i32
        %broadcast_in_dim3A_1063 = vector.broadcast %broadcast_in_dim3A_1062 : i32 to vector<16xi32>
        %add3A_1064 = vector.broadcast %add3A_1061 : i32 to vector<16xi32>
        %add3A_1065 = arith.addi %broadcast_in_dim3A_1063, %add3A_1064 : vector<16xi32>
        %get3A_1066 = arith.index_cast %add3A_1061 : i32 to index
        %get3A_1067 = arith.constant 0 : index
        %get3A_1068 = tpu.vector_load %arg6[%get3A_1066, %get3A_1067] {strides = array<i32>} : memref<128x64xf32, #tpu.memory_space<vmem>>, vector<16xf32>,
        %mul3A_1069 = arith.constant 8.000000e+00 : f32
        %mul3A_1070 = vector.broadcast %mul3A_1069 : f32 to vector<16xf32>
        %mul3A_1071 = arith.mulf %get3A_1068, %mul3A_1070 : vector<16xf32>
        tpu.vector_store_idx %arg10[%add3A_5, %add3A_1065], %mul3A_1071 : memref<64x129xf32, #tpu.memory_space<vmem>>[vector<16xi32>, vector<16xi32>], vector<16xf32>,
        %get3A_1072 = arith.index_cast %add3A_1061 : i32 to index
        %get3A_1073 = arith.constant 16 : index
        %get3A_1074 = tpu.vector_load %arg6[%get3A_1072, %get3A_1073] {strides = array<i32>} : memref<128x64xf32, #tpu.memory_space<vmem>>, vector<16xf32>,
        %mul3A_1075 = arith.constant 8.000000e+00 : f32
        %mul3A_1076 = vector.broadcast %mul3A_1075 : f32 to vector<16xf32>
        %mul3A_1077 = arith.mulf %get3A_1074, %mul3A_1076 : vector<16xf32>
        tpu.vector_store_idx %arg10[%add3A_8, %add3A_1065], %mul3A_1077 : memref<64x129xf32, #tpu.memory_space<vmem>>[vector<16xi32>, vector<16xi32>], vector<16xf32>,
        %get3A_1078 = arith.index_cast %add3A_1061 : i32 to index
        %get3A_1079 = arith.constant 32 : index
        %get3A_1080 = tpu.vector_load %arg6[%get3A_1078, %get3A_1079] {strides = array<i32>} : memref<128x64xf32, #tpu.memory_space<vmem>>, vector<16xf32>,
        %mul3A_1081 = arith.constant 8.000000e+00 : f32
        %mul3A_1082 = vector.broadcast %mul3A_1081 : f32 to vector<16xf32>
        %mul3A_1083 = arith.mulf %get3A_1080, %mul3A_1082 : vector<16xf32>
        tpu.vector_store_idx %arg10[%add3A_11, %add3A_1065], %mul3A_1083 : memref<64x129xf32, #tpu.memory_space<vmem>>[vector<16xi32>, vector<16xi32>], vector<16xf32>,
        %get3A_1084 = arith.index_cast %add3A_1061 : i32 to index
        %get3A_1085 = arith.constant 48 : index
        %get3A_1086 = tpu.vector_load %arg6[%get3A_1084, %get3A_1085] {strides = array<i32>} : memref<128x64xf32, #tpu.memory_space<vmem>>, vector<16xf32>,
        %mul3A_1087 = arith.constant 8.000000e+00 : f32
        %mul3A_1088 = vector.broadcast %mul3A_1087 : f32 to vector<16xf32>
        %mul3A_1089 = arith.mulf %get3A_1086, %mul3A_1088 : vector<16xf32>
        tpu.vector_store_idx %arg10[%add3A_14, %add3A_1065], %mul3A_1089 : memref<64x129xf32, #tpu.memory_space<vmem>>[vector<16xi32>, vector<16xi32>], vector<16xf32>,
        %add3A_1090 = arith.constant 2 : i32
        %add3A_1091 = arith.addi %mul3A_1031, %add3A_1090 : i32
        %broadcast_in_dim3A_1092 = arith.constant 0 : i32
        %broadcast_in_dim3A_1093 = vector.broadcast %broadcast_in_dim3A_1092 : i32 to vector<16xi32>
        %add3A_1094 = vector.broadcast %add3A_1091 : i32 to vector<16xi32>
        %add3A_1095 = arith.addi %broadcast_in_dim3A_1093, %add3A_1094 : vector<16xi32>
        %get3A_1096 = arith.index_cast %add3A_1091 : i32 to index
        %get3A_1097 = arith.constant 0 : index
        %get3A_1098 = tpu.vector_load %arg6[%get3A_1096, %get3A_1097] {strides = array<i32>} : memref<128x64xf32, #tpu.memory_space<vmem>>, vector<16xf32>,
        %mul3A_1099 = arith.constant 8.000000e+00 : f32
        %mul3A_1100 = vector.broadcast %mul3A_1099 : f32 to vector<16xf32>
        %mul3A_1101 = arith.mulf %get3A_1098, %mul3A_1100 : vector<16xf32>
        tpu.vector_store_idx %arg10[%add3A_5, %add3A_1095], %mul3A_1101 : memref<64x129xf32, #tpu.memory_space<vmem>>[vector<16xi32>, vector<16xi32>], vector<16xf32>,
        %get3A_1102 = arith.index_cast %add3A_1091 : i32 to index
        %get3A_1103 = arith.constant 16 : index
        %get3A_1104 = tpu.vector_load %arg6[%get3A_1102, %get3A_1103] {strides = array<i32>} : memref<128x64xf32, #tpu.memory_space<vmem>>, vector<16xf32>,
        %mul3A_1105 = arith.constant 8.000000e+00 : f32
        %mul3A_1106 = vector.broadcast %mul3A_1105 : f32 to vector<16xf32>
        %mul3A_1107 = arith.mulf %get3A_1104, %mul3A_1106 : vector<16xf32>
        tpu.vector_store_idx %arg10[%add3A_8, %add3A_1095], %mul3A_1107 : memref<64x129xf32, #tpu.memory_space<vmem>>[vector<16xi32>, vector<16xi32>], vector<16xf32>,
        %get3A_1108 = arith.index_cast %add3A_1091 : i32 to index
        %get3A_1109 = arith.constant 32 : index
        %get3A_1110 = tpu.vector_load %arg6[%get3A_1108, %get3A_1109] {strides = array<i32>} : memref<128x64xf32, #tpu.memory_space<vmem>>, vector<16xf32>,
        %mul3A_1111 = arith.constant 8.000000e+00 : f32
        %mul3A_1112 = vector.broadcast %mul3A_1111 : f32 to vector<16xf32>
        %mul3A_1113 = arith.mulf %get3A_1110, %mul3A_1112 : vector<16xf32>
        tpu.vector_store_idx %arg10[%add3A_11, %add3A_1095], %mul3A_1113 : memref<64x129xf32, #tpu.memory_space<vmem>>[vector<16xi32>, vector<16xi32>], vector<16xf32>,
        %get3A_1114 = arith.index_cast %add3A_1091 : i32 to index
        %get3A_1115 = arith.constant 48 : index
        %get3A_1116 = tpu.vector_load %arg6[%get3A_1114, %get3A_1115] {strides = array<i32>} : memref<128x64xf32, #tpu.memory_space<vmem>>, vector<16xf32>,
        %mul3A_1117 = arith.constant 8.000000e+00 : f32
        %mul3A_1118 = vector.broadcast %mul3A_1117 : f32 to vector<16xf32>
        %mul3A_1119 = arith.mulf %get3A_1116, %mul3A_1118 : vector<16xf32>
        tpu.vector_store_idx %arg10[%add3A_14, %add3A_1095], %mul3A_1119 : memref<64x129xf32, #tpu.memory_space<vmem>>[vector<16xi32>, vector<16xi32>], vector<16xf32>,
        %add3A_1120 = arith.constant 3 : i32
        %add3A_1121 = arith.addi %mul3A_1031, %add3A_1120 : i32
        %broadcast_in_dim3A_1122 = arith.constant 0 : i32
        %broadcast_in_dim3A_1123 = vector.broadcast %broadcast_in_dim3A_1122 : i32 to vector<16xi32>
        %add3A_1124 = vector.broadcast %add3A_1121 : i32 to vector<16xi32>
        %add3A_1125 = arith.addi %broadcast_in_dim3A_1123, %add3A_1124 : vector<16xi32>
        %get3A_1126 = arith.index_cast %add3A_1121 : i32 to index
        %get3A_1127 = arith.constant 0 : index
        %get3A_1128 = tpu.vector_load %arg6[%get3A_1126, %get3A_1127] {strides = array<i32>} : memref<128x64xf32, #tpu.memory_space<vmem>>, vector<16xf32>,
        %mul3A_1129 = arith.constant 8.000000e+00 : f32
        %mul3A_1130 = vector.broadcast %mul3A_1129 : f32 to vector<16xf32>
        %mul3A_1131 = arith.mulf %get3A_1128, %mul3A_1130 : vector<16xf32>
        tpu.vector_store_idx %arg10[%add3A_5, %add3A_1125], %mul3A_1131 : memref<64x129xf32, #tpu.memory_space<vmem>>[vector<16xi32>, vector<16xi32>], vector<16xf32>,
        %get3A_1132 = arith.index_cast %add3A_1121 : i32 to index
        %get3A_1133 = arith.constant 16 : index
        %get3A_1134 = tpu.vector_load %arg6[%get3A_1132, %get3A_1133] {strides = array<i32>} : memref<128x64xf32, #tpu.memory_space<vmem>>, vector<16xf32>,
        %mul3A_1135 = arith.constant 8.000000e+00 : f32
        %mul3A_1136 = vector.broadcast %mul3A_1135 : f32 to vector<16xf32>
        %mul3A_1137 = arith.mulf %get3A_1134, %mul3A_1136 : vector<16xf32>
        tpu.vector_store_idx %arg10[%add3A_8, %add3A_1125], %mul3A_1137 : memref<64x129xf32, #tpu.memory_space<vmem>>[vector<16xi32>, vector<16xi32>], vector<16xf32>,
        %get3A_1138 = arith.index_cast %add3A_1121 : i32 to index
        %get3A_1139 = arith.constant 32 : index
        %get3A_1140 = tpu.vector_load %arg6[%get3A_1138, %get3A_1139] {strides = array<i32>} : memref<128x64xf32, #tpu.memory_space<vmem>>, vector<16xf32>,
        %mul3A_1141 = arith.constant 8.000000e+00 : f32
        %mul3A_1142 = vector.broadcast %mul3A_1141 : f32 to vector<16xf32>
        %mul3A_1143 = arith.mulf %get3A_1140, %mul3A_1142 : vector<16xf32>
        tpu.vector_store_idx %arg10[%add3A_11, %add3A_1125], %mul3A_1143 : memref<64x129xf32, #tpu.memory_space<vmem>>[vector<16xi32>, vector<16xi32>], vector<16xf32>,
        %get3A_1144 = arith.index_cast %add3A_1121 : i32 to index
        %get3A_1145 = arith.constant 48 : index
        %get3A_1146 = tpu.vector_load %arg6[%get3A_1144, %get3A_1145] {strides = array<i32>} : memref<128x64xf32, #tpu.memory_space<vmem>>, vector<16xf32>,
        %mul3A_1147 = arith.constant 8.000000e+00 : f32
        %mul3A_1148 = vector.broadcast %mul3A_1147 : f32 to vector<16xf32>
        %mul3A_1149 = arith.mulf %get3A_1146, %mul3A_1148 : vector<16xf32>
        tpu.vector_store_idx %arg10[%add3A_14, %add3A_1125], %mul3A_1149 : memref<64x129xf32, #tpu.memory_space<vmem>>[vector<16xi32>, vector<16xi32>], vector<16xf32>,
      }
      %scan3A_348 = arith.constant 32 : i32
      %mul3A_349 = arith.constant 200 : i32
      %mul3A_350 = arith.muli %add3A, %mul3A_349 : i32
      %add3A_351 = arith.addi %mul3A_350, %add3A_334 : i32
      %jit3A_352 = arith.constant 32 : i32
      %div3A_353 = arith.divsi %add3A_351, %jit3A_352 : i32
      %sign3A_354 = arith.constant 0 : i32
      %sign3A_355 = arith.cmpi sgt, %add3A_351, %sign3A_354 : i32
      %sign3A_356 = arith.extui %sign3A_355 : i1 to i32
      %sign3A_357 = arith.constant 0 : i32
      %sign3A_358 = arith.cmpi slt, %add3A_351, %sign3A_357 : i32
      %sign3A_359 = arith.extui %sign3A_358 : i1 to i32
      %sign3A_360 = arith.subi %sign3A_356, %sign3A_359 : i32
      %sign3A_361 = arith.constant 0 : i32
      %sign3A_362 = arith.cmpi sgt, %jit3A_352, %sign3A_361 : i32
      %sign3A_363 = arith.extui %sign3A_362 : i1 to i32
      %sign3A_364 = arith.constant 0 : i32
      %sign3A_365 = arith.cmpi slt, %jit3A_352, %sign3A_364 : i32
      %sign3A_366 = arith.extui %sign3A_365 : i1 to i32
      %sign3A_367 = arith.subi %sign3A_363, %sign3A_366 : i32
      %ne3A_368 = arith.cmpi ne, %sign3A_360, %sign3A_367 : i32
      %rem3A_369 = arith.remsi %add3A_351, %jit3A_352 : i32
      %ne3A_370 = arith.constant 0 : i32
      %ne3A_371 = arith.cmpi ne, %rem3A_369, %ne3A_370 : i32
      %and3A_372 = arith.andi %ne3A_368, %ne3A_371 : i1
      %sub3A_373 = arith.constant 1 : i32
      %sub3A_374 = arith.subi %div3A_353, %sub3A_373 : i32
      %select_n3A_375 = arith.select %and3A_372, %sub3A_374, %div3A_353 : i32
      %rem3A_376 = arith.constant 32 : i32
      %rem3A_377 = arith.remsi %add3A_351, %rem3A_376 : i32
      %dma_start3A_378 = arith.constant 0 : i32
      %dma_start3A_379 = arith.constant 0 : i32
      %dma_start3A_380 = arith.constant 0 : i32
      %dma_start3A_381 = tpu.memref_slice %arg10[%dma_start3A_379, %dma_start3A_380] : memref<64x129xf32, #tpu.memory_space<vmem>> -> memref<8x128xf32, #tpu.memory_space<vmem>>
      %dma_start3A_382 = arith.constant 0 : i32
      %dma_start3A_383 = arith.constant 0 : i32
      %dma_start3A_384 = tpu.memref_slice %arg4[%select_n3A_375, %dma_start3A_378, %rem3A_377, %dma_start3A_382, %dma_start3A_383] : memref<200x8x32x8x128xf32, #tpu.memory_space<hbm>> -> memref<1x1x1x8x128xf32, #tpu.memory_space<hbm>>
      %dma_start3A_385 = tpu.memref_squeeze %dma_start3A_384 : memref<1x1x1x8x128xf32, #tpu.memory_space<hbm>> -> memref<8x128xf32, #tpu.memory_space<hbm>>
      %dma_start3A_386 = arith.constant 0 : i32
      %dma_start3A_387 = arith.constant 0 : i32
      %dma_start3A_388 = tpu.memref_slice %arg4[%select_n3A_375, %dma_start3A_378, %rem3A_377, %dma_start3A_386, %dma_start3A_387] : memref<200x8x32x8x128xf32, #tpu.memory_space<hbm>> -> memref<1x1x1x8x128xf32, #tpu.memory_space<hbm>>
      %dma_start3A_389 = tpu.memref_squeeze %dma_start3A_388 : memref<1x1x1x8x128xf32, #tpu.memory_space<hbm>> -> memref<8x128xf32, #tpu.memory_space<hbm>>
      %dma_start3A_390 = arith.constant 0 : i32
      %dma_start3A_391 = arith.constant 0 : i32
      %dma_start3A_392 = tpu.memref_slice %arg10[%dma_start3A_390, %dma_start3A_391] : memref<64x129xf32, #tpu.memory_space<vmem>> -> memref<8x128xf32, #tpu.memory_space<vmem>>
      tpu.enqueue_dma source(%dma_start3A_392 : memref<8x128xf32, #tpu.memory_space<vmem>>) target(%dma_start3A_389 : memref<8x128xf32, #tpu.memory_space<hbm>>) target_semaphore(%arg16 : memref<!tpu.dma_semaphore, #tpu.memory_space<semaphore_mem>>)
      %dma_start3A_393 = arith.constant 1 : i32
      %dma_start3A_394 = arith.constant 8 : i32
      %dma_start3A_395 = arith.constant 0 : i32
      %dma_start3A_396 = tpu.memref_slice %arg10[%dma_start3A_394, %dma_start3A_395] : memref<64x129xf32, #tpu.memory_space<vmem>> -> memref<8x128xf32, #tpu.memory_space<vmem>>
      %dma_start3A_397 = arith.constant 0 : i32
      %dma_start3A_398 = arith.constant 0 : i32
      %dma_start3A_399 = tpu.memref_slice %arg4[%select_n3A_375, %dma_start3A_393, %rem3A_377, %dma_start3A_397, %dma_start3A_398] : memref<200x8x32x8x128xf32, #tpu.memory_space<hbm>> -> memref<1x1x1x8x128xf32, #tpu.memory_space<hbm>>
      %dma_start3A_400 = tpu.memref_squeeze %dma_start3A_399 : memref<1x1x1x8x128xf32, #tpu.memory_space<hbm>> -> memref<8x128xf32, #tpu.memory_space<hbm>>
      %dma_start3A_401 = arith.constant 0 : i32
      %dma_start3A_402 = arith.constant 0 : i32
      %dma_start3A_403 = tpu.memref_slice %arg4[%select_n3A_375, %dma_start3A_393, %rem3A_377, %dma_start3A_401, %dma_start3A_402] : memref<200x8x32x8x128xf32, #tpu.memory_space<hbm>> -> memref<1x1x1x8x128xf32, #tpu.memory_space<hbm>>
      %dma_start3A_404 = tpu.memref_squeeze %dma_start3A_403 : memref<1x1x1x8x128xf32, #tpu.memory_space<hbm>> -> memref<8x128xf32, #tpu.memory_space<hbm>>
      %dma_start3A_405 = arith.constant 8 : i32
      %dma_start3A_406 = arith.constant 0 : i32
      %dma_start3A_407 = tpu.memref_slice %arg10[%dma_start3A_405, %dma_start3A_406] : memref<64x129xf32, #tpu.memory_space<vmem>> -> memref<8x128xf32, #tpu.memory_space<vmem>>
      tpu.enqueue_dma source(%dma_start3A_407 : memref<8x128xf32, #tpu.memory_space<vmem>>) target(%dma_start3A_404 : memref<8x128xf32, #tpu.memory_space<hbm>>) target_semaphore(%arg16 : memref<!tpu.dma_semaphore, #tpu.memory_space<semaphore_mem>>)
      %dma_start3A_408 = arith.constant 2 : i32
      %dma_start3A_409 = arith.constant 16 : i32
      %dma_start3A_410 = arith.constant 0 : i32
      %dma_start3A_411 = tpu.memref_slice %arg10[%dma_start3A_409, %dma_start3A_410] : memref<64x129xf32, #tpu.memory_space<vmem>> -> memref<8x128xf32, #tpu.memory_space<vmem>>
      %dma_start3A_412 = arith.constant 0 : i32
      %dma_start3A_413 = arith.constant 0 : i32
      %dma_start3A_414 = tpu.memref_slice %arg4[%select_n3A_375, %dma_start3A_408, %rem3A_377, %dma_start3A_412, %dma_start3A_413] : memref<200x8x32x8x128xf32, #tpu.memory_space<hbm>> -> memref<1x1x1x8x128xf32, #tpu.memory_space<hbm>>
      %dma_start3A_415 = tpu.memref_squeeze %dma_start3A_414 : memref<1x1x1x8x128xf32, #tpu.memory_space<hbm>> -> memref<8x128xf32, #tpu.memory_space<hbm>>
      %dma_start3A_416 = arith.constant 0 : i32
      %dma_start3A_417 = arith.constant 0 : i32
      %dma_start3A_418 = tpu.memref_slice %arg4[%select_n3A_375, %dma_start3A_408, %rem3A_377, %dma_start3A_416, %dma_start3A_417] : memref<200x8x32x8x128xf32, #tpu.memory_space<hbm>> -> memref<1x1x1x8x128xf32, #tpu.memory_space<hbm>>
      %dma_start3A_419 = tpu.memref_squeeze %dma_start3A_418 : memref<1x1x1x8x128xf32, #tpu.memory_space<hbm>> -> memref<8x128xf32, #tpu.memory_space<hbm>>
      %dma_start3A_420 = arith.constant 16 : i32
      %dma_start3A_421 = arith.constant 0 : i32
      %dma_start3A_422 = tpu.memref_slice %arg10[%dma_start3A_420, %dma_start3A_421] : memref<64x129xf32, #tpu.memory_space<vmem>> -> memref<8x128xf32, #tpu.memory_space<vmem>>
      tpu.enqueue_dma source(%dma_start3A_422 : memref<8x128xf32, #tpu.memory_space<vmem>>) target(%dma_start3A_419 : memref<8x128xf32, #tpu.memory_space<hbm>>) target_semaphore(%arg16 : memref<!tpu.dma_semaphore, #tpu.memory_space<semaphore_mem>>)
      %dma_start3A_423 = arith.constant 3 : i32
      %dma_start3A_424 = arith.constant 24 : i32
      %dma_start3A_425 = arith.constant 0 : i32
      %dma_start3A_426 = tpu.memref_slice %arg10[%dma_start3A_424, %dma_start3A_425] : memref<64x129xf32, #tpu.memory_space<vmem>> -> memref<8x128xf32, #tpu.memory_space<vmem>>
      %dma_start3A_427 = arith.constant 0 : i32
      %dma_start3A_428 = arith.constant 0 : i32
      %dma_start3A_429 = tpu.memref_slice %arg4[%select_n3A_375, %dma_start3A_423, %rem3A_377, %dma_start3A_427, %dma_start3A_428] : memref<200x8x32x8x128xf32, #tpu.memory_space<hbm>> -> memref<1x1x1x8x128xf32, #tpu.memory_space<hbm>>
      %dma_start3A_430 = tpu.memref_squeeze %dma_start3A_429 : memref<1x1x1x8x128xf32, #tpu.memory_space<hbm>> -> memref<8x128xf32, #tpu.memory_space<hbm>>
      %dma_start3A_431 = arith.constant 0 : i32
      %dma_start3A_432 = arith.constant 0 : i32
      %dma_start3A_433 = tpu.memref_slice %arg4[%select_n3A_375, %dma_start3A_423, %rem3A_377, %dma_start3A_431, %dma_start3A_432] : memref<200x8x32x8x128xf32, #tpu.memory_space<hbm>> -> memref<1x1x1x8x128xf32, #tpu.memory_space<hbm>>
      %dma_start3A_434 = tpu.memref_squeeze %dma_start3A_433 : memref<1x1x1x8x128xf32, #tpu.memory_space<hbm>> -> memref<8x128xf32, #tpu.memory_space<hbm>>
      %dma_start3A_435 = arith.constant 24 : i32
      %dma_start3A_436 = arith.constant 0 : i32
      %dma_start3A_437 = tpu.memref_slice %arg10[%dma_start3A_435, %dma_start3A_436] : memref<64x129xf32, #tpu.memory_space<vmem>> -> memref<8x128xf32, #tpu.memory_space<vmem>>
      tpu.enqueue_dma source(%dma_start3A_437 : memref<8x128xf32, #tpu.memory_space<vmem>>) target(%dma_start3A_434 : memref<8x128xf32, #tpu.memory_space<hbm>>) target_semaphore(%arg16 : memref<!tpu.dma_semaphore, #tpu.memory_space<semaphore_mem>>)
      %dma_start3A_438 = arith.constant 4 : i32
      %dma_start3A_439 = arith.constant 32 : i32
      %dma_start3A_440 = arith.constant 0 : i32
      %dma_start3A_441 = tpu.memref_slice %arg10[%dma_start3A_439, %dma_start3A_440] : memref<64x129xf32, #tpu.memory_space<vmem>> -> memref<8x128xf32, #tpu.memory_space<vmem>>
      %dma_start3A_442 = arith.constant 0 : i32
      %dma_start3A_443 = arith.constant 0 : i32
      %dma_start3A_444 = tpu.memref_slice %arg4[%select_n3A_375, %dma_start3A_438, %rem3A_377, %dma_start3A_442, %dma_start3A_443] : memref<200x8x32x8x128xf32, #tpu.memory_space<hbm>> -> memref<1x1x1x8x128xf32, #tpu.memory_space<hbm>>
      %dma_start3A_445 = tpu.memref_squeeze %dma_start3A_444 : memref<1x1x1x8x128xf32, #tpu.memory_space<hbm>> -> memref<8x128xf32, #tpu.memory_space<hbm>>
      %dma_start3A_446 = arith.constant 0 : i32
      %dma_start3A_447 = arith.constant 0 : i32
      %dma_start3A_448 = tpu.memref_slice %arg4[%select_n3A_375, %dma_start3A_438, %rem3A_377, %dma_start3A_446, %dma_start3A_447] : memref<200x8x32x8x128xf32, #tpu.memory_space<hbm>> -> memref<1x1x1x8x128xf32, #tpu.memory_space<hbm>>
      %dma_start3A_449 = tpu.memref_squeeze %dma_start3A_448 : memref<1x1x1x8x128xf32, #tpu.memory_space<hbm>> -> memref<8x128xf32, #tpu.memory_space<hbm>>
      %dma_start3A_450 = arith.constant 32 : i32
      %dma_start3A_451 = arith.constant 0 : i32
      %dma_start3A_452 = tpu.memref_slice %arg10[%dma_start3A_450, %dma_start3A_451] : memref<64x129xf32, #tpu.memory_space<vmem>> -> memref<8x128xf32, #tpu.memory_space<vmem>>
      tpu.enqueue_dma source(%dma_start3A_452 : memref<8x128xf32, #tpu.memory_space<vmem>>) target(%dma_start3A_449 : memref<8x128xf32, #tpu.memory_space<hbm>>) target_semaphore(%arg16 : memref<!tpu.dma_semaphore, #tpu.memory_space<semaphore_mem>>)
      %dma_start3A_453 = arith.constant 5 : i32
      %dma_start3A_454 = arith.constant 40 : i32
      %dma_start3A_455 = arith.constant 0 : i32
      %dma_start3A_456 = tpu.memref_slice %arg10[%dma_start3A_454, %dma_start3A_455] : memref<64x129xf32, #tpu.memory_space<vmem>> -> memref<8x128xf32, #tpu.memory_space<vmem>>
      %dma_start3A_457 = arith.constant 0 : i32
      %dma_start3A_458 = arith.constant 0 : i32
      %dma_start3A_459 = tpu.memref_slice %arg4[%select_n3A_375, %dma_start3A_453, %rem3A_377, %dma_start3A_457, %dma_start3A_458] : memref<200x8x32x8x128xf32, #tpu.memory_space<hbm>> -> memref<1x1x1x8x128xf32, #tpu.memory_space<hbm>>
      %dma_start3A_460 = tpu.memref_squeeze %dma_start3A_459 : memref<1x1x1x8x128xf32, #tpu.memory_space<hbm>> -> memref<8x128xf32, #tpu.memory_space<hbm>>
      %dma_start3A_461 = arith.constant 0 : i32
      %dma_start3A_462 = arith.constant 0 : i32
      %dma_start3A_463 = tpu.memref_slice %arg4[%select_n3A_375, %dma_start3A_453, %rem3A_377, %dma_start3A_461, %dma_start3A_462] : memref<200x8x32x8x128xf32, #tpu.memory_space<hbm>> -> memref<1x1x1x8x128xf32, #tpu.memory_space<hbm>>
      %dma_start3A_464 = tpu.memref_squeeze %dma_start3A_463 : memref<1x1x1x8x128xf32, #tpu.memory_space<hbm>> -> memref<8x128xf32, #tpu.memory_space<hbm>>
      %dma_start3A_465 = arith.constant 40 : i32
      %dma_start3A_466 = arith.constant 0 : i32
      %dma_start3A_467 = tpu.memref_slice %arg10[%dma_start3A_465, %dma_start3A_466] : memref<64x129xf32, #tpu.memory_space<vmem>> -> memref<8x128xf32, #tpu.memory_space<vmem>>
      tpu.enqueue_dma source(%dma_start3A_467 : memref<8x128xf32, #tpu.memory_space<vmem>>) target(%dma_start3A_464 : memref<8x128xf32, #tpu.memory_space<hbm>>) target_semaphore(%arg16 : memref<!tpu.dma_semaphore, #tpu.memory_space<semaphore_mem>>)
      %dma_start3A_468 = arith.constant 6 : i32
      %dma_start3A_469 = arith.constant 48 : i32
      %dma_start3A_470 = arith.constant 0 : i32
      %dma_start3A_471 = tpu.memref_slice %arg10[%dma_start3A_469, %dma_start3A_470] : memref<64x129xf32, #tpu.memory_space<vmem>> -> memref<8x128xf32, #tpu.memory_space<vmem>>
      %dma_start3A_472 = arith.constant 0 : i32
      %dma_start3A_473 = arith.constant 0 : i32
      %dma_start3A_474 = tpu.memref_slice %arg4[%select_n3A_375, %dma_start3A_468, %rem3A_377, %dma_start3A_472, %dma_start3A_473] : memref<200x8x32x8x128xf32, #tpu.memory_space<hbm>> -> memref<1x1x1x8x128xf32, #tpu.memory_space<hbm>>
      %dma_start3A_475 = tpu.memref_squeeze %dma_start3A_474 : memref<1x1x1x8x128xf32, #tpu.memory_space<hbm>> -> memref<8x128xf32, #tpu.memory_space<hbm>>
      %dma_start3A_476 = arith.constant 0 : i32
      %dma_start3A_477 = arith.constant 0 : i32
      %dma_start3A_478 = tpu.memref_slice %arg4[%select_n3A_375, %dma_start3A_468, %rem3A_377, %dma_start3A_476, %dma_start3A_477] : memref<200x8x32x8x128xf32, #tpu.memory_space<hbm>> -> memref<1x1x1x8x128xf32, #tpu.memory_space<hbm>>
      %dma_start3A_479 = tpu.memref_squeeze %dma_start3A_478 : memref<1x1x1x8x128xf32, #tpu.memory_space<hbm>> -> memref<8x128xf32, #tpu.memory_space<hbm>>
      %dma_start3A_480 = arith.constant 48 : i32
      %dma_start3A_481 = arith.constant 0 : i32
      %dma_start3A_482 = tpu.memref_slice %arg10[%dma_start3A_480, %dma_start3A_481] : memref<64x129xf32, #tpu.memory_space<vmem>> -> memref<8x128xf32, #tpu.memory_space<vmem>>
      tpu.enqueue_dma source(%dma_start3A_482 : memref<8x128xf32, #tpu.memory_space<vmem>>) target(%dma_start3A_479 : memref<8x128xf32, #tpu.memory_space<hbm>>) target_semaphore(%arg16 : memref<!tpu.dma_semaphore, #tpu.memory_space<semaphore_mem>>)
      %dma_start3A_483 = arith.constant 7 : i32
      %dma_start3A_484 = arith.constant 56 : i32
      %dma_start3A_485 = arith.constant 0 : i32
      %dma_start3A_486 = tpu.memref_slice %arg10[%dma_start3A_484, %dma_start3A_485] : memref<64x129xf32, #tpu.memory_space<vmem>> -> memref<8x128xf32, #tpu.memory_space<vmem>>
      %dma_start3A_487 = arith.constant 0 : i32
      %dma_start3A_488 = arith.constant 0 : i32
      %dma_start3A_489 = tpu.memref_slice %arg4[%select_n3A_375, %dma_start3A_483, %rem3A_377, %dma_start3A_487, %dma_start3A_488] : memref<200x8x32x8x128xf32, #tpu.memory_space<hbm>> -> memref<1x1x1x8x128xf32, #tpu.memory_space<hbm>>
      %dma_start3A_490 = tpu.memref_squeeze %dma_start3A_489 : memref<1x1x1x8x128xf32, #tpu.memory_space<hbm>> -> memref<8x128xf32, #tpu.memory_space<hbm>>
      %dma_start3A_491 = arith.constant 0 : i32
      %dma_start3A_492 = arith.constant 0 : i32
      %dma_start3A_493 = tpu.memref_slice %arg4[%select_n3A_375, %dma_start3A_483, %rem3A_377, %dma_start3A_491, %dma_start3A_492] : memref<200x8x32x8x128xf32, #tpu.memory_space<hbm>> -> memref<1x1x1x8x128xf32, #tpu.memory_space<hbm>>
      %dma_start3A_494 = tpu.memref_squeeze %dma_start3A_493 : memref<1x1x1x8x128xf32, #tpu.memory_space<hbm>> -> memref<8x128xf32, #tpu.memory_space<hbm>>
      %dma_start3A_495 = arith.constant 56 : i32
      %dma_start3A_496 = arith.constant 0 : i32
      %dma_start3A_497 = tpu.memref_slice %arg10[%dma_start3A_495, %dma_start3A_496] : memref<64x129xf32, #tpu.memory_space<vmem>> -> memref<8x128xf32, #tpu.memory_space<vmem>>
      tpu.enqueue_dma source(%dma_start3A_497 : memref<8x128xf32, #tpu.memory_space<vmem>>) target(%dma_start3A_494 : memref<8x128xf32, #tpu.memory_space<hbm>>) target_semaphore(%arg16 : memref<!tpu.dma_semaphore, #tpu.memory_space<semaphore_mem>>)
      %add3A_498 = arith.constant 4 : i32
      %add3A_499 = arith.addi %add3A_334, %add3A_498 : i32
      %lt3A = arith.constant 200 : i32
      %lt3A_500 = arith.cmpi slt, %add3A_499, %lt3A : i32
      %convert_element_type3A_501 = arith.extui %lt3A_500 : i1 to i32
      %cond3A_502 = arith.constant 0 : i32
      %cond3A_503 = arith.cmpi ne, %convert_element_type3A_501, %cond3A_502 : i32
      scf.if %cond3A_503 {
        %add3A_1029 = arith.constant 4 : i32
        %add3A_1030 = arith.addi %add3A_334, %add3A_1029 : i32
        %mul3A_1031 = arith.constant 128 : i32
        %mul3A_1032 = arith.muli %add3A_1030, %mul3A_1031 : i32
        %dma_start3A_1033 = tpu.memref_slice %arg5[%mul3A_1032] : memref<25600xi32, #tpu.memory_space<vmem>> -> memref<128xi32, #tpu.memory_space<vmem>>
        %dma_start3A_1034 = arith.constant 0 : i32
        %dma_start3A_1035 = arith.constant 0 : i32
        %dma_start3A_1036 = tpu.memref_slice %arg3[%dma_start3A_1034, %dma_start3A_1035] : memref<1000000x64xf32, #tpu.memory_space<hbm>> -> memref<1000000x64xf32, #tpu.memory_space<hbm>>
        tpu.enqueue_indirect_dma source(%dma_start3A_1036 : memref<1000000x64xf32, #tpu.memory_space<hbm>>) target(%arg6 : memref<128x64xf32, #tpu.memory_space<vmem>>) offsets(%dma_start3A_1033 : memref<128xi32, #tpu.memory_space<vmem>>) semaphore(%arg12 : memref<!tpu.dma_semaphore, #tpu.memory_space<semaphore_mem>>)
      } else {
      }
      %add3A_504 = arith.constant 1 : i32
      %add3A_505 = arith.addi %mul3A_332, %add3A_504 : i32
      %mul3A_506 = arith.constant 128 : i32
      %mul3A_507 = arith.muli %add3A_505, %mul3A_506 : i32
      %dma_wait3A_508 = tpu.memref_slice %arg5[%mul3A_507] : memref<25600xi32, #tpu.memory_space<vmem>> -> memref<128xi32, #tpu.memory_space<vmem>>
      %dma_wait3A_509 = arith.constant 0 : i32
      %dma_wait3A_510 = arith.constant 0 : i32
      %dma_wait3A_511 = tpu.memref_slice %arg3[%dma_wait3A_509, %dma_wait3A_510] : memref<1000000x64xf32, #tpu.memory_space<hbm>> -> memref<1000000x64xf32, #tpu.memory_space<hbm>>
      tpu.wait_indirect_dma semaphore(%arg13 : memref<!tpu.dma_semaphore, #tpu.memory_space<semaphore_mem>>) src(%dma_wait3A_511 : memref<1000000x64xf32, #tpu.memory_space<hbm>>) dst(%arg7 : memref<128x64xf32, #tpu.memory_space<vmem>>)
      %ge3A_512 = arith.constant 2 : i32
      %ge3A_513 = arith.cmpi sge, %add3A_505, %ge3A_512 : i32
      %convert_element_type3A_514 = arith.extui %ge3A_513 : i1 to i32
      %cond3A_515 = arith.constant 0 : i32
      %cond3A_516 = arith.cmpi ne, %convert_element_type3A_514, %cond3A_515 : i32
      scf.if %cond3A_516 {
        %sub3A_1029 = arith.constant 2 : i32
        %sub3A_1030 = arith.subi %add3A_505, %sub3A_1029 : i32
        %mul3A_1031 = arith.constant 200 : i32
        %mul3A_1032 = arith.muli %add3A, %mul3A_1031 : i32
        %add3A_1033 = arith.addi %mul3A_1032, %sub3A_1030 : i32
        %jit3A_1034 = arith.constant 32 : i32
        %div3A_1035 = arith.divsi %add3A_1033, %jit3A_1034 : i32
        %sign3A_1036 = arith.constant 0 : i32
        %sign3A_1037 = arith.cmpi sgt, %add3A_1033, %sign3A_1036 : i32
        %sign3A_1038 = arith.extui %sign3A_1037 : i1 to i32
        %sign3A_1039 = arith.constant 0 : i32
        %sign3A_1040 = arith.cmpi slt, %add3A_1033, %sign3A_1039 : i32
        %sign3A_1041 = arith.extui %sign3A_1040 : i1 to i32
        %sign3A_1042 = arith.subi %sign3A_1038, %sign3A_1041 : i32
        %sign3A_1043 = arith.constant 0 : i32
        %sign3A_1044 = arith.cmpi sgt, %jit3A_1034, %sign3A_1043 : i32
        %sign3A_1045 = arith.extui %sign3A_1044 : i1 to i32
        %sign3A_1046 = arith.constant 0 : i32
        %sign3A_1047 = arith.cmpi slt, %jit3A_1034, %sign3A_1046 : i32
        %sign3A_1048 = arith.extui %sign3A_1047 : i1 to i32
        %sign3A_1049 = arith.subi %sign3A_1045, %sign3A_1048 : i32
        %ne3A_1050 = arith.cmpi ne, %sign3A_1042, %sign3A_1049 : i32
        %rem3A_1051 = arith.remsi %add3A_1033, %jit3A_1034 : i32
        %ne3A_1052 = arith.constant 0 : i32
        %ne3A_1053 = arith.cmpi ne, %rem3A_1051, %ne3A_1052 : i32
        %and3A_1054 = arith.andi %ne3A_1050, %ne3A_1053 : i1
        %sub3A_1055 = arith.constant 1 : i32
        %sub3A_1056 = arith.subi %div3A_1035, %sub3A_1055 : i32
        %select_n3A_1057 = arith.select %and3A_1054, %sub3A_1056, %div3A_1035 : i32
        %rem3A_1058 = arith.constant 32 : i32
        %rem3A_1059 = arith.remsi %add3A_1033, %rem3A_1058 : i32
        %dma_wait3A_1060 = arith.constant 0 : i32
        %dma_wait3A_1061 = arith.constant 0 : i32
        %dma_wait3A_1062 = arith.constant 0 : i32
        %dma_wait3A_1063 = tpu.memref_slice %arg11[%dma_wait3A_1061, %dma_wait3A_1062] : memref<64x129xf32, #tpu.memory_space<vmem>> -> memref<8x128xf32, #tpu.memory_space<vmem>>
        %dma_wait3A_1064 = arith.constant 0 : i32
        %dma_wait3A_1065 = arith.constant 0 : i32
        %dma_wait3A_1066 = tpu.memref_slice %arg4[%select_n3A_1057, %dma_wait3A_1060, %rem3A_1059, %dma_wait3A_1064, %dma_wait3A_1065] : memref<200x8x32x8x128xf32, #tpu.memory_space<hbm>> -> memref<1x1x1x8x128xf32, #tpu.memory_space<hbm>>
        %dma_wait3A_1067 = tpu.memref_squeeze %dma_wait3A_1066 : memref<1x1x1x8x128xf32, #tpu.memory_space<hbm>> -> memref<8x128xf32, #tpu.memory_space<hbm>>
        %dma_wait3A_1068 = arith.constant 0 : i32
        %dma_wait3A_1069 = arith.constant 0 : i32
        %dma_wait3A_1070 = tpu.memref_slice %arg4[%select_n3A_1057, %dma_wait3A_1060, %rem3A_1059, %dma_wait3A_1068, %dma_wait3A_1069] : memref<200x8x32x8x128xf32, #tpu.memory_space<hbm>> -> memref<1x1x1x8x128xf32, #tpu.memory_space<hbm>>
        %dma_wait3A_1071 = tpu.memref_squeeze %dma_wait3A_1070 : memref<1x1x1x8x128xf32, #tpu.memory_space<hbm>> -> memref<8x128xf32, #tpu.memory_space<hbm>>
        %dma_wait3A_1072 = arith.constant 0 : i32
        %dma_wait3A_1073 = arith.constant 0 : i32
        %dma_wait3A_1074 = tpu.memref_slice %arg11[%dma_wait3A_1072, %dma_wait3A_1073] : memref<64x129xf32, #tpu.memory_space<vmem>> -> memref<8x128xf32, #tpu.memory_space<vmem>>
        tpu.wait_dma2 semaphore(%arg17 : memref<!tpu.dma_semaphore, #tpu.memory_space<semaphore_mem>>) src(%dma_wait3A_1074 : memref<8x128xf32, #tpu.memory_space<vmem>>) dst(%dma_wait3A_1071 : memref<8x128xf32, #tpu.memory_space<hbm>>)
        %dma_wait3A_1075 = arith.constant 1 : i32
        %dma_wait3A_1076 = arith.constant 8 : i32
        %dma_wait3A_1077 = arith.constant 0 : i32
        %dma_wait3A_1078 = tpu.memref_slice %arg11[%dma_wait3A_1076, %dma_wait3A_1077] : memref<64x129xf32, #tpu.memory_space<vmem>> -> memref<8x128xf32, #tpu.memory_space<vmem>>
        %dma_wait3A_1079 = arith.constant 0 : i32
        %dma_wait3A_1080 = arith.constant 0 : i32
        %dma_wait3A_1081 = tpu.memref_slice %arg4[%select_n3A_1057, %dma_wait3A_1075, %rem3A_1059, %dma_wait3A_1079, %dma_wait3A_1080] : memref<200x8x32x8x128xf32, #tpu.memory_space<hbm>> -> memref<1x1x1x8x128xf32, #tpu.memory_space<hbm>>
        %dma_wait3A_1082 = tpu.memref_squeeze %dma_wait3A_1081 : memref<1x1x1x8x128xf32, #tpu.memory_space<hbm>> -> memref<8x128xf32, #tpu.memory_space<hbm>>
        %dma_wait3A_1083 = arith.constant 0 : i32
        %dma_wait3A_1084 = arith.constant 0 : i32
        %dma_wait3A_1085 = tpu.memref_slice %arg4[%select_n3A_1057, %dma_wait3A_1075, %rem3A_1059, %dma_wait3A_1083, %dma_wait3A_1084] : memref<200x8x32x8x128xf32, #tpu.memory_space<hbm>> -> memref<1x1x1x8x128xf32, #tpu.memory_space<hbm>>
        %dma_wait3A_1086 = tpu.memref_squeeze %dma_wait3A_1085 : memref<1x1x1x8x128xf32, #tpu.memory_space<hbm>> -> memref<8x128xf32, #tpu.memory_space<hbm>>
        %dma_wait3A_1087 = arith.constant 8 : i32
        %dma_wait3A_1088 = arith.constant 0 : i32
        %dma_wait3A_1089 = tpu.memref_slice %arg11[%dma_wait3A_1087, %dma_wait3A_1088] : memref<64x129xf32, #tpu.memory_space<vmem>> -> memref<8x128xf32, #tpu.memory_space<vmem>>
        tpu.wait_dma2 semaphore(%arg17 : memref<!tpu.dma_semaphore, #tpu.memory_space<semaphore_mem>>) src(%dma_wait3A_1089 : memref<8x128xf32, #tpu.memory_space<vmem>>) dst(%dma_wait3A_1086 : memref<8x128xf32, #tpu.memory_space<hbm>>)
        %dma_wait3A_1090 = arith.constant 2 : i32
        %dma_wait3A_1091 = arith.constant 16 : i32
        %dma_wait3A_1092 = arith.constant 0 : i32
        %dma_wait3A_1093 = tpu.memref_slice %arg11[%dma_wait3A_1091, %dma_wait3A_1092] : memref<64x129xf32, #tpu.memory_space<vmem>> -> memref<8x128xf32, #tpu.memory_space<vmem>>
        %dma_wait3A_1094 = arith.constant 0 : i32
        %dma_wait3A_1095 = arith.constant 0 : i32
        %dma_wait3A_1096 = tpu.memref_slice %arg4[%select_n3A_1057, %dma_wait3A_1090, %rem3A_1059, %dma_wait3A_1094, %dma_wait3A_1095] : memref<200x8x32x8x128xf32, #tpu.memory_space<hbm>> -> memref<1x1x1x8x128xf32, #tpu.memory_space<hbm>>
        %dma_wait3A_1097 = tpu.memref_squeeze %dma_wait3A_1096 : memref<1x1x1x8x128xf32, #tpu.memory_space<hbm>> -> memref<8x128xf32, #tpu.memory_space<hbm>>
        %dma_wait3A_1098 = arith.constant 0 : i32
        %dma_wait3A_1099 = arith.constant 0 : i32
        %dma_wait3A_1100 = tpu.memref_slice %arg4[%select_n3A_1057, %dma_wait3A_1090, %rem3A_1059, %dma_wait3A_1098, %dma_wait3A_1099] : memref<200x8x32x8x128xf32, #tpu.memory_space<hbm>> -> memref<1x1x1x8x128xf32, #tpu.memory_space<hbm>>
        %dma_wait3A_1101 = tpu.memref_squeeze %dma_wait3A_1100 : memref<1x1x1x8x128xf32, #tpu.memory_space<hbm>> -> memref<8x128xf32, #tpu.memory_space<hbm>>
        %dma_wait3A_1102 = arith.constant 16 : i32
        %dma_wait3A_1103 = arith.constant 0 : i32
        %dma_wait3A_1104 = tpu.memref_slice %arg11[%dma_wait3A_1102, %dma_wait3A_1103] : memref<64x129xf32, #tpu.memory_space<vmem>> -> memref<8x128xf32, #tpu.memory_space<vmem>>
        tpu.wait_dma2 semaphore(%arg17 : memref<!tpu.dma_semaphore, #tpu.memory_space<semaphore_mem>>) src(%dma_wait3A_1104 : memref<8x128xf32, #tpu.memory_space<vmem>>) dst(%dma_wait3A_1101 : memref<8x128xf32, #tpu.memory_space<hbm>>)
        %dma_wait3A_1105 = arith.constant 3 : i32
        %dma_wait3A_1106 = arith.constant 24 : i32
        %dma_wait3A_1107 = arith.constant 0 : i32
        %dma_wait3A_1108 = tpu.memref_slice %arg11[%dma_wait3A_1106, %dma_wait3A_1107] : memref<64x129xf32, #tpu.memory_space<vmem>> -> memref<8x128xf32, #tpu.memory_space<vmem>>
        %dma_wait3A_1109 = arith.constant 0 : i32
        %dma_wait3A_1110 = arith.constant 0 : i32
        %dma_wait3A_1111 = tpu.memref_slice %arg4[%select_n3A_1057, %dma_wait3A_1105, %rem3A_1059, %dma_wait3A_1109, %dma_wait3A_1110] : memref<200x8x32x8x128xf32, #tpu.memory_space<hbm>> -> memref<1x1x1x8x128xf32, #tpu.memory_space<hbm>>
        %dma_wait3A_1112 = tpu.memref_squeeze %dma_wait3A_1111 : memref<1x1x1x8x128xf32, #tpu.memory_space<hbm>> -> memref<8x128xf32, #tpu.memory_space<hbm>>
        %dma_wait3A_1113 = arith.constant 0 : i32
        %dma_wait3A_1114 = arith.constant 0 : i32
        %dma_wait3A_1115 = tpu.memref_slice %arg4[%select_n3A_1057, %dma_wait3A_1105, %rem3A_1059, %dma_wait3A_1113, %dma_wait3A_1114] : memref<200x8x32x8x128xf32, #tpu.memory_space<hbm>> -> memref<1x1x1x8x128xf32, #tpu.memory_space<hbm>>
        %dma_wait3A_1116 = tpu.memref_squeeze %dma_wait3A_1115 : memref<1x1x1x8x128xf32, #tpu.memory_space<hbm>> -> memref<8x128xf32, #tpu.memory_space<hbm>>
        %dma_wait3A_1117 = arith.constant 24 : i32
        %dma_wait3A_1118 = arith.constant 0 : i32
        %dma_wait3A_1119 = tpu.memref_slice %arg11[%dma_wait3A_1117, %dma_wait3A_1118] : memref<64x129xf32, #tpu.memory_space<vmem>> -> memref<8x128xf32, #tpu.memory_space<vmem>>
        tpu.wait_dma2 semaphore(%arg17 : memref<!tpu.dma_semaphore, #tpu.memory_space<semaphore_mem>>) src(%dma_wait3A_1119 : memref<8x128xf32, #tpu.memory_space<vmem>>) dst(%dma_wait3A_1116 : memref<8x128xf32, #tpu.memory_space<hbm>>)
        %dma_wait3A_1120 = arith.constant 4 : i32
        %dma_wait3A_1121 = arith.constant 32 : i32
        %dma_wait3A_1122 = arith.constant 0 : i32
        %dma_wait3A_1123 = tpu.memref_slice %arg11[%dma_wait3A_1121, %dma_wait3A_1122] : memref<64x129xf32, #tpu.memory_space<vmem>> -> memref<8x128xf32, #tpu.memory_space<vmem>>
        %dma_wait3A_1124 = arith.constant 0 : i32
        %dma_wait3A_1125 = arith.constant 0 : i32
        %dma_wait3A_1126 = tpu.memref_slice %arg4[%select_n3A_1057, %dma_wait3A_1120, %rem3A_1059, %dma_wait3A_1124, %dma_wait3A_1125] : memref<200x8x32x8x128xf32, #tpu.memory_space<hbm>> -> memref<1x1x1x8x128xf32, #tpu.memory_space<hbm>>
        %dma_wait3A_1127 = tpu.memref_squeeze %dma_wait3A_1126 : memref<1x1x1x8x128xf32, #tpu.memory_space<hbm>> -> memref<8x128xf32, #tpu.memory_space<hbm>>
        %dma_wait3A_1128 = arith.constant 0 : i32
        %dma_wait3A_1129 = arith.constant 0 : i32
        %dma_wait3A_1130 = tpu.memref_slice %arg4[%select_n3A_1057, %dma_wait3A_1120, %rem3A_1059, %dma_wait3A_1128, %dma_wait3A_1129] : memref<200x8x32x8x128xf32, #tpu.memory_space<hbm>> -> memref<1x1x1x8x128xf32, #tpu.memory_space<hbm>>
        %dma_wait3A_1131 = tpu.memref_squeeze %dma_wait3A_1130 : memref<1x1x1x8x128xf32, #tpu.memory_space<hbm>> -> memref<8x128xf32, #tpu.memory_space<hbm>>
        %dma_wait3A_1132 = arith.constant 32 : i32
        %dma_wait3A_1133 = arith.constant 0 : i32
        %dma_wait3A_1134 = tpu.memref_slice %arg11[%dma_wait3A_1132, %dma_wait3A_1133] : memref<64x129xf32, #tpu.memory_space<vmem>> -> memref<8x128xf32, #tpu.memory_space<vmem>>
        tpu.wait_dma2 semaphore(%arg17 : memref<!tpu.dma_semaphore, #tpu.memory_space<semaphore_mem>>) src(%dma_wait3A_1134 : memref<8x128xf32, #tpu.memory_space<vmem>>) dst(%dma_wait3A_1131 : memref<8x128xf32, #tpu.memory_space<hbm>>)
        %dma_wait3A_1135 = arith.constant 5 : i32
        %dma_wait3A_1136 = arith.constant 40 : i32
        %dma_wait3A_1137 = arith.constant 0 : i32
        %dma_wait3A_1138 = tpu.memref_slice %arg11[%dma_wait3A_1136, %dma_wait3A_1137] : memref<64x129xf32, #tpu.memory_space<vmem>> -> memref<8x128xf32, #tpu.memory_space<vmem>>
        %dma_wait3A_1139 = arith.constant 0 : i32
        %dma_wait3A_1140 = arith.constant 0 : i32
        %dma_wait3A_1141 = tpu.memref_slice %arg4[%select_n3A_1057, %dma_wait3A_1135, %rem3A_1059, %dma_wait3A_1139, %dma_wait3A_1140] : memref<200x8x32x8x128xf32, #tpu.memory_space<hbm>> -> memref<1x1x1x8x128xf32, #tpu.memory_space<hbm>>
        %dma_wait3A_1142 = tpu.memref_squeeze %dma_wait3A_1141 : memref<1x1x1x8x128xf32, #tpu.memory_space<hbm>> -> memref<8x128xf32, #tpu.memory_space<hbm>>
        %dma_wait3A_1143 = arith.constant 0 : i32
        %dma_wait3A_1144 = arith.constant 0 : i32
        %dma_wait3A_1145 = tpu.memref_slice %arg4[%select_n3A_1057, %dma_wait3A_1135, %rem3A_1059, %dma_wait3A_1143, %dma_wait3A_1144] : memref<200x8x32x8x128xf32, #tpu.memory_space<hbm>> -> memref<1x1x1x8x128xf32, #tpu.memory_space<hbm>>
        %dma_wait3A_1146 = tpu.memref_squeeze %dma_wait3A_1145 : memref<1x1x1x8x128xf32, #tpu.memory_space<hbm>> -> memref<8x128xf32, #tpu.memory_space<hbm>>
        %dma_wait3A_1147 = arith.constant 40 : i32
        %dma_wait3A_1148 = arith.constant 0 : i32
        %dma_wait3A_1149 = tpu.memref_slice %arg11[%dma_wait3A_1147, %dma_wait3A_1148] : memref<64x129xf32, #tpu.memory_space<vmem>> -> memref<8x128xf32, #tpu.memory_space<vmem>>
        tpu.wait_dma2 semaphore(%arg17 : memref<!tpu.dma_semaphore, #tpu.memory_space<semaphore_mem>>) src(%dma_wait3A_1149 : memref<8x128xf32, #tpu.memory_space<vmem>>) dst(%dma_wait3A_1146 : memref<8x128xf32, #tpu.memory_space<hbm>>)
        %dma_wait3A_1150 = arith.constant 6 : i32
        %dma_wait3A_1151 = arith.constant 48 : i32
        %dma_wait3A_1152 = arith.constant 0 : i32
        %dma_wait3A_1153 = tpu.memref_slice %arg11[%dma_wait3A_1151, %dma_wait3A_1152] : memref<64x129xf32, #tpu.memory_space<vmem>> -> memref<8x128xf32, #tpu.memory_space<vmem>>
        %dma_wait3A_1154 = arith.constant 0 : i32
        %dma_wait3A_1155 = arith.constant 0 : i32
        %dma_wait3A_1156 = tpu.memref_slice %arg4[%select_n3A_1057, %dma_wait3A_1150, %rem3A_1059, %dma_wait3A_1154, %dma_wait3A_1155] : memref<200x8x32x8x128xf32, #tpu.memory_space<hbm>> -> memref<1x1x1x8x128xf32, #tpu.memory_space<hbm>>
        %dma_wait3A_1157 = tpu.memref_squeeze %dma_wait3A_1156 : memref<1x1x1x8x128xf32, #tpu.memory_space<hbm>> -> memref<8x128xf32, #tpu.memory_space<hbm>>
        %dma_wait3A_1158 = arith.constant 0 : i32
        %dma_wait3A_1159 = arith.constant 0 : i32
        %dma_wait3A_1160 = tpu.memref_slice %arg4[%select_n3A_1057, %dma_wait3A_1150, %rem3A_1059, %dma_wait3A_1158, %dma_wait3A_1159] : memref<200x8x32x8x128xf32, #tpu.memory_space<hbm>> -> memref<1x1x1x8x128xf32, #tpu.memory_space<hbm>>
        %dma_wait3A_1161 = tpu.memref_squeeze %dma_wait3A_1160 : memref<1x1x1x8x128xf32, #tpu.memory_space<hbm>> -> memref<8x128xf32, #tpu.memory_space<hbm>>
        %dma_wait3A_1162 = arith.constant 48 : i32
        %dma_wait3A_1163 = arith.constant 0 : i32
        %dma_wait3A_1164 = tpu.memref_slice %arg11[%dma_wait3A_1162, %dma_wait3A_1163] : memref<64x129xf32, #tpu.memory_space<vmem>> -> memref<8x128xf32, #tpu.memory_space<vmem>>
        tpu.wait_dma2 semaphore(%arg17 : memref<!tpu.dma_semaphore, #tpu.memory_space<semaphore_mem>>) src(%dma_wait3A_1164 : memref<8x128xf32, #tpu.memory_space<vmem>>) dst(%dma_wait3A_1161 : memref<8x128xf32, #tpu.memory_space<hbm>>)
        %dma_wait3A_1165 = arith.constant 7 : i32
        %dma_wait3A_1166 = arith.constant 56 : i32
        %dma_wait3A_1167 = arith.constant 0 : i32
        %dma_wait3A_1168 = tpu.memref_slice %arg11[%dma_wait3A_1166, %dma_wait3A_1167] : memref<64x129xf32, #tpu.memory_space<vmem>> -> memref<8x128xf32, #tpu.memory_space<vmem>>
        %dma_wait3A_1169 = arith.constant 0 : i32
        %dma_wait3A_1170 = arith.constant 0 : i32
        %dma_wait3A_1171 = tpu.memref_slice %arg4[%select_n3A_1057, %dma_wait3A_1165, %rem3A_1059, %dma_wait3A_1169, %dma_wait3A_1170] : memref<200x8x32x8x128xf32, #tpu.memory_space<hbm>> -> memref<1x1x1x8x128xf32, #tpu.memory_space<hbm>>
        %dma_wait3A_1172 = tpu.memref_squeeze %dma_wait3A_1171 : memref<1x1x1x8x128xf32, #tpu.memory_space<hbm>> -> memref<8x128xf32, #tpu.memory_space<hbm>>
        %dma_wait3A_1173 = arith.constant 0 : i32
        %dma_wait3A_1174 = arith.constant 0 : i32
        %dma_wait3A_1175 = tpu.memref_slice %arg4[%select_n3A_1057, %dma_wait3A_1165, %rem3A_1059, %dma_wait3A_1173, %dma_wait3A_1174] : memref<200x8x32x8x128xf32, #tpu.memory_space<hbm>> -> memref<1x1x1x8x128xf32, #tpu.memory_space<hbm>>
        %dma_wait3A_1176 = tpu.memref_squeeze %dma_wait3A_1175 : memref<1x1x1x8x128xf32, #tpu.memory_space<hbm>> -> memref<8x128xf32, #tpu.memory_space<hbm>>
        %dma_wait3A_1177 = arith.constant 56 : i32
        %dma_wait3A_1178 = arith.constant 0 : i32
        %dma_wait3A_1179 = tpu.memref_slice %arg11[%dma_wait3A_1177, %dma_wait3A_1178] : memref<64x129xf32, #tpu.memory_space<vmem>> -> memref<8x128xf32, #tpu.memory_space<vmem>>
        tpu.wait_dma2 semaphore(%arg17 : memref<!tpu.dma_semaphore, #tpu.memory_space<semaphore_mem>>) src(%dma_wait3A_1179 : memref<8x128xf32, #tpu.memory_space<vmem>>) dst(%dma_wait3A_1176 : memref<8x128xf32, #tpu.memory_space<hbm>>)
      } else {
      }
      %scan3A_517 = arith.constant 0 : i32
      %scan3A_518 = arith.constant 0 : i32
      %scan3A_519 = arith.constant 32 : i32
      %scan3A_520 = arith.addi %scan3A_518, %scan3A_519 : i32
      %scan3A_521 = arith.constant 1 : i32
      scf.for %scan3A_1029 = %scan3A_518 to %scan3A_520 step %scan3A_521  : i32 {
        %mul3A_1030 = arith.constant 4 : i32
        %mul3A_1031 = arith.muli %scan3A_1029, %mul3A_1030 : i32
        %add3A_1032 = arith.constant 0 : i32
        %add3A_1033 = arith.addi %mul3A_1031, %add3A_1032 : i32
        %broadcast_in_dim3A = arith.constant 0 : i32
        %broadcast_in_dim3A_1034 = vector.broadcast %broadcast_in_dim3A : i32 to vector<16xi32>
        %add3A_1035 = vector.broadcast %add3A_1033 : i32 to vector<16xi32>
        %add3A_1036 = arith.addi %broadcast_in_dim3A_1034, %add3A_1035 : vector<16xi32>
        %get3A = arith.index_cast %add3A_1033 : i32 to index
        %get3A_1037 = arith.constant 0 : index
        %get3A_1038 = tpu.vector_load %arg7[%get3A, %get3A_1037] {strides = array<i32>} : memref<128x64xf32, #tpu.memory_space<vmem>>, vector<16xf32>,
        %mul3A_1039 = arith.constant 8.000000e+00 : f32
        %mul3A_1040 = vector.broadcast %mul3A_1039 : f32 to vector<16xf32>
        %mul3A_1041 = arith.mulf %get3A_1038, %mul3A_1040 : vector<16xf32>
        tpu.vector_store_idx %arg11[%add3A_5, %add3A_1036], %mul3A_1041 : memref<64x129xf32, #tpu.memory_space<vmem>>[vector<16xi32>, vector<16xi32>], vector<16xf32>,
        %get3A_1042 = arith.index_cast %add3A_1033 : i32 to index
        %get3A_1043 = arith.constant 16 : index
        %get3A_1044 = tpu.vector_load %arg7[%get3A_1042, %get3A_1043] {strides = array<i32>} : memref<128x64xf32, #tpu.memory_space<vmem>>, vector<16xf32>,
        %mul3A_1045 = arith.constant 8.000000e+00 : f32
        %mul3A_1046 = vector.broadcast %mul3A_1045 : f32 to vector<16xf32>
        %mul3A_1047 = arith.mulf %get3A_1044, %mul3A_1046 : vector<16xf32>
        tpu.vector_store_idx %arg11[%add3A_8, %add3A_1036], %mul3A_1047 : memref<64x129xf32, #tpu.memory_space<vmem>>[vector<16xi32>, vector<16xi32>], vector<16xf32>,
        %get3A_1048 = arith.index_cast %add3A_1033 : i32 to index
        %get3A_1049 = arith.constant 32 : index
        %get3A_1050 = tpu.vector_load %arg7[%get3A_1048, %get3A_1049] {strides = array<i32>} : memref<128x64xf32, #tpu.memory_space<vmem>>, vector<16xf32>,
        %mul3A_1051 = arith.constant 8.000000e+00 : f32
        %mul3A_1052 = vector.broadcast %mul3A_1051 : f32 to vector<16xf32>
        %mul3A_1053 = arith.mulf %get3A_1050, %mul3A_1052 : vector<16xf32>
        tpu.vector_store_idx %arg11[%add3A_11, %add3A_1036], %mul3A_1053 : memref<64x129xf32, #tpu.memory_space<vmem>>[vector<16xi32>, vector<16xi32>], vector<16xf32>,
        %get3A_1054 = arith.index_cast %add3A_1033 : i32 to index
        %get3A_1055 = arith.constant 48 : index
        %get3A_1056 = tpu.vector_load %arg7[%get3A_1054, %get3A_1055] {strides = array<i32>} : memref<128x64xf32, #tpu.memory_space<vmem>>, vector<16xf32>,
        %mul3A_1057 = arith.constant 8.000000e+00 : f32
        %mul3A_1058 = vector.broadcast %mul3A_1057 : f32 to vector<16xf32>
        %mul3A_1059 = arith.mulf %get3A_1056, %mul3A_1058 : vector<16xf32>
        tpu.vector_store_idx %arg11[%add3A_14, %add3A_1036], %mul3A_1059 : memref<64x129xf32, #tpu.memory_space<vmem>>[vector<16xi32>, vector<16xi32>], vector<16xf32>,
        %add3A_1060 = arith.constant 1 : i32
        %add3A_1061 = arith.addi %mul3A_1031, %add3A_1060 : i32
        %broadcast_in_dim3A_1062 = arith.constant 0 : i32
        %broadcast_in_dim3A_1063 = vector.broadcast %broadcast_in_dim3A_1062 : i32 to vector<16xi32>
        %add3A_1064 = vector.broadcast %add3A_1061 : i32 to vector<16xi32>
        %add3A_1065 = arith.addi %broadcast_in_dim3A_1063, %add3A_1064 : vector<16xi32>
        %get3A_1066 = arith.index_cast %add3A_1061 : i32 to index
        %get3A_1067 = arith.constant 0 : index
        %get3A_1068 = tpu.vector_load %arg7[%get3A_1066, %get3A_1067] {strides = array<i32>} : memref<128x64xf32, #tpu.memory_space<vmem>>, vector<16xf32>,
        %mul3A_1069 = arith.constant 8.000000e+00 : f32
        %mul3A_1070 = vector.broadcast %mul3A_1069 : f32 to vector<16xf32>
        %mul3A_1071 = arith.mulf %get3A_1068, %mul3A_1070 : vector<16xf32>
        tpu.vector_store_idx %arg11[%add3A_5, %add3A_1065], %mul3A_1071 : memref<64x129xf32, #tpu.memory_space<vmem>>[vector<16xi32>, vector<16xi32>], vector<16xf32>,
        %get3A_1072 = arith.index_cast %add3A_1061 : i32 to index
        %get3A_1073 = arith.constant 16 : index
        %get3A_1074 = tpu.vector_load %arg7[%get3A_1072, %get3A_1073] {strides = array<i32>} : memref<128x64xf32, #tpu.memory_space<vmem>>, vector<16xf32>,
        %mul3A_1075 = arith.constant 8.000000e+00 : f32
        %mul3A_1076 = vector.broadcast %mul3A_1075 : f32 to vector<16xf32>
        %mul3A_1077 = arith.mulf %get3A_1074, %mul3A_1076 : vector<16xf32>
        tpu.vector_store_idx %arg11[%add3A_8, %add3A_1065], %mul3A_1077 : memref<64x129xf32, #tpu.memory_space<vmem>>[vector<16xi32>, vector<16xi32>], vector<16xf32>,
        %get3A_1078 = arith.index_cast %add3A_1061 : i32 to index
        %get3A_1079 = arith.constant 32 : index
        %get3A_1080 = tpu.vector_load %arg7[%get3A_1078, %get3A_1079] {strides = array<i32>} : memref<128x64xf32, #tpu.memory_space<vmem>>, vector<16xf32>,
        %mul3A_1081 = arith.constant 8.000000e+00 : f32
        %mul3A_1082 = vector.broadcast %mul3A_1081 : f32 to vector<16xf32>
        %mul3A_1083 = arith.mulf %get3A_1080, %mul3A_1082 : vector<16xf32>
        tpu.vector_store_idx %arg11[%add3A_11, %add3A_1065], %mul3A_1083 : memref<64x129xf32, #tpu.memory_space<vmem>>[vector<16xi32>, vector<16xi32>], vector<16xf32>,
        %get3A_1084 = arith.index_cast %add3A_1061 : i32 to index
        %get3A_1085 = arith.constant 48 : index
        %get3A_1086 = tpu.vector_load %arg7[%get3A_1084, %get3A_1085] {strides = array<i32>} : memref<128x64xf32, #tpu.memory_space<vmem>>, vector<16xf32>,
        %mul3A_1087 = arith.constant 8.000000e+00 : f32
        %mul3A_1088 = vector.broadcast %mul3A_1087 : f32 to vector<16xf32>
        %mul3A_1089 = arith.mulf %get3A_1086, %mul3A_1088 : vector<16xf32>
        tpu.vector_store_idx %arg11[%add3A_14, %add3A_1065], %mul3A_1089 : memref<64x129xf32, #tpu.memory_space<vmem>>[vector<16xi32>, vector<16xi32>], vector<16xf32>,
        %add3A_1090 = arith.constant 2 : i32
        %add3A_1091 = arith.addi %mul3A_1031, %add3A_1090 : i32
        %broadcast_in_dim3A_1092 = arith.constant 0 : i32
        %broadcast_in_dim3A_1093 = vector.broadcast %broadcast_in_dim3A_1092 : i32 to vector<16xi32>
        %add3A_1094 = vector.broadcast %add3A_1091 : i32 to vector<16xi32>
        %add3A_1095 = arith.addi %broadcast_in_dim3A_1093, %add3A_1094 : vector<16xi32>
        %get3A_1096 = arith.index_cast %add3A_1091 : i32 to index
        %get3A_1097 = arith.constant 0 : index
        %get3A_1098 = tpu.vector_load %arg7[%get3A_1096, %get3A_1097] {strides = array<i32>} : memref<128x64xf32, #tpu.memory_space<vmem>>, vector<16xf32>,
        %mul3A_1099 = arith.constant 8.000000e+00 : f32
        %mul3A_1100 = vector.broadcast %mul3A_1099 : f32 to vector<16xf32>
        %mul3A_1101 = arith.mulf %get3A_1098, %mul3A_1100 : vector<16xf32>
        tpu.vector_store_idx %arg11[%add3A_5, %add3A_1095], %mul3A_1101 : memref<64x129xf32, #tpu.memory_space<vmem>>[vector<16xi32>, vector<16xi32>], vector<16xf32>,
        %get3A_1102 = arith.index_cast %add3A_1091 : i32 to index
        %get3A_1103 = arith.constant 16 : index
        %get3A_1104 = tpu.vector_load %arg7[%get3A_1102, %get3A_1103] {strides = array<i32>} : memref<128x64xf32, #tpu.memory_space<vmem>>, vector<16xf32>,
        %mul3A_1105 = arith.constant 8.000000e+00 : f32
        %mul3A_1106 = vector.broadcast %mul3A_1105 : f32 to vector<16xf32>
        %mul3A_1107 = arith.mulf %get3A_1104, %mul3A_1106 : vector<16xf32>
        tpu.vector_store_idx %arg11[%add3A_8, %add3A_1095], %mul3A_1107 : memref<64x129xf32, #tpu.memory_space<vmem>>[vector<16xi32>, vector<16xi32>], vector<16xf32>,
        %get3A_1108 = arith.index_cast %add3A_1091 : i32 to index
        %get3A_1109 = arith.constant 32 : index
        %get3A_1110 = tpu.vector_load %arg7[%get3A_1108, %get3A_1109] {strides = array<i32>} : memref<128x64xf32, #tpu.memory_space<vmem>>, vector<16xf32>,
        %mul3A_1111 = arith.constant 8.000000e+00 : f32
        %mul3A_1112 = vector.broadcast %mul3A_1111 : f32 to vector<16xf32>
        %mul3A_1113 = arith.mulf %get3A_1110, %mul3A_1112 : vector<16xf32>
        tpu.vector_store_idx %arg11[%add3A_11, %add3A_1095], %mul3A_1113 : memref<64x129xf32, #tpu.memory_space<vmem>>[vector<16xi32>, vector<16xi32>], vector<16xf32>,
        %get3A_1114 = arith.index_cast %add3A_1091 : i32 to index
        %get3A_1115 = arith.constant 48 : index
        %get3A_1116 = tpu.vector_load %arg7[%get3A_1114, %get3A_1115] {strides = array<i32>} : memref<128x64xf32, #tpu.memory_space<vmem>>, vector<16xf32>,
        %mul3A_1117 = arith.constant 8.000000e+00 : f32
        %mul3A_1118 = vector.broadcast %mul3A_1117 : f32 to vector<16xf32>
        %mul3A_1119 = arith.mulf %get3A_1116, %mul3A_1118 : vector<16xf32>
        tpu.vector_store_idx %arg11[%add3A_14, %add3A_1095], %mul3A_1119 : memref<64x129xf32, #tpu.memory_space<vmem>>[vector<16xi32>, vector<16xi32>], vector<16xf32>,
        %add3A_1120 = arith.constant 3 : i32
        %add3A_1121 = arith.addi %mul3A_1031, %add3A_1120 : i32
        %broadcast_in_dim3A_1122 = arith.constant 0 : i32
        %broadcast_in_dim3A_1123 = vector.broadcast %broadcast_in_dim3A_1122 : i32 to vector<16xi32>
        %add3A_1124 = vector.broadcast %add3A_1121 : i32 to vector<16xi32>
        %add3A_1125 = arith.addi %broadcast_in_dim3A_1123, %add3A_1124 : vector<16xi32>
        %get3A_1126 = arith.index_cast %add3A_1121 : i32 to index
        %get3A_1127 = arith.constant 0 : index
        %get3A_1128 = tpu.vector_load %arg7[%get3A_1126, %get3A_1127] {strides = array<i32>} : memref<128x64xf32, #tpu.memory_space<vmem>>, vector<16xf32>,
        %mul3A_1129 = arith.constant 8.000000e+00 : f32
        %mul3A_1130 = vector.broadcast %mul3A_1129 : f32 to vector<16xf32>
        %mul3A_1131 = arith.mulf %get3A_1128, %mul3A_1130 : vector<16xf32>
        tpu.vector_store_idx %arg11[%add3A_5, %add3A_1125], %mul3A_1131 : memref<64x129xf32, #tpu.memory_space<vmem>>[vector<16xi32>, vector<16xi32>], vector<16xf32>,
        %get3A_1132 = arith.index_cast %add3A_1121 : i32 to index
        %get3A_1133 = arith.constant 16 : index
        %get3A_1134 = tpu.vector_load %arg7[%get3A_1132, %get3A_1133] {strides = array<i32>} : memref<128x64xf32, #tpu.memory_space<vmem>>, vector<16xf32>,
        %mul3A_1135 = arith.constant 8.000000e+00 : f32
        %mul3A_1136 = vector.broadcast %mul3A_1135 : f32 to vector<16xf32>
        %mul3A_1137 = arith.mulf %get3A_1134, %mul3A_1136 : vector<16xf32>
        tpu.vector_store_idx %arg11[%add3A_8, %add3A_1125], %mul3A_1137 : memref<64x129xf32, #tpu.memory_space<vmem>>[vector<16xi32>, vector<16xi32>], vector<16xf32>,
        %get3A_1138 = arith.index_cast %add3A_1121 : i32 to index
        %get3A_1139 = arith.constant 32 : index
        %get3A_1140 = tpu.vector_load %arg7[%get3A_1138, %get3A_1139] {strides = array<i32>} : memref<128x64xf32, #tpu.memory_space<vmem>>, vector<16xf32>,
        %mul3A_1141 = arith.constant 8.000000e+00 : f32
        %mul3A_1142 = vector.broadcast %mul3A_1141 : f32 to vector<16xf32>
        %mul3A_1143 = arith.mulf %get3A_1140, %mul3A_1142 : vector<16xf32>
        tpu.vector_store_idx %arg11[%add3A_11, %add3A_1125], %mul3A_1143 : memref<64x129xf32, #tpu.memory_space<vmem>>[vector<16xi32>, vector<16xi32>], vector<16xf32>,
        %get3A_1144 = arith.index_cast %add3A_1121 : i32 to index
        %get3A_1145 = arith.constant 48 : index
        %get3A_1146 = tpu.vector_load %arg7[%get3A_1144, %get3A_1145] {strides = array<i32>} : memref<128x64xf32, #tpu.memory_space<vmem>>, vector<16xf32>,
        %mul3A_1147 = arith.constant 8.000000e+00 : f32
        %mul3A_1148 = vector.broadcast %mul3A_1147 : f32 to vector<16xf32>
        %mul3A_1149 = arith.mulf %get3A_1146, %mul3A_1148 : vector<16xf32>
        tpu.vector_store_idx %arg11[%add3A_14, %add3A_1125], %mul3A_1149 : memref<64x129xf32, #tpu.memory_space<vmem>>[vector<16xi32>, vector<16xi32>], vector<16xf32>,
      }
      %scan3A_522 = arith.constant 32 : i32
      %mul3A_523 = arith.constant 200 : i32
      %mul3A_524 = arith.muli %add3A, %mul3A_523 : i32
      %add3A_525 = arith.addi %mul3A_524, %add3A_505 : i32
      %jit3A_526 = arith.constant 32 : i32
      %div3A_527 = arith.divsi %add3A_525, %jit3A_526 : i32
      %sign3A_528 = arith.constant 0 : i32
      %sign3A_529 = arith.cmpi sgt, %add3A_525, %sign3A_528 : i32
      %sign3A_530 = arith.extui %sign3A_529 : i1 to i32
      %sign3A_531 = arith.constant 0 : i32
      %sign3A_532 = arith.cmpi slt, %add3A_525, %sign3A_531 : i32
      %sign3A_533 = arith.extui %sign3A_532 : i1 to i32
      %sign3A_534 = arith.subi %sign3A_530, %sign3A_533 : i32
      %sign3A_535 = arith.constant 0 : i32
      %sign3A_536 = arith.cmpi sgt, %jit3A_526, %sign3A_535 : i32
      %sign3A_537 = arith.extui %sign3A_536 : i1 to i32
      %sign3A_538 = arith.constant 0 : i32
      %sign3A_539 = arith.cmpi slt, %jit3A_526, %sign3A_538 : i32
      %sign3A_540 = arith.extui %sign3A_539 : i1 to i32
      %sign3A_541 = arith.subi %sign3A_537, %sign3A_540 : i32
      %ne3A_542 = arith.cmpi ne, %sign3A_534, %sign3A_541 : i32
      %rem3A_543 = arith.remsi %add3A_525, %jit3A_526 : i32
      %ne3A_544 = arith.constant 0 : i32
      %ne3A_545 = arith.cmpi ne, %rem3A_543, %ne3A_544 : i32
      %and3A_546 = arith.andi %ne3A_542, %ne3A_545 : i1
      %sub3A_547 = arith.constant 1 : i32
      %sub3A_548 = arith.subi %div3A_527, %sub3A_547 : i32
      %select_n3A_549 = arith.select %and3A_546, %sub3A_548, %div3A_527 : i32
      %rem3A_550 = arith.constant 32 : i32
      %rem3A_551 = arith.remsi %add3A_525, %rem3A_550 : i32
      %dma_start3A_552 = arith.constant 0 : i32
      %dma_start3A_553 = arith.constant 0 : i32
      %dma_start3A_554 = arith.constant 0 : i32
      %dma_start3A_555 = tpu.memref_slice %arg11[%dma_start3A_553, %dma_start3A_554] : memref<64x129xf32, #tpu.memory_space<vmem>> -> memref<8x128xf32, #tpu.memory_space<vmem>>
      %dma_start3A_556 = arith.constant 0 : i32
      %dma_start3A_557 = arith.constant 0 : i32
      %dma_start3A_558 = tpu.memref_slice %arg4[%select_n3A_549, %dma_start3A_552, %rem3A_551, %dma_start3A_556, %dma_start3A_557] : memref<200x8x32x8x128xf32, #tpu.memory_space<hbm>> -> memref<1x1x1x8x128xf32, #tpu.memory_space<hbm>>
      %dma_start3A_559 = tpu.memref_squeeze %dma_start3A_558 : memref<1x1x1x8x128xf32, #tpu.memory_space<hbm>> -> memref<8x128xf32, #tpu.memory_space<hbm>>
      %dma_start3A_560 = arith.constant 0 : i32
      %dma_start3A_561 = arith.constant 0 : i32
      %dma_start3A_562 = tpu.memref_slice %arg4[%select_n3A_549, %dma_start3A_552, %rem3A_551, %dma_start3A_560, %dma_start3A_561] : memref<200x8x32x8x128xf32, #tpu.memory_space<hbm>> -> memref<1x1x1x8x128xf32, #tpu.memory_space<hbm>>
      %dma_start3A_563 = tpu.memref_squeeze %dma_start3A_562 : memref<1x1x1x8x128xf32, #tpu.memory_space<hbm>> -> memref<8x128xf32, #tpu.memory_space<hbm>>
      %dma_start3A_564 = arith.constant 0 : i32
      %dma_start3A_565 = arith.constant 0 : i32
      %dma_start3A_566 = tpu.memref_slice %arg11[%dma_start3A_564, %dma_start3A_565] : memref<64x129xf32, #tpu.memory_space<vmem>> -> memref<8x128xf32, #tpu.memory_space<vmem>>
      tpu.enqueue_dma source(%dma_start3A_566 : memref<8x128xf32, #tpu.memory_space<vmem>>) target(%dma_start3A_563 : memref<8x128xf32, #tpu.memory_space<hbm>>) target_semaphore(%arg17 : memref<!tpu.dma_semaphore, #tpu.memory_space<semaphore_mem>>)
      %dma_start3A_567 = arith.constant 1 : i32
      %dma_start3A_568 = arith.constant 8 : i32
      %dma_start3A_569 = arith.constant 0 : i32
      %dma_start3A_570 = tpu.memref_slice %arg11[%dma_start3A_568, %dma_start3A_569] : memref<64x129xf32, #tpu.memory_space<vmem>> -> memref<8x128xf32, #tpu.memory_space<vmem>>
      %dma_start3A_571 = arith.constant 0 : i32
      %dma_start3A_572 = arith.constant 0 : i32
      %dma_start3A_573 = tpu.memref_slice %arg4[%select_n3A_549, %dma_start3A_567, %rem3A_551, %dma_start3A_571, %dma_start3A_572] : memref<200x8x32x8x128xf32, #tpu.memory_space<hbm>> -> memref<1x1x1x8x128xf32, #tpu.memory_space<hbm>>
      %dma_start3A_574 = tpu.memref_squeeze %dma_start3A_573 : memref<1x1x1x8x128xf32, #tpu.memory_space<hbm>> -> memref<8x128xf32, #tpu.memory_space<hbm>>
      %dma_start3A_575 = arith.constant 0 : i32
      %dma_start3A_576 = arith.constant 0 : i32
      %dma_start3A_577 = tpu.memref_slice %arg4[%select_n3A_549, %dma_start3A_567, %rem3A_551, %dma_start3A_575, %dma_start3A_576] : memref<200x8x32x8x128xf32, #tpu.memory_space<hbm>> -> memref<1x1x1x8x128xf32, #tpu.memory_space<hbm>>
      %dma_start3A_578 = tpu.memref_squeeze %dma_start3A_577 : memref<1x1x1x8x128xf32, #tpu.memory_space<hbm>> -> memref<8x128xf32, #tpu.memory_space<hbm>>
      %dma_start3A_579 = arith.constant 8 : i32
      %dma_start3A_580 = arith.constant 0 : i32
      %dma_start3A_581 = tpu.memref_slice %arg11[%dma_start3A_579, %dma_start3A_580] : memref<64x129xf32, #tpu.memory_space<vmem>> -> memref<8x128xf32, #tpu.memory_space<vmem>>
      tpu.enqueue_dma source(%dma_start3A_581 : memref<8x128xf32, #tpu.memory_space<vmem>>) target(%dma_start3A_578 : memref<8x128xf32, #tpu.memory_space<hbm>>) target_semaphore(%arg17 : memref<!tpu.dma_semaphore, #tpu.memory_space<semaphore_mem>>)
      %dma_start3A_582 = arith.constant 2 : i32
      %dma_start3A_583 = arith.constant 16 : i32
      %dma_start3A_584 = arith.constant 0 : i32
      %dma_start3A_585 = tpu.memref_slice %arg11[%dma_start3A_583, %dma_start3A_584] : memref<64x129xf32, #tpu.memory_space<vmem>> -> memref<8x128xf32, #tpu.memory_space<vmem>>
      %dma_start3A_586 = arith.constant 0 : i32
      %dma_start3A_587 = arith.constant 0 : i32
      %dma_start3A_588 = tpu.memref_slice %arg4[%select_n3A_549, %dma_start3A_582, %rem3A_551, %dma_start3A_586, %dma_start3A_587] : memref<200x8x32x8x128xf32, #tpu.memory_space<hbm>> -> memref<1x1x1x8x128xf32, #tpu.memory_space<hbm>>
      %dma_start3A_589 = tpu.memref_squeeze %dma_start3A_588 : memref<1x1x1x8x128xf32, #tpu.memory_space<hbm>> -> memref<8x128xf32, #tpu.memory_space<hbm>>
      %dma_start3A_590 = arith.constant 0 : i32
      %dma_start3A_591 = arith.constant 0 : i32
      %dma_start3A_592 = tpu.memref_slice %arg4[%select_n3A_549, %dma_start3A_582, %rem3A_551, %dma_start3A_590, %dma_start3A_591] : memref<200x8x32x8x128xf32, #tpu.memory_space<hbm>> -> memref<1x1x1x8x128xf32, #tpu.memory_space<hbm>>
      %dma_start3A_593 = tpu.memref_squeeze %dma_start3A_592 : memref<1x1x1x8x128xf32, #tpu.memory_space<hbm>> -> memref<8x128xf32, #tpu.memory_space<hbm>>
      %dma_start3A_594 = arith.constant 16 : i32
      %dma_start3A_595 = arith.constant 0 : i32
      %dma_start3A_596 = tpu.memref_slice %arg11[%dma_start3A_594, %dma_start3A_595] : memref<64x129xf32, #tpu.memory_space<vmem>> -> memref<8x128xf32, #tpu.memory_space<vmem>>
      tpu.enqueue_dma source(%dma_start3A_596 : memref<8x128xf32, #tpu.memory_space<vmem>>) target(%dma_start3A_593 : memref<8x128xf32, #tpu.memory_space<hbm>>) target_semaphore(%arg17 : memref<!tpu.dma_semaphore, #tpu.memory_space<semaphore_mem>>)
      %dma_start3A_597 = arith.constant 3 : i32
      %dma_start3A_598 = arith.constant 24 : i32
      %dma_start3A_599 = arith.constant 0 : i32
      %dma_start3A_600 = tpu.memref_slice %arg11[%dma_start3A_598, %dma_start3A_599] : memref<64x129xf32, #tpu.memory_space<vmem>> -> memref<8x128xf32, #tpu.memory_space<vmem>>
      %dma_start3A_601 = arith.constant 0 : i32
      %dma_start3A_602 = arith.constant 0 : i32
      %dma_start3A_603 = tpu.memref_slice %arg4[%select_n3A_549, %dma_start3A_597, %rem3A_551, %dma_start3A_601, %dma_start3A_602] : memref<200x8x32x8x128xf32, #tpu.memory_space<hbm>> -> memref<1x1x1x8x128xf32, #tpu.memory_space<hbm>>
      %dma_start3A_604 = tpu.memref_squeeze %dma_start3A_603 : memref<1x1x1x8x128xf32, #tpu.memory_space<hbm>> -> memref<8x128xf32, #tpu.memory_space<hbm>>
      %dma_start3A_605 = arith.constant 0 : i32
      %dma_start3A_606 = arith.constant 0 : i32
      %dma_start3A_607 = tpu.memref_slice %arg4[%select_n3A_549, %dma_start3A_597, %rem3A_551, %dma_start3A_605, %dma_start3A_606] : memref<200x8x32x8x128xf32, #tpu.memory_space<hbm>> -> memref<1x1x1x8x128xf32, #tpu.memory_space<hbm>>
      %dma_start3A_608 = tpu.memref_squeeze %dma_start3A_607 : memref<1x1x1x8x128xf32, #tpu.memory_space<hbm>> -> memref<8x128xf32, #tpu.memory_space<hbm>>
      %dma_start3A_609 = arith.constant 24 : i32
      %dma_start3A_610 = arith.constant 0 : i32
      %dma_start3A_611 = tpu.memref_slice %arg11[%dma_start3A_609, %dma_start3A_610] : memref<64x129xf32, #tpu.memory_space<vmem>> -> memref<8x128xf32, #tpu.memory_space<vmem>>
      tpu.enqueue_dma source(%dma_start3A_611 : memref<8x128xf32, #tpu.memory_space<vmem>>) target(%dma_start3A_608 : memref<8x128xf32, #tpu.memory_space<hbm>>) target_semaphore(%arg17 : memref<!tpu.dma_semaphore, #tpu.memory_space<semaphore_mem>>)
      %dma_start3A_612 = arith.constant 4 : i32
      %dma_start3A_613 = arith.constant 32 : i32
      %dma_start3A_614 = arith.constant 0 : i32
      %dma_start3A_615 = tpu.memref_slice %arg11[%dma_start3A_613, %dma_start3A_614] : memref<64x129xf32, #tpu.memory_space<vmem>> -> memref<8x128xf32, #tpu.memory_space<vmem>>
      %dma_start3A_616 = arith.constant 0 : i32
      %dma_start3A_617 = arith.constant 0 : i32
      %dma_start3A_618 = tpu.memref_slice %arg4[%select_n3A_549, %dma_start3A_612, %rem3A_551, %dma_start3A_616, %dma_start3A_617] : memref<200x8x32x8x128xf32, #tpu.memory_space<hbm>> -> memref<1x1x1x8x128xf32, #tpu.memory_space<hbm>>
      %dma_start3A_619 = tpu.memref_squeeze %dma_start3A_618 : memref<1x1x1x8x128xf32, #tpu.memory_space<hbm>> -> memref<8x128xf32, #tpu.memory_space<hbm>>
      %dma_start3A_620 = arith.constant 0 : i32
      %dma_start3A_621 = arith.constant 0 : i32
      %dma_start3A_622 = tpu.memref_slice %arg4[%select_n3A_549, %dma_start3A_612, %rem3A_551, %dma_start3A_620, %dma_start3A_621] : memref<200x8x32x8x128xf32, #tpu.memory_space<hbm>> -> memref<1x1x1x8x128xf32, #tpu.memory_space<hbm>>
      %dma_start3A_623 = tpu.memref_squeeze %dma_start3A_622 : memref<1x1x1x8x128xf32, #tpu.memory_space<hbm>> -> memref<8x128xf32, #tpu.memory_space<hbm>>
      %dma_start3A_624 = arith.constant 32 : i32
      %dma_start3A_625 = arith.constant 0 : i32
      %dma_start3A_626 = tpu.memref_slice %arg11[%dma_start3A_624, %dma_start3A_625] : memref<64x129xf32, #tpu.memory_space<vmem>> -> memref<8x128xf32, #tpu.memory_space<vmem>>
      tpu.enqueue_dma source(%dma_start3A_626 : memref<8x128xf32, #tpu.memory_space<vmem>>) target(%dma_start3A_623 : memref<8x128xf32, #tpu.memory_space<hbm>>) target_semaphore(%arg17 : memref<!tpu.dma_semaphore, #tpu.memory_space<semaphore_mem>>)
      %dma_start3A_627 = arith.constant 5 : i32
      %dma_start3A_628 = arith.constant 40 : i32
      %dma_start3A_629 = arith.constant 0 : i32
      %dma_start3A_630 = tpu.memref_slice %arg11[%dma_start3A_628, %dma_start3A_629] : memref<64x129xf32, #tpu.memory_space<vmem>> -> memref<8x128xf32, #tpu.memory_space<vmem>>
      %dma_start3A_631 = arith.constant 0 : i32
      %dma_start3A_632 = arith.constant 0 : i32
      %dma_start3A_633 = tpu.memref_slice %arg4[%select_n3A_549, %dma_start3A_627, %rem3A_551, %dma_start3A_631, %dma_start3A_632] : memref<200x8x32x8x128xf32, #tpu.memory_space<hbm>> -> memref<1x1x1x8x128xf32, #tpu.memory_space<hbm>>
      %dma_start3A_634 = tpu.memref_squeeze %dma_start3A_633 : memref<1x1x1x8x128xf32, #tpu.memory_space<hbm>> -> memref<8x128xf32, #tpu.memory_space<hbm>>
      %dma_start3A_635 = arith.constant 0 : i32
      %dma_start3A_636 = arith.constant 0 : i32
      %dma_start3A_637 = tpu.memref_slice %arg4[%select_n3A_549, %dma_start3A_627, %rem3A_551, %dma_start3A_635, %dma_start3A_636] : memref<200x8x32x8x128xf32, #tpu.memory_space<hbm>> -> memref<1x1x1x8x128xf32, #tpu.memory_space<hbm>>
      %dma_start3A_638 = tpu.memref_squeeze %dma_start3A_637 : memref<1x1x1x8x128xf32, #tpu.memory_space<hbm>> -> memref<8x128xf32, #tpu.memory_space<hbm>>
      %dma_start3A_639 = arith.constant 40 : i32
      %dma_start3A_640 = arith.constant 0 : i32
      %dma_start3A_641 = tpu.memref_slice %arg11[%dma_start3A_639, %dma_start3A_640] : memref<64x129xf32, #tpu.memory_space<vmem>> -> memref<8x128xf32, #tpu.memory_space<vmem>>
      tpu.enqueue_dma source(%dma_start3A_641 : memref<8x128xf32, #tpu.memory_space<vmem>>) target(%dma_start3A_638 : memref<8x128xf32, #tpu.memory_space<hbm>>) target_semaphore(%arg17 : memref<!tpu.dma_semaphore, #tpu.memory_space<semaphore_mem>>)
      %dma_start3A_642 = arith.constant 6 : i32
      %dma_start3A_643 = arith.constant 48 : i32
      %dma_start3A_644 = arith.constant 0 : i32
      %dma_start3A_645 = tpu.memref_slice %arg11[%dma_start3A_643, %dma_start3A_644] : memref<64x129xf32, #tpu.memory_space<vmem>> -> memref<8x128xf32, #tpu.memory_space<vmem>>
      %dma_start3A_646 = arith.constant 0 : i32
      %dma_start3A_647 = arith.constant 0 : i32
      %dma_start3A_648 = tpu.memref_slice %arg4[%select_n3A_549, %dma_start3A_642, %rem3A_551, %dma_start3A_646, %dma_start3A_647] : memref<200x8x32x8x128xf32, #tpu.memory_space<hbm>> -> memref<1x1x1x8x128xf32, #tpu.memory_space<hbm>>
      %dma_start3A_649 = tpu.memref_squeeze %dma_start3A_648 : memref<1x1x1x8x128xf32, #tpu.memory_space<hbm>> -> memref<8x128xf32, #tpu.memory_space<hbm>>
      %dma_start3A_650 = arith.constant 0 : i32
      %dma_start3A_651 = arith.constant 0 : i32
      %dma_start3A_652 = tpu.memref_slice %arg4[%select_n3A_549, %dma_start3A_642, %rem3A_551, %dma_start3A_650, %dma_start3A_651] : memref<200x8x32x8x128xf32, #tpu.memory_space<hbm>> -> memref<1x1x1x8x128xf32, #tpu.memory_space<hbm>>
      %dma_start3A_653 = tpu.memref_squeeze %dma_start3A_652 : memref<1x1x1x8x128xf32, #tpu.memory_space<hbm>> -> memref<8x128xf32, #tpu.memory_space<hbm>>
      %dma_start3A_654 = arith.constant 48 : i32
      %dma_start3A_655 = arith.constant 0 : i32
      %dma_start3A_656 = tpu.memref_slice %arg11[%dma_start3A_654, %dma_start3A_655] : memref<64x129xf32, #tpu.memory_space<vmem>> -> memref<8x128xf32, #tpu.memory_space<vmem>>
      tpu.enqueue_dma source(%dma_start3A_656 : memref<8x128xf32, #tpu.memory_space<vmem>>) target(%dma_start3A_653 : memref<8x128xf32, #tpu.memory_space<hbm>>) target_semaphore(%arg17 : memref<!tpu.dma_semaphore, #tpu.memory_space<semaphore_mem>>)
      %dma_start3A_657 = arith.constant 7 : i32
      %dma_start3A_658 = arith.constant 56 : i32
      %dma_start3A_659 = arith.constant 0 : i32
      %dma_start3A_660 = tpu.memref_slice %arg11[%dma_start3A_658, %dma_start3A_659] : memref<64x129xf32, #tpu.memory_space<vmem>> -> memref<8x128xf32, #tpu.memory_space<vmem>>
      %dma_start3A_661 = arith.constant 0 : i32
      %dma_start3A_662 = arith.constant 0 : i32
      %dma_start3A_663 = tpu.memref_slice %arg4[%select_n3A_549, %dma_start3A_657, %rem3A_551, %dma_start3A_661, %dma_start3A_662] : memref<200x8x32x8x128xf32, #tpu.memory_space<hbm>> -> memref<1x1x1x8x128xf32, #tpu.memory_space<hbm>>
      %dma_start3A_664 = tpu.memref_squeeze %dma_start3A_663 : memref<1x1x1x8x128xf32, #tpu.memory_space<hbm>> -> memref<8x128xf32, #tpu.memory_space<hbm>>
      %dma_start3A_665 = arith.constant 0 : i32
      %dma_start3A_666 = arith.constant 0 : i32
      %dma_start3A_667 = tpu.memref_slice %arg4[%select_n3A_549, %dma_start3A_657, %rem3A_551, %dma_start3A_665, %dma_start3A_666] : memref<200x8x32x8x128xf32, #tpu.memory_space<hbm>> -> memref<1x1x1x8x128xf32, #tpu.memory_space<hbm>>
      %dma_start3A_668 = tpu.memref_squeeze %dma_start3A_667 : memref<1x1x1x8x128xf32, #tpu.memory_space<hbm>> -> memref<8x128xf32, #tpu.memory_space<hbm>>
      %dma_start3A_669 = arith.constant 56 : i32
      %dma_start3A_670 = arith.constant 0 : i32
      %dma_start3A_671 = tpu.memref_slice %arg11[%dma_start3A_669, %dma_start3A_670] : memref<64x129xf32, #tpu.memory_space<vmem>> -> memref<8x128xf32, #tpu.memory_space<vmem>>
      tpu.enqueue_dma source(%dma_start3A_671 : memref<8x128xf32, #tpu.memory_space<vmem>>) target(%dma_start3A_668 : memref<8x128xf32, #tpu.memory_space<hbm>>) target_semaphore(%arg17 : memref<!tpu.dma_semaphore, #tpu.memory_space<semaphore_mem>>)
      %add3A_672 = arith.constant 4 : i32
      %add3A_673 = arith.addi %add3A_505, %add3A_672 : i32
      %lt3A_674 = arith.constant 200 : i32
      %lt3A_675 = arith.cmpi slt, %add3A_673, %lt3A_674 : i32
      %convert_element_type3A_676 = arith.extui %lt3A_675 : i1 to i32
      %cond3A_677 = arith.constant 0 : i32
      %cond3A_678 = arith.cmpi ne, %convert_element_type3A_676, %cond3A_677 : i32
      scf.if %cond3A_678 {
        %add3A_1029 = arith.constant 4 : i32
        %add3A_1030 = arith.addi %add3A_505, %add3A_1029 : i32
        %mul3A_1031 = arith.constant 128 : i32
        %mul3A_1032 = arith.muli %add3A_1030, %mul3A_1031 : i32
        %dma_start3A_1033 = tpu.memref_slice %arg5[%mul3A_1032] : memref<25600xi32, #tpu.memory_space<vmem>> -> memref<128xi32, #tpu.memory_space<vmem>>
        %dma_start3A_1034 = arith.constant 0 : i32
        %dma_start3A_1035 = arith.constant 0 : i32
        %dma_start3A_1036 = tpu.memref_slice %arg3[%dma_start3A_1034, %dma_start3A_1035] : memref<1000000x64xf32, #tpu.memory_space<hbm>> -> memref<1000000x64xf32, #tpu.memory_space<hbm>>
        tpu.enqueue_indirect_dma source(%dma_start3A_1036 : memref<1000000x64xf32, #tpu.memory_space<hbm>>) target(%arg7 : memref<128x64xf32, #tpu.memory_space<vmem>>) offsets(%dma_start3A_1033 : memref<128xi32, #tpu.memory_space<vmem>>) semaphore(%arg13 : memref<!tpu.dma_semaphore, #tpu.memory_space<semaphore_mem>>)
      } else {
      }
      %add3A_679 = arith.constant 2 : i32
      %add3A_680 = arith.addi %mul3A_332, %add3A_679 : i32
      %mul3A_681 = arith.constant 128 : i32
      %mul3A_682 = arith.muli %add3A_680, %mul3A_681 : i32
      %dma_wait3A_683 = tpu.memref_slice %arg5[%mul3A_682] : memref<25600xi32, #tpu.memory_space<vmem>> -> memref<128xi32, #tpu.memory_space<vmem>>
      %dma_wait3A_684 = arith.constant 0 : i32
      %dma_wait3A_685 = arith.constant 0 : i32
      %dma_wait3A_686 = tpu.memref_slice %arg3[%dma_wait3A_684, %dma_wait3A_685] : memref<1000000x64xf32, #tpu.memory_space<hbm>> -> memref<1000000x64xf32, #tpu.memory_space<hbm>>
      tpu.wait_indirect_dma semaphore(%arg14 : memref<!tpu.dma_semaphore, #tpu.memory_space<semaphore_mem>>) src(%dma_wait3A_686 : memref<1000000x64xf32, #tpu.memory_space<hbm>>) dst(%arg8 : memref<128x64xf32, #tpu.memory_space<vmem>>)
      %ge3A_687 = arith.constant 2 : i32
      %ge3A_688 = arith.cmpi sge, %add3A_680, %ge3A_687 : i32
      %convert_element_type3A_689 = arith.extui %ge3A_688 : i1 to i32
      %cond3A_690 = arith.constant 0 : i32
      %cond3A_691 = arith.cmpi ne, %convert_element_type3A_689, %cond3A_690 : i32
      scf.if %cond3A_691 {
        %sub3A_1029 = arith.constant 2 : i32
        %sub3A_1030 = arith.subi %add3A_680, %sub3A_1029 : i32
        %mul3A_1031 = arith.constant 200 : i32
        %mul3A_1032 = arith.muli %add3A, %mul3A_1031 : i32
        %add3A_1033 = arith.addi %mul3A_1032, %sub3A_1030 : i32
        %jit3A_1034 = arith.constant 32 : i32
        %div3A_1035 = arith.divsi %add3A_1033, %jit3A_1034 : i32
        %sign3A_1036 = arith.constant 0 : i32
        %sign3A_1037 = arith.cmpi sgt, %add3A_1033, %sign3A_1036 : i32
        %sign3A_1038 = arith.extui %sign3A_1037 : i1 to i32
        %sign3A_1039 = arith.constant 0 : i32
        %sign3A_1040 = arith.cmpi slt, %add3A_1033, %sign3A_1039 : i32
        %sign3A_1041 = arith.extui %sign3A_1040 : i1 to i32
        %sign3A_1042 = arith.subi %sign3A_1038, %sign3A_1041 : i32
        %sign3A_1043 = arith.constant 0 : i32
        %sign3A_1044 = arith.cmpi sgt, %jit3A_1034, %sign3A_1043 : i32
        %sign3A_1045 = arith.extui %sign3A_1044 : i1 to i32
        %sign3A_1046 = arith.constant 0 : i32
        %sign3A_1047 = arith.cmpi slt, %jit3A_1034, %sign3A_1046 : i32
        %sign3A_1048 = arith.extui %sign3A_1047 : i1 to i32
        %sign3A_1049 = arith.subi %sign3A_1045, %sign3A_1048 : i32
        %ne3A_1050 = arith.cmpi ne, %sign3A_1042, %sign3A_1049 : i32
        %rem3A_1051 = arith.remsi %add3A_1033, %jit3A_1034 : i32
        %ne3A_1052 = arith.constant 0 : i32
        %ne3A_1053 = arith.cmpi ne, %rem3A_1051, %ne3A_1052 : i32
        %and3A_1054 = arith.andi %ne3A_1050, %ne3A_1053 : i1
        %sub3A_1055 = arith.constant 1 : i32
        %sub3A_1056 = arith.subi %div3A_1035, %sub3A_1055 : i32
        %select_n3A_1057 = arith.select %and3A_1054, %sub3A_1056, %div3A_1035 : i32
        %rem3A_1058 = arith.constant 32 : i32
        %rem3A_1059 = arith.remsi %add3A_1033, %rem3A_1058 : i32
        %dma_wait3A_1060 = arith.constant 0 : i32
        %dma_wait3A_1061 = arith.constant 0 : i32
        %dma_wait3A_1062 = arith.constant 0 : i32
        %dma_wait3A_1063 = tpu.memref_slice %arg10[%dma_wait3A_1061, %dma_wait3A_1062] : memref<64x129xf32, #tpu.memory_space<vmem>> -> memref<8x128xf32, #tpu.memory_space<vmem>>
        %dma_wait3A_1064 = arith.constant 0 : i32
        %dma_wait3A_1065 = arith.constant 0 : i32
        %dma_wait3A_1066 = tpu.memref_slice %arg4[%select_n3A_1057, %dma_wait3A_1060, %rem3A_1059, %dma_wait3A_1064, %dma_wait3A_1065] : memref<200x8x32x8x128xf32, #tpu.memory_space<hbm>> -> memref<1x1x1x8x128xf32, #tpu.memory_space<hbm>>
        %dma_wait3A_1067 = tpu.memref_squeeze %dma_wait3A_1066 : memref<1x1x1x8x128xf32, #tpu.memory_space<hbm>> -> memref<8x128xf32, #tpu.memory_space<hbm>>
        %dma_wait3A_1068 = arith.constant 0 : i32
        %dma_wait3A_1069 = arith.constant 0 : i32
        %dma_wait3A_1070 = tpu.memref_slice %arg4[%select_n3A_1057, %dma_wait3A_1060, %rem3A_1059, %dma_wait3A_1068, %dma_wait3A_1069] : memref<200x8x32x8x128xf32, #tpu.memory_space<hbm>> -> memref<1x1x1x8x128xf32, #tpu.memory_space<hbm>>
        %dma_wait3A_1071 = tpu.memref_squeeze %dma_wait3A_1070 : memref<1x1x1x8x128xf32, #tpu.memory_space<hbm>> -> memref<8x128xf32, #tpu.memory_space<hbm>>
        %dma_wait3A_1072 = arith.constant 0 : i32
        %dma_wait3A_1073 = arith.constant 0 : i32
        %dma_wait3A_1074 = tpu.memref_slice %arg10[%dma_wait3A_1072, %dma_wait3A_1073] : memref<64x129xf32, #tpu.memory_space<vmem>> -> memref<8x128xf32, #tpu.memory_space<vmem>>
        tpu.wait_dma2 semaphore(%arg16 : memref<!tpu.dma_semaphore, #tpu.memory_space<semaphore_mem>>) src(%dma_wait3A_1074 : memref<8x128xf32, #tpu.memory_space<vmem>>) dst(%dma_wait3A_1071 : memref<8x128xf32, #tpu.memory_space<hbm>>)
        %dma_wait3A_1075 = arith.constant 1 : i32
        %dma_wait3A_1076 = arith.constant 8 : i32
        %dma_wait3A_1077 = arith.constant 0 : i32
        %dma_wait3A_1078 = tpu.memref_slice %arg10[%dma_wait3A_1076, %dma_wait3A_1077] : memref<64x129xf32, #tpu.memory_space<vmem>> -> memref<8x128xf32, #tpu.memory_space<vmem>>
        %dma_wait3A_1079 = arith.constant 0 : i32
        %dma_wait3A_1080 = arith.constant 0 : i32
        %dma_wait3A_1081 = tpu.memref_slice %arg4[%select_n3A_1057, %dma_wait3A_1075, %rem3A_1059, %dma_wait3A_1079, %dma_wait3A_1080] : memref<200x8x32x8x128xf32, #tpu.memory_space<hbm>> -> memref<1x1x1x8x128xf32, #tpu.memory_space<hbm>>
        %dma_wait3A_1082 = tpu.memref_squeeze %dma_wait3A_1081 : memref<1x1x1x8x128xf32, #tpu.memory_space<hbm>> -> memref<8x128xf32, #tpu.memory_space<hbm>>
        %dma_wait3A_1083 = arith.constant 0 : i32
        %dma_wait3A_1084 = arith.constant 0 : i32
        %dma_wait3A_1085 = tpu.memref_slice %arg4[%select_n3A_1057, %dma_wait3A_1075, %rem3A_1059, %dma_wait3A_1083, %dma_wait3A_1084] : memref<200x8x32x8x128xf32, #tpu.memory_space<hbm>> -> memref<1x1x1x8x128xf32, #tpu.memory_space<hbm>>
        %dma_wait3A_1086 = tpu.memref_squeeze %dma_wait3A_1085 : memref<1x1x1x8x128xf32, #tpu.memory_space<hbm>> -> memref<8x128xf32, #tpu.memory_space<hbm>>
        %dma_wait3A_1087 = arith.constant 8 : i32
        %dma_wait3A_1088 = arith.constant 0 : i32
        %dma_wait3A_1089 = tpu.memref_slice %arg10[%dma_wait3A_1087, %dma_wait3A_1088] : memref<64x129xf32, #tpu.memory_space<vmem>> -> memref<8x128xf32, #tpu.memory_space<vmem>>
        tpu.wait_dma2 semaphore(%arg16 : memref<!tpu.dma_semaphore, #tpu.memory_space<semaphore_mem>>) src(%dma_wait3A_1089 : memref<8x128xf32, #tpu.memory_space<vmem>>) dst(%dma_wait3A_1086 : memref<8x128xf32, #tpu.memory_space<hbm>>)
        %dma_wait3A_1090 = arith.constant 2 : i32
        %dma_wait3A_1091 = arith.constant 16 : i32
        %dma_wait3A_1092 = arith.constant 0 : i32
        %dma_wait3A_1093 = tpu.memref_slice %arg10[%dma_wait3A_1091, %dma_wait3A_1092] : memref<64x129xf32, #tpu.memory_space<vmem>> -> memref<8x128xf32, #tpu.memory_space<vmem>>
        %dma_wait3A_1094 = arith.constant 0 : i32
        %dma_wait3A_1095 = arith.constant 0 : i32
        %dma_wait3A_1096 = tpu.memref_slice %arg4[%select_n3A_1057, %dma_wait3A_1090, %rem3A_1059, %dma_wait3A_1094, %dma_wait3A_1095] : memref<200x8x32x8x128xf32, #tpu.memory_space<hbm>> -> memref<1x1x1x8x128xf32, #tpu.memory_space<hbm>>
        %dma_wait3A_1097 = tpu.memref_squeeze %dma_wait3A_1096 : memref<1x1x1x8x128xf32, #tpu.memory_space<hbm>> -> memref<8x128xf32, #tpu.memory_space<hbm>>
        %dma_wait3A_1098 = arith.constant 0 : i32
        %dma_wait3A_1099 = arith.constant 0 : i32
        %dma_wait3A_1100 = tpu.memref_slice %arg4[%select_n3A_1057, %dma_wait3A_1090, %rem3A_1059, %dma_wait3A_1098, %dma_wait3A_1099] : memref<200x8x32x8x128xf32, #tpu.memory_space<hbm>> -> memref<1x1x1x8x128xf32, #tpu.memory_space<hbm>>
        %dma_wait3A_1101 = tpu.memref_squeeze %dma_wait3A_1100 : memref<1x1x1x8x128xf32, #tpu.memory_space<hbm>> -> memref<8x128xf32, #tpu.memory_space<hbm>>
        %dma_wait3A_1102 = arith.constant 16 : i32
        %dma_wait3A_1103 = arith.constant 0 : i32
        %dma_wait3A_1104 = tpu.memref_slice %arg10[%dma_wait3A_1102, %dma_wait3A_1103] : memref<64x129xf32, #tpu.memory_space<vmem>> -> memref<8x128xf32, #tpu.memory_space<vmem>>
        tpu.wait_dma2 semaphore(%arg16 : memref<!tpu.dma_semaphore, #tpu.memory_space<semaphore_mem>>) src(%dma_wait3A_1104 : memref<8x128xf32, #tpu.memory_space<vmem>>) dst(%dma_wait3A_1101 : memref<8x128xf32, #tpu.memory_space<hbm>>)
        %dma_wait3A_1105 = arith.constant 3 : i32
        %dma_wait3A_1106 = arith.constant 24 : i32
        %dma_wait3A_1107 = arith.constant 0 : i32
        %dma_wait3A_1108 = tpu.memref_slice %arg10[%dma_wait3A_1106, %dma_wait3A_1107] : memref<64x129xf32, #tpu.memory_space<vmem>> -> memref<8x128xf32, #tpu.memory_space<vmem>>
        %dma_wait3A_1109 = arith.constant 0 : i32
        %dma_wait3A_1110 = arith.constant 0 : i32
        %dma_wait3A_1111 = tpu.memref_slice %arg4[%select_n3A_1057, %dma_wait3A_1105, %rem3A_1059, %dma_wait3A_1109, %dma_wait3A_1110] : memref<200x8x32x8x128xf32, #tpu.memory_space<hbm>> -> memref<1x1x1x8x128xf32, #tpu.memory_space<hbm>>
        %dma_wait3A_1112 = tpu.memref_squeeze %dma_wait3A_1111 : memref<1x1x1x8x128xf32, #tpu.memory_space<hbm>> -> memref<8x128xf32, #tpu.memory_space<hbm>>
        %dma_wait3A_1113 = arith.constant 0 : i32
        %dma_wait3A_1114 = arith.constant 0 : i32
        %dma_wait3A_1115 = tpu.memref_slice %arg4[%select_n3A_1057, %dma_wait3A_1105, %rem3A_1059, %dma_wait3A_1113, %dma_wait3A_1114] : memref<200x8x32x8x128xf32, #tpu.memory_space<hbm>> -> memref<1x1x1x8x128xf32, #tpu.memory_space<hbm>>
        %dma_wait3A_1116 = tpu.memref_squeeze %dma_wait3A_1115 : memref<1x1x1x8x128xf32, #tpu.memory_space<hbm>> -> memref<8x128xf32, #tpu.memory_space<hbm>>
        %dma_wait3A_1117 = arith.constant 24 : i32
        %dma_wait3A_1118 = arith.constant 0 : i32
        %dma_wait3A_1119 = tpu.memref_slice %arg10[%dma_wait3A_1117, %dma_wait3A_1118] : memref<64x129xf32, #tpu.memory_space<vmem>> -> memref<8x128xf32, #tpu.memory_space<vmem>>
        tpu.wait_dma2 semaphore(%arg16 : memref<!tpu.dma_semaphore, #tpu.memory_space<semaphore_mem>>) src(%dma_wait3A_1119 : memref<8x128xf32, #tpu.memory_space<vmem>>) dst(%dma_wait3A_1116 : memref<8x128xf32, #tpu.memory_space<hbm>>)
        %dma_wait3A_1120 = arith.constant 4 : i32
        %dma_wait3A_1121 = arith.constant 32 : i32
        %dma_wait3A_1122 = arith.constant 0 : i32
        %dma_wait3A_1123 = tpu.memref_slice %arg10[%dma_wait3A_1121, %dma_wait3A_1122] : memref<64x129xf32, #tpu.memory_space<vmem>> -> memref<8x128xf32, #tpu.memory_space<vmem>>
        %dma_wait3A_1124 = arith.constant 0 : i32
        %dma_wait3A_1125 = arith.constant 0 : i32
        %dma_wait3A_1126 = tpu.memref_slice %arg4[%select_n3A_1057, %dma_wait3A_1120, %rem3A_1059, %dma_wait3A_1124, %dma_wait3A_1125] : memref<200x8x32x8x128xf32, #tpu.memory_space<hbm>> -> memref<1x1x1x8x128xf32, #tpu.memory_space<hbm>>
        %dma_wait3A_1127 = tpu.memref_squeeze %dma_wait3A_1126 : memref<1x1x1x8x128xf32, #tpu.memory_space<hbm>> -> memref<8x128xf32, #tpu.memory_space<hbm>>
        %dma_wait3A_1128 = arith.constant 0 : i32
        %dma_wait3A_1129 = arith.constant 0 : i32
        %dma_wait3A_1130 = tpu.memref_slice %arg4[%select_n3A_1057, %dma_wait3A_1120, %rem3A_1059, %dma_wait3A_1128, %dma_wait3A_1129] : memref<200x8x32x8x128xf32, #tpu.memory_space<hbm>> -> memref<1x1x1x8x128xf32, #tpu.memory_space<hbm>>
        %dma_wait3A_1131 = tpu.memref_squeeze %dma_wait3A_1130 : memref<1x1x1x8x128xf32, #tpu.memory_space<hbm>> -> memref<8x128xf32, #tpu.memory_space<hbm>>
        %dma_wait3A_1132 = arith.constant 32 : i32
        %dma_wait3A_1133 = arith.constant 0 : i32
        %dma_wait3A_1134 = tpu.memref_slice %arg10[%dma_wait3A_1132, %dma_wait3A_1133] : memref<64x129xf32, #tpu.memory_space<vmem>> -> memref<8x128xf32, #tpu.memory_space<vmem>>
        tpu.wait_dma2 semaphore(%arg16 : memref<!tpu.dma_semaphore, #tpu.memory_space<semaphore_mem>>) src(%dma_wait3A_1134 : memref<8x128xf32, #tpu.memory_space<vmem>>) dst(%dma_wait3A_1131 : memref<8x128xf32, #tpu.memory_space<hbm>>)
        %dma_wait3A_1135 = arith.constant 5 : i32
        %dma_wait3A_1136 = arith.constant 40 : i32
        %dma_wait3A_1137 = arith.constant 0 : i32
        %dma_wait3A_1138 = tpu.memref_slice %arg10[%dma_wait3A_1136, %dma_wait3A_1137] : memref<64x129xf32, #tpu.memory_space<vmem>> -> memref<8x128xf32, #tpu.memory_space<vmem>>
        %dma_wait3A_1139 = arith.constant 0 : i32
        %dma_wait3A_1140 = arith.constant 0 : i32
        %dma_wait3A_1141 = tpu.memref_slice %arg4[%select_n3A_1057, %dma_wait3A_1135, %rem3A_1059, %dma_wait3A_1139, %dma_wait3A_1140] : memref<200x8x32x8x128xf32, #tpu.memory_space<hbm>> -> memref<1x1x1x8x128xf32, #tpu.memory_space<hbm>>
        %dma_wait3A_1142 = tpu.memref_squeeze %dma_wait3A_1141 : memref<1x1x1x8x128xf32, #tpu.memory_space<hbm>> -> memref<8x128xf32, #tpu.memory_space<hbm>>
        %dma_wait3A_1143 = arith.constant 0 : i32
        %dma_wait3A_1144 = arith.constant 0 : i32
        %dma_wait3A_1145 = tpu.memref_slice %arg4[%select_n3A_1057, %dma_wait3A_1135, %rem3A_1059, %dma_wait3A_1143, %dma_wait3A_1144] : memref<200x8x32x8x128xf32, #tpu.memory_space<hbm>> -> memref<1x1x1x8x128xf32, #tpu.memory_space<hbm>>
        %dma_wait3A_1146 = tpu.memref_squeeze %dma_wait3A_1145 : memref<1x1x1x8x128xf32, #tpu.memory_space<hbm>> -> memref<8x128xf32, #tpu.memory_space<hbm>>
        %dma_wait3A_1147 = arith.constant 40 : i32
        %dma_wait3A_1148 = arith.constant 0 : i32
        %dma_wait3A_1149 = tpu.memref_slice %arg10[%dma_wait3A_1147, %dma_wait3A_1148] : memref<64x129xf32, #tpu.memory_space<vmem>> -> memref<8x128xf32, #tpu.memory_space<vmem>>
        tpu.wait_dma2 semaphore(%arg16 : memref<!tpu.dma_semaphore, #tpu.memory_space<semaphore_mem>>) src(%dma_wait3A_1149 : memref<8x128xf32, #tpu.memory_space<vmem>>) dst(%dma_wait3A_1146 : memref<8x128xf32, #tpu.memory_space<hbm>>)
        %dma_wait3A_1150 = arith.constant 6 : i32
        %dma_wait3A_1151 = arith.constant 48 : i32
        %dma_wait3A_1152 = arith.constant 0 : i32
        %dma_wait3A_1153 = tpu.memref_slice %arg10[%dma_wait3A_1151, %dma_wait3A_1152] : memref<64x129xf32, #tpu.memory_space<vmem>> -> memref<8x128xf32, #tpu.memory_space<vmem>>
        %dma_wait3A_1154 = arith.constant 0 : i32
        %dma_wait3A_1155 = arith.constant 0 : i32
        %dma_wait3A_1156 = tpu.memref_slice %arg4[%select_n3A_1057, %dma_wait3A_1150, %rem3A_1059, %dma_wait3A_1154, %dma_wait3A_1155] : memref<200x8x32x8x128xf32, #tpu.memory_space<hbm>> -> memref<1x1x1x8x128xf32, #tpu.memory_space<hbm>>
        %dma_wait3A_1157 = tpu.memref_squeeze %dma_wait3A_1156 : memref<1x1x1x8x128xf32, #tpu.memory_space<hbm>> -> memref<8x128xf32, #tpu.memory_space<hbm>>
        %dma_wait3A_1158 = arith.constant 0 : i32
        %dma_wait3A_1159 = arith.constant 0 : i32
        %dma_wait3A_1160 = tpu.memref_slice %arg4[%select_n3A_1057, %dma_wait3A_1150, %rem3A_1059, %dma_wait3A_1158, %dma_wait3A_1159] : memref<200x8x32x8x128xf32, #tpu.memory_space<hbm>> -> memref<1x1x1x8x128xf32, #tpu.memory_space<hbm>>
        %dma_wait3A_1161 = tpu.memref_squeeze %dma_wait3A_1160 : memref<1x1x1x8x128xf32, #tpu.memory_space<hbm>> -> memref<8x128xf32, #tpu.memory_space<hbm>>
        %dma_wait3A_1162 = arith.constant 48 : i32
        %dma_wait3A_1163 = arith.constant 0 : i32
        %dma_wait3A_1164 = tpu.memref_slice %arg10[%dma_wait3A_1162, %dma_wait3A_1163] : memref<64x129xf32, #tpu.memory_space<vmem>> -> memref<8x128xf32, #tpu.memory_space<vmem>>
        tpu.wait_dma2 semaphore(%arg16 : memref<!tpu.dma_semaphore, #tpu.memory_space<semaphore_mem>>) src(%dma_wait3A_1164 : memref<8x128xf32, #tpu.memory_space<vmem>>) dst(%dma_wait3A_1161 : memref<8x128xf32, #tpu.memory_space<hbm>>)
        %dma_wait3A_1165 = arith.constant 7 : i32
        %dma_wait3A_1166 = arith.constant 56 : i32
        %dma_wait3A_1167 = arith.constant 0 : i32
        %dma_wait3A_1168 = tpu.memref_slice %arg10[%dma_wait3A_1166, %dma_wait3A_1167] : memref<64x129xf32, #tpu.memory_space<vmem>> -> memref<8x128xf32, #tpu.memory_space<vmem>>
        %dma_wait3A_1169 = arith.constant 0 : i32
        %dma_wait3A_1170 = arith.constant 0 : i32
        %dma_wait3A_1171 = tpu.memref_slice %arg4[%select_n3A_1057, %dma_wait3A_1165, %rem3A_1059, %dma_wait3A_1169, %dma_wait3A_1170] : memref<200x8x32x8x128xf32, #tpu.memory_space<hbm>> -> memref<1x1x1x8x128xf32, #tpu.memory_space<hbm>>
        %dma_wait3A_1172 = tpu.memref_squeeze %dma_wait3A_1171 : memref<1x1x1x8x128xf32, #tpu.memory_space<hbm>> -> memref<8x128xf32, #tpu.memory_space<hbm>>
        %dma_wait3A_1173 = arith.constant 0 : i32
        %dma_wait3A_1174 = arith.constant 0 : i32
        %dma_wait3A_1175 = tpu.memref_slice %arg4[%select_n3A_1057, %dma_wait3A_1165, %rem3A_1059, %dma_wait3A_1173, %dma_wait3A_1174] : memref<200x8x32x8x128xf32, #tpu.memory_space<hbm>> -> memref<1x1x1x8x128xf32, #tpu.memory_space<hbm>>
        %dma_wait3A_1176 = tpu.memref_squeeze %dma_wait3A_1175 : memref<1x1x1x8x128xf32, #tpu.memory_space<hbm>> -> memref<8x128xf32, #tpu.memory_space<hbm>>
        %dma_wait3A_1177 = arith.constant 56 : i32
        %dma_wait3A_1178 = arith.constant 0 : i32
        %dma_wait3A_1179 = tpu.memref_slice %arg10[%dma_wait3A_1177, %dma_wait3A_1178] : memref<64x129xf32, #tpu.memory_space<vmem>> -> memref<8x128xf32, #tpu.memory_space<vmem>>
        tpu.wait_dma2 semaphore(%arg16 : memref<!tpu.dma_semaphore, #tpu.memory_space<semaphore_mem>>) src(%dma_wait3A_1179 : memref<8x128xf32, #tpu.memory_space<vmem>>) dst(%dma_wait3A_1176 : memref<8x128xf32, #tpu.memory_space<hbm>>)
      } else {
      }
      %scan3A_692 = arith.constant 0 : i32
      %scan3A_693 = arith.constant 0 : i32
      %scan3A_694 = arith.constant 32 : i32
      %scan3A_695 = arith.addi %scan3A_693, %scan3A_694 : i32
      %scan3A_696 = arith.constant 1 : i32
      scf.for %scan3A_1029 = %scan3A_693 to %scan3A_695 step %scan3A_696  : i32 {
        %mul3A_1030 = arith.constant 4 : i32
        %mul3A_1031 = arith.muli %scan3A_1029, %mul3A_1030 : i32
        %add3A_1032 = arith.constant 0 : i32
        %add3A_1033 = arith.addi %mul3A_1031, %add3A_1032 : i32
        %broadcast_in_dim3A = arith.constant 0 : i32
        %broadcast_in_dim3A_1034 = vector.broadcast %broadcast_in_dim3A : i32 to vector<16xi32>
        %add3A_1035 = vector.broadcast %add3A_1033 : i32 to vector<16xi32>
        %add3A_1036 = arith.addi %broadcast_in_dim3A_1034, %add3A_1035 : vector<16xi32>
        %get3A = arith.index_cast %add3A_1033 : i32 to index
        %get3A_1037 = arith.constant 0 : index
        %get3A_1038 = tpu.vector_load %arg8[%get3A, %get3A_1037] {strides = array<i32>} : memref<128x64xf32, #tpu.memory_space<vmem>>, vector<16xf32>,
        %mul3A_1039 = arith.constant 8.000000e+00 : f32
        %mul3A_1040 = vector.broadcast %mul3A_1039 : f32 to vector<16xf32>
        %mul3A_1041 = arith.mulf %get3A_1038, %mul3A_1040 : vector<16xf32>
        tpu.vector_store_idx %arg10[%add3A_5, %add3A_1036], %mul3A_1041 : memref<64x129xf32, #tpu.memory_space<vmem>>[vector<16xi32>, vector<16xi32>], vector<16xf32>,
        %get3A_1042 = arith.index_cast %add3A_1033 : i32 to index
        %get3A_1043 = arith.constant 16 : index
        %get3A_1044 = tpu.vector_load %arg8[%get3A_1042, %get3A_1043] {strides = array<i32>} : memref<128x64xf32, #tpu.memory_space<vmem>>, vector<16xf32>,
        %mul3A_1045 = arith.constant 8.000000e+00 : f32
        %mul3A_1046 = vector.broadcast %mul3A_1045 : f32 to vector<16xf32>
        %mul3A_1047 = arith.mulf %get3A_1044, %mul3A_1046 : vector<16xf32>
        tpu.vector_store_idx %arg10[%add3A_8, %add3A_1036], %mul3A_1047 : memref<64x129xf32, #tpu.memory_space<vmem>>[vector<16xi32>, vector<16xi32>], vector<16xf32>,
        %get3A_1048 = arith.index_cast %add3A_1033 : i32 to index
        %get3A_1049 = arith.constant 32 : index
        %get3A_1050 = tpu.vector_load %arg8[%get3A_1048, %get3A_1049] {strides = array<i32>} : memref<128x64xf32, #tpu.memory_space<vmem>>, vector<16xf32>,
        %mul3A_1051 = arith.constant 8.000000e+00 : f32
        %mul3A_1052 = vector.broadcast %mul3A_1051 : f32 to vector<16xf32>
        %mul3A_1053 = arith.mulf %get3A_1050, %mul3A_1052 : vector<16xf32>
        tpu.vector_store_idx %arg10[%add3A_11, %add3A_1036], %mul3A_1053 : memref<64x129xf32, #tpu.memory_space<vmem>>[vector<16xi32>, vector<16xi32>], vector<16xf32>,
        %get3A_1054 = arith.index_cast %add3A_1033 : i32 to index
        %get3A_1055 = arith.constant 48 : index
        %get3A_1056 = tpu.vector_load %arg8[%get3A_1054, %get3A_1055] {strides = array<i32>} : memref<128x64xf32, #tpu.memory_space<vmem>>, vector<16xf32>,
        %mul3A_1057 = arith.constant 8.000000e+00 : f32
        %mul3A_1058 = vector.broadcast %mul3A_1057 : f32 to vector<16xf32>
        %mul3A_1059 = arith.mulf %get3A_1056, %mul3A_1058 : vector<16xf32>
        tpu.vector_store_idx %arg10[%add3A_14, %add3A_1036], %mul3A_1059 : memref<64x129xf32, #tpu.memory_space<vmem>>[vector<16xi32>, vector<16xi32>], vector<16xf32>,
        %add3A_1060 = arith.constant 1 : i32
        %add3A_1061 = arith.addi %mul3A_1031, %add3A_1060 : i32
        %broadcast_in_dim3A_1062 = arith.constant 0 : i32
        %broadcast_in_dim3A_1063 = vector.broadcast %broadcast_in_dim3A_1062 : i32 to vector<16xi32>
        %add3A_1064 = vector.broadcast %add3A_1061 : i32 to vector<16xi32>
        %add3A_1065 = arith.addi %broadcast_in_dim3A_1063, %add3A_1064 : vector<16xi32>
        %get3A_1066 = arith.index_cast %add3A_1061 : i32 to index
        %get3A_1067 = arith.constant 0 : index
        %get3A_1068 = tpu.vector_load %arg8[%get3A_1066, %get3A_1067] {strides = array<i32>} : memref<128x64xf32, #tpu.memory_space<vmem>>, vector<16xf32>,
        %mul3A_1069 = arith.constant 8.000000e+00 : f32
        %mul3A_1070 = vector.broadcast %mul3A_1069 : f32 to vector<16xf32>
        %mul3A_1071 = arith.mulf %get3A_1068, %mul3A_1070 : vector<16xf32>
        tpu.vector_store_idx %arg10[%add3A_5, %add3A_1065], %mul3A_1071 : memref<64x129xf32, #tpu.memory_space<vmem>>[vector<16xi32>, vector<16xi32>], vector<16xf32>,
        %get3A_1072 = arith.index_cast %add3A_1061 : i32 to index
        %get3A_1073 = arith.constant 16 : index
        %get3A_1074 = tpu.vector_load %arg8[%get3A_1072, %get3A_1073] {strides = array<i32>} : memref<128x64xf32, #tpu.memory_space<vmem>>, vector<16xf32>,
        %mul3A_1075 = arith.constant 8.000000e+00 : f32
        %mul3A_1076 = vector.broadcast %mul3A_1075 : f32 to vector<16xf32>
        %mul3A_1077 = arith.mulf %get3A_1074, %mul3A_1076 : vector<16xf32>
        tpu.vector_store_idx %arg10[%add3A_8, %add3A_1065], %mul3A_1077 : memref<64x129xf32, #tpu.memory_space<vmem>>[vector<16xi32>, vector<16xi32>], vector<16xf32>,
        %get3A_1078 = arith.index_cast %add3A_1061 : i32 to index
        %get3A_1079 = arith.constant 32 : index
        %get3A_1080 = tpu.vector_load %arg8[%get3A_1078, %get3A_1079] {strides = array<i32>} : memref<128x64xf32, #tpu.memory_space<vmem>>, vector<16xf32>,
        %mul3A_1081 = arith.constant 8.000000e+00 : f32
        %mul3A_1082 = vector.broadcast %mul3A_1081 : f32 to vector<16xf32>
        %mul3A_1083 = arith.mulf %get3A_1080, %mul3A_1082 : vector<16xf32>
        tpu.vector_store_idx %arg10[%add3A_11, %add3A_1065], %mul3A_1083 : memref<64x129xf32, #tpu.memory_space<vmem>>[vector<16xi32>, vector<16xi32>], vector<16xf32>,
        %get3A_1084 = arith.index_cast %add3A_1061 : i32 to index
        %get3A_1085 = arith.constant 48 : index
        %get3A_1086 = tpu.vector_load %arg8[%get3A_1084, %get3A_1085] {strides = array<i32>} : memref<128x64xf32, #tpu.memory_space<vmem>>, vector<16xf32>,
        %mul3A_1087 = arith.constant 8.000000e+00 : f32
        %mul3A_1088 = vector.broadcast %mul3A_1087 : f32 to vector<16xf32>
        %mul3A_1089 = arith.mulf %get3A_1086, %mul3A_1088 : vector<16xf32>
        tpu.vector_store_idx %arg10[%add3A_14, %add3A_1065], %mul3A_1089 : memref<64x129xf32, #tpu.memory_space<vmem>>[vector<16xi32>, vector<16xi32>], vector<16xf32>,
        %add3A_1090 = arith.constant 2 : i32
        %add3A_1091 = arith.addi %mul3A_1031, %add3A_1090 : i32
        %broadcast_in_dim3A_1092 = arith.constant 0 : i32
        %broadcast_in_dim3A_1093 = vector.broadcast %broadcast_in_dim3A_1092 : i32 to vector<16xi32>
        %add3A_1094 = vector.broadcast %add3A_1091 : i32 to vector<16xi32>
        %add3A_1095 = arith.addi %broadcast_in_dim3A_1093, %add3A_1094 : vector<16xi32>
        %get3A_1096 = arith.index_cast %add3A_1091 : i32 to index
        %get3A_1097 = arith.constant 0 : index
        %get3A_1098 = tpu.vector_load %arg8[%get3A_1096, %get3A_1097] {strides = array<i32>} : memref<128x64xf32, #tpu.memory_space<vmem>>, vector<16xf32>,
        %mul3A_1099 = arith.constant 8.000000e+00 : f32
        %mul3A_1100 = vector.broadcast %mul3A_1099 : f32 to vector<16xf32>
        %mul3A_1101 = arith.mulf %get3A_1098, %mul3A_1100 : vector<16xf32>
        tpu.vector_store_idx %arg10[%add3A_5, %add3A_1095], %mul3A_1101 : memref<64x129xf32, #tpu.memory_space<vmem>>[vector<16xi32>, vector<16xi32>], vector<16xf32>,
        %get3A_1102 = arith.index_cast %add3A_1091 : i32 to index
        %get3A_1103 = arith.constant 16 : index
        %get3A_1104 = tpu.vector_load %arg8[%get3A_1102, %get3A_1103] {strides = array<i32>} : memref<128x64xf32, #tpu.memory_space<vmem>>, vector<16xf32>,
        %mul3A_1105 = arith.constant 8.000000e+00 : f32
        %mul3A_1106 = vector.broadcast %mul3A_1105 : f32 to vector<16xf32>
        %mul3A_1107 = arith.mulf %get3A_1104, %mul3A_1106 : vector<16xf32>
        tpu.vector_store_idx %arg10[%add3A_8, %add3A_1095], %mul3A_1107 : memref<64x129xf32, #tpu.memory_space<vmem>>[vector<16xi32>, vector<16xi32>], vector<16xf32>,
        %get3A_1108 = arith.index_cast %add3A_1091 : i32 to index
        %get3A_1109 = arith.constant 32 : index
        %get3A_1110 = tpu.vector_load %arg8[%get3A_1108, %get3A_1109] {strides = array<i32>} : memref<128x64xf32, #tpu.memory_space<vmem>>, vector<16xf32>,
        %mul3A_1111 = arith.constant 8.000000e+00 : f32
        %mul3A_1112 = vector.broadcast %mul3A_1111 : f32 to vector<16xf32>
        %mul3A_1113 = arith.mulf %get3A_1110, %mul3A_1112 : vector<16xf32>
        tpu.vector_store_idx %arg10[%add3A_11, %add3A_1095], %mul3A_1113 : memref<64x129xf32, #tpu.memory_space<vmem>>[vector<16xi32>, vector<16xi32>], vector<16xf32>,
        %get3A_1114 = arith.index_cast %add3A_1091 : i32 to index
        %get3A_1115 = arith.constant 48 : index
        %get3A_1116 = tpu.vector_load %arg8[%get3A_1114, %get3A_1115] {strides = array<i32>} : memref<128x64xf32, #tpu.memory_space<vmem>>, vector<16xf32>,
        %mul3A_1117 = arith.constant 8.000000e+00 : f32
        %mul3A_1118 = vector.broadcast %mul3A_1117 : f32 to vector<16xf32>
        %mul3A_1119 = arith.mulf %get3A_1116, %mul3A_1118 : vector<16xf32>
        tpu.vector_store_idx %arg10[%add3A_14, %add3A_1095], %mul3A_1119 : memref<64x129xf32, #tpu.memory_space<vmem>>[vector<16xi32>, vector<16xi32>], vector<16xf32>,
        %add3A_1120 = arith.constant 3 : i32
        %add3A_1121 = arith.addi %mul3A_1031, %add3A_1120 : i32
        %broadcast_in_dim3A_1122 = arith.constant 0 : i32
        %broadcast_in_dim3A_1123 = vector.broadcast %broadcast_in_dim3A_1122 : i32 to vector<16xi32>
        %add3A_1124 = vector.broadcast %add3A_1121 : i32 to vector<16xi32>
        %add3A_1125 = arith.addi %broadcast_in_dim3A_1123, %add3A_1124 : vector<16xi32>
        %get3A_1126 = arith.index_cast %add3A_1121 : i32 to index
        %get3A_1127 = arith.constant 0 : index
        %get3A_1128 = tpu.vector_load %arg8[%get3A_1126, %get3A_1127] {strides = array<i32>} : memref<128x64xf32, #tpu.memory_space<vmem>>, vector<16xf32>,
        %mul3A_1129 = arith.constant 8.000000e+00 : f32
        %mul3A_1130 = vector.broadcast %mul3A_1129 : f32 to vector<16xf32>
        %mul3A_1131 = arith.mulf %get3A_1128, %mul3A_1130 : vector<16xf32>
        tpu.vector_store_idx %arg10[%add3A_5, %add3A_1125], %mul3A_1131 : memref<64x129xf32, #tpu.memory_space<vmem>>[vector<16xi32>, vector<16xi32>], vector<16xf32>,
        %get3A_1132 = arith.index_cast %add3A_1121 : i32 to index
        %get3A_1133 = arith.constant 16 : index
        %get3A_1134 = tpu.vector_load %arg8[%get3A_1132, %get3A_1133] {strides = array<i32>} : memref<128x64xf32, #tpu.memory_space<vmem>>, vector<16xf32>,
        %mul3A_1135 = arith.constant 8.000000e+00 : f32
        %mul3A_1136 = vector.broadcast %mul3A_1135 : f32 to vector<16xf32>
        %mul3A_1137 = arith.mulf %get3A_1134, %mul3A_1136 : vector<16xf32>
        tpu.vector_store_idx %arg10[%add3A_8, %add3A_1125], %mul3A_1137 : memref<64x129xf32, #tpu.memory_space<vmem>>[vector<16xi32>, vector<16xi32>], vector<16xf32>,
        %get3A_1138 = arith.index_cast %add3A_1121 : i32 to index
        %get3A_1139 = arith.constant 32 : index
        %get3A_1140 = tpu.vector_load %arg8[%get3A_1138, %get3A_1139] {strides = array<i32>} : memref<128x64xf32, #tpu.memory_space<vmem>>, vector<16xf32>,
        %mul3A_1141 = arith.constant 8.000000e+00 : f32
        %mul3A_1142 = vector.broadcast %mul3A_1141 : f32 to vector<16xf32>
        %mul3A_1143 = arith.mulf %get3A_1140, %mul3A_1142 : vector<16xf32>
        tpu.vector_store_idx %arg10[%add3A_11, %add3A_1125], %mul3A_1143 : memref<64x129xf32, #tpu.memory_space<vmem>>[vector<16xi32>, vector<16xi32>], vector<16xf32>,
        %get3A_1144 = arith.index_cast %add3A_1121 : i32 to index
        %get3A_1145 = arith.constant 48 : index
        %get3A_1146 = tpu.vector_load %arg8[%get3A_1144, %get3A_1145] {strides = array<i32>} : memref<128x64xf32, #tpu.memory_space<vmem>>, vector<16xf32>,
        %mul3A_1147 = arith.constant 8.000000e+00 : f32
        %mul3A_1148 = vector.broadcast %mul3A_1147 : f32 to vector<16xf32>
        %mul3A_1149 = arith.mulf %get3A_1146, %mul3A_1148 : vector<16xf32>
        tpu.vector_store_idx %arg10[%add3A_14, %add3A_1125], %mul3A_1149 : memref<64x129xf32, #tpu.memory_space<vmem>>[vector<16xi32>, vector<16xi32>], vector<16xf32>,
      }
      %scan3A_697 = arith.constant 32 : i32
      %mul3A_698 = arith.constant 200 : i32
      %mul3A_699 = arith.muli %add3A, %mul3A_698 : i32
      %add3A_700 = arith.addi %mul3A_699, %add3A_680 : i32
      %jit3A_701 = arith.constant 32 : i32
      %div3A_702 = arith.divsi %add3A_700, %jit3A_701 : i32
      %sign3A_703 = arith.constant 0 : i32
      %sign3A_704 = arith.cmpi sgt, %add3A_700, %sign3A_703 : i32
      %sign3A_705 = arith.extui %sign3A_704 : i1 to i32
      %sign3A_706 = arith.constant 0 : i32
      %sign3A_707 = arith.cmpi slt, %add3A_700, %sign3A_706 : i32
      %sign3A_708 = arith.extui %sign3A_707 : i1 to i32
      %sign3A_709 = arith.subi %sign3A_705, %sign3A_708 : i32
      %sign3A_710 = arith.constant 0 : i32
      %sign3A_711 = arith.cmpi sgt, %jit3A_701, %sign3A_710 : i32
      %sign3A_712 = arith.extui %sign3A_711 : i1 to i32
      %sign3A_713 = arith.constant 0 : i32
      %sign3A_714 = arith.cmpi slt, %jit3A_701, %sign3A_713 : i32
      %sign3A_715 = arith.extui %sign3A_714 : i1 to i32
      %sign3A_716 = arith.subi %sign3A_712, %sign3A_715 : i32
      %ne3A_717 = arith.cmpi ne, %sign3A_709, %sign3A_716 : i32
      %rem3A_718 = arith.remsi %add3A_700, %jit3A_701 : i32
      %ne3A_719 = arith.constant 0 : i32
      %ne3A_720 = arith.cmpi ne, %rem3A_718, %ne3A_719 : i32
      %and3A_721 = arith.andi %ne3A_717, %ne3A_720 : i1
      %sub3A_722 = arith.constant 1 : i32
      %sub3A_723 = arith.subi %div3A_702, %sub3A_722 : i32
      %select_n3A_724 = arith.select %and3A_721, %sub3A_723, %div3A_702 : i32
      %rem3A_725 = arith.constant 32 : i32
      %rem3A_726 = arith.remsi %add3A_700, %rem3A_725 : i32
      %dma_start3A_727 = arith.constant 0 : i32
      %dma_start3A_728 = arith.constant 0 : i32
      %dma_start3A_729 = arith.constant 0 : i32
      %dma_start3A_730 = tpu.memref_slice %arg10[%dma_start3A_728, %dma_start3A_729] : memref<64x129xf32, #tpu.memory_space<vmem>> -> memref<8x128xf32, #tpu.memory_space<vmem>>
      %dma_start3A_731 = arith.constant 0 : i32
      %dma_start3A_732 = arith.constant 0 : i32
      %dma_start3A_733 = tpu.memref_slice %arg4[%select_n3A_724, %dma_start3A_727, %rem3A_726, %dma_start3A_731, %dma_start3A_732] : memref<200x8x32x8x128xf32, #tpu.memory_space<hbm>> -> memref<1x1x1x8x128xf32, #tpu.memory_space<hbm>>
      %dma_start3A_734 = tpu.memref_squeeze %dma_start3A_733 : memref<1x1x1x8x128xf32, #tpu.memory_space<hbm>> -> memref<8x128xf32, #tpu.memory_space<hbm>>
      %dma_start3A_735 = arith.constant 0 : i32
      %dma_start3A_736 = arith.constant 0 : i32
      %dma_start3A_737 = tpu.memref_slice %arg4[%select_n3A_724, %dma_start3A_727, %rem3A_726, %dma_start3A_735, %dma_start3A_736] : memref<200x8x32x8x128xf32, #tpu.memory_space<hbm>> -> memref<1x1x1x8x128xf32, #tpu.memory_space<hbm>>
      %dma_start3A_738 = tpu.memref_squeeze %dma_start3A_737 : memref<1x1x1x8x128xf32, #tpu.memory_space<hbm>> -> memref<8x128xf32, #tpu.memory_space<hbm>>
      %dma_start3A_739 = arith.constant 0 : i32
      %dma_start3A_740 = arith.constant 0 : i32
      %dma_start3A_741 = tpu.memref_slice %arg10[%dma_start3A_739, %dma_start3A_740] : memref<64x129xf32, #tpu.memory_space<vmem>> -> memref<8x128xf32, #tpu.memory_space<vmem>>
      tpu.enqueue_dma source(%dma_start3A_741 : memref<8x128xf32, #tpu.memory_space<vmem>>) target(%dma_start3A_738 : memref<8x128xf32, #tpu.memory_space<hbm>>) target_semaphore(%arg16 : memref<!tpu.dma_semaphore, #tpu.memory_space<semaphore_mem>>)
      %dma_start3A_742 = arith.constant 1 : i32
      %dma_start3A_743 = arith.constant 8 : i32
      %dma_start3A_744 = arith.constant 0 : i32
      %dma_start3A_745 = tpu.memref_slice %arg10[%dma_start3A_743, %dma_start3A_744] : memref<64x129xf32, #tpu.memory_space<vmem>> -> memref<8x128xf32, #tpu.memory_space<vmem>>
      %dma_start3A_746 = arith.constant 0 : i32
      %dma_start3A_747 = arith.constant 0 : i32
      %dma_start3A_748 = tpu.memref_slice %arg4[%select_n3A_724, %dma_start3A_742, %rem3A_726, %dma_start3A_746, %dma_start3A_747] : memref<200x8x32x8x128xf32, #tpu.memory_space<hbm>> -> memref<1x1x1x8x128xf32, #tpu.memory_space<hbm>>
      %dma_start3A_749 = tpu.memref_squeeze %dma_start3A_748 : memref<1x1x1x8x128xf32, #tpu.memory_space<hbm>> -> memref<8x128xf32, #tpu.memory_space<hbm>>
      %dma_start3A_750 = arith.constant 0 : i32
      %dma_start3A_751 = arith.constant 0 : i32
      %dma_start3A_752 = tpu.memref_slice %arg4[%select_n3A_724, %dma_start3A_742, %rem3A_726, %dma_start3A_750, %dma_start3A_751] : memref<200x8x32x8x128xf32, #tpu.memory_space<hbm>> -> memref<1x1x1x8x128xf32, #tpu.memory_space<hbm>>
      %dma_start3A_753 = tpu.memref_squeeze %dma_start3A_752 : memref<1x1x1x8x128xf32, #tpu.memory_space<hbm>> -> memref<8x128xf32, #tpu.memory_space<hbm>>
      %dma_start3A_754 = arith.constant 8 : i32
      %dma_start3A_755 = arith.constant 0 : i32
      %dma_start3A_756 = tpu.memref_slice %arg10[%dma_start3A_754, %dma_start3A_755] : memref<64x129xf32, #tpu.memory_space<vmem>> -> memref<8x128xf32, #tpu.memory_space<vmem>>
      tpu.enqueue_dma source(%dma_start3A_756 : memref<8x128xf32, #tpu.memory_space<vmem>>) target(%dma_start3A_753 : memref<8x128xf32, #tpu.memory_space<hbm>>) target_semaphore(%arg16 : memref<!tpu.dma_semaphore, #tpu.memory_space<semaphore_mem>>)
      %dma_start3A_757 = arith.constant 2 : i32
      %dma_start3A_758 = arith.constant 16 : i32
      %dma_start3A_759 = arith.constant 0 : i32
      %dma_start3A_760 = tpu.memref_slice %arg10[%dma_start3A_758, %dma_start3A_759] : memref<64x129xf32, #tpu.memory_space<vmem>> -> memref<8x128xf32, #tpu.memory_space<vmem>>
      %dma_start3A_761 = arith.constant 0 : i32
      %dma_start3A_762 = arith.constant 0 : i32
      %dma_start3A_763 = tpu.memref_slice %arg4[%select_n3A_724, %dma_start3A_757, %rem3A_726, %dma_start3A_761, %dma_start3A_762] : memref<200x8x32x8x128xf32, #tpu.memory_space<hbm>> -> memref<1x1x1x8x128xf32, #tpu.memory_space<hbm>>
      %dma_start3A_764 = tpu.memref_squeeze %dma_start3A_763 : memref<1x1x1x8x128xf32, #tpu.memory_space<hbm>> -> memref<8x128xf32, #tpu.memory_space<hbm>>
      %dma_start3A_765 = arith.constant 0 : i32
      %dma_start3A_766 = arith.constant 0 : i32
      %dma_start3A_767 = tpu.memref_slice %arg4[%select_n3A_724, %dma_start3A_757, %rem3A_726, %dma_start3A_765, %dma_start3A_766] : memref<200x8x32x8x128xf32, #tpu.memory_space<hbm>> -> memref<1x1x1x8x128xf32, #tpu.memory_space<hbm>>
      %dma_start3A_768 = tpu.memref_squeeze %dma_start3A_767 : memref<1x1x1x8x128xf32, #tpu.memory_space<hbm>> -> memref<8x128xf32, #tpu.memory_space<hbm>>
      %dma_start3A_769 = arith.constant 16 : i32
      %dma_start3A_770 = arith.constant 0 : i32
      %dma_start3A_771 = tpu.memref_slice %arg10[%dma_start3A_769, %dma_start3A_770] : memref<64x129xf32, #tpu.memory_space<vmem>> -> memref<8x128xf32, #tpu.memory_space<vmem>>
      tpu.enqueue_dma source(%dma_start3A_771 : memref<8x128xf32, #tpu.memory_space<vmem>>) target(%dma_start3A_768 : memref<8x128xf32, #tpu.memory_space<hbm>>) target_semaphore(%arg16 : memref<!tpu.dma_semaphore, #tpu.memory_space<semaphore_mem>>)
      %dma_start3A_772 = arith.constant 3 : i32
      %dma_start3A_773 = arith.constant 24 : i32
      %dma_start3A_774 = arith.constant 0 : i32
      %dma_start3A_775 = tpu.memref_slice %arg10[%dma_start3A_773, %dma_start3A_774] : memref<64x129xf32, #tpu.memory_space<vmem>> -> memref<8x128xf32, #tpu.memory_space<vmem>>
      %dma_start3A_776 = arith.constant 0 : i32
      %dma_start3A_777 = arith.constant 0 : i32
      %dma_start3A_778 = tpu.memref_slice %arg4[%select_n3A_724, %dma_start3A_772, %rem3A_726, %dma_start3A_776, %dma_start3A_777] : memref<200x8x32x8x128xf32, #tpu.memory_space<hbm>> -> memref<1x1x1x8x128xf32, #tpu.memory_space<hbm>>
      %dma_start3A_779 = tpu.memref_squeeze %dma_start3A_778 : memref<1x1x1x8x128xf32, #tpu.memory_space<hbm>> -> memref<8x128xf32, #tpu.memory_space<hbm>>
      %dma_start3A_780 = arith.constant 0 : i32
      %dma_start3A_781 = arith.constant 0 : i32
      %dma_start3A_782 = tpu.memref_slice %arg4[%select_n3A_724, %dma_start3A_772, %rem3A_726, %dma_start3A_780, %dma_start3A_781] : memref<200x8x32x8x128xf32, #tpu.memory_space<hbm>> -> memref<1x1x1x8x128xf32, #tpu.memory_space<hbm>>
      %dma_start3A_783 = tpu.memref_squeeze %dma_start3A_782 : memref<1x1x1x8x128xf32, #tpu.memory_space<hbm>> -> memref<8x128xf32, #tpu.memory_space<hbm>>
      %dma_start3A_784 = arith.constant 24 : i32
      %dma_start3A_785 = arith.constant 0 : i32
      %dma_start3A_786 = tpu.memref_slice %arg10[%dma_start3A_784, %dma_start3A_785] : memref<64x129xf32, #tpu.memory_space<vmem>> -> memref<8x128xf32, #tpu.memory_space<vmem>>
      tpu.enqueue_dma source(%dma_start3A_786 : memref<8x128xf32, #tpu.memory_space<vmem>>) target(%dma_start3A_783 : memref<8x128xf32, #tpu.memory_space<hbm>>) target_semaphore(%arg16 : memref<!tpu.dma_semaphore, #tpu.memory_space<semaphore_mem>>)
      %dma_start3A_787 = arith.constant 4 : i32
      %dma_start3A_788 = arith.constant 32 : i32
      %dma_start3A_789 = arith.constant 0 : i32
      %dma_start3A_790 = tpu.memref_slice %arg10[%dma_start3A_788, %dma_start3A_789] : memref<64x129xf32, #tpu.memory_space<vmem>> -> memref<8x128xf32, #tpu.memory_space<vmem>>
      %dma_start3A_791 = arith.constant 0 : i32
      %dma_start3A_792 = arith.constant 0 : i32
      %dma_start3A_793 = tpu.memref_slice %arg4[%select_n3A_724, %dma_start3A_787, %rem3A_726, %dma_start3A_791, %dma_start3A_792] : memref<200x8x32x8x128xf32, #tpu.memory_space<hbm>> -> memref<1x1x1x8x128xf32, #tpu.memory_space<hbm>>
      %dma_start3A_794 = tpu.memref_squeeze %dma_start3A_793 : memref<1x1x1x8x128xf32, #tpu.memory_space<hbm>> -> memref<8x128xf32, #tpu.memory_space<hbm>>
      %dma_start3A_795 = arith.constant 0 : i32
      %dma_start3A_796 = arith.constant 0 : i32
      %dma_start3A_797 = tpu.memref_slice %arg4[%select_n3A_724, %dma_start3A_787, %rem3A_726, %dma_start3A_795, %dma_start3A_796] : memref<200x8x32x8x128xf32, #tpu.memory_space<hbm>> -> memref<1x1x1x8x128xf32, #tpu.memory_space<hbm>>
      %dma_start3A_798 = tpu.memref_squeeze %dma_start3A_797 : memref<1x1x1x8x128xf32, #tpu.memory_space<hbm>> -> memref<8x128xf32, #tpu.memory_space<hbm>>
      %dma_start3A_799 = arith.constant 32 : i32
      %dma_start3A_800 = arith.constant 0 : i32
      %dma_start3A_801 = tpu.memref_slice %arg10[%dma_start3A_799, %dma_start3A_800] : memref<64x129xf32, #tpu.memory_space<vmem>> -> memref<8x128xf32, #tpu.memory_space<vmem>>
      tpu.enqueue_dma source(%dma_start3A_801 : memref<8x128xf32, #tpu.memory_space<vmem>>) target(%dma_start3A_798 : memref<8x128xf32, #tpu.memory_space<hbm>>) target_semaphore(%arg16 : memref<!tpu.dma_semaphore, #tpu.memory_space<semaphore_mem>>)
      %dma_start3A_802 = arith.constant 5 : i32
      %dma_start3A_803 = arith.constant 40 : i32
      %dma_start3A_804 = arith.constant 0 : i32
      %dma_start3A_805 = tpu.memref_slice %arg10[%dma_start3A_803, %dma_start3A_804] : memref<64x129xf32, #tpu.memory_space<vmem>> -> memref<8x128xf32, #tpu.memory_space<vmem>>
      %dma_start3A_806 = arith.constant 0 : i32
      %dma_start3A_807 = arith.constant 0 : i32
      %dma_start3A_808 = tpu.memref_slice %arg4[%select_n3A_724, %dma_start3A_802, %rem3A_726, %dma_start3A_806, %dma_start3A_807] : memref<200x8x32x8x128xf32, #tpu.memory_space<hbm>> -> memref<1x1x1x8x128xf32, #tpu.memory_space<hbm>>
      %dma_start3A_809 = tpu.memref_squeeze %dma_start3A_808 : memref<1x1x1x8x128xf32, #tpu.memory_space<hbm>> -> memref<8x128xf32, #tpu.memory_space<hbm>>
      %dma_start3A_810 = arith.constant 0 : i32
      %dma_start3A_811 = arith.constant 0 : i32
      %dma_start3A_812 = tpu.memref_slice %arg4[%select_n3A_724, %dma_start3A_802, %rem3A_726, %dma_start3A_810, %dma_start3A_811] : memref<200x8x32x8x128xf32, #tpu.memory_space<hbm>> -> memref<1x1x1x8x128xf32, #tpu.memory_space<hbm>>
      %dma_start3A_813 = tpu.memref_squeeze %dma_start3A_812 : memref<1x1x1x8x128xf32, #tpu.memory_space<hbm>> -> memref<8x128xf32, #tpu.memory_space<hbm>>
      %dma_start3A_814 = arith.constant 40 : i32
      %dma_start3A_815 = arith.constant 0 : i32
      %dma_start3A_816 = tpu.memref_slice %arg10[%dma_start3A_814, %dma_start3A_815] : memref<64x129xf32, #tpu.memory_space<vmem>> -> memref<8x128xf32, #tpu.memory_space<vmem>>
      tpu.enqueue_dma source(%dma_start3A_816 : memref<8x128xf32, #tpu.memory_space<vmem>>) target(%dma_start3A_813 : memref<8x128xf32, #tpu.memory_space<hbm>>) target_semaphore(%arg16 : memref<!tpu.dma_semaphore, #tpu.memory_space<semaphore_mem>>)
      %dma_start3A_817 = arith.constant 6 : i32
      %dma_start3A_818 = arith.constant 48 : i32
      %dma_start3A_819 = arith.constant 0 : i32
      %dma_start3A_820 = tpu.memref_slice %arg10[%dma_start3A_818, %dma_start3A_819] : memref<64x129xf32, #tpu.memory_space<vmem>> -> memref<8x128xf32, #tpu.memory_space<vmem>>
      %dma_start3A_821 = arith.constant 0 : i32
      %dma_start3A_822 = arith.constant 0 : i32
      %dma_start3A_823 = tpu.memref_slice %arg4[%select_n3A_724, %dma_start3A_817, %rem3A_726, %dma_start3A_821, %dma_start3A_822] : memref<200x8x32x8x128xf32, #tpu.memory_space<hbm>> -> memref<1x1x1x8x128xf32, #tpu.memory_space<hbm>>
      %dma_start3A_824 = tpu.memref_squeeze %dma_start3A_823 : memref<1x1x1x8x128xf32, #tpu.memory_space<hbm>> -> memref<8x128xf32, #tpu.memory_space<hbm>>
      %dma_start3A_825 = arith.constant 0 : i32
      %dma_start3A_826 = arith.constant 0 : i32
      %dma_start3A_827 = tpu.memref_slice %arg4[%select_n3A_724, %dma_start3A_817, %rem3A_726, %dma_start3A_825, %dma_start3A_826] : memref<200x8x32x8x128xf32, #tpu.memory_space<hbm>> -> memref<1x1x1x8x128xf32, #tpu.memory_space<hbm>>
      %dma_start3A_828 = tpu.memref_squeeze %dma_start3A_827 : memref<1x1x1x8x128xf32, #tpu.memory_space<hbm>> -> memref<8x128xf32, #tpu.memory_space<hbm>>
      %dma_start3A_829 = arith.constant 48 : i32
      %dma_start3A_830 = arith.constant 0 : i32
      %dma_start3A_831 = tpu.memref_slice %arg10[%dma_start3A_829, %dma_start3A_830] : memref<64x129xf32, #tpu.memory_space<vmem>> -> memref<8x128xf32, #tpu.memory_space<vmem>>
      tpu.enqueue_dma source(%dma_start3A_831 : memref<8x128xf32, #tpu.memory_space<vmem>>) target(%dma_start3A_828 : memref<8x128xf32, #tpu.memory_space<hbm>>) target_semaphore(%arg16 : memref<!tpu.dma_semaphore, #tpu.memory_space<semaphore_mem>>)
      %dma_start3A_832 = arith.constant 7 : i32
      %dma_start3A_833 = arith.constant 56 : i32
      %dma_start3A_834 = arith.constant 0 : i32
      %dma_start3A_835 = tpu.memref_slice %arg10[%dma_start3A_833, %dma_start3A_834] : memref<64x129xf32, #tpu.memory_space<vmem>> -> memref<8x128xf32, #tpu.memory_space<vmem>>
      %dma_start3A_836 = arith.constant 0 : i32
      %dma_start3A_837 = arith.constant 0 : i32
      %dma_start3A_838 = tpu.memref_slice %arg4[%select_n3A_724, %dma_start3A_832, %rem3A_726, %dma_start3A_836, %dma_start3A_837] : memref<200x8x32x8x128xf32, #tpu.memory_space<hbm>> -> memref<1x1x1x8x128xf32, #tpu.memory_space<hbm>>
      %dma_start3A_839 = tpu.memref_squeeze %dma_start3A_838 : memref<1x1x1x8x128xf32, #tpu.memory_space<hbm>> -> memref<8x128xf32, #tpu.memory_space<hbm>>
      %dma_start3A_840 = arith.constant 0 : i32
      %dma_start3A_841 = arith.constant 0 : i32
      %dma_start3A_842 = tpu.memref_slice %arg4[%select_n3A_724, %dma_start3A_832, %rem3A_726, %dma_start3A_840, %dma_start3A_841] : memref<200x8x32x8x128xf32, #tpu.memory_space<hbm>> -> memref<1x1x1x8x128xf32, #tpu.memory_space<hbm>>
      %dma_start3A_843 = tpu.memref_squeeze %dma_start3A_842 : memref<1x1x1x8x128xf32, #tpu.memory_space<hbm>> -> memref<8x128xf32, #tpu.memory_space<hbm>>
      %dma_start3A_844 = arith.constant 56 : i32
      %dma_start3A_845 = arith.constant 0 : i32
      %dma_start3A_846 = tpu.memref_slice %arg10[%dma_start3A_844, %dma_start3A_845] : memref<64x129xf32, #tpu.memory_space<vmem>> -> memref<8x128xf32, #tpu.memory_space<vmem>>
      tpu.enqueue_dma source(%dma_start3A_846 : memref<8x128xf32, #tpu.memory_space<vmem>>) target(%dma_start3A_843 : memref<8x128xf32, #tpu.memory_space<hbm>>) target_semaphore(%arg16 : memref<!tpu.dma_semaphore, #tpu.memory_space<semaphore_mem>>)
      %add3A_847 = arith.constant 4 : i32
      %add3A_848 = arith.addi %add3A_680, %add3A_847 : i32
      %lt3A_849 = arith.constant 200 : i32
      %lt3A_850 = arith.cmpi slt, %add3A_848, %lt3A_849 : i32
      %convert_element_type3A_851 = arith.extui %lt3A_850 : i1 to i32
      %cond3A_852 = arith.constant 0 : i32
      %cond3A_853 = arith.cmpi ne, %convert_element_type3A_851, %cond3A_852 : i32
      scf.if %cond3A_853 {
        %add3A_1029 = arith.constant 4 : i32
        %add3A_1030 = arith.addi %add3A_680, %add3A_1029 : i32
        %mul3A_1031 = arith.constant 128 : i32
        %mul3A_1032 = arith.muli %add3A_1030, %mul3A_1031 : i32
        %dma_start3A_1033 = tpu.memref_slice %arg5[%mul3A_1032] : memref<25600xi32, #tpu.memory_space<vmem>> -> memref<128xi32, #tpu.memory_space<vmem>>
        %dma_start3A_1034 = arith.constant 0 : i32
        %dma_start3A_1035 = arith.constant 0 : i32
        %dma_start3A_1036 = tpu.memref_slice %arg3[%dma_start3A_1034, %dma_start3A_1035] : memref<1000000x64xf32, #tpu.memory_space<hbm>> -> memref<1000000x64xf32, #tpu.memory_space<hbm>>
        tpu.enqueue_indirect_dma source(%dma_start3A_1036 : memref<1000000x64xf32, #tpu.memory_space<hbm>>) target(%arg8 : memref<128x64xf32, #tpu.memory_space<vmem>>) offsets(%dma_start3A_1033 : memref<128xi32, #tpu.memory_space<vmem>>) semaphore(%arg14 : memref<!tpu.dma_semaphore, #tpu.memory_space<semaphore_mem>>)
      } else {
      }
      %add3A_854 = arith.constant 3 : i32
      %add3A_855 = arith.addi %mul3A_332, %add3A_854 : i32
      %mul3A_856 = arith.constant 128 : i32
      %mul3A_857 = arith.muli %add3A_855, %mul3A_856 : i32
      %dma_wait3A_858 = tpu.memref_slice %arg5[%mul3A_857] : memref<25600xi32, #tpu.memory_space<vmem>> -> memref<128xi32, #tpu.memory_space<vmem>>
      %dma_wait3A_859 = arith.constant 0 : i32
      %dma_wait3A_860 = arith.constant 0 : i32
      %dma_wait3A_861 = tpu.memref_slice %arg3[%dma_wait3A_859, %dma_wait3A_860] : memref<1000000x64xf32, #tpu.memory_space<hbm>> -> memref<1000000x64xf32, #tpu.memory_space<hbm>>
      tpu.wait_indirect_dma semaphore(%arg15 : memref<!tpu.dma_semaphore, #tpu.memory_space<semaphore_mem>>) src(%dma_wait3A_861 : memref<1000000x64xf32, #tpu.memory_space<hbm>>) dst(%arg9 : memref<128x64xf32, #tpu.memory_space<vmem>>)
      %ge3A_862 = arith.constant 2 : i32
      %ge3A_863 = arith.cmpi sge, %add3A_855, %ge3A_862 : i32
      %convert_element_type3A_864 = arith.extui %ge3A_863 : i1 to i32
      %cond3A_865 = arith.constant 0 : i32
      %cond3A_866 = arith.cmpi ne, %convert_element_type3A_864, %cond3A_865 : i32
      scf.if %cond3A_866 {
        %sub3A_1029 = arith.constant 2 : i32
        %sub3A_1030 = arith.subi %add3A_855, %sub3A_1029 : i32
        %mul3A_1031 = arith.constant 200 : i32
        %mul3A_1032 = arith.muli %add3A, %mul3A_1031 : i32
        %add3A_1033 = arith.addi %mul3A_1032, %sub3A_1030 : i32
        %jit3A_1034 = arith.constant 32 : i32
        %div3A_1035 = arith.divsi %add3A_1033, %jit3A_1034 : i32
        %sign3A_1036 = arith.constant 0 : i32
        %sign3A_1037 = arith.cmpi sgt, %add3A_1033, %sign3A_1036 : i32
        %sign3A_1038 = arith.extui %sign3A_1037 : i1 to i32
        %sign3A_1039 = arith.constant 0 : i32
        %sign3A_1040 = arith.cmpi slt, %add3A_1033, %sign3A_1039 : i32
        %sign3A_1041 = arith.extui %sign3A_1040 : i1 to i32
        %sign3A_1042 = arith.subi %sign3A_1038, %sign3A_1041 : i32
        %sign3A_1043 = arith.constant 0 : i32
        %sign3A_1044 = arith.cmpi sgt, %jit3A_1034, %sign3A_1043 : i32
        %sign3A_1045 = arith.extui %sign3A_1044 : i1 to i32
        %sign3A_1046 = arith.constant 0 : i32
        %sign3A_1047 = arith.cmpi slt, %jit3A_1034, %sign3A_1046 : i32
        %sign3A_1048 = arith.extui %sign3A_1047 : i1 to i32
        %sign3A_1049 = arith.subi %sign3A_1045, %sign3A_1048 : i32
        %ne3A_1050 = arith.cmpi ne, %sign3A_1042, %sign3A_1049 : i32
        %rem3A_1051 = arith.remsi %add3A_1033, %jit3A_1034 : i32
        %ne3A_1052 = arith.constant 0 : i32
        %ne3A_1053 = arith.cmpi ne, %rem3A_1051, %ne3A_1052 : i32
        %and3A_1054 = arith.andi %ne3A_1050, %ne3A_1053 : i1
        %sub3A_1055 = arith.constant 1 : i32
        %sub3A_1056 = arith.subi %div3A_1035, %sub3A_1055 : i32
        %select_n3A_1057 = arith.select %and3A_1054, %sub3A_1056, %div3A_1035 : i32
        %rem3A_1058 = arith.constant 32 : i32
        %rem3A_1059 = arith.remsi %add3A_1033, %rem3A_1058 : i32
        %dma_wait3A_1060 = arith.constant 0 : i32
        %dma_wait3A_1061 = arith.constant 0 : i32
        %dma_wait3A_1062 = arith.constant 0 : i32
        %dma_wait3A_1063 = tpu.memref_slice %arg11[%dma_wait3A_1061, %dma_wait3A_1062] : memref<64x129xf32, #tpu.memory_space<vmem>> -> memref<8x128xf32, #tpu.memory_space<vmem>>
        %dma_wait3A_1064 = arith.constant 0 : i32
        %dma_wait3A_1065 = arith.constant 0 : i32
        %dma_wait3A_1066 = tpu.memref_slice %arg4[%select_n3A_1057, %dma_wait3A_1060, %rem3A_1059, %dma_wait3A_1064, %dma_wait3A_1065] : memref<200x8x32x8x128xf32, #tpu.memory_space<hbm>> -> memref<1x1x1x8x128xf32, #tpu.memory_space<hbm>>
        %dma_wait3A_1067 = tpu.memref_squeeze %dma_wait3A_1066 : memref<1x1x1x8x128xf32, #tpu.memory_space<hbm>> -> memref<8x128xf32, #tpu.memory_space<hbm>>
        %dma_wait3A_1068 = arith.constant 0 : i32
        %dma_wait3A_1069 = arith.constant 0 : i32
        %dma_wait3A_1070 = tpu.memref_slice %arg4[%select_n3A_1057, %dma_wait3A_1060, %rem3A_1059, %dma_wait3A_1068, %dma_wait3A_1069] : memref<200x8x32x8x128xf32, #tpu.memory_space<hbm>> -> memref<1x1x1x8x128xf32, #tpu.memory_space<hbm>>
        %dma_wait3A_1071 = tpu.memref_squeeze %dma_wait3A_1070 : memref<1x1x1x8x128xf32, #tpu.memory_space<hbm>> -> memref<8x128xf32, #tpu.memory_space<hbm>>
        %dma_wait3A_1072 = arith.constant 0 : i32
        %dma_wait3A_1073 = arith.constant 0 : i32
        %dma_wait3A_1074 = tpu.memref_slice %arg11[%dma_wait3A_1072, %dma_wait3A_1073] : memref<64x129xf32, #tpu.memory_space<vmem>> -> memref<8x128xf32, #tpu.memory_space<vmem>>
        tpu.wait_dma2 semaphore(%arg17 : memref<!tpu.dma_semaphore, #tpu.memory_space<semaphore_mem>>) src(%dma_wait3A_1074 : memref<8x128xf32, #tpu.memory_space<vmem>>) dst(%dma_wait3A_1071 : memref<8x128xf32, #tpu.memory_space<hbm>>)
        %dma_wait3A_1075 = arith.constant 1 : i32
        %dma_wait3A_1076 = arith.constant 8 : i32
        %dma_wait3A_1077 = arith.constant 0 : i32
        %dma_wait3A_1078 = tpu.memref_slice %arg11[%dma_wait3A_1076, %dma_wait3A_1077] : memref<64x129xf32, #tpu.memory_space<vmem>> -> memref<8x128xf32, #tpu.memory_space<vmem>>
        %dma_wait3A_1079 = arith.constant 0 : i32
        %dma_wait3A_1080 = arith.constant 0 : i32
        %dma_wait3A_1081 = tpu.memref_slice %arg4[%select_n3A_1057, %dma_wait3A_1075, %rem3A_1059, %dma_wait3A_1079, %dma_wait3A_1080] : memref<200x8x32x8x128xf32, #tpu.memory_space<hbm>> -> memref<1x1x1x8x128xf32, #tpu.memory_space<hbm>>
        %dma_wait3A_1082 = tpu.memref_squeeze %dma_wait3A_1081 : memref<1x1x1x8x128xf32, #tpu.memory_space<hbm>> -> memref<8x128xf32, #tpu.memory_space<hbm>>
        %dma_wait3A_1083 = arith.constant 0 : i32
        %dma_wait3A_1084 = arith.constant 0 : i32
        %dma_wait3A_1085 = tpu.memref_slice %arg4[%select_n3A_1057, %dma_wait3A_1075, %rem3A_1059, %dma_wait3A_1083, %dma_wait3A_1084] : memref<200x8x32x8x128xf32, #tpu.memory_space<hbm>> -> memref<1x1x1x8x128xf32, #tpu.memory_space<hbm>>
        %dma_wait3A_1086 = tpu.memref_squeeze %dma_wait3A_1085 : memref<1x1x1x8x128xf32, #tpu.memory_space<hbm>> -> memref<8x128xf32, #tpu.memory_space<hbm>>
        %dma_wait3A_1087 = arith.constant 8 : i32
        %dma_wait3A_1088 = arith.constant 0 : i32
        %dma_wait3A_1089 = tpu.memref_slice %arg11[%dma_wait3A_1087, %dma_wait3A_1088] : memref<64x129xf32, #tpu.memory_space<vmem>> -> memref<8x128xf32, #tpu.memory_space<vmem>>
        tpu.wait_dma2 semaphore(%arg17 : memref<!tpu.dma_semaphore, #tpu.memory_space<semaphore_mem>>) src(%dma_wait3A_1089 : memref<8x128xf32, #tpu.memory_space<vmem>>) dst(%dma_wait3A_1086 : memref<8x128xf32, #tpu.memory_space<hbm>>)
        %dma_wait3A_1090 = arith.constant 2 : i32
        %dma_wait3A_1091 = arith.constant 16 : i32
        %dma_wait3A_1092 = arith.constant 0 : i32
        %dma_wait3A_1093 = tpu.memref_slice %arg11[%dma_wait3A_1091, %dma_wait3A_1092] : memref<64x129xf32, #tpu.memory_space<vmem>> -> memref<8x128xf32, #tpu.memory_space<vmem>>
        %dma_wait3A_1094 = arith.constant 0 : i32
        %dma_wait3A_1095 = arith.constant 0 : i32
        %dma_wait3A_1096 = tpu.memref_slice %arg4[%select_n3A_1057, %dma_wait3A_1090, %rem3A_1059, %dma_wait3A_1094, %dma_wait3A_1095] : memref<200x8x32x8x128xf32, #tpu.memory_space<hbm>> -> memref<1x1x1x8x128xf32, #tpu.memory_space<hbm>>
        %dma_wait3A_1097 = tpu.memref_squeeze %dma_wait3A_1096 : memref<1x1x1x8x128xf32, #tpu.memory_space<hbm>> -> memref<8x128xf32, #tpu.memory_space<hbm>>
        %dma_wait3A_1098 = arith.constant 0 : i32
        %dma_wait3A_1099 = arith.constant 0 : i32
        %dma_wait3A_1100 = tpu.memref_slice %arg4[%select_n3A_1057, %dma_wait3A_1090, %rem3A_1059, %dma_wait3A_1098, %dma_wait3A_1099] : memref<200x8x32x8x128xf32, #tpu.memory_space<hbm>> -> memref<1x1x1x8x128xf32, #tpu.memory_space<hbm>>
        %dma_wait3A_1101 = tpu.memref_squeeze %dma_wait3A_1100 : memref<1x1x1x8x128xf32, #tpu.memory_space<hbm>> -> memref<8x128xf32, #tpu.memory_space<hbm>>
        %dma_wait3A_1102 = arith.constant 16 : i32
        %dma_wait3A_1103 = arith.constant 0 : i32
        %dma_wait3A_1104 = tpu.memref_slice %arg11[%dma_wait3A_1102, %dma_wait3A_1103] : memref<64x129xf32, #tpu.memory_space<vmem>> -> memref<8x128xf32, #tpu.memory_space<vmem>>
        tpu.wait_dma2 semaphore(%arg17 : memref<!tpu.dma_semaphore, #tpu.memory_space<semaphore_mem>>) src(%dma_wait3A_1104 : memref<8x128xf32, #tpu.memory_space<vmem>>) dst(%dma_wait3A_1101 : memref<8x128xf32, #tpu.memory_space<hbm>>)
        %dma_wait3A_1105 = arith.constant 3 : i32
        %dma_wait3A_1106 = arith.constant 24 : i32
        %dma_wait3A_1107 = arith.constant 0 : i32
        %dma_wait3A_1108 = tpu.memref_slice %arg11[%dma_wait3A_1106, %dma_wait3A_1107] : memref<64x129xf32, #tpu.memory_space<vmem>> -> memref<8x128xf32, #tpu.memory_space<vmem>>
        %dma_wait3A_1109 = arith.constant 0 : i32
        %dma_wait3A_1110 = arith.constant 0 : i32
        %dma_wait3A_1111 = tpu.memref_slice %arg4[%select_n3A_1057, %dma_wait3A_1105, %rem3A_1059, %dma_wait3A_1109, %dma_wait3A_1110] : memref<200x8x32x8x128xf32, #tpu.memory_space<hbm>> -> memref<1x1x1x8x128xf32, #tpu.memory_space<hbm>>
        %dma_wait3A_1112 = tpu.memref_squeeze %dma_wait3A_1111 : memref<1x1x1x8x128xf32, #tpu.memory_space<hbm>> -> memref<8x128xf32, #tpu.memory_space<hbm>>
        %dma_wait3A_1113 = arith.constant 0 : i32
        %dma_wait3A_1114 = arith.constant 0 : i32
        %dma_wait3A_1115 = tpu.memref_slice %arg4[%select_n3A_1057, %dma_wait3A_1105, %rem3A_1059, %dma_wait3A_1113, %dma_wait3A_1114] : memref<200x8x32x8x128xf32, #tpu.memory_space<hbm>> -> memref<1x1x1x8x128xf32, #tpu.memory_space<hbm>>
        %dma_wait3A_1116 = tpu.memref_squeeze %dma_wait3A_1115 : memref<1x1x1x8x128xf32, #tpu.memory_space<hbm>> -> memref<8x128xf32, #tpu.memory_space<hbm>>
        %dma_wait3A_1117 = arith.constant 24 : i32
        %dma_wait3A_1118 = arith.constant 0 : i32
        %dma_wait3A_1119 = tpu.memref_slice %arg11[%dma_wait3A_1117, %dma_wait3A_1118] : memref<64x129xf32, #tpu.memory_space<vmem>> -> memref<8x128xf32, #tpu.memory_space<vmem>>
        tpu.wait_dma2 semaphore(%arg17 : memref<!tpu.dma_semaphore, #tpu.memory_space<semaphore_mem>>) src(%dma_wait3A_1119 : memref<8x128xf32, #tpu.memory_space<vmem>>) dst(%dma_wait3A_1116 : memref<8x128xf32, #tpu.memory_space<hbm>>)
        %dma_wait3A_1120 = arith.constant 4 : i32
        %dma_wait3A_1121 = arith.constant 32 : i32
        %dma_wait3A_1122 = arith.constant 0 : i32
        %dma_wait3A_1123 = tpu.memref_slice %arg11[%dma_wait3A_1121, %dma_wait3A_1122] : memref<64x129xf32, #tpu.memory_space<vmem>> -> memref<8x128xf32, #tpu.memory_space<vmem>>
        %dma_wait3A_1124 = arith.constant 0 : i32
        %dma_wait3A_1125 = arith.constant 0 : i32
        %dma_wait3A_1126 = tpu.memref_slice %arg4[%select_n3A_1057, %dma_wait3A_1120, %rem3A_1059, %dma_wait3A_1124, %dma_wait3A_1125] : memref<200x8x32x8x128xf32, #tpu.memory_space<hbm>> -> memref<1x1x1x8x128xf32, #tpu.memory_space<hbm>>
        %dma_wait3A_1127 = tpu.memref_squeeze %dma_wait3A_1126 : memref<1x1x1x8x128xf32, #tpu.memory_space<hbm>> -> memref<8x128xf32, #tpu.memory_space<hbm>>
        %dma_wait3A_1128 = arith.constant 0 : i32
        %dma_wait3A_1129 = arith.constant 0 : i32
        %dma_wait3A_1130 = tpu.memref_slice %arg4[%select_n3A_1057, %dma_wait3A_1120, %rem3A_1059, %dma_wait3A_1128, %dma_wait3A_1129] : memref<200x8x32x8x128xf32, #tpu.memory_space<hbm>> -> memref<1x1x1x8x128xf32, #tpu.memory_space<hbm>>
        %dma_wait3A_1131 = tpu.memref_squeeze %dma_wait3A_1130 : memref<1x1x1x8x128xf32, #tpu.memory_space<hbm>> -> memref<8x128xf32, #tpu.memory_space<hbm>>
        %dma_wait3A_1132 = arith.constant 32 : i32
        %dma_wait3A_1133 = arith.constant 0 : i32
        %dma_wait3A_1134 = tpu.memref_slice %arg11[%dma_wait3A_1132, %dma_wait3A_1133] : memref<64x129xf32, #tpu.memory_space<vmem>> -> memref<8x128xf32, #tpu.memory_space<vmem>>
        tpu.wait_dma2 semaphore(%arg17 : memref<!tpu.dma_semaphore, #tpu.memory_space<semaphore_mem>>) src(%dma_wait3A_1134 : memref<8x128xf32, #tpu.memory_space<vmem>>) dst(%dma_wait3A_1131 : memref<8x128xf32, #tpu.memory_space<hbm>>)
        %dma_wait3A_1135 = arith.constant 5 : i32
        %dma_wait3A_1136 = arith.constant 40 : i32
        %dma_wait3A_1137 = arith.constant 0 : i32
        %dma_wait3A_1138 = tpu.memref_slice %arg11[%dma_wait3A_1136, %dma_wait3A_1137] : memref<64x129xf32, #tpu.memory_space<vmem>> -> memref<8x128xf32, #tpu.memory_space<vmem>>
        %dma_wait3A_1139 = arith.constant 0 : i32
        %dma_wait3A_1140 = arith.constant 0 : i32
        %dma_wait3A_1141 = tpu.memref_slice %arg4[%select_n3A_1057, %dma_wait3A_1135, %rem3A_1059, %dma_wait3A_1139, %dma_wait3A_1140] : memref<200x8x32x8x128xf32, #tpu.memory_space<hbm>> -> memref<1x1x1x8x128xf32, #tpu.memory_space<hbm>>
        %dma_wait3A_1142 = tpu.memref_squeeze %dma_wait3A_1141 : memref<1x1x1x8x128xf32, #tpu.memory_space<hbm>> -> memref<8x128xf32, #tpu.memory_space<hbm>>
        %dma_wait3A_1143 = arith.constant 0 : i32
        %dma_wait3A_1144 = arith.constant 0 : i32
        %dma_wait3A_1145 = tpu.memref_slice %arg4[%select_n3A_1057, %dma_wait3A_1135, %rem3A_1059, %dma_wait3A_1143, %dma_wait3A_1144] : memref<200x8x32x8x128xf32, #tpu.memory_space<hbm>> -> memref<1x1x1x8x128xf32, #tpu.memory_space<hbm>>
        %dma_wait3A_1146 = tpu.memref_squeeze %dma_wait3A_1145 : memref<1x1x1x8x128xf32, #tpu.memory_space<hbm>> -> memref<8x128xf32, #tpu.memory_space<hbm>>
        %dma_wait3A_1147 = arith.constant 40 : i32
        %dma_wait3A_1148 = arith.constant 0 : i32
        %dma_wait3A_1149 = tpu.memref_slice %arg11[%dma_wait3A_1147, %dma_wait3A_1148] : memref<64x129xf32, #tpu.memory_space<vmem>> -> memref<8x128xf32, #tpu.memory_space<vmem>>
        tpu.wait_dma2 semaphore(%arg17 : memref<!tpu.dma_semaphore, #tpu.memory_space<semaphore_mem>>) src(%dma_wait3A_1149 : memref<8x128xf32, #tpu.memory_space<vmem>>) dst(%dma_wait3A_1146 : memref<8x128xf32, #tpu.memory_space<hbm>>)
        %dma_wait3A_1150 = arith.constant 6 : i32
        %dma_wait3A_1151 = arith.constant 48 : i32
        %dma_wait3A_1152 = arith.constant 0 : i32
        %dma_wait3A_1153 = tpu.memref_slice %arg11[%dma_wait3A_1151, %dma_wait3A_1152] : memref<64x129xf32, #tpu.memory_space<vmem>> -> memref<8x128xf32, #tpu.memory_space<vmem>>
        %dma_wait3A_1154 = arith.constant 0 : i32
        %dma_wait3A_1155 = arith.constant 0 : i32
        %dma_wait3A_1156 = tpu.memref_slice %arg4[%select_n3A_1057, %dma_wait3A_1150, %rem3A_1059, %dma_wait3A_1154, %dma_wait3A_1155] : memref<200x8x32x8x128xf32, #tpu.memory_space<hbm>> -> memref<1x1x1x8x128xf32, #tpu.memory_space<hbm>>
        %dma_wait3A_1157 = tpu.memref_squeeze %dma_wait3A_1156 : memref<1x1x1x8x128xf32, #tpu.memory_space<hbm>> -> memref<8x128xf32, #tpu.memory_space<hbm>>
        %dma_wait3A_1158 = arith.constant 0 : i32
        %dma_wait3A_1159 = arith.constant 0 : i32
        %dma_wait3A_1160 = tpu.memref_slice %arg4[%select_n3A_1057, %dma_wait3A_1150, %rem3A_1059, %dma_wait3A_1158, %dma_wait3A_1159] : memref<200x8x32x8x128xf32, #tpu.memory_space<hbm>> -> memref<1x1x1x8x128xf32, #tpu.memory_space<hbm>>
        %dma_wait3A_1161 = tpu.memref_squeeze %dma_wait3A_1160 : memref<1x1x1x8x128xf32, #tpu.memory_space<hbm>> -> memref<8x128xf32, #tpu.memory_space<hbm>>
        %dma_wait3A_1162 = arith.constant 48 : i32
        %dma_wait3A_1163 = arith.constant 0 : i32
        %dma_wait3A_1164 = tpu.memref_slice %arg11[%dma_wait3A_1162, %dma_wait3A_1163] : memref<64x129xf32, #tpu.memory_space<vmem>> -> memref<8x128xf32, #tpu.memory_space<vmem>>
        tpu.wait_dma2 semaphore(%arg17 : memref<!tpu.dma_semaphore, #tpu.memory_space<semaphore_mem>>) src(%dma_wait3A_1164 : memref<8x128xf32, #tpu.memory_space<vmem>>) dst(%dma_wait3A_1161 : memref<8x128xf32, #tpu.memory_space<hbm>>)
        %dma_wait3A_1165 = arith.constant 7 : i32
        %dma_wait3A_1166 = arith.constant 56 : i32
        %dma_wait3A_1167 = arith.constant 0 : i32
        %dma_wait3A_1168 = tpu.memref_slice %arg11[%dma_wait3A_1166, %dma_wait3A_1167] : memref<64x129xf32, #tpu.memory_space<vmem>> -> memref<8x128xf32, #tpu.memory_space<vmem>>
        %dma_wait3A_1169 = arith.constant 0 : i32
        %dma_wait3A_1170 = arith.constant 0 : i32
        %dma_wait3A_1171 = tpu.memref_slice %arg4[%select_n3A_1057, %dma_wait3A_1165, %rem3A_1059, %dma_wait3A_1169, %dma_wait3A_1170] : memref<200x8x32x8x128xf32, #tpu.memory_space<hbm>> -> memref<1x1x1x8x128xf32, #tpu.memory_space<hbm>>
        %dma_wait3A_1172 = tpu.memref_squeeze %dma_wait3A_1171 : memref<1x1x1x8x128xf32, #tpu.memory_space<hbm>> -> memref<8x128xf32, #tpu.memory_space<hbm>>
        %dma_wait3A_1173 = arith.constant 0 : i32
        %dma_wait3A_1174 = arith.constant 0 : i32
        %dma_wait3A_1175 = tpu.memref_slice %arg4[%select_n3A_1057, %dma_wait3A_1165, %rem3A_1059, %dma_wait3A_1173, %dma_wait3A_1174] : memref<200x8x32x8x128xf32, #tpu.memory_space<hbm>> -> memref<1x1x1x8x128xf32, #tpu.memory_space<hbm>>
        %dma_wait3A_1176 = tpu.memref_squeeze %dma_wait3A_1175 : memref<1x1x1x8x128xf32, #tpu.memory_space<hbm>> -> memref<8x128xf32, #tpu.memory_space<hbm>>
        %dma_wait3A_1177 = arith.constant 56 : i32
        %dma_wait3A_1178 = arith.constant 0 : i32
        %dma_wait3A_1179 = tpu.memref_slice %arg11[%dma_wait3A_1177, %dma_wait3A_1178] : memref<64x129xf32, #tpu.memory_space<vmem>> -> memref<8x128xf32, #tpu.memory_space<vmem>>
        tpu.wait_dma2 semaphore(%arg17 : memref<!tpu.dma_semaphore, #tpu.memory_space<semaphore_mem>>) src(%dma_wait3A_1179 : memref<8x128xf32, #tpu.memory_space<vmem>>) dst(%dma_wait3A_1176 : memref<8x128xf32, #tpu.memory_space<hbm>>)
      } else {
      }
      %scan3A_867 = arith.constant 0 : i32
      %scan3A_868 = arith.constant 0 : i32
      %scan3A_869 = arith.constant 32 : i32
      %scan3A_870 = arith.addi %scan3A_868, %scan3A_869 : i32
      %scan3A_871 = arith.constant 1 : i32
      scf.for %scan3A_1029 = %scan3A_868 to %scan3A_870 step %scan3A_871  : i32 {
        %mul3A_1030 = arith.constant 4 : i32
        %mul3A_1031 = arith.muli %scan3A_1029, %mul3A_1030 : i32
        %add3A_1032 = arith.constant 0 : i32
        %add3A_1033 = arith.addi %mul3A_1031, %add3A_1032 : i32
        %broadcast_in_dim3A = arith.constant 0 : i32
        %broadcast_in_dim3A_1034 = vector.broadcast %broadcast_in_dim3A : i32 to vector<16xi32>
        %add3A_1035 = vector.broadcast %add3A_1033 : i32 to vector<16xi32>
        %add3A_1036 = arith.addi %broadcast_in_dim3A_1034, %add3A_1035 : vector<16xi32>
        %get3A = arith.index_cast %add3A_1033 : i32 to index
        %get3A_1037 = arith.constant 0 : index
        %get3A_1038 = tpu.vector_load %arg9[%get3A, %get3A_1037] {strides = array<i32>} : memref<128x64xf32, #tpu.memory_space<vmem>>, vector<16xf32>,
        %mul3A_1039 = arith.constant 8.000000e+00 : f32
        %mul3A_1040 = vector.broadcast %mul3A_1039 : f32 to vector<16xf32>
        %mul3A_1041 = arith.mulf %get3A_1038, %mul3A_1040 : vector<16xf32>
        tpu.vector_store_idx %arg11[%add3A_5, %add3A_1036], %mul3A_1041 : memref<64x129xf32, #tpu.memory_space<vmem>>[vector<16xi32>, vector<16xi32>], vector<16xf32>,
        %get3A_1042 = arith.index_cast %add3A_1033 : i32 to index
        %get3A_1043 = arith.constant 16 : index
        %get3A_1044 = tpu.vector_load %arg9[%get3A_1042, %get3A_1043] {strides = array<i32>} : memref<128x64xf32, #tpu.memory_space<vmem>>, vector<16xf32>,
        %mul3A_1045 = arith.constant 8.000000e+00 : f32
        %mul3A_1046 = vector.broadcast %mul3A_1045 : f32 to vector<16xf32>
        %mul3A_1047 = arith.mulf %get3A_1044, %mul3A_1046 : vector<16xf32>
        tpu.vector_store_idx %arg11[%add3A_8, %add3A_1036], %mul3A_1047 : memref<64x129xf32, #tpu.memory_space<vmem>>[vector<16xi32>, vector<16xi32>], vector<16xf32>,
        %get3A_1048 = arith.index_cast %add3A_1033 : i32 to index
        %get3A_1049 = arith.constant 32 : index
        %get3A_1050 = tpu.vector_load %arg9[%get3A_1048, %get3A_1049] {strides = array<i32>} : memref<128x64xf32, #tpu.memory_space<vmem>>, vector<16xf32>,
        %mul3A_1051 = arith.constant 8.000000e+00 : f32
        %mul3A_1052 = vector.broadcast %mul3A_1051 : f32 to vector<16xf32>
        %mul3A_1053 = arith.mulf %get3A_1050, %mul3A_1052 : vector<16xf32>
        tpu.vector_store_idx %arg11[%add3A_11, %add3A_1036], %mul3A_1053 : memref<64x129xf32, #tpu.memory_space<vmem>>[vector<16xi32>, vector<16xi32>], vector<16xf32>,
        %get3A_1054 = arith.index_cast %add3A_1033 : i32 to index
        %get3A_1055 = arith.constant 48 : index
        %get3A_1056 = tpu.vector_load %arg9[%get3A_1054, %get3A_1055] {strides = array<i32>} : memref<128x64xf32, #tpu.memory_space<vmem>>, vector<16xf32>,
        %mul3A_1057 = arith.constant 8.000000e+00 : f32
        %mul3A_1058 = vector.broadcast %mul3A_1057 : f32 to vector<16xf32>
        %mul3A_1059 = arith.mulf %get3A_1056, %mul3A_1058 : vector<16xf32>
        tpu.vector_store_idx %arg11[%add3A_14, %add3A_1036], %mul3A_1059 : memref<64x129xf32, #tpu.memory_space<vmem>>[vector<16xi32>, vector<16xi32>], vector<16xf32>,
        %add3A_1060 = arith.constant 1 : i32
        %add3A_1061 = arith.addi %mul3A_1031, %add3A_1060 : i32
        %broadcast_in_dim3A_1062 = arith.constant 0 : i32
        %broadcast_in_dim3A_1063 = vector.broadcast %broadcast_in_dim3A_1062 : i32 to vector<16xi32>
        %add3A_1064 = vector.broadcast %add3A_1061 : i32 to vector<16xi32>
        %add3A_1065 = arith.addi %broadcast_in_dim3A_1063, %add3A_1064 : vector<16xi32>
        %get3A_1066 = arith.index_cast %add3A_1061 : i32 to index
        %get3A_1067 = arith.constant 0 : index
        %get3A_1068 = tpu.vector_load %arg9[%get3A_1066, %get3A_1067] {strides = array<i32>} : memref<128x64xf32, #tpu.memory_space<vmem>>, vector<16xf32>,
        %mul3A_1069 = arith.constant 8.000000e+00 : f32
        %mul3A_1070 = vector.broadcast %mul3A_1069 : f32 to vector<16xf32>
        %mul3A_1071 = arith.mulf %get3A_1068, %mul3A_1070 : vector<16xf32>
        tpu.vector_store_idx %arg11[%add3A_5, %add3A_1065], %mul3A_1071 : memref<64x129xf32, #tpu.memory_space<vmem>>[vector<16xi32>, vector<16xi32>], vector<16xf32>,
        %get3A_1072 = arith.index_cast %add3A_1061 : i32 to index
        %get3A_1073 = arith.constant 16 : index
        %get3A_1074 = tpu.vector_load %arg9[%get3A_1072, %get3A_1073] {strides = array<i32>} : memref<128x64xf32, #tpu.memory_space<vmem>>, vector<16xf32>,
        %mul3A_1075 = arith.constant 8.000000e+00 : f32
        %mul3A_1076 = vector.broadcast %mul3A_1075 : f32 to vector<16xf32>
        %mul3A_1077 = arith.mulf %get3A_1074, %mul3A_1076 : vector<16xf32>
        tpu.vector_store_idx %arg11[%add3A_8, %add3A_1065], %mul3A_1077 : memref<64x129xf32, #tpu.memory_space<vmem>>[vector<16xi32>, vector<16xi32>], vector<16xf32>,
        %get3A_1078 = arith.index_cast %add3A_1061 : i32 to index
        %get3A_1079 = arith.constant 32 : index
        %get3A_1080 = tpu.vector_load %arg9[%get3A_1078, %get3A_1079] {strides = array<i32>} : memref<128x64xf32, #tpu.memory_space<vmem>>, vector<16xf32>,
        %mul3A_1081 = arith.constant 8.000000e+00 : f32
        %mul3A_1082 = vector.broadcast %mul3A_1081 : f32 to vector<16xf32>
        %mul3A_1083 = arith.mulf %get3A_1080, %mul3A_1082 : vector<16xf32>
        tpu.vector_store_idx %arg11[%add3A_11, %add3A_1065], %mul3A_1083 : memref<64x129xf32, #tpu.memory_space<vmem>>[vector<16xi32>, vector<16xi32>], vector<16xf32>,
        %get3A_1084 = arith.index_cast %add3A_1061 : i32 to index
        %get3A_1085 = arith.constant 48 : index
        %get3A_1086 = tpu.vector_load %arg9[%get3A_1084, %get3A_1085] {strides = array<i32>} : memref<128x64xf32, #tpu.memory_space<vmem>>, vector<16xf32>,
        %mul3A_1087 = arith.constant 8.000000e+00 : f32
        %mul3A_1088 = vector.broadcast %mul3A_1087 : f32 to vector<16xf32>
        %mul3A_1089 = arith.mulf %get3A_1086, %mul3A_1088 : vector<16xf32>
        tpu.vector_store_idx %arg11[%add3A_14, %add3A_1065], %mul3A_1089 : memref<64x129xf32, #tpu.memory_space<vmem>>[vector<16xi32>, vector<16xi32>], vector<16xf32>,
        %add3A_1090 = arith.constant 2 : i32
        %add3A_1091 = arith.addi %mul3A_1031, %add3A_1090 : i32
        %broadcast_in_dim3A_1092 = arith.constant 0 : i32
        %broadcast_in_dim3A_1093 = vector.broadcast %broadcast_in_dim3A_1092 : i32 to vector<16xi32>
        %add3A_1094 = vector.broadcast %add3A_1091 : i32 to vector<16xi32>
        %add3A_1095 = arith.addi %broadcast_in_dim3A_1093, %add3A_1094 : vector<16xi32>
        %get3A_1096 = arith.index_cast %add3A_1091 : i32 to index
        %get3A_1097 = arith.constant 0 : index
        %get3A_1098 = tpu.vector_load %arg9[%get3A_1096, %get3A_1097] {strides = array<i32>} : memref<128x64xf32, #tpu.memory_space<vmem>>, vector<16xf32>,
        %mul3A_1099 = arith.constant 8.000000e+00 : f32
        %mul3A_1100 = vector.broadcast %mul3A_1099 : f32 to vector<16xf32>
        %mul3A_1101 = arith.mulf %get3A_1098, %mul3A_1100 : vector<16xf32>
        tpu.vector_store_idx %arg11[%add3A_5, %add3A_1095], %mul3A_1101 : memref<64x129xf32, #tpu.memory_space<vmem>>[vector<16xi32>, vector<16xi32>], vector<16xf32>,
        %get3A_1102 = arith.index_cast %add3A_1091 : i32 to index
        %get3A_1103 = arith.constant 16 : index
        %get3A_1104 = tpu.vector_load %arg9[%get3A_1102, %get3A_1103] {strides = array<i32>} : memref<128x64xf32, #tpu.memory_space<vmem>>, vector<16xf32>,
        %mul3A_1105 = arith.constant 8.000000e+00 : f32
        %mul3A_1106 = vector.broadcast %mul3A_1105 : f32 to vector<16xf32>
        %mul3A_1107 = arith.mulf %get3A_1104, %mul3A_1106 : vector<16xf32>
        tpu.vector_store_idx %arg11[%add3A_8, %add3A_1095], %mul3A_1107 : memref<64x129xf32, #tpu.memory_space<vmem>>[vector<16xi32>, vector<16xi32>], vector<16xf32>,
        %get3A_1108 = arith.index_cast %add3A_1091 : i32 to index
        %get3A_1109 = arith.constant 32 : index
        %get3A_1110 = tpu.vector_load %arg9[%get3A_1108, %get3A_1109] {strides = array<i32>} : memref<128x64xf32, #tpu.memory_space<vmem>>, vector<16xf32>,
        %mul3A_1111 = arith.constant 8.000000e+00 : f32
        %mul3A_1112 = vector.broadcast %mul3A_1111 : f32 to vector<16xf32>
        %mul3A_1113 = arith.mulf %get3A_1110, %mul3A_1112 : vector<16xf32>
        tpu.vector_store_idx %arg11[%add3A_11, %add3A_1095], %mul3A_1113 : memref<64x129xf32, #tpu.memory_space<vmem>>[vector<16xi32>, vector<16xi32>], vector<16xf32>,
        %get3A_1114 = arith.index_cast %add3A_1091 : i32 to index
        %get3A_1115 = arith.constant 48 : index
        %get3A_1116 = tpu.vector_load %arg9[%get3A_1114, %get3A_1115] {strides = array<i32>} : memref<128x64xf32, #tpu.memory_space<vmem>>, vector<16xf32>,
        %mul3A_1117 = arith.constant 8.000000e+00 : f32
        %mul3A_1118 = vector.broadcast %mul3A_1117 : f32 to vector<16xf32>
        %mul3A_1119 = arith.mulf %get3A_1116, %mul3A_1118 : vector<16xf32>
        tpu.vector_store_idx %arg11[%add3A_14, %add3A_1095], %mul3A_1119 : memref<64x129xf32, #tpu.memory_space<vmem>>[vector<16xi32>, vector<16xi32>], vector<16xf32>,
        %add3A_1120 = arith.constant 3 : i32
        %add3A_1121 = arith.addi %mul3A_1031, %add3A_1120 : i32
        %broadcast_in_dim3A_1122 = arith.constant 0 : i32
        %broadcast_in_dim3A_1123 = vector.broadcast %broadcast_in_dim3A_1122 : i32 to vector<16xi32>
        %add3A_1124 = vector.broadcast %add3A_1121 : i32 to vector<16xi32>
        %add3A_1125 = arith.addi %broadcast_in_dim3A_1123, %add3A_1124 : vector<16xi32>
        %get3A_1126 = arith.index_cast %add3A_1121 : i32 to index
        %get3A_1127 = arith.constant 0 : index
        %get3A_1128 = tpu.vector_load %arg9[%get3A_1126, %get3A_1127] {strides = array<i32>} : memref<128x64xf32, #tpu.memory_space<vmem>>, vector<16xf32>,
        %mul3A_1129 = arith.constant 8.000000e+00 : f32
        %mul3A_1130 = vector.broadcast %mul3A_1129 : f32 to vector<16xf32>
        %mul3A_1131 = arith.mulf %get3A_1128, %mul3A_1130 : vector<16xf32>
        tpu.vector_store_idx %arg11[%add3A_5, %add3A_1125], %mul3A_1131 : memref<64x129xf32, #tpu.memory_space<vmem>>[vector<16xi32>, vector<16xi32>], vector<16xf32>,
        %get3A_1132 = arith.index_cast %add3A_1121 : i32 to index
        %get3A_1133 = arith.constant 16 : index
        %get3A_1134 = tpu.vector_load %arg9[%get3A_1132, %get3A_1133] {strides = array<i32>} : memref<128x64xf32, #tpu.memory_space<vmem>>, vector<16xf32>,
        %mul3A_1135 = arith.constant 8.000000e+00 : f32
        %mul3A_1136 = vector.broadcast %mul3A_1135 : f32 to vector<16xf32>
        %mul3A_1137 = arith.mulf %get3A_1134, %mul3A_1136 : vector<16xf32>
        tpu.vector_store_idx %arg11[%add3A_8, %add3A_1125], %mul3A_1137 : memref<64x129xf32, #tpu.memory_space<vmem>>[vector<16xi32>, vector<16xi32>], vector<16xf32>,
        %get3A_1138 = arith.index_cast %add3A_1121 : i32 to index
        %get3A_1139 = arith.constant 32 : index
        %get3A_1140 = tpu.vector_load %arg9[%get3A_1138, %get3A_1139] {strides = array<i32>} : memref<128x64xf32, #tpu.memory_space<vmem>>, vector<16xf32>,
        %mul3A_1141 = arith.constant 8.000000e+00 : f32
        %mul3A_1142 = vector.broadcast %mul3A_1141 : f32 to vector<16xf32>
        %mul3A_1143 = arith.mulf %get3A_1140, %mul3A_1142 : vector<16xf32>
        tpu.vector_store_idx %arg11[%add3A_11, %add3A_1125], %mul3A_1143 : memref<64x129xf32, #tpu.memory_space<vmem>>[vector<16xi32>, vector<16xi32>], vector<16xf32>,
        %get3A_1144 = arith.index_cast %add3A_1121 : i32 to index
        %get3A_1145 = arith.constant 48 : index
        %get3A_1146 = tpu.vector_load %arg9[%get3A_1144, %get3A_1145] {strides = array<i32>} : memref<128x64xf32, #tpu.memory_space<vmem>>, vector<16xf32>,
        %mul3A_1147 = arith.constant 8.000000e+00 : f32
        %mul3A_1148 = vector.broadcast %mul3A_1147 : f32 to vector<16xf32>
        %mul3A_1149 = arith.mulf %get3A_1146, %mul3A_1148 : vector<16xf32>
        tpu.vector_store_idx %arg11[%add3A_14, %add3A_1125], %mul3A_1149 : memref<64x129xf32, #tpu.memory_space<vmem>>[vector<16xi32>, vector<16xi32>], vector<16xf32>,
      }
      %scan3A_872 = arith.constant 32 : i32
      %mul3A_873 = arith.constant 200 : i32
      %mul3A_874 = arith.muli %add3A, %mul3A_873 : i32
      %add3A_875 = arith.addi %mul3A_874, %add3A_855 : i32
      %jit3A_876 = arith.constant 32 : i32
      %div3A_877 = arith.divsi %add3A_875, %jit3A_876 : i32
      %sign3A_878 = arith.constant 0 : i32
      %sign3A_879 = arith.cmpi sgt, %add3A_875, %sign3A_878 : i32
      %sign3A_880 = arith.extui %sign3A_879 : i1 to i32
      %sign3A_881 = arith.constant 0 : i32
      %sign3A_882 = arith.cmpi slt, %add3A_875, %sign3A_881 : i32
      %sign3A_883 = arith.extui %sign3A_882 : i1 to i32
      %sign3A_884 = arith.subi %sign3A_880, %sign3A_883 : i32
      %sign3A_885 = arith.constant 0 : i32
      %sign3A_886 = arith.cmpi sgt, %jit3A_876, %sign3A_885 : i32
      %sign3A_887 = arith.extui %sign3A_886 : i1 to i32
      %sign3A_888 = arith.constant 0 : i32
      %sign3A_889 = arith.cmpi slt, %jit3A_876, %sign3A_888 : i32
      %sign3A_890 = arith.extui %sign3A_889 : i1 to i32
      %sign3A_891 = arith.subi %sign3A_887, %sign3A_890 : i32
      %ne3A_892 = arith.cmpi ne, %sign3A_884, %sign3A_891 : i32
      %rem3A_893 = arith.remsi %add3A_875, %jit3A_876 : i32
      %ne3A_894 = arith.constant 0 : i32
      %ne3A_895 = arith.cmpi ne, %rem3A_893, %ne3A_894 : i32
      %and3A_896 = arith.andi %ne3A_892, %ne3A_895 : i1
      %sub3A_897 = arith.constant 1 : i32
      %sub3A_898 = arith.subi %div3A_877, %sub3A_897 : i32
      %select_n3A_899 = arith.select %and3A_896, %sub3A_898, %div3A_877 : i32
      %rem3A_900 = arith.constant 32 : i32
      %rem3A_901 = arith.remsi %add3A_875, %rem3A_900 : i32
      %dma_start3A_902 = arith.constant 0 : i32
      %dma_start3A_903 = arith.constant 0 : i32
      %dma_start3A_904 = arith.constant 0 : i32
      %dma_start3A_905 = tpu.memref_slice %arg11[%dma_start3A_903, %dma_start3A_904] : memref<64x129xf32, #tpu.memory_space<vmem>> -> memref<8x128xf32, #tpu.memory_space<vmem>>
      %dma_start3A_906 = arith.constant 0 : i32
      %dma_start3A_907 = arith.constant 0 : i32
      %dma_start3A_908 = tpu.memref_slice %arg4[%select_n3A_899, %dma_start3A_902, %rem3A_901, %dma_start3A_906, %dma_start3A_907] : memref<200x8x32x8x128xf32, #tpu.memory_space<hbm>> -> memref<1x1x1x8x128xf32, #tpu.memory_space<hbm>>
      %dma_start3A_909 = tpu.memref_squeeze %dma_start3A_908 : memref<1x1x1x8x128xf32, #tpu.memory_space<hbm>> -> memref<8x128xf32, #tpu.memory_space<hbm>>
      %dma_start3A_910 = arith.constant 0 : i32
      %dma_start3A_911 = arith.constant 0 : i32
      %dma_start3A_912 = tpu.memref_slice %arg4[%select_n3A_899, %dma_start3A_902, %rem3A_901, %dma_start3A_910, %dma_start3A_911] : memref<200x8x32x8x128xf32, #tpu.memory_space<hbm>> -> memref<1x1x1x8x128xf32, #tpu.memory_space<hbm>>
      %dma_start3A_913 = tpu.memref_squeeze %dma_start3A_912 : memref<1x1x1x8x128xf32, #tpu.memory_space<hbm>> -> memref<8x128xf32, #tpu.memory_space<hbm>>
      %dma_start3A_914 = arith.constant 0 : i32
      %dma_start3A_915 = arith.constant 0 : i32
      %dma_start3A_916 = tpu.memref_slice %arg11[%dma_start3A_914, %dma_start3A_915] : memref<64x129xf32, #tpu.memory_space<vmem>> -> memref<8x128xf32, #tpu.memory_space<vmem>>
      tpu.enqueue_dma source(%dma_start3A_916 : memref<8x128xf32, #tpu.memory_space<vmem>>) target(%dma_start3A_913 : memref<8x128xf32, #tpu.memory_space<hbm>>) target_semaphore(%arg17 : memref<!tpu.dma_semaphore, #tpu.memory_space<semaphore_mem>>)
      %dma_start3A_917 = arith.constant 1 : i32
      %dma_start3A_918 = arith.constant 8 : i32
      %dma_start3A_919 = arith.constant 0 : i32
      %dma_start3A_920 = tpu.memref_slice %arg11[%dma_start3A_918, %dma_start3A_919] : memref<64x129xf32, #tpu.memory_space<vmem>> -> memref<8x128xf32, #tpu.memory_space<vmem>>
      %dma_start3A_921 = arith.constant 0 : i32
      %dma_start3A_922 = arith.constant 0 : i32
      %dma_start3A_923 = tpu.memref_slice %arg4[%select_n3A_899, %dma_start3A_917, %rem3A_901, %dma_start3A_921, %dma_start3A_922] : memref<200x8x32x8x128xf32, #tpu.memory_space<hbm>> -> memref<1x1x1x8x128xf32, #tpu.memory_space<hbm>>
      %dma_start3A_924 = tpu.memref_squeeze %dma_start3A_923 : memref<1x1x1x8x128xf32, #tpu.memory_space<hbm>> -> memref<8x128xf32, #tpu.memory_space<hbm>>
      %dma_start3A_925 = arith.constant 0 : i32
      %dma_start3A_926 = arith.constant 0 : i32
      %dma_start3A_927 = tpu.memref_slice %arg4[%select_n3A_899, %dma_start3A_917, %rem3A_901, %dma_start3A_925, %dma_start3A_926] : memref<200x8x32x8x128xf32, #tpu.memory_space<hbm>> -> memref<1x1x1x8x128xf32, #tpu.memory_space<hbm>>
      %dma_start3A_928 = tpu.memref_squeeze %dma_start3A_927 : memref<1x1x1x8x128xf32, #tpu.memory_space<hbm>> -> memref<8x128xf32, #tpu.memory_space<hbm>>
      %dma_start3A_929 = arith.constant 8 : i32
      %dma_start3A_930 = arith.constant 0 : i32
      %dma_start3A_931 = tpu.memref_slice %arg11[%dma_start3A_929, %dma_start3A_930] : memref<64x129xf32, #tpu.memory_space<vmem>> -> memref<8x128xf32, #tpu.memory_space<vmem>>
      tpu.enqueue_dma source(%dma_start3A_931 : memref<8x128xf32, #tpu.memory_space<vmem>>) target(%dma_start3A_928 : memref<8x128xf32, #tpu.memory_space<hbm>>) target_semaphore(%arg17 : memref<!tpu.dma_semaphore, #tpu.memory_space<semaphore_mem>>)
      %dma_start3A_932 = arith.constant 2 : i32
      %dma_start3A_933 = arith.constant 16 : i32
      %dma_start3A_934 = arith.constant 0 : i32
      %dma_start3A_935 = tpu.memref_slice %arg11[%dma_start3A_933, %dma_start3A_934] : memref<64x129xf32, #tpu.memory_space<vmem>> -> memref<8x128xf32, #tpu.memory_space<vmem>>
      %dma_start3A_936 = arith.constant 0 : i32
      %dma_start3A_937 = arith.constant 0 : i32
      %dma_start3A_938 = tpu.memref_slice %arg4[%select_n3A_899, %dma_start3A_932, %rem3A_901, %dma_start3A_936, %dma_start3A_937] : memref<200x8x32x8x128xf32, #tpu.memory_space<hbm>> -> memref<1x1x1x8x128xf32, #tpu.memory_space<hbm>>
      %dma_start3A_939 = tpu.memref_squeeze %dma_start3A_938 : memref<1x1x1x8x128xf32, #tpu.memory_space<hbm>> -> memref<8x128xf32, #tpu.memory_space<hbm>>
      %dma_start3A_940 = arith.constant 0 : i32
      %dma_start3A_941 = arith.constant 0 : i32
      %dma_start3A_942 = tpu.memref_slice %arg4[%select_n3A_899, %dma_start3A_932, %rem3A_901, %dma_start3A_940, %dma_start3A_941] : memref<200x8x32x8x128xf32, #tpu.memory_space<hbm>> -> memref<1x1x1x8x128xf32, #tpu.memory_space<hbm>>
      %dma_start3A_943 = tpu.memref_squeeze %dma_start3A_942 : memref<1x1x1x8x128xf32, #tpu.memory_space<hbm>> -> memref<8x128xf32, #tpu.memory_space<hbm>>
      %dma_start3A_944 = arith.constant 16 : i32
      %dma_start3A_945 = arith.constant 0 : i32
      %dma_start3A_946 = tpu.memref_slice %arg11[%dma_start3A_944, %dma_start3A_945] : memref<64x129xf32, #tpu.memory_space<vmem>> -> memref<8x128xf32, #tpu.memory_space<vmem>>
      tpu.enqueue_dma source(%dma_start3A_946 : memref<8x128xf32, #tpu.memory_space<vmem>>) target(%dma_start3A_943 : memref<8x128xf32, #tpu.memory_space<hbm>>) target_semaphore(%arg17 : memref<!tpu.dma_semaphore, #tpu.memory_space<semaphore_mem>>)
      %dma_start3A_947 = arith.constant 3 : i32
      %dma_start3A_948 = arith.constant 24 : i32
      %dma_start3A_949 = arith.constant 0 : i32
      %dma_start3A_950 = tpu.memref_slice %arg11[%dma_start3A_948, %dma_start3A_949] : memref<64x129xf32, #tpu.memory_space<vmem>> -> memref<8x128xf32, #tpu.memory_space<vmem>>
      %dma_start3A_951 = arith.constant 0 : i32
      %dma_start3A_952 = arith.constant 0 : i32
      %dma_start3A_953 = tpu.memref_slice %arg4[%select_n3A_899, %dma_start3A_947, %rem3A_901, %dma_start3A_951, %dma_start3A_952] : memref<200x8x32x8x128xf32, #tpu.memory_space<hbm>> -> memref<1x1x1x8x128xf32, #tpu.memory_space<hbm>>
      %dma_start3A_954 = tpu.memref_squeeze %dma_start3A_953 : memref<1x1x1x8x128xf32, #tpu.memory_space<hbm>> -> memref<8x128xf32, #tpu.memory_space<hbm>>
      %dma_start3A_955 = arith.constant 0 : i32
      %dma_start3A_956 = arith.constant 0 : i32
      %dma_start3A_957 = tpu.memref_slice %arg4[%select_n3A_899, %dma_start3A_947, %rem3A_901, %dma_start3A_955, %dma_start3A_956] : memref<200x8x32x8x128xf32, #tpu.memory_space<hbm>> -> memref<1x1x1x8x128xf32, #tpu.memory_space<hbm>>
      %dma_start3A_958 = tpu.memref_squeeze %dma_start3A_957 : memref<1x1x1x8x128xf32, #tpu.memory_space<hbm>> -> memref<8x128xf32, #tpu.memory_space<hbm>>
      %dma_start3A_959 = arith.constant 24 : i32
      %dma_start3A_960 = arith.constant 0 : i32
      %dma_start3A_961 = tpu.memref_slice %arg11[%dma_start3A_959, %dma_start3A_960] : memref<64x129xf32, #tpu.memory_space<vmem>> -> memref<8x128xf32, #tpu.memory_space<vmem>>
      tpu.enqueue_dma source(%dma_start3A_961 : memref<8x128xf32, #tpu.memory_space<vmem>>) target(%dma_start3A_958 : memref<8x128xf32, #tpu.memory_space<hbm>>) target_semaphore(%arg17 : memref<!tpu.dma_semaphore, #tpu.memory_space<semaphore_mem>>)
      %dma_start3A_962 = arith.constant 4 : i32
      %dma_start3A_963 = arith.constant 32 : i32
      %dma_start3A_964 = arith.constant 0 : i32
      %dma_start3A_965 = tpu.memref_slice %arg11[%dma_start3A_963, %dma_start3A_964] : memref<64x129xf32, #tpu.memory_space<vmem>> -> memref<8x128xf32, #tpu.memory_space<vmem>>
      %dma_start3A_966 = arith.constant 0 : i32
      %dma_start3A_967 = arith.constant 0 : i32
      %dma_start3A_968 = tpu.memref_slice %arg4[%select_n3A_899, %dma_start3A_962, %rem3A_901, %dma_start3A_966, %dma_start3A_967] : memref<200x8x32x8x128xf32, #tpu.memory_space<hbm>> -> memref<1x1x1x8x128xf32, #tpu.memory_space<hbm>>
      %dma_start3A_969 = tpu.memref_squeeze %dma_start3A_968 : memref<1x1x1x8x128xf32, #tpu.memory_space<hbm>> -> memref<8x128xf32, #tpu.memory_space<hbm>>
      %dma_start3A_970 = arith.constant 0 : i32
      %dma_start3A_971 = arith.constant 0 : i32
      %dma_start3A_972 = tpu.memref_slice %arg4[%select_n3A_899, %dma_start3A_962, %rem3A_901, %dma_start3A_970, %dma_start3A_971] : memref<200x8x32x8x128xf32, #tpu.memory_space<hbm>> -> memref<1x1x1x8x128xf32, #tpu.memory_space<hbm>>
      %dma_start3A_973 = tpu.memref_squeeze %dma_start3A_972 : memref<1x1x1x8x128xf32, #tpu.memory_space<hbm>> -> memref<8x128xf32, #tpu.memory_space<hbm>>
      %dma_start3A_974 = arith.constant 32 : i32
      %dma_start3A_975 = arith.constant 0 : i32
      %dma_start3A_976 = tpu.memref_slice %arg11[%dma_start3A_974, %dma_start3A_975] : memref<64x129xf32, #tpu.memory_space<vmem>> -> memref<8x128xf32, #tpu.memory_space<vmem>>
      tpu.enqueue_dma source(%dma_start3A_976 : memref<8x128xf32, #tpu.memory_space<vmem>>) target(%dma_start3A_973 : memref<8x128xf32, #tpu.memory_space<hbm>>) target_semaphore(%arg17 : memref<!tpu.dma_semaphore, #tpu.memory_space<semaphore_mem>>)
      %dma_start3A_977 = arith.constant 5 : i32
      %dma_start3A_978 = arith.constant 40 : i32
      %dma_start3A_979 = arith.constant 0 : i32
      %dma_start3A_980 = tpu.memref_slice %arg11[%dma_start3A_978, %dma_start3A_979] : memref<64x129xf32, #tpu.memory_space<vmem>> -> memref<8x128xf32, #tpu.memory_space<vmem>>
      %dma_start3A_981 = arith.constant 0 : i32
      %dma_start3A_982 = arith.constant 0 : i32
      %dma_start3A_983 = tpu.memref_slice %arg4[%select_n3A_899, %dma_start3A_977, %rem3A_901, %dma_start3A_981, %dma_start3A_982] : memref<200x8x32x8x128xf32, #tpu.memory_space<hbm>> -> memref<1x1x1x8x128xf32, #tpu.memory_space<hbm>>
      %dma_start3A_984 = tpu.memref_squeeze %dma_start3A_983 : memref<1x1x1x8x128xf32, #tpu.memory_space<hbm>> -> memref<8x128xf32, #tpu.memory_space<hbm>>
      %dma_start3A_985 = arith.constant 0 : i32
      %dma_start3A_986 = arith.constant 0 : i32
      %dma_start3A_987 = tpu.memref_slice %arg4[%select_n3A_899, %dma_start3A_977, %rem3A_901, %dma_start3A_985, %dma_start3A_986] : memref<200x8x32x8x128xf32, #tpu.memory_space<hbm>> -> memref<1x1x1x8x128xf32, #tpu.memory_space<hbm>>
      %dma_start3A_988 = tpu.memref_squeeze %dma_start3A_987 : memref<1x1x1x8x128xf32, #tpu.memory_space<hbm>> -> memref<8x128xf32, #tpu.memory_space<hbm>>
      %dma_start3A_989 = arith.constant 40 : i32
      %dma_start3A_990 = arith.constant 0 : i32
      %dma_start3A_991 = tpu.memref_slice %arg11[%dma_start3A_989, %dma_start3A_990] : memref<64x129xf32, #tpu.memory_space<vmem>> -> memref<8x128xf32, #tpu.memory_space<vmem>>
      tpu.enqueue_dma source(%dma_start3A_991 : memref<8x128xf32, #tpu.memory_space<vmem>>) target(%dma_start3A_988 : memref<8x128xf32, #tpu.memory_space<hbm>>) target_semaphore(%arg17 : memref<!tpu.dma_semaphore, #tpu.memory_space<semaphore_mem>>)
      %dma_start3A_992 = arith.constant 6 : i32
      %dma_start3A_993 = arith.constant 48 : i32
      %dma_start3A_994 = arith.constant 0 : i32
      %dma_start3A_995 = tpu.memref_slice %arg11[%dma_start3A_993, %dma_start3A_994] : memref<64x129xf32, #tpu.memory_space<vmem>> -> memref<8x128xf32, #tpu.memory_space<vmem>>
      %dma_start3A_996 = arith.constant 0 : i32
      %dma_start3A_997 = arith.constant 0 : i32
      %dma_start3A_998 = tpu.memref_slice %arg4[%select_n3A_899, %dma_start3A_992, %rem3A_901, %dma_start3A_996, %dma_start3A_997] : memref<200x8x32x8x128xf32, #tpu.memory_space<hbm>> -> memref<1x1x1x8x128xf32, #tpu.memory_space<hbm>>
      %dma_start3A_999 = tpu.memref_squeeze %dma_start3A_998 : memref<1x1x1x8x128xf32, #tpu.memory_space<hbm>> -> memref<8x128xf32, #tpu.memory_space<hbm>>
      %dma_start3A_1000 = arith.constant 0 : i32
      %dma_start3A_1001 = arith.constant 0 : i32
      %dma_start3A_1002 = tpu.memref_slice %arg4[%select_n3A_899, %dma_start3A_992, %rem3A_901, %dma_start3A_1000, %dma_start3A_1001] : memref<200x8x32x8x128xf32, #tpu.memory_space<hbm>> -> memref<1x1x1x8x128xf32, #tpu.memory_space<hbm>>
      %dma_start3A_1003 = tpu.memref_squeeze %dma_start3A_1002 : memref<1x1x1x8x128xf32, #tpu.memory_space<hbm>> -> memref<8x128xf32, #tpu.memory_space<hbm>>
      %dma_start3A_1004 = arith.constant 48 : i32
      %dma_start3A_1005 = arith.constant 0 : i32
      %dma_start3A_1006 = tpu.memref_slice %arg11[%dma_start3A_1004, %dma_start3A_1005] : memref<64x129xf32, #tpu.memory_space<vmem>> -> memref<8x128xf32, #tpu.memory_space<vmem>>
      tpu.enqueue_dma source(%dma_start3A_1006 : memref<8x128xf32, #tpu.memory_space<vmem>>) target(%dma_start3A_1003 : memref<8x128xf32, #tpu.memory_space<hbm>>) target_semaphore(%arg17 : memref<!tpu.dma_semaphore, #tpu.memory_space<semaphore_mem>>)
      %dma_start3A_1007 = arith.constant 7 : i32
      %dma_start3A_1008 = arith.constant 56 : i32
      %dma_start3A_1009 = arith.constant 0 : i32
      %dma_start3A_1010 = tpu.memref_slice %arg11[%dma_start3A_1008, %dma_start3A_1009] : memref<64x129xf32, #tpu.memory_space<vmem>> -> memref<8x128xf32, #tpu.memory_space<vmem>>
      %dma_start3A_1011 = arith.constant 0 : i32
      %dma_start3A_1012 = arith.constant 0 : i32
      %dma_start3A_1013 = tpu.memref_slice %arg4[%select_n3A_899, %dma_start3A_1007, %rem3A_901, %dma_start3A_1011, %dma_start3A_1012] : memref<200x8x32x8x128xf32, #tpu.memory_space<hbm>> -> memref<1x1x1x8x128xf32, #tpu.memory_space<hbm>>
      %dma_start3A_1014 = tpu.memref_squeeze %dma_start3A_1013 : memref<1x1x1x8x128xf32, #tpu.memory_space<hbm>> -> memref<8x128xf32, #tpu.memory_space<hbm>>
      %dma_start3A_1015 = arith.constant 0 : i32
      %dma_start3A_1016 = arith.constant 0 : i32
      %dma_start3A_1017 = tpu.memref_slice %arg4[%select_n3A_899, %dma_start3A_1007, %rem3A_901, %dma_start3A_1015, %dma_start3A_1016] : memref<200x8x32x8x128xf32, #tpu.memory_space<hbm>> -> memref<1x1x1x8x128xf32, #tpu.memory_space<hbm>>
      %dma_start3A_1018 = tpu.memref_squeeze %dma_start3A_1017 : memref<1x1x1x8x128xf32, #tpu.memory_space<hbm>> -> memref<8x128xf32, #tpu.memory_space<hbm>>
      %dma_start3A_1019 = arith.constant 56 : i32
      %dma_start3A_1020 = arith.constant 0 : i32
      %dma_start3A_1021 = tpu.memref_slice %arg11[%dma_start3A_1019, %dma_start3A_1020] : memref<64x129xf32, #tpu.memory_space<vmem>> -> memref<8x128xf32, #tpu.memory_space<vmem>>
      tpu.enqueue_dma source(%dma_start3A_1021 : memref<8x128xf32, #tpu.memory_space<vmem>>) target(%dma_start3A_1018 : memref<8x128xf32, #tpu.memory_space<hbm>>) target_semaphore(%arg17 : memref<!tpu.dma_semaphore, #tpu.memory_space<semaphore_mem>>)
      %add3A_1022 = arith.constant 4 : i32
      %add3A_1023 = arith.addi %add3A_855, %add3A_1022 : i32
      %lt3A_1024 = arith.constant 200 : i32
      %lt3A_1025 = arith.cmpi slt, %add3A_1023, %lt3A_1024 : i32
      %convert_element_type3A_1026 = arith.extui %lt3A_1025 : i1 to i32
      %cond3A_1027 = arith.constant 0 : i32
      %cond3A_1028 = arith.cmpi ne, %convert_element_type3A_1026, %cond3A_1027 : i32
      scf.if %cond3A_1028 {
        %add3A_1029 = arith.constant 4 : i32
        %add3A_1030 = arith.addi %add3A_855, %add3A_1029 : i32
        %mul3A_1031 = arith.constant 128 : i32
        %mul3A_1032 = arith.muli %add3A_1030, %mul3A_1031 : i32
        %dma_start3A_1033 = tpu.memref_slice %arg5[%mul3A_1032] : memref<25600xi32, #tpu.memory_space<vmem>> -> memref<128xi32, #tpu.memory_space<vmem>>
        %dma_start3A_1034 = arith.constant 0 : i32
        %dma_start3A_1035 = arith.constant 0 : i32
        %dma_start3A_1036 = tpu.memref_slice %arg3[%dma_start3A_1034, %dma_start3A_1035] : memref<1000000x64xf32, #tpu.memory_space<hbm>> -> memref<1000000x64xf32, #tpu.memory_space<hbm>>
        tpu.enqueue_indirect_dma source(%dma_start3A_1036 : memref<1000000x64xf32, #tpu.memory_space<hbm>>) target(%arg9 : memref<128x64xf32, #tpu.memory_space<vmem>>) offsets(%dma_start3A_1033 : memref<128xi32, #tpu.memory_space<vmem>>) semaphore(%arg15 : memref<!tpu.dma_semaphore, #tpu.memory_space<semaphore_mem>>)
      } else {
      }
    }
    %scan3A_38 = arith.constant 50 : i32
    %mul3A_39 = arith.constant 200 : i32
    %mul3A_40 = arith.muli %add3A, %mul3A_39 : i32
    %add3A_41 = arith.constant 198 : i32
    %add3A_42 = arith.addi %mul3A_40, %add3A_41 : i32
    %jit3A = arith.constant 32 : i32
    %div3A = arith.divsi %add3A_42, %jit3A : i32
    %sign3A = arith.constant 0 : i32
    %sign3A_43 = arith.cmpi sgt, %add3A_42, %sign3A : i32
    %sign3A_44 = arith.extui %sign3A_43 : i1 to i32
    %sign3A_45 = arith.constant 0 : i32
    %sign3A_46 = arith.cmpi slt, %add3A_42, %sign3A_45 : i32
    %sign3A_47 = arith.extui %sign3A_46 : i1 to i32
    %sign3A_48 = arith.subi %sign3A_44, %sign3A_47 : i32
    %sign3A_49 = arith.constant 0 : i32
    %sign3A_50 = arith.cmpi sgt, %jit3A, %sign3A_49 : i32
    %sign3A_51 = arith.extui %sign3A_50 : i1 to i32
    %sign3A_52 = arith.constant 0 : i32
    %sign3A_53 = arith.cmpi slt, %jit3A, %sign3A_52 : i32
    %sign3A_54 = arith.extui %sign3A_53 : i1 to i32
    %sign3A_55 = arith.subi %sign3A_51, %sign3A_54 : i32
    %ne3A = arith.cmpi ne, %sign3A_48, %sign3A_55 : i32
    %rem3A = arith.remsi %add3A_42, %jit3A : i32
    %ne3A_56 = arith.constant 0 : i32
    %ne3A_57 = arith.cmpi ne, %rem3A, %ne3A_56 : i32
    %and3A = arith.andi %ne3A, %ne3A_57 : i1
    %sub3A = arith.constant 1 : i32
    %sub3A_58 = arith.subi %div3A, %sub3A : i32
    %select_n3A = arith.select %and3A, %sub3A_58, %div3A : i32
    %rem3A_59 = arith.constant 32 : i32
    %rem3A_60 = arith.remsi %add3A_42, %rem3A_59 : i32
    %dma_wait3A = arith.constant 0 : i32
    %dma_wait3A_61 = arith.constant 0 : i32
    %dma_wait3A_62 = arith.constant 0 : i32
    %dma_wait3A_63 = tpu.memref_slice %arg10[%dma_wait3A_61, %dma_wait3A_62] : memref<64x129xf32, #tpu.memory_space<vmem>> -> memref<8x128xf32, #tpu.memory_space<vmem>>
    %dma_wait3A_64 = arith.constant 0 : i32
    %dma_wait3A_65 = arith.constant 0 : i32
    %dma_wait3A_66 = tpu.memref_slice %arg4[%select_n3A, %dma_wait3A, %rem3A_60, %dma_wait3A_64, %dma_wait3A_65] : memref<200x8x32x8x128xf32, #tpu.memory_space<hbm>> -> memref<1x1x1x8x128xf32, #tpu.memory_space<hbm>>
    %dma_wait3A_67 = tpu.memref_squeeze %dma_wait3A_66 : memref<1x1x1x8x128xf32, #tpu.memory_space<hbm>> -> memref<8x128xf32, #tpu.memory_space<hbm>>
    %dma_wait3A_68 = arith.constant 0 : i32
    %dma_wait3A_69 = arith.constant 0 : i32
    %dma_wait3A_70 = tpu.memref_slice %arg4[%select_n3A, %dma_wait3A, %rem3A_60, %dma_wait3A_68, %dma_wait3A_69] : memref<200x8x32x8x128xf32, #tpu.memory_space<hbm>> -> memref<1x1x1x8x128xf32, #tpu.memory_space<hbm>>
    %dma_wait3A_71 = tpu.memref_squeeze %dma_wait3A_70 : memref<1x1x1x8x128xf32, #tpu.memory_space<hbm>> -> memref<8x128xf32, #tpu.memory_space<hbm>>
    %dma_wait3A_72 = arith.constant 0 : i32
    %dma_wait3A_73 = arith.constant 0 : i32
    %dma_wait3A_74 = tpu.memref_slice %arg10[%dma_wait3A_72, %dma_wait3A_73] : memref<64x129xf32, #tpu.memory_space<vmem>> -> memref<8x128xf32, #tpu.memory_space<vmem>>
    tpu.wait_dma2 semaphore(%arg16 : memref<!tpu.dma_semaphore, #tpu.memory_space<semaphore_mem>>) src(%dma_wait3A_74 : memref<8x128xf32, #tpu.memory_space<vmem>>) dst(%dma_wait3A_71 : memref<8x128xf32, #tpu.memory_space<hbm>>)
    %dma_wait3A_75 = arith.constant 1 : i32
    %dma_wait3A_76 = arith.constant 8 : i32
    %dma_wait3A_77 = arith.constant 0 : i32
    %dma_wait3A_78 = tpu.memref_slice %arg10[%dma_wait3A_76, %dma_wait3A_77] : memref<64x129xf32, #tpu.memory_space<vmem>> -> memref<8x128xf32, #tpu.memory_space<vmem>>
    %dma_wait3A_79 = arith.constant 0 : i32
    %dma_wait3A_80 = arith.constant 0 : i32
    %dma_wait3A_81 = tpu.memref_slice %arg4[%select_n3A, %dma_wait3A_75, %rem3A_60, %dma_wait3A_79, %dma_wait3A_80] : memref<200x8x32x8x128xf32, #tpu.memory_space<hbm>> -> memref<1x1x1x8x128xf32, #tpu.memory_space<hbm>>
    %dma_wait3A_82 = tpu.memref_squeeze %dma_wait3A_81 : memref<1x1x1x8x128xf32, #tpu.memory_space<hbm>> -> memref<8x128xf32, #tpu.memory_space<hbm>>
    %dma_wait3A_83 = arith.constant 0 : i32
    %dma_wait3A_84 = arith.constant 0 : i32
    %dma_wait3A_85 = tpu.memref_slice %arg4[%select_n3A, %dma_wait3A_75, %rem3A_60, %dma_wait3A_83, %dma_wait3A_84] : memref<200x8x32x8x128xf32, #tpu.memory_space<hbm>> -> memref<1x1x1x8x128xf32, #tpu.memory_space<hbm>>
    %dma_wait3A_86 = tpu.memref_squeeze %dma_wait3A_85 : memref<1x1x1x8x128xf32, #tpu.memory_space<hbm>> -> memref<8x128xf32, #tpu.memory_space<hbm>>
    %dma_wait3A_87 = arith.constant 8 : i32
    %dma_wait3A_88 = arith.constant 0 : i32
    %dma_wait3A_89 = tpu.memref_slice %arg10[%dma_wait3A_87, %dma_wait3A_88] : memref<64x129xf32, #tpu.memory_space<vmem>> -> memref<8x128xf32, #tpu.memory_space<vmem>>
    tpu.wait_dma2 semaphore(%arg16 : memref<!tpu.dma_semaphore, #tpu.memory_space<semaphore_mem>>) src(%dma_wait3A_89 : memref<8x128xf32, #tpu.memory_space<vmem>>) dst(%dma_wait3A_86 : memref<8x128xf32, #tpu.memory_space<hbm>>)
    %dma_wait3A_90 = arith.constant 2 : i32
    %dma_wait3A_91 = arith.constant 16 : i32
    %dma_wait3A_92 = arith.constant 0 : i32
    %dma_wait3A_93 = tpu.memref_slice %arg10[%dma_wait3A_91, %dma_wait3A_92] : memref<64x129xf32, #tpu.memory_space<vmem>> -> memref<8x128xf32, #tpu.memory_space<vmem>>
    %dma_wait3A_94 = arith.constant 0 : i32
    %dma_wait3A_95 = arith.constant 0 : i32
    %dma_wait3A_96 = tpu.memref_slice %arg4[%select_n3A, %dma_wait3A_90, %rem3A_60, %dma_wait3A_94, %dma_wait3A_95] : memref<200x8x32x8x128xf32, #tpu.memory_space<hbm>> -> memref<1x1x1x8x128xf32, #tpu.memory_space<hbm>>
    %dma_wait3A_97 = tpu.memref_squeeze %dma_wait3A_96 : memref<1x1x1x8x128xf32, #tpu.memory_space<hbm>> -> memref<8x128xf32, #tpu.memory_space<hbm>>
    %dma_wait3A_98 = arith.constant 0 : i32
    %dma_wait3A_99 = arith.constant 0 : i32
    %dma_wait3A_100 = tpu.memref_slice %arg4[%select_n3A, %dma_wait3A_90, %rem3A_60, %dma_wait3A_98, %dma_wait3A_99] : memref<200x8x32x8x128xf32, #tpu.memory_space<hbm>> -> memref<1x1x1x8x128xf32, #tpu.memory_space<hbm>>
    %dma_wait3A_101 = tpu.memref_squeeze %dma_wait3A_100 : memref<1x1x1x8x128xf32, #tpu.memory_space<hbm>> -> memref<8x128xf32, #tpu.memory_space<hbm>>
    %dma_wait3A_102 = arith.constant 16 : i32
    %dma_wait3A_103 = arith.constant 0 : i32
    %dma_wait3A_104 = tpu.memref_slice %arg10[%dma_wait3A_102, %dma_wait3A_103] : memref<64x129xf32, #tpu.memory_space<vmem>> -> memref<8x128xf32, #tpu.memory_space<vmem>>
    tpu.wait_dma2 semaphore(%arg16 : memref<!tpu.dma_semaphore, #tpu.memory_space<semaphore_mem>>) src(%dma_wait3A_104 : memref<8x128xf32, #tpu.memory_space<vmem>>) dst(%dma_wait3A_101 : memref<8x128xf32, #tpu.memory_space<hbm>>)
    %dma_wait3A_105 = arith.constant 3 : i32
    %dma_wait3A_106 = arith.constant 24 : i32
    %dma_wait3A_107 = arith.constant 0 : i32
    %dma_wait3A_108 = tpu.memref_slice %arg10[%dma_wait3A_106, %dma_wait3A_107] : memref<64x129xf32, #tpu.memory_space<vmem>> -> memref<8x128xf32, #tpu.memory_space<vmem>>
    %dma_wait3A_109 = arith.constant 0 : i32
    %dma_wait3A_110 = arith.constant 0 : i32
    %dma_wait3A_111 = tpu.memref_slice %arg4[%select_n3A, %dma_wait3A_105, %rem3A_60, %dma_wait3A_109, %dma_wait3A_110] : memref<200x8x32x8x128xf32, #tpu.memory_space<hbm>> -> memref<1x1x1x8x128xf32, #tpu.memory_space<hbm>>
    %dma_wait3A_112 = tpu.memref_squeeze %dma_wait3A_111 : memref<1x1x1x8x128xf32, #tpu.memory_space<hbm>> -> memref<8x128xf32, #tpu.memory_space<hbm>>
    %dma_wait3A_113 = arith.constant 0 : i32
    %dma_wait3A_114 = arith.constant 0 : i32
    %dma_wait3A_115 = tpu.memref_slice %arg4[%select_n3A, %dma_wait3A_105, %rem3A_60, %dma_wait3A_113, %dma_wait3A_114] : memref<200x8x32x8x128xf32, #tpu.memory_space<hbm>> -> memref<1x1x1x8x128xf32, #tpu.memory_space<hbm>>
    %dma_wait3A_116 = tpu.memref_squeeze %dma_wait3A_115 : memref<1x1x1x8x128xf32, #tpu.memory_space<hbm>> -> memref<8x128xf32, #tpu.memory_space<hbm>>
    %dma_wait3A_117 = arith.constant 24 : i32
    %dma_wait3A_118 = arith.constant 0 : i32
    %dma_wait3A_119 = tpu.memref_slice %arg10[%dma_wait3A_117, %dma_wait3A_118] : memref<64x129xf32, #tpu.memory_space<vmem>> -> memref<8x128xf32, #tpu.memory_space<vmem>>
    tpu.wait_dma2 semaphore(%arg16 : memref<!tpu.dma_semaphore, #tpu.memory_space<semaphore_mem>>) src(%dma_wait3A_119 : memref<8x128xf32, #tpu.memory_space<vmem>>) dst(%dma_wait3A_116 : memref<8x128xf32, #tpu.memory_space<hbm>>)
    %dma_wait3A_120 = arith.constant 4 : i32
    %dma_wait3A_121 = arith.constant 32 : i32
    %dma_wait3A_122 = arith.constant 0 : i32
    %dma_wait3A_123 = tpu.memref_slice %arg10[%dma_wait3A_121, %dma_wait3A_122] : memref<64x129xf32, #tpu.memory_space<vmem>> -> memref<8x128xf32, #tpu.memory_space<vmem>>
    %dma_wait3A_124 = arith.constant 0 : i32
    %dma_wait3A_125 = arith.constant 0 : i32
    %dma_wait3A_126 = tpu.memref_slice %arg4[%select_n3A, %dma_wait3A_120, %rem3A_60, %dma_wait3A_124, %dma_wait3A_125] : memref<200x8x32x8x128xf32, #tpu.memory_space<hbm>> -> memref<1x1x1x8x128xf32, #tpu.memory_space<hbm>>
    %dma_wait3A_127 = tpu.memref_squeeze %dma_wait3A_126 : memref<1x1x1x8x128xf32, #tpu.memory_space<hbm>> -> memref<8x128xf32, #tpu.memory_space<hbm>>
    %dma_wait3A_128 = arith.constant 0 : i32
    %dma_wait3A_129 = arith.constant 0 : i32
    %dma_wait3A_130 = tpu.memref_slice %arg4[%select_n3A, %dma_wait3A_120, %rem3A_60, %dma_wait3A_128, %dma_wait3A_129] : memref<200x8x32x8x128xf32, #tpu.memory_space<hbm>> -> memref<1x1x1x8x128xf32, #tpu.memory_space<hbm>>
    %dma_wait3A_131 = tpu.memref_squeeze %dma_wait3A_130 : memref<1x1x1x8x128xf32, #tpu.memory_space<hbm>> -> memref<8x128xf32, #tpu.memory_space<hbm>>
    %dma_wait3A_132 = arith.constant 32 : i32
    %dma_wait3A_133 = arith.constant 0 : i32
    %dma_wait3A_134 = tpu.memref_slice %arg10[%dma_wait3A_132, %dma_wait3A_133] : memref<64x129xf32, #tpu.memory_space<vmem>> -> memref<8x128xf32, #tpu.memory_space<vmem>>
    tpu.wait_dma2 semaphore(%arg16 : memref<!tpu.dma_semaphore, #tpu.memory_space<semaphore_mem>>) src(%dma_wait3A_134 : memref<8x128xf32, #tpu.memory_space<vmem>>) dst(%dma_wait3A_131 : memref<8x128xf32, #tpu.memory_space<hbm>>)
    %dma_wait3A_135 = arith.constant 5 : i32
    %dma_wait3A_136 = arith.constant 40 : i32
    %dma_wait3A_137 = arith.constant 0 : i32
    %dma_wait3A_138 = tpu.memref_slice %arg10[%dma_wait3A_136, %dma_wait3A_137] : memref<64x129xf32, #tpu.memory_space<vmem>> -> memref<8x128xf32, #tpu.memory_space<vmem>>
    %dma_wait3A_139 = arith.constant 0 : i32
    %dma_wait3A_140 = arith.constant 0 : i32
    %dma_wait3A_141 = tpu.memref_slice %arg4[%select_n3A, %dma_wait3A_135, %rem3A_60, %dma_wait3A_139, %dma_wait3A_140] : memref<200x8x32x8x128xf32, #tpu.memory_space<hbm>> -> memref<1x1x1x8x128xf32, #tpu.memory_space<hbm>>
    %dma_wait3A_142 = tpu.memref_squeeze %dma_wait3A_141 : memref<1x1x1x8x128xf32, #tpu.memory_space<hbm>> -> memref<8x128xf32, #tpu.memory_space<hbm>>
    %dma_wait3A_143 = arith.constant 0 : i32
    %dma_wait3A_144 = arith.constant 0 : i32
    %dma_wait3A_145 = tpu.memref_slice %arg4[%select_n3A, %dma_wait3A_135, %rem3A_60, %dma_wait3A_143, %dma_wait3A_144] : memref<200x8x32x8x128xf32, #tpu.memory_space<hbm>> -> memref<1x1x1x8x128xf32, #tpu.memory_space<hbm>>
    %dma_wait3A_146 = tpu.memref_squeeze %dma_wait3A_145 : memref<1x1x1x8x128xf32, #tpu.memory_space<hbm>> -> memref<8x128xf32, #tpu.memory_space<hbm>>
    %dma_wait3A_147 = arith.constant 40 : i32
    %dma_wait3A_148 = arith.constant 0 : i32
    %dma_wait3A_149 = tpu.memref_slice %arg10[%dma_wait3A_147, %dma_wait3A_148] : memref<64x129xf32, #tpu.memory_space<vmem>> -> memref<8x128xf32, #tpu.memory_space<vmem>>
    tpu.wait_dma2 semaphore(%arg16 : memref<!tpu.dma_semaphore, #tpu.memory_space<semaphore_mem>>) src(%dma_wait3A_149 : memref<8x128xf32, #tpu.memory_space<vmem>>) dst(%dma_wait3A_146 : memref<8x128xf32, #tpu.memory_space<hbm>>)
    %dma_wait3A_150 = arith.constant 6 : i32
    %dma_wait3A_151 = arith.constant 48 : i32
    %dma_wait3A_152 = arith.constant 0 : i32
    %dma_wait3A_153 = tpu.memref_slice %arg10[%dma_wait3A_151, %dma_wait3A_152] : memref<64x129xf32, #tpu.memory_space<vmem>> -> memref<8x128xf32, #tpu.memory_space<vmem>>
    %dma_wait3A_154 = arith.constant 0 : i32
    %dma_wait3A_155 = arith.constant 0 : i32
    %dma_wait3A_156 = tpu.memref_slice %arg4[%select_n3A, %dma_wait3A_150, %rem3A_60, %dma_wait3A_154, %dma_wait3A_155] : memref<200x8x32x8x128xf32, #tpu.memory_space<hbm>> -> memref<1x1x1x8x128xf32, #tpu.memory_space<hbm>>
    %dma_wait3A_157 = tpu.memref_squeeze %dma_wait3A_156 : memref<1x1x1x8x128xf32, #tpu.memory_space<hbm>> -> memref<8x128xf32, #tpu.memory_space<hbm>>
    %dma_wait3A_158 = arith.constant 0 : i32
    %dma_wait3A_159 = arith.constant 0 : i32
    %dma_wait3A_160 = tpu.memref_slice %arg4[%select_n3A, %dma_wait3A_150, %rem3A_60, %dma_wait3A_158, %dma_wait3A_159] : memref<200x8x32x8x128xf32, #tpu.memory_space<hbm>> -> memref<1x1x1x8x128xf32, #tpu.memory_space<hbm>>
    %dma_wait3A_161 = tpu.memref_squeeze %dma_wait3A_160 : memref<1x1x1x8x128xf32, #tpu.memory_space<hbm>> -> memref<8x128xf32, #tpu.memory_space<hbm>>
    %dma_wait3A_162 = arith.constant 48 : i32
    %dma_wait3A_163 = arith.constant 0 : i32
    %dma_wait3A_164 = tpu.memref_slice %arg10[%dma_wait3A_162, %dma_wait3A_163] : memref<64x129xf32, #tpu.memory_space<vmem>> -> memref<8x128xf32, #tpu.memory_space<vmem>>
    tpu.wait_dma2 semaphore(%arg16 : memref<!tpu.dma_semaphore, #tpu.memory_space<semaphore_mem>>) src(%dma_wait3A_164 : memref<8x128xf32, #tpu.memory_space<vmem>>) dst(%dma_wait3A_161 : memref<8x128xf32, #tpu.memory_space<hbm>>)
    %dma_wait3A_165 = arith.constant 7 : i32
    %dma_wait3A_166 = arith.constant 56 : i32
    %dma_wait3A_167 = arith.constant 0 : i32
    %dma_wait3A_168 = tpu.memref_slice %arg10[%dma_wait3A_166, %dma_wait3A_167] : memref<64x129xf32, #tpu.memory_space<vmem>> -> memref<8x128xf32, #tpu.memory_space<vmem>>
    %dma_wait3A_169 = arith.constant 0 : i32
    %dma_wait3A_170 = arith.constant 0 : i32
    %dma_wait3A_171 = tpu.memref_slice %arg4[%select_n3A, %dma_wait3A_165, %rem3A_60, %dma_wait3A_169, %dma_wait3A_170] : memref<200x8x32x8x128xf32, #tpu.memory_space<hbm>> -> memref<1x1x1x8x128xf32, #tpu.memory_space<hbm>>
    %dma_wait3A_172 = tpu.memref_squeeze %dma_wait3A_171 : memref<1x1x1x8x128xf32, #tpu.memory_space<hbm>> -> memref<8x128xf32, #tpu.memory_space<hbm>>
    %dma_wait3A_173 = arith.constant 0 : i32
    %dma_wait3A_174 = arith.constant 0 : i32
    %dma_wait3A_175 = tpu.memref_slice %arg4[%select_n3A, %dma_wait3A_165, %rem3A_60, %dma_wait3A_173, %dma_wait3A_174] : memref<200x8x32x8x128xf32, #tpu.memory_space<hbm>> -> memref<1x1x1x8x128xf32, #tpu.memory_space<hbm>>
    %dma_wait3A_176 = tpu.memref_squeeze %dma_wait3A_175 : memref<1x1x1x8x128xf32, #tpu.memory_space<hbm>> -> memref<8x128xf32, #tpu.memory_space<hbm>>
    %dma_wait3A_177 = arith.constant 56 : i32
    %dma_wait3A_178 = arith.constant 0 : i32
    %dma_wait3A_179 = tpu.memref_slice %arg10[%dma_wait3A_177, %dma_wait3A_178] : memref<64x129xf32, #tpu.memory_space<vmem>> -> memref<8x128xf32, #tpu.memory_space<vmem>>
    tpu.wait_dma2 semaphore(%arg16 : memref<!tpu.dma_semaphore, #tpu.memory_space<semaphore_mem>>) src(%dma_wait3A_179 : memref<8x128xf32, #tpu.memory_space<vmem>>) dst(%dma_wait3A_176 : memref<8x128xf32, #tpu.memory_space<hbm>>)
    %mul3A_180 = arith.constant 200 : i32
    %mul3A_181 = arith.muli %add3A, %mul3A_180 : i32
    %add3A_182 = arith.constant 199 : i32
    %add3A_183 = arith.addi %mul3A_181, %add3A_182 : i32
    %jit3A_184 = arith.constant 32 : i32
    %div3A_185 = arith.divsi %add3A_183, %jit3A_184 : i32
    %sign3A_186 = arith.constant 0 : i32
    %sign3A_187 = arith.cmpi sgt, %add3A_183, %sign3A_186 : i32
    %sign3A_188 = arith.extui %sign3A_187 : i1 to i32
    %sign3A_189 = arith.constant 0 : i32
    %sign3A_190 = arith.cmpi slt, %add3A_183, %sign3A_189 : i32
    %sign3A_191 = arith.extui %sign3A_190 : i1 to i32
    %sign3A_192 = arith.subi %sign3A_188, %sign3A_191 : i32
    %sign3A_193 = arith.constant 0 : i32
    %sign3A_194 = arith.cmpi sgt, %jit3A_184, %sign3A_193 : i32
    %sign3A_195 = arith.extui %sign3A_194 : i1 to i32
    %sign3A_196 = arith.constant 0 : i32
    %sign3A_197 = arith.cmpi slt, %jit3A_184, %sign3A_196 : i32
    %sign3A_198 = arith.extui %sign3A_197 : i1 to i32
    %sign3A_199 = arith.subi %sign3A_195, %sign3A_198 : i32
    %ne3A_200 = arith.cmpi ne, %sign3A_192, %sign3A_199 : i32
    %rem3A_201 = arith.remsi %add3A_183, %jit3A_184 : i32
    %ne3A_202 = arith.constant 0 : i32
    %ne3A_203 = arith.cmpi ne, %rem3A_201, %ne3A_202 : i32
    %and3A_204 = arith.andi %ne3A_200, %ne3A_203 : i1
    %sub3A_205 = arith.constant 1 : i32
    %sub3A_206 = arith.subi %div3A_185, %sub3A_205 : i32
    %select_n3A_207 = arith.select %and3A_204, %sub3A_206, %div3A_185 : i32
    %rem3A_208 = arith.constant 32 : i32
    %rem3A_209 = arith.remsi %add3A_183, %rem3A_208 : i32
    %dma_wait3A_210 = arith.constant 0 : i32
    %dma_wait3A_211 = arith.constant 0 : i32
    %dma_wait3A_212 = arith.constant 0 : i32
    %dma_wait3A_213 = tpu.memref_slice %arg11[%dma_wait3A_211, %dma_wait3A_212] : memref<64x129xf32, #tpu.memory_space<vmem>> -> memref<8x128xf32, #tpu.memory_space<vmem>>
    %dma_wait3A_214 = arith.constant 0 : i32
    %dma_wait3A_215 = arith.constant 0 : i32
    %dma_wait3A_216 = tpu.memref_slice %arg4[%select_n3A_207, %dma_wait3A_210, %rem3A_209, %dma_wait3A_214, %dma_wait3A_215] : memref<200x8x32x8x128xf32, #tpu.memory_space<hbm>> -> memref<1x1x1x8x128xf32, #tpu.memory_space<hbm>>
    %dma_wait3A_217 = tpu.memref_squeeze %dma_wait3A_216 : memref<1x1x1x8x128xf32, #tpu.memory_space<hbm>> -> memref<8x128xf32, #tpu.memory_space<hbm>>
    %dma_wait3A_218 = arith.constant 0 : i32
    %dma_wait3A_219 = arith.constant 0 : i32
    %dma_wait3A_220 = tpu.memref_slice %arg4[%select_n3A_207, %dma_wait3A_210, %rem3A_209, %dma_wait3A_218, %dma_wait3A_219] : memref<200x8x32x8x128xf32, #tpu.memory_space<hbm>> -> memref<1x1x1x8x128xf32, #tpu.memory_space<hbm>>
    %dma_wait3A_221 = tpu.memref_squeeze %dma_wait3A_220 : memref<1x1x1x8x128xf32, #tpu.memory_space<hbm>> -> memref<8x128xf32, #tpu.memory_space<hbm>>
    %dma_wait3A_222 = arith.constant 0 : i32
    %dma_wait3A_223 = arith.constant 0 : i32
    %dma_wait3A_224 = tpu.memref_slice %arg11[%dma_wait3A_222, %dma_wait3A_223] : memref<64x129xf32, #tpu.memory_space<vmem>> -> memref<8x128xf32, #tpu.memory_space<vmem>>
    tpu.wait_dma2 semaphore(%arg17 : memref<!tpu.dma_semaphore, #tpu.memory_space<semaphore_mem>>) src(%dma_wait3A_224 : memref<8x128xf32, #tpu.memory_space<vmem>>) dst(%dma_wait3A_221 : memref<8x128xf32, #tpu.memory_space<hbm>>)
    %dma_wait3A_225 = arith.constant 1 : i32
    %dma_wait3A_226 = arith.constant 8 : i32
    %dma_wait3A_227 = arith.constant 0 : i32
    %dma_wait3A_228 = tpu.memref_slice %arg11[%dma_wait3A_226, %dma_wait3A_227] : memref<64x129xf32, #tpu.memory_space<vmem>> -> memref<8x128xf32, #tpu.memory_space<vmem>>
    %dma_wait3A_229 = arith.constant 0 : i32
    %dma_wait3A_230 = arith.constant 0 : i32
    %dma_wait3A_231 = tpu.memref_slice %arg4[%select_n3A_207, %dma_wait3A_225, %rem3A_209, %dma_wait3A_229, %dma_wait3A_230] : memref<200x8x32x8x128xf32, #tpu.memory_space<hbm>> -> memref<1x1x1x8x128xf32, #tpu.memory_space<hbm>>
    %dma_wait3A_232 = tpu.memref_squeeze %dma_wait3A_231 : memref<1x1x1x8x128xf32, #tpu.memory_space<hbm>> -> memref<8x128xf32, #tpu.memory_space<hbm>>
    %dma_wait3A_233 = arith.constant 0 : i32
    %dma_wait3A_234 = arith.constant 0 : i32
    %dma_wait3A_235 = tpu.memref_slice %arg4[%select_n3A_207, %dma_wait3A_225, %rem3A_209, %dma_wait3A_233, %dma_wait3A_234] : memref<200x8x32x8x128xf32, #tpu.memory_space<hbm>> -> memref<1x1x1x8x128xf32, #tpu.memory_space<hbm>>
    %dma_wait3A_236 = tpu.memref_squeeze %dma_wait3A_235 : memref<1x1x1x8x128xf32, #tpu.memory_space<hbm>> -> memref<8x128xf32, #tpu.memory_space<hbm>>
    %dma_wait3A_237 = arith.constant 8 : i32
    %dma_wait3A_238 = arith.constant 0 : i32
    %dma_wait3A_239 = tpu.memref_slice %arg11[%dma_wait3A_237, %dma_wait3A_238] : memref<64x129xf32, #tpu.memory_space<vmem>> -> memref<8x128xf32, #tpu.memory_space<vmem>>
    tpu.wait_dma2 semaphore(%arg17 : memref<!tpu.dma_semaphore, #tpu.memory_space<semaphore_mem>>) src(%dma_wait3A_239 : memref<8x128xf32, #tpu.memory_space<vmem>>) dst(%dma_wait3A_236 : memref<8x128xf32, #tpu.memory_space<hbm>>)
    %dma_wait3A_240 = arith.constant 2 : i32
    %dma_wait3A_241 = arith.constant 16 : i32
    %dma_wait3A_242 = arith.constant 0 : i32
    %dma_wait3A_243 = tpu.memref_slice %arg11[%dma_wait3A_241, %dma_wait3A_242] : memref<64x129xf32, #tpu.memory_space<vmem>> -> memref<8x128xf32, #tpu.memory_space<vmem>>
    %dma_wait3A_244 = arith.constant 0 : i32
    %dma_wait3A_245 = arith.constant 0 : i32
    %dma_wait3A_246 = tpu.memref_slice %arg4[%select_n3A_207, %dma_wait3A_240, %rem3A_209, %dma_wait3A_244, %dma_wait3A_245] : memref<200x8x32x8x128xf32, #tpu.memory_space<hbm>> -> memref<1x1x1x8x128xf32, #tpu.memory_space<hbm>>
    %dma_wait3A_247 = tpu.memref_squeeze %dma_wait3A_246 : memref<1x1x1x8x128xf32, #tpu.memory_space<hbm>> -> memref<8x128xf32, #tpu.memory_space<hbm>>
    %dma_wait3A_248 = arith.constant 0 : i32
    %dma_wait3A_249 = arith.constant 0 : i32
    %dma_wait3A_250 = tpu.memref_slice %arg4[%select_n3A_207, %dma_wait3A_240, %rem3A_209, %dma_wait3A_248, %dma_wait3A_249] : memref<200x8x32x8x128xf32, #tpu.memory_space<hbm>> -> memref<1x1x1x8x128xf32, #tpu.memory_space<hbm>>
    %dma_wait3A_251 = tpu.memref_squeeze %dma_wait3A_250 : memref<1x1x1x8x128xf32, #tpu.memory_space<hbm>> -> memref<8x128xf32, #tpu.memory_space<hbm>>
    %dma_wait3A_252 = arith.constant 16 : i32
    %dma_wait3A_253 = arith.constant 0 : i32
    %dma_wait3A_254 = tpu.memref_slice %arg11[%dma_wait3A_252, %dma_wait3A_253] : memref<64x129xf32, #tpu.memory_space<vmem>> -> memref<8x128xf32, #tpu.memory_space<vmem>>
    tpu.wait_dma2 semaphore(%arg17 : memref<!tpu.dma_semaphore, #tpu.memory_space<semaphore_mem>>) src(%dma_wait3A_254 : memref<8x128xf32, #tpu.memory_space<vmem>>) dst(%dma_wait3A_251 : memref<8x128xf32, #tpu.memory_space<hbm>>)
    %dma_wait3A_255 = arith.constant 3 : i32
    %dma_wait3A_256 = arith.constant 24 : i32
    %dma_wait3A_257 = arith.constant 0 : i32
    %dma_wait3A_258 = tpu.memref_slice %arg11[%dma_wait3A_256, %dma_wait3A_257] : memref<64x129xf32, #tpu.memory_space<vmem>> -> memref<8x128xf32, #tpu.memory_space<vmem>>
    %dma_wait3A_259 = arith.constant 0 : i32
    %dma_wait3A_260 = arith.constant 0 : i32
    %dma_wait3A_261 = tpu.memref_slice %arg4[%select_n3A_207, %dma_wait3A_255, %rem3A_209, %dma_wait3A_259, %dma_wait3A_260] : memref<200x8x32x8x128xf32, #tpu.memory_space<hbm>> -> memref<1x1x1x8x128xf32, #tpu.memory_space<hbm>>
    %dma_wait3A_262 = tpu.memref_squeeze %dma_wait3A_261 : memref<1x1x1x8x128xf32, #tpu.memory_space<hbm>> -> memref<8x128xf32, #tpu.memory_space<hbm>>
    %dma_wait3A_263 = arith.constant 0 : i32
    %dma_wait3A_264 = arith.constant 0 : i32
    %dma_wait3A_265 = tpu.memref_slice %arg4[%select_n3A_207, %dma_wait3A_255, %rem3A_209, %dma_wait3A_263, %dma_wait3A_264] : memref<200x8x32x8x128xf32, #tpu.memory_space<hbm>> -> memref<1x1x1x8x128xf32, #tpu.memory_space<hbm>>
    %dma_wait3A_266 = tpu.memref_squeeze %dma_wait3A_265 : memref<1x1x1x8x128xf32, #tpu.memory_space<hbm>> -> memref<8x128xf32, #tpu.memory_space<hbm>>
    %dma_wait3A_267 = arith.constant 24 : i32
    %dma_wait3A_268 = arith.constant 0 : i32
    %dma_wait3A_269 = tpu.memref_slice %arg11[%dma_wait3A_267, %dma_wait3A_268] : memref<64x129xf32, #tpu.memory_space<vmem>> -> memref<8x128xf32, #tpu.memory_space<vmem>>
    tpu.wait_dma2 semaphore(%arg17 : memref<!tpu.dma_semaphore, #tpu.memory_space<semaphore_mem>>) src(%dma_wait3A_269 : memref<8x128xf32, #tpu.memory_space<vmem>>) dst(%dma_wait3A_266 : memref<8x128xf32, #tpu.memory_space<hbm>>)
    %dma_wait3A_270 = arith.constant 4 : i32
    %dma_wait3A_271 = arith.constant 32 : i32
    %dma_wait3A_272 = arith.constant 0 : i32
    %dma_wait3A_273 = tpu.memref_slice %arg11[%dma_wait3A_271, %dma_wait3A_272] : memref<64x129xf32, #tpu.memory_space<vmem>> -> memref<8x128xf32, #tpu.memory_space<vmem>>
    %dma_wait3A_274 = arith.constant 0 : i32
    %dma_wait3A_275 = arith.constant 0 : i32
    %dma_wait3A_276 = tpu.memref_slice %arg4[%select_n3A_207, %dma_wait3A_270, %rem3A_209, %dma_wait3A_274, %dma_wait3A_275] : memref<200x8x32x8x128xf32, #tpu.memory_space<hbm>> -> memref<1x1x1x8x128xf32, #tpu.memory_space<hbm>>
    %dma_wait3A_277 = tpu.memref_squeeze %dma_wait3A_276 : memref<1x1x1x8x128xf32, #tpu.memory_space<hbm>> -> memref<8x128xf32, #tpu.memory_space<hbm>>
    %dma_wait3A_278 = arith.constant 0 : i32
    %dma_wait3A_279 = arith.constant 0 : i32
    %dma_wait3A_280 = tpu.memref_slice %arg4[%select_n3A_207, %dma_wait3A_270, %rem3A_209, %dma_wait3A_278, %dma_wait3A_279] : memref<200x8x32x8x128xf32, #tpu.memory_space<hbm>> -> memref<1x1x1x8x128xf32, #tpu.memory_space<hbm>>
    %dma_wait3A_281 = tpu.memref_squeeze %dma_wait3A_280 : memref<1x1x1x8x128xf32, #tpu.memory_space<hbm>> -> memref<8x128xf32, #tpu.memory_space<hbm>>
    %dma_wait3A_282 = arith.constant 32 : i32
    %dma_wait3A_283 = arith.constant 0 : i32
    %dma_wait3A_284 = tpu.memref_slice %arg11[%dma_wait3A_282, %dma_wait3A_283] : memref<64x129xf32, #tpu.memory_space<vmem>> -> memref<8x128xf32, #tpu.memory_space<vmem>>
    tpu.wait_dma2 semaphore(%arg17 : memref<!tpu.dma_semaphore, #tpu.memory_space<semaphore_mem>>) src(%dma_wait3A_284 : memref<8x128xf32, #tpu.memory_space<vmem>>) dst(%dma_wait3A_281 : memref<8x128xf32, #tpu.memory_space<hbm>>)
    %dma_wait3A_285 = arith.constant 5 : i32
    %dma_wait3A_286 = arith.constant 40 : i32
    %dma_wait3A_287 = arith.constant 0 : i32
    %dma_wait3A_288 = tpu.memref_slice %arg11[%dma_wait3A_286, %dma_wait3A_287] : memref<64x129xf32, #tpu.memory_space<vmem>> -> memref<8x128xf32, #tpu.memory_space<vmem>>
    %dma_wait3A_289 = arith.constant 0 : i32
    %dma_wait3A_290 = arith.constant 0 : i32
    %dma_wait3A_291 = tpu.memref_slice %arg4[%select_n3A_207, %dma_wait3A_285, %rem3A_209, %dma_wait3A_289, %dma_wait3A_290] : memref<200x8x32x8x128xf32, #tpu.memory_space<hbm>> -> memref<1x1x1x8x128xf32, #tpu.memory_space<hbm>>
    %dma_wait3A_292 = tpu.memref_squeeze %dma_wait3A_291 : memref<1x1x1x8x128xf32, #tpu.memory_space<hbm>> -> memref<8x128xf32, #tpu.memory_space<hbm>>
    %dma_wait3A_293 = arith.constant 0 : i32
    %dma_wait3A_294 = arith.constant 0 : i32
    %dma_wait3A_295 = tpu.memref_slice %arg4[%select_n3A_207, %dma_wait3A_285, %rem3A_209, %dma_wait3A_293, %dma_wait3A_294] : memref<200x8x32x8x128xf32, #tpu.memory_space<hbm>> -> memref<1x1x1x8x128xf32, #tpu.memory_space<hbm>>
    %dma_wait3A_296 = tpu.memref_squeeze %dma_wait3A_295 : memref<1x1x1x8x128xf32, #tpu.memory_space<hbm>> -> memref<8x128xf32, #tpu.memory_space<hbm>>
    %dma_wait3A_297 = arith.constant 40 : i32
    %dma_wait3A_298 = arith.constant 0 : i32
    %dma_wait3A_299 = tpu.memref_slice %arg11[%dma_wait3A_297, %dma_wait3A_298] : memref<64x129xf32, #tpu.memory_space<vmem>> -> memref<8x128xf32, #tpu.memory_space<vmem>>
    tpu.wait_dma2 semaphore(%arg17 : memref<!tpu.dma_semaphore, #tpu.memory_space<semaphore_mem>>) src(%dma_wait3A_299 : memref<8x128xf32, #tpu.memory_space<vmem>>) dst(%dma_wait3A_296 : memref<8x128xf32, #tpu.memory_space<hbm>>)
    %dma_wait3A_300 = arith.constant 6 : i32
    %dma_wait3A_301 = arith.constant 48 : i32
    %dma_wait3A_302 = arith.constant 0 : i32
    %dma_wait3A_303 = tpu.memref_slice %arg11[%dma_wait3A_301, %dma_wait3A_302] : memref<64x129xf32, #tpu.memory_space<vmem>> -> memref<8x128xf32, #tpu.memory_space<vmem>>
    %dma_wait3A_304 = arith.constant 0 : i32
    %dma_wait3A_305 = arith.constant 0 : i32
    %dma_wait3A_306 = tpu.memref_slice %arg4[%select_n3A_207, %dma_wait3A_300, %rem3A_209, %dma_wait3A_304, %dma_wait3A_305] : memref<200x8x32x8x128xf32, #tpu.memory_space<hbm>> -> memref<1x1x1x8x128xf32, #tpu.memory_space<hbm>>
    %dma_wait3A_307 = tpu.memref_squeeze %dma_wait3A_306 : memref<1x1x1x8x128xf32, #tpu.memory_space<hbm>> -> memref<8x128xf32, #tpu.memory_space<hbm>>
    %dma_wait3A_308 = arith.constant 0 : i32
    %dma_wait3A_309 = arith.constant 0 : i32
    %dma_wait3A_310 = tpu.memref_slice %arg4[%select_n3A_207, %dma_wait3A_300, %rem3A_209, %dma_wait3A_308, %dma_wait3A_309] : memref<200x8x32x8x128xf32, #tpu.memory_space<hbm>> -> memref<1x1x1x8x128xf32, #tpu.memory_space<hbm>>
    %dma_wait3A_311 = tpu.memref_squeeze %dma_wait3A_310 : memref<1x1x1x8x128xf32, #tpu.memory_space<hbm>> -> memref<8x128xf32, #tpu.memory_space<hbm>>
    %dma_wait3A_312 = arith.constant 48 : i32
    %dma_wait3A_313 = arith.constant 0 : i32
    %dma_wait3A_314 = tpu.memref_slice %arg11[%dma_wait3A_312, %dma_wait3A_313] : memref<64x129xf32, #tpu.memory_space<vmem>> -> memref<8x128xf32, #tpu.memory_space<vmem>>
    tpu.wait_dma2 semaphore(%arg17 : memref<!tpu.dma_semaphore, #tpu.memory_space<semaphore_mem>>) src(%dma_wait3A_314 : memref<8x128xf32, #tpu.memory_space<vmem>>) dst(%dma_wait3A_311 : memref<8x128xf32, #tpu.memory_space<hbm>>)
    %dma_wait3A_315 = arith.constant 7 : i32
    %dma_wait3A_316 = arith.constant 56 : i32
    %dma_wait3A_317 = arith.constant 0 : i32
    %dma_wait3A_318 = tpu.memref_slice %arg11[%dma_wait3A_316, %dma_wait3A_317] : memref<64x129xf32, #tpu.memory_space<vmem>> -> memref<8x128xf32, #tpu.memory_space<vmem>>
    %dma_wait3A_319 = arith.constant 0 : i32
    %dma_wait3A_320 = arith.constant 0 : i32
    %dma_wait3A_321 = tpu.memref_slice %arg4[%select_n3A_207, %dma_wait3A_315, %rem3A_209, %dma_wait3A_319, %dma_wait3A_320] : memref<200x8x32x8x128xf32, #tpu.memory_space<hbm>> -> memref<1x1x1x8x128xf32, #tpu.memory_space<hbm>>
    %dma_wait3A_322 = tpu.memref_squeeze %dma_wait3A_321 : memref<1x1x1x8x128xf32, #tpu.memory_space<hbm>> -> memref<8x128xf32, #tpu.memory_space<hbm>>
    %dma_wait3A_323 = arith.constant 0 : i32
    %dma_wait3A_324 = arith.constant 0 : i32
    %dma_wait3A_325 = tpu.memref_slice %arg4[%select_n3A_207, %dma_wait3A_315, %rem3A_209, %dma_wait3A_323, %dma_wait3A_324] : memref<200x8x32x8x128xf32, #tpu.memory_space<hbm>> -> memref<1x1x1x8x128xf32, #tpu.memory_space<hbm>>
    %dma_wait3A_326 = tpu.memref_squeeze %dma_wait3A_325 : memref<1x1x1x8x128xf32, #tpu.memory_space<hbm>> -> memref<8x128xf32, #tpu.memory_space<hbm>>
    %dma_wait3A_327 = arith.constant 56 : i32
    %dma_wait3A_328 = arith.constant 0 : i32
    %dma_wait3A_329 = tpu.memref_slice %arg11[%dma_wait3A_327, %dma_wait3A_328] : memref<64x129xf32, #tpu.memory_space<vmem>> -> memref<8x128xf32, #tpu.memory_space<vmem>>
    tpu.wait_dma2 semaphore(%arg17 : memref<!tpu.dma_semaphore, #tpu.memory_space<semaphore_mem>>) src(%dma_wait3A_329 : memref<8x128xf32, #tpu.memory_space<vmem>>) dst(%dma_wait3A_326 : memref<8x128xf32, #tpu.memory_space<hbm>>)
    return
  }
}

</mosaic_0001>

<sc_bundles>
// kernel: kernel.3.cloned.1.call-start
scs
__scs_entry_jumppad:
0x0: {  	(pc) =	sbr.rel $0x88, $3  }
0x1: {  	(tag) =	ssettag $0x0;
	lr =	simm.s32 $0x1  }
0x2: {  	[smem:$0x3F9F] =	sst lr;
	_ =	strace $0xD0000000  }
0x3: {  	_ = 	snop  }
0x4: {  	_ = 	snop  }
0x5: {  	_ = 	snop  }
0x6: {  	_ = 	snop  }
0x7: {  	_ = 	snop  }
__scs_overlays_trampoline_lowered:
0x8: {  	[smem:$0x3FAE] =	sst s0  }
0x9: {  	[smem:$0x3FAF] =	sst s1  }
0xa: {  	[smem:$0x3FB0] =	sst s2  }
0xb: {  	[smem:$0x3FB1] =	sst s3  }
0xc: {  	[smem:$0x3FB2] =	sst s4  }
0xd: {  	[smem:$0x3FB3] =	sst s5  }
0xe: {  	[smem:$0x3FB4] =	sst s6  }
0xf: {  	[smem:$0x3FB5] =	sst s7  }
0x10: {  	[smem:$0x3FB6] =	sst s8  }
0x11: {  	[smem:$0x3FB7] =	sst s9;
	s0 =	simm.s32 @!p0 $0x0  }
0x12: {  	s1 =	sld [smem:$0x3F9D];
	s0 =	simm.s32 @p0 $0x1  }
0x13: {  	[smem:$0x3FB8] =	sst s0;
	s0 =	simm.s32 @!p1 $0x0  }
0x14: {  	s2 =	sld [smem:$0x3F9C];
	s0 =	simm.s32 @p1 $0x1  }
0x15: {  	[smem:$0x3FB9] =	sst s0;
	s0 =	simm.s32 @!p2 $0x0  }
0x16: {  	s3 =	sld [smem:$0x3FDB];
	s0 =	simm.s32 @p2 $0x1  }
0x17: {  	s4 =	simm.s32 $0x1BF5;
	[smem:$0x3FBB] =	sst s0  }
0x18: {  	s0 =	sld [smem:$0x3F9E];
	_ =	swait.ge [sflag:s4], $0x0  }
0x19: {  	s7 =	sld [smem:$0x3F9F]  }
0x1a: {  	s8 =	sadd.s32 $0xFFFFE003, lr  }
0x1b: {  	s9 =	sadd.s32 $0xFFFFFEF7, lr;
	s5 =	simm.s32 $0xFFFFFFFF;
	p2 =	slt.u32 s8, $0xFFFFF086  }
0x1c: {  	p1 =	slt.u32 s9, $0xF7A;
	s5 =	simm.s32 @!p2 $0x0  }
0x1d: {  	s5 =	simm.s32 @p1 $0x1;
	p0 =	seq.s32 s7, s2  }
0x1e: {  	s7 =	smul.u32 @!p0 $0xF7A, s2;
	p2 =	seq.s32 @!p0 s5, $0x0  }
0x1f: {  	s9 =	smul.u32 $0xF7A, s1;
	s8 =	simm.s32 @!p0 $0x1BF5;
	p2 =	por !p2, p0  }
0x20: {  	[sflag:s8] =	ssyncset.s32 @!p0 $0xFFFFF086;
	s6 =	sadd.s32 @!p0 s3, s7;
	s7 =	simm.s32 @!p0 $0x108  }
0x21: {  	s3 =	sadd.s32 s3, s9;
	s6 =	sadd.s32 @!p0 $0x88, s6;
	s7 =	simm.s32 @p2 $0x1082  }
0x22: {  	[simem:s7], [sflag:s8] =	dma.local @!p0 [hbm:s6], $0xF7A  }
0x23: {  	s9 =	sor.u32 $0xD0000000, s2;
	s6 =	simm.s32 $0x108;
	_ =	swait.ge @!p0 [sflag:s8], $0x0  }
0x24: {  	s3 =	sadd.s32 $0x88, s3;
	s6 =	simm.s32 @!p1 $0x1082;
	[sflag:s4] =	ssyncset.s32 $0xFFFFF086  }
0x25: {  	[simem:s6], [sflag:s4] =	dma.local [hbm:s3], $0xF7A  }
0x26: {  	[smem:$0x3F9F] =	sst s1;
	(tag) =	ssettag s2;
	_ =	strace s9  }
0x27: {  	s1 =	sld [smem:$0x3FAF]  }
0x28: {  	s2 =	sld [smem:$0x3FB0]  }
0x29: {  	s4 =	sld [smem:$0x3FB2]  }
0x2a: {  	p0 =	seq.s32 s5, $0x0;
	s5 =	sld [smem:$0x3FB3]  }
0x2b: {  	s6 =	sld [smem:$0x3FB4]  }
0x2c: {  	s7 =	sld [smem:$0x3FB5]  }
0x2d: {  	s3 =	simm.s32 $0x108;
	s8 =	sld [smem:$0x3FB6]  }
0x2e: {  	s3 =	simm.s32 @!p0 $0x1082;
	s9 =	sld [smem:$0x3FB7]  }
0x2f: {  	lr =	sadd.s32 s0, s3;
	s0 =	sld [smem:$0x3FAE]  }
0x30: {  	s3 =	sld [smem:$0x3FB1]  }
0x31: {  	[smem:$0x3FBA] =	sst s10  }
0x32: {  	s10 =	sld [smem:$0x3FB8];
	_ =	sdelay $0x3  }
0x33: {  	p0 =	seq.s32 s10, $0x1;
	s10 =	sld [smem:$0x3FBA];
	_ =	sdelay $0x3  }
0x34: {  	[smem:$0x3FBA] =	sst s10  }
0x35: {  	s10 =	sld [smem:$0x3FB9];
	_ =	sdelay $0x3  }
0x36: {  	p1 =	seq.s32 s10, $0x1;
	s10 =	sld [smem:$0x3FBA];
	_ =	sdelay $0x3  }
0x37: {  	[smem:$0x3FBA] =	sst s10  }
0x38: {  	s10 =	sld [smem:$0x3FBB]  }
0x39: {  	_ = 	snop;
	(pc) =	sbr.ind lr, $3  }
0x3a: {  	_ = 	snop  }
0x3b: {  	_ = 	snop  }
0x3c: {  	p2 =	seq.s32 s10, $0x1;
	s10 =	sld [smem:$0x3FBA]  }
0x3d: {  	_ =	shalt  }
0x3e: {  	_ =	shalt  }
0x3f: {  	_ =	shalt  }
0x40: {  	_ =	shalt  }
0x41: {  	_ =	shalt  }
0x42: {  	_ =	shalt  }
0x43: {  	_ =	shalt  }
0x44: {  	_ =	shalt  }
0x45: {  	_ =	shalt  }
0x46: {  	_ =	shalt  }
0x47: {  	_ =	shalt  }
0x48: {  	_ =	shalt  }
0x49: {  	_ =	shalt  }
0x4a: {  	_ =	shalt  }
0x4b: {  	_ =	shalt  }
0x4c: {  	_ =	shalt  }
0x4d: {  	_ =	shalt  }
0x4e: {  	_ =	shalt  }
0x4f: {  	_ =	shalt  }
0x50: {  	_ =	shalt  }
0x51: {  	_ =	shalt  }
0x52: {  	_ =	shalt  }
0x53: {  	_ =	shalt  }
0x54: {  	_ =	shalt  }
0x55: {  	_ =	shalt  }
0x56: {  	_ =	shalt  }
0x57: {  	_ =	shalt  }
0x58: {  	_ =	shalt  }
0x59: {  	_ =	shalt  }
0x5a: {  	_ =	shalt  }
0x5b: {  	_ =	shalt  }
0x5c: {  	_ =	shalt  }
0x5d: {  	_ =	shalt  }
0x5e: {  	_ =	shalt  }
0x5f: {  	_ =	shalt  }
0x60: {  	_ =	shalt  }
0x61: {  	_ =	shalt  }
0x62: {  	_ =	shalt  }
0x63: {  	_ =	shalt  }
0x64: {  	_ =	shalt  }
0x65: {  	_ =	shalt  }
0x66: {  	_ =	shalt  }
0x67: {  	_ =	shalt  }
0x68: {  	_ =	shalt  }
0x69: {  	_ =	shalt  }
0x6a: {  	_ =	shalt  }
0x6b: {  	_ =	shalt  }
0x6c: {  	_ =	shalt  }
0x6d: {  	_ =	shalt  }
0x6e: {  	_ =	shalt  }
0x6f: {  	_ =	shalt  }
0x70: {  	_ =	shalt  }
0x71: {  	_ =	shalt  }
0x72: {  	_ =	shalt  }
0x73: {  	_ =	shalt  }
0x74: {  	_ =	shalt  }
0x75: {  	_ =	shalt  }
0x76: {  	_ =	shalt  }
0x77: {  	_ =	shalt  }
0x78: {  	_ =	shalt  }
0x79: {  	_ =	shalt  }
0x7a: {  	_ =	shalt  }
0x7b: {  	_ =	shalt  }
0x7c: {  	_ =	shalt  }
0x7d: {  	_ =	shalt  }
0x7e: {  	_ =	shalt  }
0x7f: {  	_ =	shalt  }
0x80: {  	_ =	shalt  }
0x81: {  	_ =	shalt  }
0x82: {  	_ =	shalt  }
0x83: {  	_ =	shalt  }
0x84: {  	_ =	shalt  }
0x85: {  	_ =	shalt  }
0x86: {  	_ =	shalt  }
0x87: {  	_ =	shalt  }
.Lfunc_end0:
.L_simem_size_0:
called_computation_lowered:
.L_overlay_start_0:
0x88: {  	s2 =	sld [smem:$0x3FD9]  }
0x89: {  	s3 =	sld [smem:$0x3FFE];
	_ =	sdelay $0x1  }
0x8a: {  	s1 =	srdreg.scid  }
0x8b: {  	s0 =	sand.u32 $0x1, s1  }
0x8c: {  	s17 =	sshll.u32 s0, $0xA;
	s2 =	sadd.s32 s3, s2  }
0x8d: {  	s2 =	sadd.s32 s2, s17  }
0x8e: {  	[smem:$0x3FC6] =	sst s2  }
0x8f: {  	_ = 	snop  }
0x90: {  	s2 =	sld [smem:$0x3FD0];
	(tm) =	ssettm $0x1  }
0x91: {  	s18 =	sld [smem:$0x3FFB];
	_ =	sdelay $0x3  }
0x92: {  	_ =	strace s18  }
0x93: {  	s3 =	sld [smem:$0x3FFC];
	_ =	sdelay $0x3  }
0x94: {  	_ =	strace s3  }
0x95: {  	s3 =	sld [smem:$0x3FFD];
	_ =	sdelay $0x3  }
0x96: {  	_ =	strace s3  }
0x97: {  	_ =	strace $0x8FFFFFFF  }
0x98: {  	s19 =	sld [smem:$0x3FDB];
	_ =	sdelay $0x1  }
0x99: {  	s4 =	simm.s32 $_scs_section_size  }
0x9a: {  	s5 =	simm.s32 $_size__tile_overlayer_lowered;
	s6 =	simm.s32 $_tile_overlayer_lowered  }
0x9b: {  	s22 =	simm.s32 $0x1BFF;
	s21 =	sshll.u32 s6, $0x1;
	s3 =	sadd.s32 s4, s19  }
0x9c: {  	s7 =	simm.s32 $0x0;
	s20 =	sshll.u32 s5, $0x1;
	s5 =	sadd.s32 s21, s3  }
0x9d: {  	[timem:s7], [sflag:s22] =	dma.local [hbm:s5], s20  }
0x9e: {  	_ =	swait.ge [sflag:s22], s20  }
0x9f: {  	s4 =	ssub.s32 $0x0, s20;
	[sflag:s22] =	ssyncset.done $0x0  }
0xa0: {  	[sflag:s22] =	ssyncadd.s32 s4;
	_ =	sdelay $0x1  }
0xa1: {  	s23 =	simm.s32 $0x1B8B  }
0xa2: {  	_ =	swait.ge [sflag:s23], $0x1  }
0xa3: {  	[sflag:s23] =	ssyncset.done $0x0  }
0xa4: {  	s25 =	simm.s32 $0x1B8E;
	s24 =	sld [smem:$0x3FFE];
	[sflag:s23] =	ssyncadd.s32 $0xFFFFFFFF  }
0xa5: {  	s26 =	simm.s32 $execute0_lowered;
	[smem:$0x3FD2] =	sst s25  }
0xa6: {  	s5 =	sshll.u32 s26, $0x1;
	_ =	strace $0x80000046;
	[dreg:$0x1] =	wrdreg $0xFFFFFFFF  }
0xa7: {  	s28 =	simm.s32 $_size_execute0_lowered;
	s3 =	sadd.s32 s3, s5;
	[dreg:$0x0] =	wrdreg $0x0  }
0xa8: {  	s5 =	sshll.u32 s28, $0x1;
	[dreg:$0x2] =	wrdreg s3  }
0xa9: {  	[dreg:$0x3] =	wrdreg s5  }
0xaa: {  	[dreg:$0x4] =	wrdreg $0xC0  }
0xab: {  	_ =	task [dreg:s7], $0x5FFFF  }
0xac: {  	[dreg:$0x1] =	wrdreg $0xFFFFFFFF  }
0xad: {  	[dreg:$0x0] =	wrdreg $0x60  }
0xae: {  	[dreg:$0x2] =	wrdreg s24  }
0xaf: {  	[dreg:$0x3] =	wrdreg s2  }
0xb0: {  	[dreg:$0x4] =	wrdreg $0x9  }
0xb1: {  	_ =	task.clear_ibuf [dreg:s7], $0x5FFFF;
	_ =	strace $0x90000046  }
0xb2: {  	s29 =	simm.s32 $0x9;
	_ =	strace $0x80000048  }
0xb3: {  	_ =	swait.ge [sflag:s29], $0x1  }
0xb4: {  	[sflag:s29] =	ssyncadd.s32 $0xFFFFFFFF  }
0xb5: {  	_ =	strace $0x90000048  }
0xb6: {  	_ =	sfence  }
0xb7: {  	s30 =	sld [smem:$0x0];
	_ =	sdelay $0x2  }
0xb8: {  	s31 =	sshll.u32 s1, $0xD;
	s1 =	sshrl.u32 s1, $0x2  }
0xb9: {  	s3 =	sand.u32 $0x4000, s31;
	s1 =	sadd.s32 s1, s30  }
0xba: {  	s0 =	sor.u32 s3, s0;
	s1 =	sshll.u32 s1, $0x11  }
0xbb: {  	s0 =	sor.u32 s1, s0  }
0xbc: {  	s0 =	sadd.s32 $0x8F2B, s0  }
0xbd: {  	[sflag:s0] =	ssyncadd.remote.s32 $0x1  }
0xbe: {  	_ =	sfence.sel $0xFFFF  }
0xbf: {  	[dreg:$0x0] =	wrdreg $0xFFFFFFFF;
	(pc) =	sbr.abs _section_cstart, $3  }
0xc0: {  	[dreg:$0x1] =	wrdreg $0xFFFFFFFF  }
0xc1: {  	_ =	task.clear_ibuf [dreg:s7], $0x2FFFF;
	_ =	strace $0x9FFFFFFF  }
0xc2: {  	(tm) =	ssettm $0x7FFFFFFF  }
0xc3: {  	_ =	shalt  }
tec
execute0_lowered:
.L_overlay_start_1:
0x0: {  	(tag) =	ssettag $0x1  }
0x1: {  	s0 =	rddreg [dreg:$0x0]  }
0x2: {  	s1 =	srdreg.scid;
	s3 =	stileid.u32  }
0x3: {  	s2 =	rddreg [dreg:$0x1];
	s28 =	simm.s32 $0xE488;
	s29 =	simm.s32 $0xE510  }
0x4: {  	s30 =	simm.s32 $0xE620;
	s31 =	simm.s32 $0xE730;
	s23 =	simm.s32 $0xEB70  }
0x5: {  	s18 =	simm.s32 $0xED90;
	s17 =	simm.s32 $0xEEA0;
	s21 =	simm.s32 $0xEFB0  }
0x6: {  	s19 =	simm.s32 $0x10600;
	s20 =	simm.s32 $0x5;
	s15 =	simm.s32 $0x0  }
0x7: {  	s1 =	sand.u32 $0x1, s1;
	s4 =	sshll.u32 s3, $0x1;
	s3 =	simm.s32 $0x0  }
0x8: {  	s26 =	sadd.s32 $0x1000, s2;
	s8 =	sadd.s32 $0x2000, s2;
	s9 =	sadd.s32 $0x3000, s2  }
0x9: {  	s10 =	sadd.s32 $0x4000, s2;
	s11 =	sadd.s32 $0x5000, s2;
	s12 =	sadd.s32 $0x6000, s2  }
0xa: {  	s13 =	sadd.s32 $0x7000, s2;
	s5 =	sor.u32 s1, s4;
	[smem:$0x7FF] =	sst s3  }
0xb: {  	s1 =	ssub.s32 $0x2, s1;
	s4 =	smul.u32 $0xC80, s5;
	_ =	strace $0x80000047  }
.Ltmp0:
0xc: {  	s6 =	sshrl.u32 s1, $0x1;
	[dreg:$0x5] =	wrdreg s26;
	(pc) =	sbr.rel .LBB2_1-.Ltmp0, $4  }
0xd: {  	v0 =	vlaneseq.u32;
	s24 =	ssub.s32 s1, s6;
	s6 =	smul.u32 $0xC8, s5;
	s1 =	simm.s32 $0xE950  }
0xe: {  	v0 =	vmul.u32 $0x88, v0;
	s7 =	sadd.s32 s4, s0;
	s4 =	sadd.s32 $0xF42A00, s0;
	s0 =	smax.u32 s24, $0x1  }
0xf: {  	s5 =	simm.s32 $0x6;
	s25 =	sadd.s32 $0x600, s7;
	[dreg:$0x4] =	wrdreg s0  }
0x10: {  	v1 =	vadd.s32 $0x880, v0;
	v2 =	vadd.s32 $0x1100, v0;
	v3 =	vadd.s32 $0x1980, v0;
	s24 =	simm.s32 $0xE400;
	s0 =	simm.s32 $0xEA60;
	[dreg:$0x3] =	wrdreg s25  }
.LBB2_12:
0x11: {  	_ =	swait.ge [sflag:s20], $0x400  }
0x12: {  	[sflag:s20] =	ssyncset.done $0x0  }
0x13: {  	[sflag:s20] =	ssyncadd.s32 $0xFFFFFC00  }
0x14: {  	_ =	swait.ge [sflag:s20], $0x400  }
0x15: {  	[sflag:s20] =	ssyncset.done $0x0  }
0x16: {  	[sflag:s20] =	ssyncadd.s32 $0xFFFFFC00  }
0x17: {  	_ =	swait.ge [sflag:s20], $0x400  }
0x18: {  	[sflag:s20] =	ssyncset.done $0x0  }
0x19: {  	[sflag:s20] =	ssyncadd.s32 $0xFFFFFC00  }
0x1a: {  	_ =	swait.ge [sflag:s20], $0x400  }
0x1b: {  	[sflag:s20] =	ssyncset.done $0x0  }
0x1c: {  	[sflag:s20] =	ssyncadd.s32 $0xFFFFFC00  }
0x1d: {  	_ =	swait.ge [sflag:s20], $0x400  }
0x1e: {  	[sflag:s20] =	ssyncset.done $0x0  }
0x1f: {  	[sflag:s20] =	ssyncadd.s32 $0xFFFFFC00  }
0x20: {  	_ =	swait.ge [sflag:s20], $0x400  }
0x21: {  	[sflag:s20] =	ssyncset.done $0x0  }
0x22: {  	[sflag:s20] =	ssyncadd.s32 $0xFFFFFC00  }
0x23: {  	_ =	swait.ge [sflag:s20], $0x400  }
0x24: {  	[sflag:s20] =	ssyncset.done $0x0  }
0x25: {  	[sflag:s20] =	ssyncadd.s32 $0xFFFFFC00  }
0x26: {  	_ =	swait.ge [sflag:s20], $0x400  }
0x27: {  	[sflag:s20] =	ssyncset.done $0x0  }
0x28: {  	[sflag:s20] =	ssyncadd.s32 $0xFFFFFC00  }
0x29: {  	_ =	swait.ge [sflag:s5], $0x400  }
0x2a: {  	[sflag:s5] =	ssyncset.done $0x0  }
0x2b: {  	[sflag:s5] =	ssyncadd.s32 $0xFFFFFC00  }
0x2c: {  	_ =	swait.ge [sflag:s5], $0x400  }
0x2d: {  	[sflag:s5] =	ssyncset.done $0x0  }
0x2e: {  	[sflag:s5] =	ssyncadd.s32 $0xFFFFFC00  }
0x2f: {  	_ =	swait.ge [sflag:s5], $0x400  }
0x30: {  	[sflag:s5] =	ssyncset.done $0x0  }
0x31: {  	[sflag:s5] =	ssyncadd.s32 $0xFFFFFC00  }
0x32: {  	_ =	swait.ge [sflag:s5], $0x400  }
0x33: {  	[sflag:s5] =	ssyncset.done $0x0  }
0x34: {  	[sflag:s5] =	ssyncadd.s32 $0xFFFFFC00  }
0x35: {  	_ =	swait.ge [sflag:s5], $0x400  }
0x36: {  	[sflag:s5] =	ssyncset.done $0x0  }
0x37: {  	[sflag:s5] =	ssyncadd.s32 $0xFFFFFC00  }
0x38: {  	_ =	swait.ge [sflag:s5], $0x400  }
0x39: {  	[sflag:s5] =	ssyncset.done $0x0  }
0x3a: {  	[sflag:s5] =	ssyncadd.s32 $0xFFFFFC00  }
0x3b: {  	_ =	swait.ge [sflag:s5], $0x400  }
0x3c: {  	[sflag:s5] =	ssyncset.done $0x0  }
0x3d: {  	[sflag:s5] =	ssyncadd.s32 $0xFFFFFC00  }
0x3e: {  	_ =	swait.ge [sflag:s5], $0x400  }
0x3f: {  	s15 =	rddreg [dreg:$0x6]  }
0x40: {  	s14 =	rddreg [dreg:$0x4];
	s15 =	sadd.s32 $0x1, s15  }
0x41: {  	p0 =	sne.s32 s15, s14  }
.Ltmp1:
0x42: {  	_ = 	snop;
	(pc) =	sbr.rel @!p0 .LBB2_13-.Ltmp1, $3  }
0x43: {  	_ =	sdelay $0x1  }
0x44: {  	[sflag:s5] =	ssyncset.done $0x0  }
0x45: {  	s6 =	smov.u32 s7;
	[sflag:s5] =	ssyncadd.s32 $0xFFFFFC00  }
.LBB2_1:
0x46: {  	[dreg:$0x6] =	wrdreg s15  }
0x47: {  	s14 =	rddreg [dreg:$0x3];
	s26 =	simm.s32 $0x7  }
0x48: {  	[tilespmem:s3], [sflag:$0x7] =	stream.linear.gather [hbm4b:s14+s3], $0x6400, $0x38;
	[tilespmem:$0x12800] =	vst v63  }
0x49: {  	_ =	swait.ge [sflag:s26], $0x6400  }
0x4a: {  	[sflag:s26] =	ssyncset.done $0x0  }
0x4b: {  	s7 =	simm.s32 $0x6400;
	s14 =	simm.s32 $0x80;
	[sflag:s26] =	ssyncadd.s32 $0xFFFF9C00  }
0x4c: {  	[tilespmem:s7], [sflag:$0x1] =	stream.indirect.gather [hbm4b:s4+s14], $0x40, s3, s14, $0xb8;
	[tilespmem:$0x12800] =	vst v63  }
0x4d: {  	s16 =	simm.s32 $0x8400  }
0x4e: {  	[tilespmem:s16], [sflag:$0x2] =	stream.indirect.gather [hbm4b:s4+s14], $0x40, s14, s14, $0xb8;
	[tilespmem:$0x12800] =	vst v63  }
0x4f: {  	s22 =	simm.s32 $0x100;
	s16 =	simm.s32 $0xA400  }
0x50: {  	[tilespmem:s16], [sflag:$0x3] =	stream.indirect.gather [hbm4b:s4+s14], $0x40, s22, s14, $0xb8;
	[tilespmem:$0x12800] =	vst v63  }
0x51: {  	s25 =	simm.s32 $0x180;
	s26 =	simm.s32 $0xC400  }
0x52: {  	[tilespmem:s26], [sflag:$0x4] =	stream.indirect.gather [hbm4b:s4+s14], $0x40, s25, s14, $0xb8;
	[tilespmem:$0x12800] =	vst v63  }
0x53: {  	s14 =	simm.s32 $0x0  }
.LBB2_2:
0x54: {  	s15 =	simm.s32 $0x1  }
0x55: {  	_ =	swait.ge [sflag:s15], $0x2000  }
0x56: {  	p1 =	seq.s32 s14, $0x0;
	[sflag:s15] =	ssyncset.done $0x0  }
0x57: {  	[sflag:s15] =	ssyncadd.s32 $0xFFFFE000;
	s15 =	simm.s32 @!p1 $0x5  }
0x58: {  	_ =	swait.ge @!p1 [sflag:s15], $0x400  }
0x59: {  	[sflag:s15] =	ssyncset.done @!p1 $0x0  }
0x5a: {  	[sflag:s15] =	ssyncadd.s32 @!p1 $0xFFFFFC00  }
0x5b: {  	_ =	swait.ge @!p1 [sflag:s15], $0x400  }
0x5c: {  	[sflag:s15] =	ssyncset.done @!p1 $0x0  }
0x5d: {  	[sflag:s15] =	ssyncadd.s32 @!p1 $0xFFFFFC00  }
0x5e: {  	_ =	swait.ge @!p1 [sflag:s15], $0x400  }
0x5f: {  	[sflag:s15] =	ssyncset.done @!p1 $0x0  }
0x60: {  	[sflag:s15] =	ssyncadd.s32 @!p1 $0xFFFFFC00  }
0x61: {  	_ =	swait.ge @!p1 [sflag:s15], $0x400  }
0x62: {  	[sflag:s15] =	ssyncset.done @!p1 $0x0  }
0x63: {  	[sflag:s15] =	ssyncadd.s32 @!p1 $0xFFFFFC00  }
0x64: {  	_ =	swait.ge @!p1 [sflag:s15], $0x400  }
0x65: {  	[sflag:s15] =	ssyncset.done @!p1 $0x0  }
0x66: {  	[sflag:s15] =	ssyncadd.s32 @!p1 $0xFFFFFC00  }
0x67: {  	_ =	swait.ge @!p1 [sflag:s15], $0x400  }
0x68: {  	[sflag:s15] =	ssyncset.done @!p1 $0x0  }
0x69: {  	[sflag:s15] =	ssyncadd.s32 @!p1 $0xFFFFFC00  }
0x6a: {  	_ =	swait.ge @!p1 [sflag:s15], $0x400  }
0x6b: {  	[sflag:s15] =	ssyncset.done @!p1 $0x0  }
0x6c: {  	[sflag:s15] =	ssyncadd.s32 @!p1 $0xFFFFFC00  }
0x6d: {  	_ =	swait.ge @!p1 [sflag:s15], $0x400  }
0x6e: {  	[sflag:s15] =	ssyncset.done @!p1 $0x0  }
0x6f: {  	s7 =	simm.s32 $0x0;
	s22 =	simm.s32 $0x6480;
	[sflag:s15] =	ssyncadd.s32 @!p1 $0xFFFFFC00  }
0x70: {  	v4 =	vmov s7;
	v5 =	vld [tilespmem:s22+$0xFFFFFF80]  }
0x71: {  	v4 =	vand.u32 $0x7C, v4  }
0x72: {  	v6 =	vadd.s32 v0, v4;
	_ =	sdelay $0x2  }
0x73: {  	v5 =	vmul.f32 $8.000000000e+00, v5;
	_ =	sdelay $0x1  }
0x74: {  	[tilespmem:v6+s24+$0x0] =	vst.idx.msk $0xffff, v5  }
0x75: {  	v5 =	vld [tilespmem:s22+$0xFFFFFF90];
	_ =	sdelay $0x1  }
0x76: {  	v6 =	vadd.s32 v1, v4;
	_ =	sdelay $0x2  }
0x77: {  	v5 =	vmul.f32 $8.000000000e+00, v5;
	_ =	sdelay $0x1  }
0x78: {  	[tilespmem:v6+s24+$0x0] =	vst.idx.msk $0xffff, v5  }
0x79: {  	v5 =	vld [tilespmem:s22+$0xFFFFFFA0];
	_ =	sdelay $0x1  }
0x7a: {  	v6 =	vadd.s32 v2, v4;
	_ =	sdelay $0x2  }
0x7b: {  	v5 =	vmul.f32 $8.000000000e+00, v5;
	_ =	sdelay $0x1  }
0x7c: {  	[tilespmem:v6+s24+$0x0] =	vst.idx.msk $0xffff, v5  }
0x7d: {  	v5 =	vld [tilespmem:s22+$0xFFFFFFB0];
	_ =	sdelay $0x1  }
0x7e: {  	v4 =	vadd.s32 v3, v4;
	_ =	sdelay $0x2  }
0x7f: {  	v5 =	vmul.f32 $8.000000000e+00, v5;
	_ =	sdelay $0x1  }
0x80: {  	s16 =	simm.s32 $0x1;
	[tilespmem:v4+s24+$0x0] =	vst.idx.msk $0xffff, v5  }
0x81: {  	v4 =	vmov s16;
	v5 =	vld [tilespmem:s22+$0xFFFFFFC0]  }
0x82: {  	v4 =	vand.u32 $0x7D, v4  }
0x83: {  	v6 =	vadd.s32 v0, v4;
	_ =	sdelay $0x2  }
0x84: {  	v5 =	vmul.f32 $8.000000000e+00, v5;
	_ =	sdelay $0x1  }
0x85: {  	[tilespmem:v6+s24+$0x0] =	vst.idx.msk $0xffff, v5  }
0x86: {  	v5 =	vld [tilespmem:s22+$0xFFFFFFD0];
	_ =	sdelay $0x1  }
0x87: {  	v6 =	vadd.s32 v1, v4;
	_ =	sdelay $0x2  }
0x88: {  	v5 =	vmul.f32 $8.000000000e+00, v5;
	_ =	sdelay $0x1  }
0x89: {  	[tilespmem:v6+s24+$0x0] =	vst.idx.msk $0xffff, v5  }
0x8a: {  	v5 =	vld [tilespmem:s22+$0xFFFFFFE0];
	_ =	sdelay $0x1  }
0x8b: {  	v6 =	vadd.s32 v2, v4;
	_ =	sdelay $0x2  }
0x8c: {  	v5 =	vmul.f32 $8.000000000e+00, v5;
	_ =	sdelay $0x1  }
0x8d: {  	[tilespmem:v6+s24+$0x0] =	vst.idx.msk $0xffff, v5  }
0x8e: {  	v5 =	vld [tilespmem:s22+$0xFFFFFFF0];
	_ =	sdelay $0x1  }
0x8f: {  	v4 =	vadd.s32 v3, v4;
	_ =	sdelay $0x2  }
0x90: {  	v5 =	vmul.f32 $8.000000000e+00, v5;
	_ =	sdelay $0x1  }
0x91: {  	s25 =	simm.s32 $0x2;
	[tilespmem:v4+s24+$0x0] =	vst.idx.msk $0xffff, v5  }
0x92: {  	v4 =	vmov s25;
	v5 =	vld [tilespmem:s22+$0x0]  }
0x93: {  	v4 =	vand.u32 $0x7E, v4  }
0x94: {  	v6 =	vadd.s32 v0, v4;
	_ =	sdelay $0x2  }
0x95: {  	v5 =	vmul.f32 $8.000000000e+00, v5;
	_ =	sdelay $0x1  }
0x96: {  	[tilespmem:v6+s24+$0x0] =	vst.idx.msk $0xffff, v5  }
0x97: {  	v5 =	vld [tilespmem:s22+$0x10];
	_ =	sdelay $0x1  }
0x98: {  	v6 =	vadd.s32 v1, v4;
	_ =	sdelay $0x2  }
0x99: {  	v5 =	vmul.f32 $8.000000000e+00, v5;
	_ =	sdelay $0x1  }
0x9a: {  	[tilespmem:v6+s24+$0x0] =	vst.idx.msk $0xffff, v5  }
0x9b: {  	v5 =	vld [tilespmem:s22+$0x20];
	_ =	sdelay $0x1  }
0x9c: {  	v6 =	vadd.s32 v2, v4;
	_ =	sdelay $0x2  }
0x9d: {  	v5 =	vmul.f32 $8.000000000e+00, v5;
	_ =	sdelay $0x1  }
0x9e: {  	[tilespmem:v6+s24+$0x0] =	vst.idx.msk $0xffff, v5  }
0x9f: {  	v5 =	vld [tilespmem:s22+$0x30];
	_ =	sdelay $0x1  }
0xa0: {  	v4 =	vadd.s32 v3, v4;
	_ =	sdelay $0x2  }
0xa1: {  	v5 =	vmul.f32 $8.000000000e+00, v5;
	_ =	sdelay $0x1  }
0xa2: {  	s26 =	simm.s32 $0x3;
	[tilespmem:v4+s24+$0x0] =	vst.idx.msk $0xffff, v5  }
0xa3: {  	v4 =	vmov s26;
	v5 =	vld [tilespmem:s22+$0x40]  }
0xa4: {  	v4 =	vand.u32 $0x7F, v4  }
0xa5: {  	v6 =	vadd.s32 v0, v4;
	_ =	sdelay $0x2  }
0xa6: {  	v5 =	vmul.f32 $8.000000000e+00, v5;
	_ =	sdelay $0x1  }
0xa7: {  	[tilespmem:v6+s24+$0x0] =	vst.idx.msk $0xffff, v5  }
0xa8: {  	v5 =	vld [tilespmem:s22+$0x50];
	_ =	sdelay $0x1  }
0xa9: {  	v6 =	vadd.s32 v1, v4;
	_ =	sdelay $0x2  }
0xaa: {  	v5 =	vmul.f32 $8.000000000e+00, v5;
	_ =	sdelay $0x1  }
0xab: {  	[tilespmem:v6+s24+$0x0] =	vst.idx.msk $0xffff, v5  }
0xac: {  	v5 =	vld [tilespmem:s22+$0x60];
	_ =	sdelay $0x1  }
0xad: {  	v6 =	vadd.s32 v2, v4;
	_ =	sdelay $0x2  }
0xae: {  	v5 =	vmul.f32 $8.000000000e+00, v5;
	_ =	sdelay $0x1  }
0xaf: {  	[tilespmem:v6+s24+$0x0] =	vst.idx.msk $0xffff, v5  }
0xb0: {  	v5 =	vld [tilespmem:s22+$0x70];
	_ =	sdelay $0x1  }
0xb1: {  	v4 =	vadd.s32 v3, v4;
	_ =	sdelay $0x2  }
0xb2: {  	s15 =	sshll.u32 s14, $0x2;
	s16 =	simm.s32 $0x4;
	v5 =	vmul.f32 $8.000000000e+00, v5  }
.LBB2_3:
0xb3: {  	p0 =	sne.s32 s16, $0x7C  }
0xb4: {  	s22 =	sadd.s32 $0x100, s22;
	s25 =	smov.u32 s16;
	s16 =	sadd.s32 $0x4, s16;
	[tilespmem:v4+s24+$0x0] =	vst.idx.msk $0xffff, v5  }
0xb5: {  	v4 =	vmov s25;
	v5 =	vld [tilespmem:s22+$0xFFFFFF80]  }
0xb6: {  	v4 =	vand.u32 $0x7C, v4  }
0xb7: {  	v6 =	vadd.s32 v0, v4;
	_ =	sdelay $0x2  }
0xb8: {  	v5 =	vmul.f32 $8.000000000e+00, v5;
	_ =	sdelay $0x1  }
0xb9: {  	[tilespmem:v6+s24+$0x0] =	vst.idx.msk $0xffff, v5  }
0xba: {  	v5 =	vld [tilespmem:s22+$0xFFFFFF90];
	_ =	sdelay $0x1  }
0xbb: {  	v6 =	vadd.s32 v1, v4;
	_ =	sdelay $0x2  }
0xbc: {  	v5 =	vmul.f32 $8.000000000e+00, v5;
	_ =	sdelay $0x1  }
0xbd: {  	[tilespmem:v6+s24+$0x0] =	vst.idx.msk $0xffff, v5  }
0xbe: {  	v5 =	vld [tilespmem:s22+$0xFFFFFFA0];
	_ =	sdelay $0x1  }
0xbf: {  	v6 =	vadd.s32 v2, v4;
	_ =	sdelay $0x2  }
0xc0: {  	v5 =	vmul.f32 $8.000000000e+00, v5;
	_ =	sdelay $0x1  }
0xc1: {  	[tilespmem:v6+s24+$0x0] =	vst.idx.msk $0xffff, v5  }
0xc2: {  	v5 =	vld [tilespmem:s22+$0xFFFFFFB0];
	_ =	sdelay $0x1  }
0xc3: {  	v4 =	vadd.s32 v3, v4;
	_ =	sdelay $0x2  }
0xc4: {  	v5 =	vmul.f32 $8.000000000e+00, v5;
	_ =	sdelay $0x1  }
0xc5: {  	s26 =	sadd.s32 $0x1, s25;
	[tilespmem:v4+s24+$0x0] =	vst.idx.msk $0xffff, v5  }
0xc6: {  	v4 =	vmov s26;
	v5 =	vld [tilespmem:s22+$0xFFFFFFC0]  }
0xc7: {  	v4 =	vand.u32 $0x7D, v4  }
0xc8: {  	v6 =	vadd.s32 v0, v4;
	_ =	sdelay $0x2  }
0xc9: {  	v5 =	vmul.f32 $8.000000000e+00, v5;
	_ =	sdelay $0x1  }
0xca: {  	[tilespmem:v6+s24+$0x0] =	vst.idx.msk $0xffff, v5  }
0xcb: {  	v5 =	vld [tilespmem:s22+$0xFFFFFFD0];
	_ =	sdelay $0x1  }
0xcc: {  	v6 =	vadd.s32 v1, v4;
	_ =	sdelay $0x2  }
0xcd: {  	v5 =	vmul.f32 $8.000000000e+00, v5;
	_ =	sdelay $0x1  }
0xce: {  	[tilespmem:v6+s24+$0x0] =	vst.idx.msk $0xffff, v5  }
0xcf: {  	v5 =	vld [tilespmem:s22+$0xFFFFFFE0];
	_ =	sdelay $0x1  }
0xd0: {  	v6 =	vadd.s32 v2, v4;
	_ =	sdelay $0x2  }
0xd1: {  	v5 =	vmul.f32 $8.000000000e+00, v5;
	_ =	sdelay $0x1  }
0xd2: {  	[tilespmem:v6+s24+$0x0] =	vst.idx.msk $0xffff, v5  }
0xd3: {  	v5 =	vld [tilespmem:s22+$0xFFFFFFF0];
	_ =	sdelay $0x1  }
0xd4: {  	v4 =	vadd.s32 v3, v4;
	_ =	sdelay $0x2  }
0xd5: {  	v5 =	vmul.f32 $8.000000000e+00, v5;
	_ =	sdelay $0x1  }
0xd6: {  	s26 =	sadd.s32 $0x2, s25;
	[tilespmem:v4+s24+$0x0] =	vst.idx.msk $0xffff, v5  }
0xd7: {  	v4 =	vmov s26;
	v5 =	vld [tilespmem:s22+$0x0]  }
0xd8: {  	v4 =	vand.u32 $0x7E, v4  }
0xd9: {  	v6 =	vadd.s32 v0, v4;
	_ =	sdelay $0x2  }
0xda: {  	v5 =	vmul.f32 $8.000000000e+00, v5;
	_ =	sdelay $0x1  }
0xdb: {  	[tilespmem:v6+s24+$0x0] =	vst.idx.msk $0xffff, v5  }
0xdc: {  	v5 =	vld [tilespmem:s22+$0x10];
	_ =	sdelay $0x1  }
0xdd: {  	v6 =	vadd.s32 v1, v4;
	_ =	sdelay $0x2  }
0xde: {  	v5 =	vmul.f32 $8.000000000e+00, v5;
	_ =	sdelay $0x1  }
0xdf: {  	[tilespmem:v6+s24+$0x0] =	vst.idx.msk $0xffff, v5  }
0xe0: {  	v5 =	vld [tilespmem:s22+$0x20];
	_ =	sdelay $0x1  }
0xe1: {  	v6 =	vadd.s32 v2, v4;
	_ =	sdelay $0x2  }
0xe2: {  	v5 =	vmul.f32 $8.000000000e+00, v5;
	_ =	sdelay $0x1  }
0xe3: {  	[tilespmem:v6+s24+$0x0] =	vst.idx.msk $0xffff, v5  }
0xe4: {  	v5 =	vld [tilespmem:s22+$0x30];
	_ =	sdelay $0x1  }
0xe5: {  	v4 =	vadd.s32 v3, v4;
	_ =	sdelay $0x2  }
0xe6: {  	v5 =	vmul.f32 $8.000000000e+00, v5;
	_ =	sdelay $0x1  }
0xe7: {  	s25 =	sadd.s32 $0x3, s25;
	[tilespmem:v4+s24+$0x0] =	vst.idx.msk $0xffff, v5  }
0xe8: {  	v4 =	vmov s25;
	v5 =	vld [tilespmem:s22+$0x40]  }
0xe9: {  	v4 =	vand.u32 $0x7F, v4  }
0xea: {  	v6 =	vadd.s32 v0, v4;
	_ =	sdelay $0x2  }
0xeb: {  	v5 =	vmul.f32 $8.000000000e+00, v5;
	_ =	sdelay $0x1  }
0xec: {  	[tilespmem:v6+s24+$0x0] =	vst.idx.msk $0xffff, v5  }
0xed: {  	v5 =	vld [tilespmem:s22+$0x50];
	_ =	sdelay $0x1  }
0xee: {  	v6 =	vadd.s32 v1, v4;
	_ =	sdelay $0x2  }
0xef: {  	v5 =	vmul.f32 $8.000000000e+00, v5;
	_ =	sdelay $0x1  }
0xf0: {  	[tilespmem:v6+s24+$0x0] =	vst.idx.msk $0xffff, v5  }
0xf1: {  	v5 =	vld [tilespmem:s22+$0x60];
	_ =	sdelay $0x1  }
0xf2: {  	v6 =	vadd.s32 v2, v4;
	_ =	sdelay $0x2  }
0xf3: {  	v5 =	vmul.f32 $8.000000000e+00, v5;
	_ =	sdelay $0x1  }
0xf4: {  	[tilespmem:v6+s24+$0x0] =	vst.idx.msk $0xffff, v5  }
0xf5: {  	v5 =	vld [tilespmem:s22+$0x70]  }
.Ltmp2:
0xf6: {  	(pc) =	sbr.rel @p0 .LBB2_3-.Ltmp2, $2  }
0xf7: {  	v4 =	vadd.s32 v3, v4;
	_ =	sdelay $0x2  }
0xf8: {  	v5 =	vmul.f32 $8.000000000e+00, v5  }
0xf9: {  	s16 =	sadd.s32 s6, s15  }
0xfa: {  	s22 =	sshll.u32 s16, $0xA;
	s16 =	sshll.u32 s16, $0x7  }
0xfb: {  	s22 =	sand.u32 $0xFFF8000, s22;
	s16 =	sand.u32 $0xE00, s16  }
0xfc: {  	s16 =	sor.u32 s16, s22  }
0xfd: {  	[tilespmem:v4+s24+$0x0] =	vst.idx.msk $0xffff, v5;
	s22 =	sadd.s32 s2, s16  }
0xfe: {  	[hbm4b:s22+s3] =	stream.linear.scatter [tilespmem:s24], [sflag:$0x5], $0x80, $0x38;
	[tilespmem:$0x12800] =	vst v63  }
0xff: {  	s25 =	sadd.s32 $0x10, s22  }
0x100: {  	[hbm4b:s25+s3] =	stream.linear.scatter [tilespmem:s28], [sflag:$0x5], $0x80, $0x38;
	[tilespmem:$0x12800] =	vst v63  }
0x101: {  	s26 =	sadd.s32 $0x20, s22  }
0x102: {  	[hbm4b:s26+s3] =	stream.linear.scatter [tilespmem:s29], [sflag:$0x5], $0x80, $0x38;
	[tilespmem:$0x12800] =	vst v63  }
0x103: {  	s28 =	sadd.s32 $0x30, s22;
	s26 =	simm.s32 $0xE598  }
0x104: {  	[hbm4b:s28+s3] =	stream.linear.scatter [tilespmem:s26], [sflag:$0x5], $0x80, $0x38;
	[tilespmem:$0x12800] =	vst v63  }
0x105: {  	s29 =	sadd.s32 $0x40, s22  }
0x106: {  	[hbm4b:s29+s3] =	stream.linear.scatter [tilespmem:s30], [sflag:$0x5], $0x80, $0x38;
	[tilespmem:$0x12800] =	vst v63  }
0x107: {  	s7 =	simm.s32 $0xE6A8;
	s30 =	sadd.s32 $0x50, s22  }
0x108: {  	[hbm4b:s30+s3] =	stream.linear.scatter [tilespmem:s7], [sflag:$0x5], $0x80, $0x38;
	[tilespmem:$0x12800] =	vst v63  }
0x109: {  	s28 =	sadd.s32 $0x60, s22  }
0x10a: {  	[hbm4b:s28+s3] =	stream.linear.scatter [tilespmem:s31], [sflag:$0x5], $0x80, $0x38;
	[tilespmem:$0x12800] =	vst v63  }
0x10b: {  	s22 =	sadd.s32 $0x70, s22;
	s29 =	simm.s32 $0xE7B8;
	s7 =	rddreg [dreg:$0x5]  }
0x10c: {  	[hbm4b:s22+s3] =	stream.linear.scatter [tilespmem:s29], [sflag:$0x5], $0x80, $0x38;
	[tilespmem:$0x12800] =	vst v63  }
0x10d: {  	s30 =	simm.s32 $0xE840;
	s22 =	sadd.s32 s16, s7  }
0x10e: {  	[hbm4b:s22+s3] =	stream.linear.scatter [tilespmem:s30], [sflag:$0x5], $0x80, $0x38;
	[tilespmem:$0x12800] =	vst v63  }
0x10f: {  	s7 =	simm.s32 $0xE8C8;
	s31 =	sadd.s32 $0x10, s22  }
0x110: {  	[hbm4b:s31+s3] =	stream.linear.scatter [tilespmem:s7], [sflag:$0x5], $0x80, $0x38;
	[tilespmem:$0x12800] =	vst v63  }
0x111: {  	s28 =	sadd.s32 $0x20, s22  }
0x112: {  	[hbm4b:s28+s3] =	stream.linear.scatter [tilespmem:s1], [sflag:$0x5], $0x80, $0x38;
	[tilespmem:$0x12800] =	vst v63  }
0x113: {  	s29 =	sadd.s32 $0x30, s22;
	s30 =	simm.s32 $0xE9D8  }
0x114: {  	[hbm4b:s29+s3] =	stream.linear.scatter [tilespmem:s30], [sflag:$0x5], $0x80, $0x38;
	[tilespmem:$0x12800] =	vst v63  }
0x115: {  	s31 =	sadd.s32 $0x40, s22  }
0x116: {  	[hbm4b:s31+s3] =	stream.linear.scatter [tilespmem:s0], [sflag:$0x5], $0x80, $0x38;
	[tilespmem:$0x12800] =	vst v63  }
0x117: {  	s1 =	simm.s32 $0xEAE8;
	s0 =	sadd.s32 $0x50, s22  }
0x118: {  	[hbm4b:s0+s3] =	stream.linear.scatter [tilespmem:s1], [sflag:$0x5], $0x80, $0x38;
	[tilespmem:$0x12800] =	vst v63  }
0x119: {  	s7 =	sadd.s32 $0x60, s22  }
0x11a: {  	[hbm4b:s7+s3] =	stream.linear.scatter [tilespmem:s23], [sflag:$0x5], $0x80, $0x38;
	[tilespmem:$0x12800] =	vst v63  }
0x11b: {  	s25 =	simm.s32 $0xEBF8;
	s22 =	sadd.s32 $0x70, s22  }
0x11c: {  	[hbm4b:s22+s3] =	stream.linear.scatter [tilespmem:s25], [sflag:$0x5], $0x80, $0x38;
	[tilespmem:$0x12800] =	vst v63  }
0x11d: {  	s26 =	sadd.s32 s16, s8;
	s28 =	simm.s32 $0xEC80  }
0x11e: {  	[hbm4b:s26+s3] =	stream.linear.scatter [tilespmem:s28], [sflag:$0x5], $0x80, $0x38;
	[tilespmem:$0x12800] =	vst v63  }
0x11f: {  	s29 =	sadd.s32 $0x10, s26;
	s30 =	simm.s32 $0xED08  }
0x120: {  	[hbm4b:s29+s3] =	stream.linear.scatter [tilespmem:s30], [sflag:$0x5], $0x80, $0x38;
	[tilespmem:$0x12800] =	vst v63  }
0x121: {  	s31 =	sadd.s32 $0x20, s26  }
0x122: {  	[hbm4b:s31+s3] =	stream.linear.scatter [tilespmem:s18], [sflag:$0x5], $0x80, $0x38;
	[tilespmem:$0x12800] =	vst v63  }
0x123: {  	s0 =	sadd.s32 $0x30, s26;
	s1 =	simm.s32 $0xEE18  }
0x124: {  	[hbm4b:s0+s3] =	stream.linear.scatter [tilespmem:s1], [sflag:$0x5], $0x80, $0x38;
	[tilespmem:$0x12800] =	vst v63  }
0x125: {  	s7 =	sadd.s32 $0x40, s26  }
0x126: {  	[hbm4b:s7+s3] =	stream.linear.scatter [tilespmem:s17], [sflag:$0x5], $0x80, $0x38;
	[tilespmem:$0x12800] =	vst v63  }
0x127: {  	s18 =	simm.s32 $0xEF28;
	s17 =	sadd.s32 $0x50, s26  }
0x128: {  	[hbm4b:s17+s3] =	stream.linear.scatter [tilespmem:s18], [sflag:$0x5], $0x80, $0x38;
	[tilespmem:$0x12800] =	vst v63  }
0x129: {  	s23 =	sadd.s32 $0x60, s26  }
0x12a: {  	[hbm4b:s23+s3] =	stream.linear.scatter [tilespmem:s21], [sflag:$0x5], $0x80, $0x38;
	[tilespmem:$0x12800] =	vst v63  }
0x12b: {  	s22 =	sadd.s32 $0x70, s26;
	s25 =	simm.s32 $0xF038  }
0x12c: {  	[hbm4b:s22+s3] =	stream.linear.scatter [tilespmem:s25], [sflag:$0x5], $0x80, $0x38;
	[tilespmem:$0x12800] =	vst v63  }
0x12d: {  	s26 =	simm.s32 $0xF0C0;
	s22 =	sadd.s32 s16, s9  }
0x12e: {  	[hbm4b:s22+s3] =	stream.linear.scatter [tilespmem:s26], [sflag:$0x5], $0x80, $0x38;
	[tilespmem:$0x12800] =	vst v63  }
0x12f: {  	s29 =	simm.s32 $0xF148;
	s28 =	sadd.s32 $0x10, s22  }
0x130: {  	[hbm4b:s28+s3] =	stream.linear.scatter [tilespmem:s29], [sflag:$0x5], $0x80, $0x38;
	[tilespmem:$0x12800] =	vst v63  }
0x131: {  	s31 =	simm.s32 $0xF1D0;
	s30 =	sadd.s32 $0x20, s22  }
0x132: {  	[hbm4b:s30+s3] =	stream.linear.scatter [tilespmem:s31], [sflag:$0x5], $0x80, $0x38;
	[tilespmem:$0x12800] =	vst v63  }
0x133: {  	s1 =	simm.s32 $0xF258;
	s0 =	sadd.s32 $0x30, s22  }
0x134: {  	[hbm4b:s0+s3] =	stream.linear.scatter [tilespmem:s1], [sflag:$0x5], $0x80, $0x38;
	[tilespmem:$0x12800] =	vst v63  }
0x135: {  	s17 =	simm.s32 $0xF2E0;
	s7 =	sadd.s32 $0x40, s22  }
0x136: {  	[hbm4b:s7+s3] =	stream.linear.scatter [tilespmem:s17], [sflag:$0x5], $0x80, $0x38;
	[tilespmem:$0x12800] =	vst v63  }
0x137: {  	s21 =	simm.s32 $0xF368;
	s18 =	sadd.s32 $0x50, s22  }
0x138: {  	[hbm4b:s18+s3] =	stream.linear.scatter [tilespmem:s21], [sflag:$0x5], $0x80, $0x38;
	[tilespmem:$0x12800] =	vst v63  }
0x139: {  	s23 =	sadd.s32 $0x60, s22;
	s26 =	simm.s32 $0xF3F0  }
0x13a: {  	[hbm4b:s23+s3] =	stream.linear.scatter [tilespmem:s26], [sflag:$0x5], $0x80, $0x38;
	[tilespmem:$0x12800] =	vst v63  }
0x13b: {  	s22 =	sadd.s32 $0x70, s22;
	s28 =	simm.s32 $0xF478  }
0x13c: {  	[hbm4b:s22+s3] =	stream.linear.scatter [tilespmem:s28], [sflag:$0x5], $0x80, $0x38;
	[tilespmem:$0x12800] =	vst v63  }
0x13d: {  	s29 =	simm.s32 $0xF500;
	s22 =	sadd.s32 s16, s10  }
0x13e: {  	[hbm4b:s22+s3] =	stream.linear.scatter [tilespmem:s29], [sflag:$0x5], $0x80, $0x38;
	[tilespmem:$0x12800] =	vst v63  }
0x13f: {  	s31 =	simm.s32 $0xF588;
	s30 =	sadd.s32 $0x10, s22  }
0x140: {  	[hbm4b:s30+s3] =	stream.linear.scatter [tilespmem:s31], [sflag:$0x5], $0x80, $0x38;
	[tilespmem:$0x12800] =	vst v63  }
0x141: {  	s7 =	simm.s32 $0xF610;
	s1 =	sadd.s32 $0x20, s22  }
0x142: {  	[hbm4b:s1+s3] =	stream.linear.scatter [tilespmem:s7], [sflag:$0x5], $0x80, $0x38;
	[tilespmem:$0x12800] =	vst v63  }
0x143: {  	s18 =	simm.s32 $0xF698;
	s17 =	sadd.s32 $0x30, s22  }
0x144: {  	[hbm4b:s17+s3] =	stream.linear.scatter [tilespmem:s18], [sflag:$0x5], $0x80, $0x38;
	[tilespmem:$0x12800] =	vst v63  }
0x145: {  	s23 =	simm.s32 $0xF720;
	s21 =	sadd.s32 $0x40, s22  }
0x146: {  	[hbm4b:s21+s3] =	stream.linear.scatter [tilespmem:s23], [sflag:$0x5], $0x80, $0x38;
	[tilespmem:$0x12800] =	vst v63  }
0x147: {  	s28 =	simm.s32 $0xF7A8;
	s26 =	sadd.s32 $0x50, s22  }
0x148: {  	[hbm4b:s26+s3] =	stream.linear.scatter [tilespmem:s28], [sflag:$0x5], $0x80, $0x38;
	[tilespmem:$0x12800] =	vst v63  }
0x149: {  	s29 =	sadd.s32 $0x60, s22;
	s30 =	simm.s32 $0xF830  }
0x14a: {  	[hbm4b:s29+s3] =	stream.linear.scatter [tilespmem:s30], [sflag:$0x5], $0x80, $0x38;
	[tilespmem:$0x12800] =	vst v63  }
0x14b: {  	s22 =	sadd.s32 $0x70, s22;
	s31 =	simm.s32 $0xF8B8  }
0x14c: {  	[hbm4b:s22+s3] =	stream.linear.scatter [tilespmem:s31], [sflag:$0x5], $0x80, $0x38;
	[tilespmem:$0x12800] =	vst v63  }
0x14d: {  	s1 =	simm.s32 $0xF940;
	s22 =	sadd.s32 s16, s11  }
0x14e: {  	[hbm4b:s22+s3] =	stream.linear.scatter [tilespmem:s1], [sflag:$0x5], $0x80, $0x38;
	[tilespmem:$0x12800] =	vst v63  }
0x14f: {  	s17 =	simm.s32 $0xF9C8;
	s7 =	sadd.s32 $0x10, s22  }
0x150: {  	[hbm4b:s7+s3] =	stream.linear.scatter [tilespmem:s17], [sflag:$0x5], $0x80, $0x38;
	[tilespmem:$0x12800] =	vst v63  }
0x151: {  	s21 =	simm.s32 $0xFA50;
	s18 =	sadd.s32 $0x20, s22  }
0x152: {  	[hbm4b:s18+s3] =	stream.linear.scatter [tilespmem:s21], [sflag:$0x5], $0x80, $0x38;
	[tilespmem:$0x12800] =	vst v63  }
0x153: {  	s26 =	simm.s32 $0xFAD8;
	s23 =	sadd.s32 $0x30, s22  }
0x154: {  	[hbm4b:s23+s3] =	stream.linear.scatter [tilespmem:s26], [sflag:$0x5], $0x80, $0x38;
	[tilespmem:$0x12800] =	vst v63  }
0x155: {  	s29 =	simm.s32 $0xFB60;
	s28 =	sadd.s32 $0x40, s22  }
0x156: {  	[hbm4b:s28+s3] =	stream.linear.scatter [tilespmem:s29], [sflag:$0x5], $0x80, $0x38;
	[tilespmem:$0x12800] =	vst v63  }
0x157: {  	s31 =	simm.s32 $0xFBE8;
	s30 =	sadd.s32 $0x50, s22  }
0x158: {  	[hbm4b:s30+s3] =	stream.linear.scatter [tilespmem:s31], [sflag:$0x5], $0x80, $0x38;
	[tilespmem:$0x12800] =	vst v63  }
0x159: {  	s0 =	sadd.s32 $0x60, s22;
	s1 =	simm.s32 $0xFC70  }
0x15a: {  	[hbm4b:s0+s3] =	stream.linear.scatter [tilespmem:s1], [sflag:$0x5], $0x80, $0x38;
	[tilespmem:$0x12800] =	vst v63  }
0x15b: {  	s22 =	sadd.s32 $0x70, s22;
	s7 =	simm.s32 $0xFCF8  }
0x15c: {  	[hbm4b:s22+s3] =	stream.linear.scatter [tilespmem:s7], [sflag:$0x5], $0x80, $0x38;
	[tilespmem:$0x12800] =	vst v63  }
0x15d: {  	s17 =	simm.s32 $0xFD80;
	s22 =	sadd.s32 s16, s12  }
0x15e: {  	[hbm4b:s22+s3] =	stream.linear.scatter [tilespmem:s17], [sflag:$0x5], $0x80, $0x38;
	[tilespmem:$0x12800] =	vst v63  }
0x15f: {  	s21 =	simm.s32 $0xFE08;
	s18 =	sadd.s32 $0x10, s22  }
0x160: {  	[hbm4b:s18+s3] =	stream.linear.scatter [tilespmem:s21], [sflag:$0x5], $0x80, $0x38;
	[tilespmem:$0x12800] =	vst v63  }
0x161: {  	s26 =	simm.s32 $0xFE90;
	s23 =	sadd.s32 $0x20, s22  }
0x162: {  	[hbm4b:s23+s3] =	stream.linear.scatter [tilespmem:s26], [sflag:$0x5], $0x80, $0x38;
	[tilespmem:$0x12800] =	vst v63  }
0x163: {  	s29 =	simm.s32 $0xFF18;
	s28 =	sadd.s32 $0x30, s22  }
0x164: {  	[hbm4b:s28+s3] =	stream.linear.scatter [tilespmem:s29], [sflag:$0x5], $0x80, $0x38;
	[tilespmem:$0x12800] =	vst v63  }
0x165: {  	s31 =	simm.s32 $0xFFA0;
	s30 =	sadd.s32 $0x40, s22  }
0x166: {  	[hbm4b:s30+s3] =	stream.linear.scatter [tilespmem:s31], [sflag:$0x5], $0x80, $0x38;
	[tilespmem:$0x12800] =	vst v63  }
0x167: {  	s7 =	simm.s32 $0x10028;
	s1 =	sadd.s32 $0x50, s22  }
0x168: {  	[hbm4b:s1+s3] =	stream.linear.scatter [tilespmem:s7], [sflag:$0x5], $0x80, $0x38;
	[tilespmem:$0x12800] =	vst v63  }
0x169: {  	s17 =	sadd.s32 $0x60, s22;
	s18 =	simm.s32 $0x100B0  }
0x16a: {  	[hbm4b:s17+s3] =	stream.linear.scatter [tilespmem:s18], [sflag:$0x5], $0x80, $0x38;
	[tilespmem:$0x12800] =	vst v63  }
0x16b: {  	s22 =	sadd.s32 $0x70, s22;
	s21 =	simm.s32 $0x10138  }
0x16c: {  	[hbm4b:s22+s3] =	stream.linear.scatter [tilespmem:s21], [sflag:$0x5], $0x80, $0x38;
	[tilespmem:$0x12800] =	vst v63  }
0x16d: {  	s16 =	sadd.s32 s16, s13;
	s23 =	simm.s32 $0x101C0  }
0x16e: {  	[hbm4b:s16+s3] =	stream.linear.scatter [tilespmem:s23], [sflag:$0x5], $0x80, $0x38;
	[tilespmem:$0x12800] =	vst v63  }
0x16f: {  	s25 =	sadd.s32 $0x10, s16;
	s26 =	simm.s32 $0x10248  }
0x170: {  	[hbm4b:s25+s3] =	stream.linear.scatter [tilespmem:s26], [sflag:$0x5], $0x80, $0x38;
	[tilespmem:$0x12800] =	vst v63  }
0x171: {  	s28 =	sadd.s32 $0x20, s16;
	s29 =	simm.s32 $0x102D0  }
0x172: {  	[hbm4b:s28+s3] =	stream.linear.scatter [tilespmem:s29], [sflag:$0x5], $0x80, $0x38;
	[tilespmem:$0x12800] =	vst v63  }
0x173: {  	s30 =	sadd.s32 $0x30, s16;
	s31 =	simm.s32 $0x10358  }
0x174: {  	[hbm4b:s30+s3] =	stream.linear.scatter [tilespmem:s31], [sflag:$0x5], $0x80, $0x38;
	[tilespmem:$0x12800] =	vst v63  }
0x175: {  	s1 =	sadd.s32 $0x40, s16;
	s7 =	simm.s32 $0x103E0  }
0x176: {  	[hbm4b:s1+s3] =	stream.linear.scatter [tilespmem:s7], [sflag:$0x5], $0x80, $0x38;
	[tilespmem:$0x12800] =	vst v63  }
0x177: {  	s17 =	sadd.s32 $0x50, s16;
	s18 =	simm.s32 $0x10468  }
0x178: {  	[hbm4b:s17+s3] =	stream.linear.scatter [tilespmem:s18], [sflag:$0x5], $0x80, $0x38;
	[tilespmem:$0x12800] =	vst v63  }
0x179: {  	s21 =	sadd.s32 $0x60, s16;
	s23 =	simm.s32 $0x104F0  }
0x17a: {  	[hbm4b:s21+s3] =	stream.linear.scatter [tilespmem:s23], [sflag:$0x5], $0x80, $0x38;
	[tilespmem:$0x12800] =	vst v63  }
0x17b: {  	p0 =	seq.s32 s14, $0x31;
	s16 =	sadd.s32 $0x70, s16;
	s25 =	simm.s32 $0x10578  }
0x17c: {  	[hbm4b:s16+s3] =	stream.linear.scatter [tilespmem:s25], [sflag:$0x5], $0x80, $0x38;
	[tilespmem:$0x12800] =	vst v63  }
0x17d: {  	s16 =	sshll.u32 @!p0 s14, $0x9  }
0x17e: {  	s22 =	sand.u32 @!p0 $0x3FFFFE00, s16  }
0x17f: {  	s26 =	simm.s32 @!p0 $0x6400;
	s25 =	simm.s32 @!p0 $0x80;
	s16 =	sadd.s32 @!p0 $0x200, s22  }
0x180: {  	[tilespmem:s26], [sflag:$0x1] =	stream.indirect.gather @!p0 [hbm4b:s4+s25], $0x40, s16, s25, $0xb8;
	[tilespmem:$0x12800] =	vst v63  }
0x181: {  	s26 =	simm.s32 $0x2  }
0x182: {  	_ =	swait.ge [sflag:s26], $0x2000  }
0x183: {  	[sflag:s26] =	ssyncset.done $0x0  }
0x184: {  	s16 =	simm.s32 @!p1 $0x6;
	[sflag:s26] =	ssyncadd.s32 $0xFFFFE000  }
0x185: {  	_ =	swait.ge @!p1 [sflag:s16], $0x400  }
0x186: {  	[sflag:s16] =	ssyncset.done @!p1 $0x0  }
0x187: {  	[sflag:s16] =	ssyncadd.s32 @!p1 $0xFFFFFC00  }
0x188: {  	_ =	swait.ge @!p1 [sflag:s16], $0x400  }
0x189: {  	[sflag:s16] =	ssyncset.done @!p1 $0x0  }
0x18a: {  	[sflag:s16] =	ssyncadd.s32 @!p1 $0xFFFFFC00  }
0x18b: {  	_ =	swait.ge @!p1 [sflag:s16], $0x400  }
0x18c: {  	[sflag:s16] =	ssyncset.done @!p1 $0x0  }
0x18d: {  	[sflag:s16] =	ssyncadd.s32 @!p1 $0xFFFFFC00  }
0x18e: {  	_ =	swait.ge @!p1 [sflag:s16], $0x400  }
0x18f: {  	[sflag:s16] =	ssyncset.done @!p1 $0x0  }
0x190: {  	[sflag:s16] =	ssyncadd.s32 @!p1 $0xFFFFFC00  }
0x191: {  	_ =	swait.ge @!p1 [sflag:s16], $0x400  }
0x192: {  	[sflag:s16] =	ssyncset.done @!p1 $0x0  }
0x193: {  	[sflag:s16] =	ssyncadd.s32 @!p1 $0xFFFFFC00  }
0x194: {  	_ =	swait.ge @!p1 [sflag:s16], $0x400  }
0x195: {  	[sflag:s16] =	ssyncset.done @!p1 $0x0  }
0x196: {  	[sflag:s16] =	ssyncadd.s32 @!p1 $0xFFFFFC00  }
0x197: {  	_ =	swait.ge @!p1 [sflag:s16], $0x400  }
0x198: {  	[sflag:s16] =	ssyncset.done @!p1 $0x0  }
0x199: {  	[sflag:s16] =	ssyncadd.s32 @!p1 $0xFFFFFC00  }
0x19a: {  	_ =	swait.ge @!p1 [sflag:s16], $0x400  }
0x19b: {  	[sflag:s16] =	ssyncset.done @!p1 $0x0  }
0x19c: {  	s28 =	simm.s32 $0x0;
	[sflag:s16] =	ssyncadd.s32 @!p1 $0xFFFFFC00;
	s16 =	simm.s32 $0x8480  }
0x19d: {  	v4 =	vmov s28;
	v5 =	vld [tilespmem:s16+$0xFFFFFF80]  }
0x19e: {  	v4 =	vand.u32 $0x7C, v4  }
0x19f: {  	v6 =	vadd.s32 v0, v4;
	_ =	sdelay $0x2  }
0x1a0: {  	v5 =	vmul.f32 $8.000000000e+00, v5;
	_ =	sdelay $0x1  }
0x1a1: {  	[tilespmem:v6+s19+$0x0] =	vst.idx.msk $0xffff, v5  }
0x1a2: {  	v5 =	vld [tilespmem:s16+$0xFFFFFF90];
	_ =	sdelay $0x1  }
0x1a3: {  	v6 =	vadd.s32 v1, v4;
	_ =	sdelay $0x2  }
0x1a4: {  	v5 =	vmul.f32 $8.000000000e+00, v5;
	_ =	sdelay $0x1  }
0x1a5: {  	[tilespmem:v6+s19+$0x0] =	vst.idx.msk $0xffff, v5  }
0x1a6: {  	v5 =	vld [tilespmem:s16+$0xFFFFFFA0];
	_ =	sdelay $0x1  }
0x1a7: {  	v6 =	vadd.s32 v2, v4;
	_ =	sdelay $0x2  }
0x1a8: {  	v5 =	vmul.f32 $8.000000000e+00, v5;
	_ =	sdelay $0x1  }
0x1a9: {  	[tilespmem:v6+s19+$0x0] =	vst.idx.msk $0xffff, v5  }
0x1aa: {  	v5 =	vld [tilespmem:s16+$0xFFFFFFB0];
	_ =	sdelay $0x1  }
0x1ab: {  	v4 =	vadd.s32 v3, v4;
	_ =	sdelay $0x2  }
0x1ac: {  	v5 =	vmul.f32 $8.000000000e+00, v5;
	_ =	sdelay $0x1  }
0x1ad: {  	s29 =	simm.s32 $0x1;
	[tilespmem:v4+s19+$0x0] =	vst.idx.msk $0xffff, v5  }
0x1ae: {  	v4 =	vmov s29;
	v5 =	vld [tilespmem:s16+$0xFFFFFFC0]  }
0x1af: {  	v4 =	vand.u32 $0x7D, v4  }
0x1b0: {  	v6 =	vadd.s32 v0, v4;
	_ =	sdelay $0x2  }
0x1b1: {  	v5 =	vmul.f32 $8.000000000e+00, v5;
	_ =	sdelay $0x1  }
0x1b2: {  	[tilespmem:v6+s19+$0x0] =	vst.idx.msk $0xffff, v5  }
0x1b3: {  	v5 =	vld [tilespmem:s16+$0xFFFFFFD0];
	_ =	sdelay $0x1  }
0x1b4: {  	v6 =	vadd.s32 v1, v4;
	_ =	sdelay $0x2  }
0x1b5: {  	v5 =	vmul.f32 $8.000000000e+00, v5;
	_ =	sdelay $0x1  }
0x1b6: {  	[tilespmem:v6+s19+$0x0] =	vst.idx.msk $0xffff, v5  }
0x1b7: {  	v5 =	vld [tilespmem:s16+$0xFFFFFFE0];
	_ =	sdelay $0x1  }
0x1b8: {  	v6 =	vadd.s32 v2, v4;
	_ =	sdelay $0x2  }
0x1b9: {  	v5 =	vmul.f32 $8.000000000e+00, v5;
	_ =	sdelay $0x1  }
0x1ba: {  	[tilespmem:v6+s19+$0x0] =	vst.idx.msk $0xffff, v5  }
0x1bb: {  	v5 =	vld [tilespmem:s16+$0xFFFFFFF0];
	_ =	sdelay $0x1  }
0x1bc: {  	v4 =	vadd.s32 v3, v4;
	_ =	sdelay $0x2  }
0x1bd: {  	v5 =	vmul.f32 $8.000000000e+00, v5;
	_ =	sdelay $0x1  }
0x1be: {  	s30 =	simm.s32 $0x2;
	[tilespmem:v4+s19+$0x0] =	vst.idx.msk $0xffff, v5  }
0x1bf: {  	v4 =	vmov s30;
	v5 =	vld [tilespmem:s16+$0x0]  }
0x1c0: {  	v4 =	vand.u32 $0x7E, v4  }
0x1c1: {  	v6 =	vadd.s32 v0, v4;
	_ =	sdelay $0x2  }
0x1c2: {  	v5 =	vmul.f32 $8.000000000e+00, v5;
	_ =	sdelay $0x1  }
0x1c3: {  	[tilespmem:v6+s19+$0x0] =	vst.idx.msk $0xffff, v5  }
0x1c4: {  	v5 =	vld [tilespmem:s16+$0x10];
	_ =	sdelay $0x1  }
0x1c5: {  	v6 =	vadd.s32 v1, v4;
	_ =	sdelay $0x2  }
0x1c6: {  	v5 =	vmul.f32 $8.000000000e+00, v5;
	_ =	sdelay $0x1  }
0x1c7: {  	[tilespmem:v6+s19+$0x0] =	vst.idx.msk $0xffff, v5  }
0x1c8: {  	v5 =	vld [tilespmem:s16+$0x20];
	_ =	sdelay $0x1  }
0x1c9: {  	v6 =	vadd.s32 v2, v4;
	_ =	sdelay $0x2  }
0x1ca: {  	v5 =	vmul.f32 $8.000000000e+00, v5;
	_ =	sdelay $0x1  }
0x1cb: {  	[tilespmem:v6+s19+$0x0] =	vst.idx.msk $0xffff, v5  }
0x1cc: {  	v5 =	vld [tilespmem:s16+$0x30];
	_ =	sdelay $0x1  }
0x1cd: {  	v4 =	vadd.s32 v3, v4;
	_ =	sdelay $0x2  }
0x1ce: {  	v5 =	vmul.f32 $8.000000000e+00, v5;
	_ =	sdelay $0x1  }
0x1cf: {  	s31 =	simm.s32 $0x3;
	[tilespmem:v4+s19+$0x0] =	vst.idx.msk $0xffff, v5  }
0x1d0: {  	v4 =	vmov s31;
	v5 =	vld [tilespmem:s16+$0x40]  }
0x1d1: {  	v4 =	vand.u32 $0x7F, v4  }
0x1d2: {  	v6 =	vadd.s32 v0, v4;
	_ =	sdelay $0x2  }
0x1d3: {  	v5 =	vmul.f32 $8.000000000e+00, v5;
	_ =	sdelay $0x1  }
0x1d4: {  	[tilespmem:v6+s19+$0x0] =	vst.idx.msk $0xffff, v5  }
0x1d5: {  	v5 =	vld [tilespmem:s16+$0x50];
	_ =	sdelay $0x1  }
0x1d6: {  	v6 =	vadd.s32 v1, v4;
	_ =	sdelay $0x2  }
0x1d7: {  	v5 =	vmul.f32 $8.000000000e+00, v5;
	_ =	sdelay $0x1  }
0x1d8: {  	[tilespmem:v6+s19+$0x0] =	vst.idx.msk $0xffff, v5  }
0x1d9: {  	v5 =	vld [tilespmem:s16+$0x60];
	_ =	sdelay $0x1  }
0x1da: {  	v6 =	vadd.s32 v2, v4;
	_ =	sdelay $0x2  }
0x1db: {  	v5 =	vmul.f32 $8.000000000e+00, v5;
	_ =	sdelay $0x1  }
0x1dc: {  	[tilespmem:v6+s19+$0x0] =	vst.idx.msk $0xffff, v5  }
0x1dd: {  	v5 =	vld [tilespmem:s16+$0x70];
	_ =	sdelay $0x1  }
0x1de: {  	v4 =	vadd.s32 v3, v4;
	_ =	sdelay $0x2  }
0x1df: {  	s25 =	sor.u32 $0x1, s15;
	s26 =	simm.s32 $0x4;
	v5 =	vmul.f32 $8.000000000e+00, v5  }
.LBB2_5:
0x1e0: {  	p1 =	sne.s32 s26, $0x7C  }
0x1e1: {  	s16 =	sadd.s32 $0x100, s16;
	s28 =	smov.u32 s26;
	s26 =	sadd.s32 $0x4, s26;
	[tilespmem:v4+s19+$0x0] =	vst.idx.msk $0xffff, v5  }
0x1e2: {  	v4 =	vmov s28;
	v5 =	vld [tilespmem:s16+$0xFFFFFF80]  }
0x1e3: {  	v4 =	vand.u32 $0x7C, v4  }
0x1e4: {  	v6 =	vadd.s32 v0, v4;
	_ =	sdelay $0x2  }
0x1e5: {  	v5 =	vmul.f32 $8.000000000e+00, v5;
	_ =	sdelay $0x1  }
0x1e6: {  	[tilespmem:v6+s19+$0x0] =	vst.idx.msk $0xffff, v5  }
0x1e7: {  	v5 =	vld [tilespmem:s16+$0xFFFFFF90];
	_ =	sdelay $0x1  }
0x1e8: {  	v6 =	vadd.s32 v1, v4;
	_ =	sdelay $0x2  }
0x1e9: {  	v5 =	vmul.f32 $8.000000000e+00, v5;
	_ =	sdelay $0x1  }
0x1ea: {  	[tilespmem:v6+s19+$0x0] =	vst.idx.msk $0xffff, v5  }
0x1eb: {  	v5 =	vld [tilespmem:s16+$0xFFFFFFA0];
	_ =	sdelay $0x1  }
0x1ec: {  	v6 =	vadd.s32 v2, v4;
	_ =	sdelay $0x2  }
0x1ed: {  	v5 =	vmul.f32 $8.000000000e+00, v5;
	_ =	sdelay $0x1  }
0x1ee: {  	[tilespmem:v6+s19+$0x0] =	vst.idx.msk $0xffff, v5  }
0x1ef: {  	v5 =	vld [tilespmem:s16+$0xFFFFFFB0];
	_ =	sdelay $0x1  }
0x1f0: {  	v4 =	vadd.s32 v3, v4;
	_ =	sdelay $0x2  }
0x1f1: {  	v5 =	vmul.f32 $8.000000000e+00, v5;
	_ =	sdelay $0x1  }
0x1f2: {  	s29 =	sadd.s32 $0x1, s28;
	[tilespmem:v4+s19+$0x0] =	vst.idx.msk $0xffff, v5  }
0x1f3: {  	v4 =	vmov s29;
	v5 =	vld [tilespmem:s16+$0xFFFFFFC0]  }
0x1f4: {  	v4 =	vand.u32 $0x7D, v4  }
0x1f5: {  	v6 =	vadd.s32 v0, v4;
	_ =	sdelay $0x2  }
0x1f6: {  	v5 =	vmul.f32 $8.000000000e+00, v5;
	_ =	sdelay $0x1  }
0x1f7: {  	[tilespmem:v6+s19+$0x0] =	vst.idx.msk $0xffff, v5  }
0x1f8: {  	v5 =	vld [tilespmem:s16+$0xFFFFFFD0];
	_ =	sdelay $0x1  }
0x1f9: {  	v6 =	vadd.s32 v1, v4;
	_ =	sdelay $0x2  }
0x1fa: {  	v5 =	vmul.f32 $8.000000000e+00, v5;
	_ =	sdelay $0x1  }
0x1fb: {  	[tilespmem:v6+s19+$0x0] =	vst.idx.msk $0xffff, v5  }
0x1fc: {  	v5 =	vld [tilespmem:s16+$0xFFFFFFE0];
	_ =	sdelay $0x1  }
0x1fd: {  	v6 =	vadd.s32 v2, v4;
	_ =	sdelay $0x2  }
0x1fe: {  	v5 =	vmul.f32 $8.000000000e+00, v5;
	_ =	sdelay $0x1  }
0x1ff: {  	[tilespmem:v6+s19+$0x0] =	vst.idx.msk $0xffff, v5  }
0x200: {  	v5 =	vld [tilespmem:s16+$0xFFFFFFF0];
	_ =	sdelay $0x1  }
0x201: {  	v4 =	vadd.s32 v3, v4;
	_ =	sdelay $0x2  }
0x202: {  	v5 =	vmul.f32 $8.000000000e+00, v5;
	_ =	sdelay $0x1  }
0x203: {  	s29 =	sadd.s32 $0x2, s28;
	[tilespmem:v4+s19+$0x0] =	vst.idx.msk $0xffff, v5  }
0x204: {  	v4 =	vmov s29;
	v5 =	vld [tilespmem:s16+$0x0]  }
0x205: {  	v4 =	vand.u32 $0x7E, v4  }
0x206: {  	v6 =	vadd.s32 v0, v4;
	_ =	sdelay $0x2  }
0x207: {  	v5 =	vmul.f32 $8.000000000e+00, v5;
	_ =	sdelay $0x1  }
0x208: {  	[tilespmem:v6+s19+$0x0] =	vst.idx.msk $0xffff, v5  }
0x209: {  	v5 =	vld [tilespmem:s16+$0x10];
	_ =	sdelay $0x1  }
0x20a: {  	v6 =	vadd.s32 v1, v4;
	_ =	sdelay $0x2  }
0x20b: {  	v5 =	vmul.f32 $8.000000000e+00, v5;
	_ =	sdelay $0x1  }
0x20c: {  	[tilespmem:v6+s19+$0x0] =	vst.idx.msk $0xffff, v5  }
0x20d: {  	v5 =	vld [tilespmem:s16+$0x20];
	_ =	sdelay $0x1  }
0x20e: {  	v6 =	vadd.s32 v2, v4;
	_ =	sdelay $0x2  }
0x20f: {  	v5 =	vmul.f32 $8.000000000e+00, v5;
	_ =	sdelay $0x1  }
0x210: {  	[tilespmem:v6+s19+$0x0] =	vst.idx.msk $0xffff, v5  }
0x211: {  	v5 =	vld [tilespmem:s16+$0x30];
	_ =	sdelay $0x1  }
0x212: {  	v4 =	vadd.s32 v3, v4;
	_ =	sdelay $0x2  }
0x213: {  	v5 =	vmul.f32 $8.000000000e+00, v5;
	_ =	sdelay $0x1  }
0x214: {  	s28 =	sadd.s32 $0x3, s28;
	[tilespmem:v4+s19+$0x0] =	vst.idx.msk $0xffff, v5  }
0x215: {  	v4 =	vmov s28;
	v5 =	vld [tilespmem:s16+$0x40]  }
0x216: {  	v4 =	vand.u32 $0x7F, v4  }
0x217: {  	v6 =	vadd.s32 v0, v4;
	_ =	sdelay $0x2  }
0x218: {  	v5 =	vmul.f32 $8.000000000e+00, v5;
	_ =	sdelay $0x1  }
0x219: {  	[tilespmem:v6+s19+$0x0] =	vst.idx.msk $0xffff, v5  }
0x21a: {  	v5 =	vld [tilespmem:s16+$0x50];
	_ =	sdelay $0x1  }
0x21b: {  	v6 =	vadd.s32 v1, v4;
	_ =	sdelay $0x2  }
0x21c: {  	v5 =	vmul.f32 $8.000000000e+00, v5;
	_ =	sdelay $0x1  }
0x21d: {  	[tilespmem:v6+s19+$0x0] =	vst.idx.msk $0xffff, v5  }
0x21e: {  	v5 =	vld [tilespmem:s16+$0x60];
	_ =	sdelay $0x1  }
0x21f: {  	v6 =	vadd.s32 v2, v4;
	_ =	sdelay $0x2  }
0x220: {  	v5 =	vmul.f32 $8.000000000e+00, v5;
	_ =	sdelay $0x1  }
0x221: {  	[tilespmem:v6+s19+$0x0] =	vst.idx.msk $0xffff, v5  }
0x222: {  	v5 =	vld [tilespmem:s16+$0x70]  }
.Ltmp3:
0x223: {  	(pc) =	sbr.rel @p1 .LBB2_5-.Ltmp3, $2  }
0x224: {  	v4 =	vadd.s32 v3, v4;
	_ =	sdelay $0x2  }
0x225: {  	v5 =	vmul.f32 $8.000000000e+00, v5  }
0x226: {  	s16 =	sadd.s32 s6, s25  }
0x227: {  	s25 =	sshll.u32 s16, $0xA;
	s16 =	sshll.u32 s16, $0x7  }
0x228: {  	s25 =	sand.u32 $0xFFF8000, s25;
	s16 =	sand.u32 $0xE80, s16  }
0x229: {  	s16 =	sor.u32 s16, s25  }
0x22a: {  	[tilespmem:v4+s19+$0x0] =	vst.idx.msk $0xffff, v5;
	s25 =	sadd.s32 s2, s16  }
0x22b: {  	[hbm4b:s25+s3] =	stream.linear.scatter [tilespmem:s19], [sflag:$0x6], $0x80, $0x38;
	[tilespmem:$0x12800] =	vst v63  }
0x22c: {  	s0 =	simm.s32 $0x10688;
	s26 =	sadd.s32 $0x10, s25  }
0x22d: {  	[hbm4b:s26+s3] =	stream.linear.scatter [tilespmem:s0], [sflag:$0x6], $0x80, $0x38;
	[tilespmem:$0x12800] =	vst v63  }
0x22e: {  	s18 =	simm.s32 $0x10710;
	s17 =	sadd.s32 $0x20, s25  }
0x22f: {  	[hbm4b:s17+s3] =	stream.linear.scatter [tilespmem:s18], [sflag:$0x6], $0x80, $0x38;
	[tilespmem:$0x12800] =	vst v63  }
0x230: {  	s23 =	simm.s32 $0x10798;
	s21 =	sadd.s32 $0x30, s25  }
0x231: {  	[hbm4b:s21+s3] =	stream.linear.scatter [tilespmem:s23], [sflag:$0x6], $0x80, $0x38;
	[tilespmem:$0x12800] =	vst v63  }
0x232: {  	s29 =	simm.s32 $0x10820;
	s28 =	sadd.s32 $0x40, s25  }
0x233: {  	[hbm4b:s28+s3] =	stream.linear.scatter [tilespmem:s29], [sflag:$0x6], $0x80, $0x38;
	[tilespmem:$0x12800] =	vst v63  }
0x234: {  	s31 =	simm.s32 $0x108A8;
	s30 =	sadd.s32 $0x50, s25  }
0x235: {  	[hbm4b:s30+s3] =	stream.linear.scatter [tilespmem:s31], [sflag:$0x6], $0x80, $0x38;
	[tilespmem:$0x12800] =	vst v63  }
0x236: {  	s1 =	simm.s32 $0x10930;
	s0 =	sadd.s32 $0x60, s25  }
0x237: {  	[hbm4b:s0+s3] =	stream.linear.scatter [tilespmem:s1], [sflag:$0x6], $0x80, $0x38;
	[tilespmem:$0x12800] =	vst v63  }
0x238: {  	s7 =	simm.s32 $0x109B8;
	s25 =	sadd.s32 $0x70, s25;
	s17 =	rddreg [dreg:$0x5]  }
0x239: {  	[hbm4b:s25+s3] =	stream.linear.scatter [tilespmem:s7], [sflag:$0x6], $0x80, $0x38;
	[tilespmem:$0x12800] =	vst v63  }
0x23a: {  	s18 =	simm.s32 $0x10A40;
	s25 =	sadd.s32 s16, s17  }
0x23b: {  	[hbm4b:s25+s3] =	stream.linear.scatter [tilespmem:s18], [sflag:$0x6], $0x80, $0x38;
	[tilespmem:$0x12800] =	vst v63  }
0x23c: {  	s23 =	simm.s32 $0x10AC8;
	s21 =	sadd.s32 $0x10, s25  }
0x23d: {  	[hbm4b:s21+s3] =	stream.linear.scatter [tilespmem:s23], [sflag:$0x6], $0x80, $0x38;
	[tilespmem:$0x12800] =	vst v63  }
0x23e: {  	s29 =	simm.s32 $0x10B50;
	s28 =	sadd.s32 $0x20, s25  }
0x23f: {  	[hbm4b:s28+s3] =	stream.linear.scatter [tilespmem:s29], [sflag:$0x6], $0x80, $0x38;
	[tilespmem:$0x12800] =	vst v63  }
0x240: {  	s31 =	simm.s32 $0x10BD8;
	s30 =	sadd.s32 $0x30, s25  }
0x241: {  	[hbm4b:s30+s3] =	stream.linear.scatter [tilespmem:s31], [sflag:$0x6], $0x80, $0x38;
	[tilespmem:$0x12800] =	vst v63  }
0x242: {  	s1 =	simm.s32 $0x10C60;
	s0 =	sadd.s32 $0x40, s25  }
0x243: {  	[hbm4b:s0+s3] =	stream.linear.scatter [tilespmem:s1], [sflag:$0x6], $0x80, $0x38;
	[tilespmem:$0x12800] =	vst v63  }
0x244: {  	s17 =	simm.s32 $0x10CE8;
	s7 =	sadd.s32 $0x50, s25  }
0x245: {  	[hbm4b:s7+s3] =	stream.linear.scatter [tilespmem:s17], [sflag:$0x6], $0x80, $0x38;
	[tilespmem:$0x12800] =	vst v63  }
0x246: {  	s18 =	sadd.s32 $0x60, s25;
	s21 =	simm.s32 $0x10D70  }
0x247: {  	[hbm4b:s18+s3] =	stream.linear.scatter [tilespmem:s21], [sflag:$0x6], $0x80, $0x38;
	[tilespmem:$0x12800] =	vst v63  }
0x248: {  	s25 =	sadd.s32 $0x70, s25;
	s23 =	simm.s32 $0x10DF8  }
0x249: {  	[hbm4b:s25+s3] =	stream.linear.scatter [tilespmem:s23], [sflag:$0x6], $0x80, $0x38;
	[tilespmem:$0x12800] =	vst v63  }
0x24a: {  	s26 =	simm.s32 $0x10E80;
	s25 =	sadd.s32 s16, s8  }
0x24b: {  	[hbm4b:s25+s3] =	stream.linear.scatter [tilespmem:s26], [sflag:$0x6], $0x80, $0x38;
	[tilespmem:$0x12800] =	vst v63  }
0x24c: {  	s29 =	simm.s32 $0x10F08;
	s28 =	sadd.s32 $0x10, s25  }
0x24d: {  	[hbm4b:s28+s3] =	stream.linear.scatter [tilespmem:s29], [sflag:$0x6], $0x80, $0x38;
	[tilespmem:$0x12800] =	vst v63  }
0x24e: {  	s31 =	simm.s32 $0x10F90;
	s30 =	sadd.s32 $0x20, s25  }
0x24f: {  	[hbm4b:s30+s3] =	stream.linear.scatter [tilespmem:s31], [sflag:$0x6], $0x80, $0x38;
	[tilespmem:$0x12800] =	vst v63  }
0x250: {  	s7 =	simm.s32 $0x11018;
	s1 =	sadd.s32 $0x30, s25  }
0x251: {  	[hbm4b:s1+s3] =	stream.linear.scatter [tilespmem:s7], [sflag:$0x6], $0x80, $0x38;
	[tilespmem:$0x12800] =	vst v63  }
0x252: {  	s18 =	simm.s32 $0x110A0;
	s17 =	sadd.s32 $0x40, s25  }
0x253: {  	[hbm4b:s17+s3] =	stream.linear.scatter [tilespmem:s18], [sflag:$0x6], $0x80, $0x38;
	[tilespmem:$0x12800] =	vst v63  }
0x254: {  	s23 =	simm.s32 $0x11128;
	s21 =	sadd.s32 $0x50, s25  }
0x255: {  	[hbm4b:s21+s3] =	stream.linear.scatter [tilespmem:s23], [sflag:$0x6], $0x80, $0x38;
	[tilespmem:$0x12800] =	vst v63  }
0x256: {  	s28 =	sadd.s32 $0x60, s25;
	s29 =	simm.s32 $0x111B0  }
0x257: {  	[hbm4b:s28+s3] =	stream.linear.scatter [tilespmem:s29], [sflag:$0x6], $0x80, $0x38;
	[tilespmem:$0x12800] =	vst v63  }
0x258: {  	s25 =	sadd.s32 $0x70, s25;
	s30 =	simm.s32 $0x11238  }
0x259: {  	[hbm4b:s25+s3] =	stream.linear.scatter [tilespmem:s30], [sflag:$0x6], $0x80, $0x38;
	[tilespmem:$0x12800] =	vst v63  }
0x25a: {  	s31 =	simm.s32 $0x112C0;
	s25 =	sadd.s32 s16, s9  }
0x25b: {  	[hbm4b:s25+s3] =	stream.linear.scatter [tilespmem:s31], [sflag:$0x6], $0x80, $0x38;
	[tilespmem:$0x12800] =	vst v63  }
0x25c: {  	s7 =	simm.s32 $0x11348;
	s1 =	sadd.s32 $0x10, s25  }
0x25d: {  	[hbm4b:s1+s3] =	stream.linear.scatter [tilespmem:s7], [sflag:$0x6], $0x80, $0x38;
	[tilespmem:$0x12800] =	vst v63  }
0x25e: {  	s18 =	simm.s32 $0x113D0;
	s17 =	sadd.s32 $0x20, s25  }
0x25f: {  	[hbm4b:s17+s3] =	stream.linear.scatter [tilespmem:s18], [sflag:$0x6], $0x80, $0x38;
	[tilespmem:$0x12800] =	vst v63  }
0x260: {  	s23 =	simm.s32 $0x11458;
	s21 =	sadd.s32 $0x30, s25  }
0x261: {  	[hbm4b:s21+s3] =	stream.linear.scatter [tilespmem:s23], [sflag:$0x6], $0x80, $0x38;
	[tilespmem:$0x12800] =	vst v63  }
0x262: {  	s29 =	simm.s32 $0x114E0;
	s28 =	sadd.s32 $0x40, s25  }
0x263: {  	[hbm4b:s28+s3] =	stream.linear.scatter [tilespmem:s29], [sflag:$0x6], $0x80, $0x38;
	[tilespmem:$0x12800] =	vst v63  }
0x264: {  	s30 =	sadd.s32 $0x50, s25;
	s31 =	simm.s32 $0x11568  }
0x265: {  	[hbm4b:s30+s3] =	stream.linear.scatter [tilespmem:s31], [sflag:$0x6], $0x80, $0x38;
	[tilespmem:$0x12800] =	vst v63  }
0x266: {  	s1 =	sadd.s32 $0x60, s25;
	s7 =	simm.s32 $0x115F0  }
0x267: {  	[hbm4b:s1+s3] =	stream.linear.scatter [tilespmem:s7], [sflag:$0x6], $0x80, $0x38;
	[tilespmem:$0x12800] =	vst v63  }
0x268: {  	s25 =	sadd.s32 $0x70, s25;
	s17 =	simm.s32 $0x11678  }
0x269: {  	[hbm4b:s25+s3] =	stream.linear.scatter [tilespmem:s17], [sflag:$0x6], $0x80, $0x38;
	[tilespmem:$0x12800] =	vst v63  }
0x26a: {  	s18 =	simm.s32 $0x11700;
	s25 =	sadd.s32 s16, s10  }
0x26b: {  	[hbm4b:s25+s3] =	stream.linear.scatter [tilespmem:s18], [sflag:$0x6], $0x80, $0x38;
	[tilespmem:$0x12800] =	vst v63  }
0x26c: {  	s23 =	simm.s32 $0x11788;
	s21 =	sadd.s32 $0x10, s25  }
0x26d: {  	[hbm4b:s21+s3] =	stream.linear.scatter [tilespmem:s23], [sflag:$0x6], $0x80, $0x38;
	[tilespmem:$0x12800] =	vst v63  }
0x26e: {  	s29 =	simm.s32 $0x11810;
	s28 =	sadd.s32 $0x20, s25  }
0x26f: {  	[hbm4b:s28+s3] =	stream.linear.scatter [tilespmem:s29], [sflag:$0x6], $0x80, $0x38;
	[tilespmem:$0x12800] =	vst v63  }
0x270: {  	s31 =	simm.s32 $0x11898;
	s30 =	sadd.s32 $0x30, s25  }
0x271: {  	[hbm4b:s30+s3] =	stream.linear.scatter [tilespmem:s31], [sflag:$0x6], $0x80, $0x38;
	[tilespmem:$0x12800] =	vst v63  }
0x272: {  	s7 =	simm.s32 $0x11920;
	s1 =	sadd.s32 $0x40, s25  }
0x273: {  	[hbm4b:s1+s3] =	stream.linear.scatter [tilespmem:s7], [sflag:$0x6], $0x80, $0x38;
	[tilespmem:$0x12800] =	vst v63  }
0x274: {  	s17 =	sadd.s32 $0x50, s25;
	s18 =	simm.s32 $0x119A8  }
0x275: {  	[hbm4b:s17+s3] =	stream.linear.scatter [tilespmem:s18], [sflag:$0x6], $0x80, $0x38;
	[tilespmem:$0x12800] =	vst v63  }
0x276: {  	s21 =	sadd.s32 $0x60, s25;
	s23 =	simm.s32 $0x11A30  }
0x277: {  	[hbm4b:s21+s3] =	stream.linear.scatter [tilespmem:s23], [sflag:$0x6], $0x80, $0x38;
	[tilespmem:$0x12800] =	vst v63  }
0x278: {  	s25 =	sadd.s32 $0x70, s25;
	s28 =	simm.s32 $0x11AB8  }
0x279: {  	[hbm4b:s25+s3] =	stream.linear.scatter [tilespmem:s28], [sflag:$0x6], $0x80, $0x38;
	[tilespmem:$0x12800] =	vst v63  }
0x27a: {  	s29 =	simm.s32 $0x11B40;
	s25 =	sadd.s32 s16, s11  }
0x27b: {  	[hbm4b:s25+s3] =	stream.linear.scatter [tilespmem:s29], [sflag:$0x6], $0x80, $0x38;
	[tilespmem:$0x12800] =	vst v63  }
0x27c: {  	s31 =	simm.s32 $0x11BC8;
	s30 =	sadd.s32 $0x10, s25  }
0x27d: {  	[hbm4b:s30+s3] =	stream.linear.scatter [tilespmem:s31], [sflag:$0x6], $0x80, $0x38;
	[tilespmem:$0x12800] =	vst v63  }
0x27e: {  	s7 =	simm.s32 $0x11C50;
	s1 =	sadd.s32 $0x20, s25  }
0x27f: {  	[hbm4b:s1+s3] =	stream.linear.scatter [tilespmem:s7], [sflag:$0x6], $0x80, $0x38;
	[tilespmem:$0x12800] =	vst v63  }
0x280: {  	s18 =	simm.s32 $0x11CD8;
	s17 =	sadd.s32 $0x30, s25  }
0x281: {  	[hbm4b:s17+s3] =	stream.linear.scatter [tilespmem:s18], [sflag:$0x6], $0x80, $0x38;
	[tilespmem:$0x12800] =	vst v63  }
0x282: {  	s23 =	simm.s32 $0x11D60;
	s21 =	sadd.s32 $0x40, s25  }
0x283: {  	[hbm4b:s21+s3] =	stream.linear.scatter [tilespmem:s23], [sflag:$0x6], $0x80, $0x38;
	[tilespmem:$0x12800] =	vst v63  }
0x284: {  	s28 =	sadd.s32 $0x50, s25;
	s29 =	simm.s32 $0x11DE8  }
0x285: {  	[hbm4b:s28+s3] =	stream.linear.scatter [tilespmem:s29], [sflag:$0x6], $0x80, $0x38;
	[tilespmem:$0x12800] =	vst v63  }
0x286: {  	s30 =	sadd.s32 $0x60, s25;
	s31 =	simm.s32 $0x11E70  }
0x287: {  	[hbm4b:s30+s3] =	stream.linear.scatter [tilespmem:s31], [sflag:$0x6], $0x80, $0x38;
	[tilespmem:$0x12800] =	vst v63  }
0x288: {  	s25 =	sadd.s32 $0x70, s25;
	s1 =	simm.s32 $0x11EF8  }
0x289: {  	[hbm4b:s25+s3] =	stream.linear.scatter [tilespmem:s1], [sflag:$0x6], $0x80, $0x38;
	[tilespmem:$0x12800] =	vst v63  }
0x28a: {  	s7 =	simm.s32 $0x11F80;
	s25 =	sadd.s32 s16, s12  }
0x28b: {  	[hbm4b:s25+s3] =	stream.linear.scatter [tilespmem:s7], [sflag:$0x6], $0x80, $0x38;
	[tilespmem:$0x12800] =	vst v63  }
0x28c: {  	s18 =	simm.s32 $0x12008;
	s17 =	sadd.s32 $0x10, s25  }
0x28d: {  	[hbm4b:s17+s3] =	stream.linear.scatter [tilespmem:s18], [sflag:$0x6], $0x80, $0x38;
	[tilespmem:$0x12800] =	vst v63  }
0x28e: {  	s23 =	simm.s32 $0x12090;
	s21 =	sadd.s32 $0x20, s25  }
0x28f: {  	[hbm4b:s21+s3] =	stream.linear.scatter [tilespmem:s23], [sflag:$0x6], $0x80, $0x38;
	[tilespmem:$0x12800] =	vst v63  }
0x290: {  	s29 =	simm.s32 $0x12118;
	s28 =	sadd.s32 $0x30, s25  }
0x291: {  	[hbm4b:s28+s3] =	stream.linear.scatter [tilespmem:s29], [sflag:$0x6], $0x80, $0x38;
	[tilespmem:$0x12800] =	vst v63  }
0x292: {  	s31 =	simm.s32 $0x121A0;
	s30 =	sadd.s32 $0x40, s25  }
0x293: {  	[hbm4b:s30+s3] =	stream.linear.scatter [tilespmem:s31], [sflag:$0x6], $0x80, $0x38;
	[tilespmem:$0x12800] =	vst v63  }
0x294: {  	s1 =	simm.s32 $0x12228;
	s0 =	sadd.s32 $0x50, s25  }
0x295: {  	[hbm4b:s0+s3] =	stream.linear.scatter [tilespmem:s1], [sflag:$0x6], $0x80, $0x38;
	[tilespmem:$0x12800] =	vst v63  }
0x296: {  	s7 =	sadd.s32 $0x60, s25;
	s17 =	simm.s32 $0x122B0  }
0x297: {  	[hbm4b:s7+s3] =	stream.linear.scatter [tilespmem:s17], [sflag:$0x6], $0x80, $0x38;
	[tilespmem:$0x12800] =	vst v63  }
0x298: {  	s25 =	sadd.s32 $0x70, s25;
	s18 =	simm.s32 $0x12338  }
0x299: {  	[hbm4b:s25+s3] =	stream.linear.scatter [tilespmem:s18], [sflag:$0x6], $0x80, $0x38;
	[tilespmem:$0x12800] =	vst v63  }
0x29a: {  	s16 =	sadd.s32 s16, s13;
	s21 =	simm.s32 $0x123C0  }
0x29b: {  	[hbm4b:s16+s3] =	stream.linear.scatter [tilespmem:s21], [sflag:$0x6], $0x80, $0x38;
	[tilespmem:$0x12800] =	vst v63  }
0x29c: {  	s26 =	simm.s32 $0x12448;
	s23 =	sadd.s32 $0x10, s16  }
0x29d: {  	[hbm4b:s23+s3] =	stream.linear.scatter [tilespmem:s26], [sflag:$0x6], $0x80, $0x38;
	[tilespmem:$0x12800] =	vst v63  }
0x29e: {  	s28 =	sadd.s32 $0x20, s16;
	s29 =	simm.s32 $0x124D0  }
0x29f: {  	[hbm4b:s28+s3] =	stream.linear.scatter [tilespmem:s29], [sflag:$0x6], $0x80, $0x38;
	[tilespmem:$0x12800] =	vst v63  }
0x2a0: {  	s30 =	sadd.s32 $0x30, s16;
	s31 =	simm.s32 $0x12558  }
0x2a1: {  	[hbm4b:s30+s3] =	stream.linear.scatter [tilespmem:s31], [sflag:$0x6], $0x80, $0x38;
	[tilespmem:$0x12800] =	vst v63  }
0x2a2: {  	s1 =	sadd.s32 $0x40, s16;
	s7 =	simm.s32 $0x125E0  }
0x2a3: {  	[hbm4b:s1+s3] =	stream.linear.scatter [tilespmem:s7], [sflag:$0x6], $0x80, $0x38;
	[tilespmem:$0x12800] =	vst v63  }
0x2a4: {  	s17 =	sadd.s32 $0x50, s16;
	s18 =	simm.s32 $0x12668  }
0x2a5: {  	[hbm4b:s17+s3] =	stream.linear.scatter [tilespmem:s18], [sflag:$0x6], $0x80, $0x38;
	[tilespmem:$0x12800] =	vst v63  }
0x2a6: {  	s21 =	sadd.s32 $0x60, s16;
	s23 =	simm.s32 $0x126F0  }
0x2a7: {  	[hbm4b:s21+s3] =	stream.linear.scatter [tilespmem:s23], [sflag:$0x6], $0x80, $0x38;
	[tilespmem:$0x12800] =	vst v63  }
0x2a8: {  	s25 =	simm.s32 $0x12778;
	s16 =	sadd.s32 $0x70, s16  }
0x2a9: {  	[hbm4b:s16+s3] =	stream.linear.scatter [tilespmem:s25], [sflag:$0x6], $0x80, $0x38;
	[tilespmem:$0x12800] =	vst v63  }
0x2aa: {  	s26 =	simm.s32 @!p0 $0x8400;
	s16 =	sadd.s32 @!p0 $0x280, s22;
	s25 =	simm.s32 @!p0 $0x80  }
0x2ab: {  	[tilespmem:s26], [sflag:$0x2] =	stream.indirect.gather @!p0 [hbm4b:s4+s25], $0x40, s16, s25, $0xb8;
	[tilespmem:$0x12800] =	vst v63  }
0x2ac: {  	s26 =	simm.s32 $0x3  }
0x2ad: {  	_ =	swait.ge [sflag:s26], $0x2000  }
0x2ae: {  	[sflag:s26] =	ssyncset.done $0x0  }
0x2af: {  	[sflag:s26] =	ssyncadd.s32 $0xFFFFE000  }
0x2b0: {  	_ =	swait.ge [sflag:s20], $0x400  }
0x2b1: {  	[sflag:s20] =	ssyncset.done $0x0  }
0x2b2: {  	[sflag:s20] =	ssyncadd.s32 $0xFFFFFC00  }
0x2b3: {  	_ =	swait.ge [sflag:s20], $0x400  }
0x2b4: {  	[sflag:s20] =	ssyncset.done $0x0  }
0x2b5: {  	[sflag:s20] =	ssyncadd.s32 $0xFFFFFC00  }
0x2b6: {  	_ =	swait.ge [sflag:s20], $0x400  }
0x2b7: {  	[sflag:s20] =	ssyncset.done $0x0  }
0x2b8: {  	[sflag:s20] =	ssyncadd.s32 $0xFFFFFC00  }
0x2b9: {  	_ =	swait.ge [sflag:s20], $0x400  }
0x2ba: {  	[sflag:s20] =	ssyncset.done $0x0  }
0x2bb: {  	[sflag:s20] =	ssyncadd.s32 $0xFFFFFC00  }
0x2bc: {  	_ =	swait.ge [sflag:s20], $0x400  }
0x2bd: {  	[sflag:s20] =	ssyncset.done $0x0  }
0x2be: {  	[sflag:s20] =	ssyncadd.s32 $0xFFFFFC00  }
0x2bf: {  	_ =	swait.ge [sflag:s20], $0x400  }
0x2c0: {  	[sflag:s20] =	ssyncset.done $0x0  }
0x2c1: {  	[sflag:s20] =	ssyncadd.s32 $0xFFFFFC00  }
0x2c2: {  	_ =	swait.ge [sflag:s20], $0x400  }
0x2c3: {  	[sflag:s20] =	ssyncset.done $0x0  }
0x2c4: {  	[sflag:s20] =	ssyncadd.s32 $0xFFFFFC00  }
0x2c5: {  	_ =	swait.ge [sflag:s20], $0x400  }
0x2c6: {  	[sflag:s20] =	ssyncset.done $0x0  }
0x2c7: {  	s28 =	simm.s32 $0x0;
	s16 =	simm.s32 $0xA480;
	[sflag:s20] =	ssyncadd.s32 $0xFFFFFC00  }
0x2c8: {  	v4 =	vmov s28;
	v5 =	vld [tilespmem:s16+$0xFFFFFF80]  }
0x2c9: {  	v4 =	vand.u32 $0x7C, v4  }
0x2ca: {  	v6 =	vadd.s32 v0, v4;
	_ =	sdelay $0x2  }
0x2cb: {  	v5 =	vmul.f32 $8.000000000e+00, v5;
	_ =	sdelay $0x1  }
0x2cc: {  	[tilespmem:v6+s24+$0x0] =	vst.idx.msk $0xffff, v5  }
0x2cd: {  	v5 =	vld [tilespmem:s16+$0xFFFFFF90];
	_ =	sdelay $0x1  }
0x2ce: {  	v6 =	vadd.s32 v1, v4;
	_ =	sdelay $0x2  }
0x2cf: {  	v5 =	vmul.f32 $8.000000000e+00, v5;
	_ =	sdelay $0x1  }
0x2d0: {  	[tilespmem:v6+s24+$0x0] =	vst.idx.msk $0xffff, v5  }
0x2d1: {  	v5 =	vld [tilespmem:s16+$0xFFFFFFA0];
	_ =	sdelay $0x1  }
0x2d2: {  	v6 =	vadd.s32 v2, v4;
	_ =	sdelay $0x2  }
0x2d3: {  	v5 =	vmul.f32 $8.000000000e+00, v5;
	_ =	sdelay $0x1  }
0x2d4: {  	[tilespmem:v6+s24+$0x0] =	vst.idx.msk $0xffff, v5  }
0x2d5: {  	v5 =	vld [tilespmem:s16+$0xFFFFFFB0];
	_ =	sdelay $0x1  }
0x2d6: {  	v4 =	vadd.s32 v3, v4;
	_ =	sdelay $0x2  }
0x2d7: {  	v5 =	vmul.f32 $8.000000000e+00, v5;
	_ =	sdelay $0x1  }
0x2d8: {  	s29 =	simm.s32 $0x1;
	[tilespmem:v4+s24+$0x0] =	vst.idx.msk $0xffff, v5  }
0x2d9: {  	v4 =	vmov s29;
	v5 =	vld [tilespmem:s16+$0xFFFFFFC0]  }
0x2da: {  	v4 =	vand.u32 $0x7D, v4  }
0x2db: {  	v6 =	vadd.s32 v0, v4;
	_ =	sdelay $0x2  }
0x2dc: {  	v5 =	vmul.f32 $8.000000000e+00, v5;
	_ =	sdelay $0x1  }
0x2dd: {  	[tilespmem:v6+s24+$0x0] =	vst.idx.msk $0xffff, v5  }
0x2de: {  	v5 =	vld [tilespmem:s16+$0xFFFFFFD0];
	_ =	sdelay $0x1  }
0x2df: {  	v6 =	vadd.s32 v1, v4;
	_ =	sdelay $0x2  }
0x2e0: {  	v5 =	vmul.f32 $8.000000000e+00, v5;
	_ =	sdelay $0x1  }
0x2e1: {  	[tilespmem:v6+s24+$0x0] =	vst.idx.msk $0xffff, v5  }
0x2e2: {  	v5 =	vld [tilespmem:s16+$0xFFFFFFE0];
	_ =	sdelay $0x1  }
0x2e3: {  	v6 =	vadd.s32 v2, v4;
	_ =	sdelay $0x2  }
0x2e4: {  	v5 =	vmul.f32 $8.000000000e+00, v5;
	_ =	sdelay $0x1  }
0x2e5: {  	[tilespmem:v6+s24+$0x0] =	vst.idx.msk $0xffff, v5  }
0x2e6: {  	v5 =	vld [tilespmem:s16+$0xFFFFFFF0];
	_ =	sdelay $0x1  }
0x2e7: {  	v4 =	vadd.s32 v3, v4;
	_ =	sdelay $0x2  }
0x2e8: {  	v5 =	vmul.f32 $8.000000000e+00, v5;
	_ =	sdelay $0x1  }
0x2e9: {  	s30 =	simm.s32 $0x2;
	[tilespmem:v4+s24+$0x0] =	vst.idx.msk $0xffff, v5  }
0x2ea: {  	v4 =	vmov s30;
	v5 =	vld [tilespmem:s16+$0x0]  }
0x2eb: {  	v4 =	vand.u32 $0x7E, v4  }
0x2ec: {  	v6 =	vadd.s32 v0, v4;
	_ =	sdelay $0x2  }
0x2ed: {  	v5 =	vmul.f32 $8.000000000e+00, v5;
	_ =	sdelay $0x1  }
0x2ee: {  	[tilespmem:v6+s24+$0x0] =	vst.idx.msk $0xffff, v5  }
0x2ef: {  	v5 =	vld [tilespmem:s16+$0x10];
	_ =	sdelay $0x1  }
0x2f0: {  	v6 =	vadd.s32 v1, v4;
	_ =	sdelay $0x2  }
0x2f1: {  	v5 =	vmul.f32 $8.000000000e+00, v5;
	_ =	sdelay $0x1  }
0x2f2: {  	[tilespmem:v6+s24+$0x0] =	vst.idx.msk $0xffff, v5  }
0x2f3: {  	v5 =	vld [tilespmem:s16+$0x20];
	_ =	sdelay $0x1  }
0x2f4: {  	v6 =	vadd.s32 v2, v4;
	_ =	sdelay $0x2  }
0x2f5: {  	v5 =	vmul.f32 $8.000000000e+00, v5;
	_ =	sdelay $0x1  }
0x2f6: {  	[tilespmem:v6+s24+$0x0] =	vst.idx.msk $0xffff, v5  }
0x2f7: {  	v5 =	vld [tilespmem:s16+$0x30];
	_ =	sdelay $0x1  }
0x2f8: {  	v4 =	vadd.s32 v3, v4;
	_ =	sdelay $0x2  }
0x2f9: {  	v5 =	vmul.f32 $8.000000000e+00, v5;
	_ =	sdelay $0x1  }
0x2fa: {  	s31 =	simm.s32 $0x3;
	[tilespmem:v4+s24+$0x0] =	vst.idx.msk $0xffff, v5  }
0x2fb: {  	v4 =	vmov s31;
	v5 =	vld [tilespmem:s16+$0x40]  }
0x2fc: {  	v4 =	vand.u32 $0x7F, v4  }
0x2fd: {  	v6 =	vadd.s32 v0, v4;
	_ =	sdelay $0x2  }
0x2fe: {  	v5 =	vmul.f32 $8.000000000e+00, v5;
	_ =	sdelay $0x1  }
0x2ff: {  	[tilespmem:v6+s24+$0x0] =	vst.idx.msk $0xffff, v5  }
0x300: {  	v5 =	vld [tilespmem:s16+$0x50];
	_ =	sdelay $0x1  }
0x301: {  	v6 =	vadd.s32 v1, v4;
	_ =	sdelay $0x2  }
0x302: {  	v5 =	vmul.f32 $8.000000000e+00, v5;
	_ =	sdelay $0x1  }
0x303: {  	[tilespmem:v6+s24+$0x0] =	vst.idx.msk $0xffff, v5  }
0x304: {  	v5 =	vld [tilespmem:s16+$0x60];
	_ =	sdelay $0x1  }
0x305: {  	v6 =	vadd.s32 v2, v4;
	_ =	sdelay $0x2  }
0x306: {  	v5 =	vmul.f32 $8.000000000e+00, v5;
	_ =	sdelay $0x1  }
0x307: {  	[tilespmem:v6+s24+$0x0] =	vst.idx.msk $0xffff, v5  }
0x308: {  	v5 =	vld [tilespmem:s16+$0x70];
	_ =	sdelay $0x1  }
0x309: {  	v4 =	vadd.s32 v3, v4;
	_ =	sdelay $0x2  }
0x30a: {  	s25 =	simm.s32 $0x4;
	v5 =	vmul.f32 $8.000000000e+00, v5  }
.LBB2_7:
0x30b: {  	p1 =	sne.s32 s25, $0x7C  }
0x30c: {  	s16 =	sadd.s32 $0x100, s16;
	s26 =	smov.u32 s25;
	s25 =	sadd.s32 $0x4, s25;
	[tilespmem:v4+s24+$0x0] =	vst.idx.msk $0xffff, v5  }
0x30d: {  	v4 =	vmov s26;
	v5 =	vld [tilespmem:s16+$0xFFFFFF80]  }
0x30e: {  	v4 =	vand.u32 $0x7C, v4  }
0x30f: {  	v6 =	vadd.s32 v0, v4;
	_ =	sdelay $0x2  }
0x310: {  	v5 =	vmul.f32 $8.000000000e+00, v5;
	_ =	sdelay $0x1  }
0x311: {  	[tilespmem:v6+s24+$0x0] =	vst.idx.msk $0xffff, v5  }
0x312: {  	v5 =	vld [tilespmem:s16+$0xFFFFFF90];
	_ =	sdelay $0x1  }
0x313: {  	v6 =	vadd.s32 v1, v4;
	_ =	sdelay $0x2  }
0x314: {  	v5 =	vmul.f32 $8.000000000e+00, v5;
	_ =	sdelay $0x1  }
0x315: {  	[tilespmem:v6+s24+$0x0] =	vst.idx.msk $0xffff, v5  }
0x316: {  	v5 =	vld [tilespmem:s16+$0xFFFFFFA0];
	_ =	sdelay $0x1  }
0x317: {  	v6 =	vadd.s32 v2, v4;
	_ =	sdelay $0x2  }
0x318: {  	v5 =	vmul.f32 $8.000000000e+00, v5;
	_ =	sdelay $0x1  }
0x319: {  	[tilespmem:v6+s24+$0x0] =	vst.idx.msk $0xffff, v5  }
0x31a: {  	v5 =	vld [tilespmem:s16+$0xFFFFFFB0];
	_ =	sdelay $0x1  }
0x31b: {  	v4 =	vadd.s32 v3, v4;
	_ =	sdelay $0x2  }
0x31c: {  	v5 =	vmul.f32 $8.000000000e+00, v5;
	_ =	sdelay $0x1  }
0x31d: {  	s28 =	sadd.s32 $0x1, s26;
	[tilespmem:v4+s24+$0x0] =	vst.idx.msk $0xffff, v5  }
0x31e: {  	v4 =	vmov s28;
	v5 =	vld [tilespmem:s16+$0xFFFFFFC0]  }
0x31f: {  	v4 =	vand.u32 $0x7D, v4  }
0x320: {  	v6 =	vadd.s32 v0, v4;
	_ =	sdelay $0x2  }
0x321: {  	v5 =	vmul.f32 $8.000000000e+00, v5;
	_ =	sdelay $0x1  }
0x322: {  	[tilespmem:v6+s24+$0x0] =	vst.idx.msk $0xffff, v5  }
0x323: {  	v5 =	vld [tilespmem:s16+$0xFFFFFFD0];
	_ =	sdelay $0x1  }
0x324: {  	v6 =	vadd.s32 v1, v4;
	_ =	sdelay $0x2  }
0x325: {  	v5 =	vmul.f32 $8.000000000e+00, v5;
	_ =	sdelay $0x1  }
0x326: {  	[tilespmem:v6+s24+$0x0] =	vst.idx.msk $0xffff, v5  }
0x327: {  	v5 =	vld [tilespmem:s16+$0xFFFFFFE0];
	_ =	sdelay $0x1  }
0x328: {  	v6 =	vadd.s32 v2, v4;
	_ =	sdelay $0x2  }
0x329: {  	v5 =	vmul.f32 $8.000000000e+00, v5;
	_ =	sdelay $0x1  }
0x32a: {  	[tilespmem:v6+s24+$0x0] =	vst.idx.msk $0xffff, v5  }
0x32b: {  	v5 =	vld [tilespmem:s16+$0xFFFFFFF0];
	_ =	sdelay $0x1  }
0x32c: {  	v4 =	vadd.s32 v3, v4;
	_ =	sdelay $0x2  }
0x32d: {  	v5 =	vmul.f32 $8.000000000e+00, v5;
	_ =	sdelay $0x1  }
0x32e: {  	s28 =	sadd.s32 $0x2, s26;
	[tilespmem:v4+s24+$0x0] =	vst.idx.msk $0xffff, v5  }
0x32f: {  	v4 =	vmov s28;
	v5 =	vld [tilespmem:s16+$0x0]  }
0x330: {  	v4 =	vand.u32 $0x7E, v4  }
0x331: {  	v6 =	vadd.s32 v0, v4;
	_ =	sdelay $0x2  }
0x332: {  	v5 =	vmul.f32 $8.000000000e+00, v5;
	_ =	sdelay $0x1  }
0x333: {  	[tilespmem:v6+s24+$0x0] =	vst.idx.msk $0xffff, v5  }
0x334: {  	v5 =	vld [tilespmem:s16+$0x10];
	_ =	sdelay $0x1  }
0x335: {  	v6 =	vadd.s32 v1, v4;
	_ =	sdelay $0x2  }
0x336: {  	v5 =	vmul.f32 $8.000000000e+00, v5;
	_ =	sdelay $0x1  }
0x337: {  	[tilespmem:v6+s24+$0x0] =	vst.idx.msk $0xffff, v5  }
0x338: {  	v5 =	vld [tilespmem:s16+$0x20];
	_ =	sdelay $0x1  }
0x339: {  	v6 =	vadd.s32 v2, v4;
	_ =	sdelay $0x2  }
0x33a: {  	v5 =	vmul.f32 $8.000000000e+00, v5;
	_ =	sdelay $0x1  }
0x33b: {  	[tilespmem:v6+s24+$0x0] =	vst.idx.msk $0xffff, v5  }
0x33c: {  	v5 =	vld [tilespmem:s16+$0x30];
	_ =	sdelay $0x1  }
0x33d: {  	v4 =	vadd.s32 v3, v4;
	_ =	sdelay $0x2  }
0x33e: {  	v5 =	vmul.f32 $8.000000000e+00, v5;
	_ =	sdelay $0x1  }
0x33f: {  	s26 =	sadd.s32 $0x3, s26;
	[tilespmem:v4+s24+$0x0] =	vst.idx.msk $0xffff, v5  }
0x340: {  	v4 =	vmov s26;
	v5 =	vld [tilespmem:s16+$0x40]  }
0x341: {  	v4 =	vand.u32 $0x7F, v4  }
0x342: {  	v6 =	vadd.s32 v0, v4;
	_ =	sdelay $0x2  }
0x343: {  	v5 =	vmul.f32 $8.000000000e+00, v5;
	_ =	sdelay $0x1  }
0x344: {  	[tilespmem:v6+s24+$0x0] =	vst.idx.msk $0xffff, v5  }
0x345: {  	v5 =	vld [tilespmem:s16+$0x50];
	_ =	sdelay $0x1  }
0x346: {  	v6 =	vadd.s32 v1, v4;
	_ =	sdelay $0x2  }
0x347: {  	v5 =	vmul.f32 $8.000000000e+00, v5;
	_ =	sdelay $0x1  }
0x348: {  	[tilespmem:v6+s24+$0x0] =	vst.idx.msk $0xffff, v5  }
0x349: {  	v5 =	vld [tilespmem:s16+$0x60];
	_ =	sdelay $0x1  }
0x34a: {  	v6 =	vadd.s32 v2, v4;
	_ =	sdelay $0x2  }
0x34b: {  	v5 =	vmul.f32 $8.000000000e+00, v5;
	_ =	sdelay $0x1  }
0x34c: {  	[tilespmem:v6+s24+$0x0] =	vst.idx.msk $0xffff, v5  }
0x34d: {  	v5 =	vld [tilespmem:s16+$0x70]  }
.Ltmp4:
0x34e: {  	(pc) =	sbr.rel @p1 .LBB2_7-.Ltmp4, $2  }
0x34f: {  	v4 =	vadd.s32 v3, v4;
	_ =	sdelay $0x2  }
0x350: {  	v5 =	vmul.f32 $8.000000000e+00, v5  }
0x351: {  	s15 =	sadd.s32 s15, s6  }
0x352: {  	s16 =	sadd.s32 $0x2, s15  }
0x353: {  	s25 =	sshll.u32 s16, $0xA;
	s16 =	sshll.u32 s16, $0x7  }
0x354: {  	s25 =	sand.u32 $0xFFF8000, s25;
	s16 =	sand.u32 $0xF00, s16  }
0x355: {  	s16 =	sor.u32 s16, s25  }
0x356: {  	[tilespmem:v4+s24+$0x0] =	vst.idx.msk $0xffff, v5;
	s25 =	sadd.s32 s2, s16  }
0x357: {  	[hbm4b:s25+s3] =	stream.linear.scatter [tilespmem:s24], [sflag:$0x5], $0x80, $0x38;
	[tilespmem:$0x12800] =	vst v63  }
0x358: {  	s28 =	simm.s32 $0xE488;
	s26 =	sadd.s32 $0x10, s25  }
0x359: {  	[hbm4b:s26+s3] =	stream.linear.scatter [tilespmem:s28], [sflag:$0x5], $0x80, $0x38;
	[tilespmem:$0x12800] =	vst v63  }
0x35a: {  	s29 =	simm.s32 $0xE510;
	s17 =	sadd.s32 $0x20, s25  }
0x35b: {  	[hbm4b:s17+s3] =	stream.linear.scatter [tilespmem:s29], [sflag:$0x5], $0x80, $0x38;
	[tilespmem:$0x12800] =	vst v63  }
0x35c: {  	s30 =	simm.s32 $0xE598;
	s18 =	sadd.s32 $0x30, s25  }
0x35d: {  	[hbm4b:s18+s3] =	stream.linear.scatter [tilespmem:s30], [sflag:$0x5], $0x80, $0x38;
	[tilespmem:$0x12800] =	vst v63  }
0x35e: {  	s21 =	sadd.s32 $0x40, s25;
	s30 =	simm.s32 $0xE620  }
0x35f: {  	[hbm4b:s21+s3] =	stream.linear.scatter [tilespmem:s30], [sflag:$0x5], $0x80, $0x38;
	[tilespmem:$0x12800] =	vst v63  }
0x360: {  	s31 =	simm.s32 $0xE6A8;
	s23 =	sadd.s32 $0x50, s25  }
0x361: {  	[hbm4b:s23+s3] =	stream.linear.scatter [tilespmem:s31], [sflag:$0x5], $0x80, $0x38;
	[tilespmem:$0x12800] =	vst v63  }
0x362: {  	s7 =	smov.u32 s6;
	s0 =	sadd.s32 $0x60, s25;
	s31 =	simm.s32 $0xE730  }
0x363: {  	[hbm4b:s0+s3] =	stream.linear.scatter [tilespmem:s31], [sflag:$0x5], $0x80, $0x38;
	[tilespmem:$0x12800] =	vst v63  }
0x364: {  	s1 =	simm.s32 $0xE7B8;
	s25 =	sadd.s32 $0x70, s25;
	s0 =	rddreg [dreg:$0x5]  }
0x365: {  	[hbm4b:s25+s3] =	stream.linear.scatter [tilespmem:s1], [sflag:$0x5], $0x80, $0x38;
	[tilespmem:$0x12800] =	vst v63  }
0x366: {  	s6 =	smov.u32 s2;
	s2 =	simm.s32 $0xE840;
	s25 =	sadd.s32 s16, s0  }
0x367: {  	[hbm4b:s25+s3] =	stream.linear.scatter [tilespmem:s2], [sflag:$0x5], $0x80, $0x38;
	[tilespmem:$0x12800] =	vst v63  }
0x368: {  	s1 =	simm.s32 $0xE8C8;
	s17 =	sadd.s32 $0x10, s25  }
0x369: {  	[hbm4b:s17+s3] =	stream.linear.scatter [tilespmem:s1], [sflag:$0x5], $0x80, $0x38;
	[tilespmem:$0x12800] =	vst v63  }
0x36a: {  	s18 =	sadd.s32 $0x20, s25;
	s1 =	simm.s32 $0xE950  }
0x36b: {  	[hbm4b:s18+s3] =	stream.linear.scatter [tilespmem:s1], [sflag:$0x5], $0x80, $0x38;
	[tilespmem:$0x12800] =	vst v63  }
0x36c: {  	s23 =	simm.s32 $0xE9D8;
	s21 =	sadd.s32 $0x30, s25  }
0x36d: {  	[hbm4b:s21+s3] =	stream.linear.scatter [tilespmem:s23], [sflag:$0x5], $0x80, $0x38;
	[tilespmem:$0x12800] =	vst v63  }
0x36e: {  	s0 =	simm.s32 $0xEA60;
	s2 =	sadd.s32 $0x40, s25  }
0x36f: {  	[hbm4b:s2+s3] =	stream.linear.scatter [tilespmem:s0], [sflag:$0x5], $0x80, $0x38;
	[tilespmem:$0x12800] =	vst v63  }
0x370: {  	s17 =	sadd.s32 $0x50, s25;
	s23 =	simm.s32 $0xEAE8  }
0x371: {  	[hbm4b:s17+s3] =	stream.linear.scatter [tilespmem:s23], [sflag:$0x5], $0x80, $0x38;
	[tilespmem:$0x12800] =	vst v63  }
0x372: {  	s18 =	sadd.s32 $0x60, s25;
	s23 =	simm.s32 $0xEB70  }
0x373: {  	[hbm4b:s18+s3] =	stream.linear.scatter [tilespmem:s23], [sflag:$0x5], $0x80, $0x38;
	[tilespmem:$0x12800] =	vst v63  }
0x374: {  	s25 =	sadd.s32 $0x70, s25;
	s21 =	simm.s32 $0xEBF8  }
0x375: {  	[hbm4b:s25+s3] =	stream.linear.scatter [tilespmem:s21], [sflag:$0x5], $0x80, $0x38;
	[tilespmem:$0x12800] =	vst v63  }
0x376: {  	s2 =	simm.s32 $0xEC80;
	s25 =	sadd.s32 s16, s8  }
0x377: {  	[hbm4b:s25+s3] =	stream.linear.scatter [tilespmem:s2], [sflag:$0x5], $0x80, $0x38;
	[tilespmem:$0x12800] =	vst v63  }
0x378: {  	s18 =	simm.s32 $0xED08;
	s17 =	sadd.s32 $0x10, s25  }
0x379: {  	[hbm4b:s17+s3] =	stream.linear.scatter [tilespmem:s18], [sflag:$0x5], $0x80, $0x38;
	[tilespmem:$0x12800] =	vst v63  }
0x37a: {  	s21 =	sadd.s32 $0x20, s25;
	s18 =	simm.s32 $0xED90  }
0x37b: {  	[hbm4b:s21+s3] =	stream.linear.scatter [tilespmem:s18], [sflag:$0x5], $0x80, $0x38;
	[tilespmem:$0x12800] =	vst v63  }
0x37c: {  	s2 =	sadd.s32 $0x30, s25;
	s17 =	simm.s32 $0xEE18  }
0x37d: {  	[hbm4b:s2+s3] =	stream.linear.scatter [tilespmem:s17], [sflag:$0x5], $0x80, $0x38;
	[tilespmem:$0x12800] =	vst v63  }
0x37e: {  	s21 =	sadd.s32 $0x40, s25;
	s17 =	simm.s32 $0xEEA0  }
0x37f: {  	[hbm4b:s21+s3] =	stream.linear.scatter [tilespmem:s17], [sflag:$0x5], $0x80, $0x38;
	[tilespmem:$0x12800] =	vst v63  }
0x380: {  	s2 =	sadd.s32 $0x50, s25;
	s21 =	simm.s32 $0xEF28  }
0x381: {  	[hbm4b:s2+s3] =	stream.linear.scatter [tilespmem:s21], [sflag:$0x5], $0x80, $0x38;
	[tilespmem:$0x12800] =	vst v63  }
0x382: {  	s2 =	sadd.s32 $0x60, s25;
	s21 =	simm.s32 $0xEFB0  }
0x383: {  	[hbm4b:s2+s3] =	stream.linear.scatter [tilespmem:s21], [sflag:$0x5], $0x80, $0x38;
	[tilespmem:$0x12800] =	vst v63  }
0x384: {  	s25 =	sadd.s32 $0x70, s25;
	s2 =	simm.s32 $0xF038  }
0x385: {  	[hbm4b:s25+s3] =	stream.linear.scatter [tilespmem:s2], [sflag:$0x5], $0x80, $0x38;
	[tilespmem:$0x12800] =	vst v63  }
0x386: {  	s25 =	sadd.s32 s16, s9;
	s2 =	simm.s32 $0xF0C0  }
0x387: {  	[hbm4b:s25+s3] =	stream.linear.scatter [tilespmem:s2], [sflag:$0x5], $0x80, $0x38;
	[tilespmem:$0x12800] =	vst v63  }
0x388: {  	s26 =	sadd.s32 $0x10, s25;
	s2 =	simm.s32 $0xF148  }
0x389: {  	[hbm4b:s26+s3] =	stream.linear.scatter [tilespmem:s2], [sflag:$0x5], $0x80, $0x38;
	[tilespmem:$0x12800] =	vst v63  }
0x38a: {  	s26 =	sadd.s32 $0x20, s25;
	s2 =	simm.s32 $0xF1D0  }
0x38b: {  	[hbm4b:s26+s3] =	stream.linear.scatter [tilespmem:s2], [sflag:$0x5], $0x80, $0x38;
	[tilespmem:$0x12800] =	vst v63  }
0x38c: {  	s26 =	sadd.s32 $0x30, s25;
	s2 =	simm.s32 $0xF258  }
0x38d: {  	[hbm4b:s26+s3] =	stream.linear.scatter [tilespmem:s2], [sflag:$0x5], $0x80, $0x38;
	[tilespmem:$0x12800] =	vst v63  }
0x38e: {  	s26 =	sadd.s32 $0x40, s25;
	s2 =	simm.s32 $0xF2E0  }
0x38f: {  	[hbm4b:s26+s3] =	stream.linear.scatter [tilespmem:s2], [sflag:$0x5], $0x80, $0x38;
	[tilespmem:$0x12800] =	vst v63  }
0x390: {  	s26 =	sadd.s32 $0x50, s25;
	s2 =	simm.s32 $0xF368  }
0x391: {  	[hbm4b:s26+s3] =	stream.linear.scatter [tilespmem:s2], [sflag:$0x5], $0x80, $0x38;
	[tilespmem:$0x12800] =	vst v63  }
0x392: {  	s26 =	sadd.s32 $0x60, s25;
	s2 =	simm.s32 $0xF3F0  }
0x393: {  	[hbm4b:s26+s3] =	stream.linear.scatter [tilespmem:s2], [sflag:$0x5], $0x80, $0x38;
	[tilespmem:$0x12800] =	vst v63  }
0x394: {  	s25 =	sadd.s32 $0x70, s25;
	s26 =	simm.s32 $0xF478  }
0x395: {  	[hbm4b:s25+s3] =	stream.linear.scatter [tilespmem:s26], [sflag:$0x5], $0x80, $0x38;
	[tilespmem:$0x12800] =	vst v63  }
0x396: {  	s25 =	sadd.s32 s16, s10;
	s26 =	simm.s32 $0xF500  }
0x397: {  	[hbm4b:s25+s3] =	stream.linear.scatter [tilespmem:s26], [sflag:$0x5], $0x80, $0x38;
	[tilespmem:$0x12800] =	vst v63  }
0x398: {  	s2 =	simm.s32 $0xF588;
	s26 =	sadd.s32 $0x10, s25  }
0x399: {  	[hbm4b:s26+s3] =	stream.linear.scatter [tilespmem:s2], [sflag:$0x5], $0x80, $0x38;
	[tilespmem:$0x12800] =	vst v63  }
0x39a: {  	s26 =	sadd.s32 $0x20, s25;
	s2 =	simm.s32 $0xF610  }
0x39b: {  	[hbm4b:s26+s3] =	stream.linear.scatter [tilespmem:s2], [sflag:$0x5], $0x80, $0x38;
	[tilespmem:$0x12800] =	vst v63  }
0x39c: {  	s26 =	sadd.s32 $0x30, s25;
	s2 =	simm.s32 $0xF698  }
0x39d: {  	[hbm4b:s26+s3] =	stream.linear.scatter [tilespmem:s2], [sflag:$0x5], $0x80, $0x38;
	[tilespmem:$0x12800] =	vst v63  }
0x39e: {  	s26 =	sadd.s32 $0x40, s25;
	s2 =	simm.s32 $0xF720  }
0x39f: {  	[hbm4b:s26+s3] =	stream.linear.scatter [tilespmem:s2], [sflag:$0x5], $0x80, $0x38;
	[tilespmem:$0x12800] =	vst v63  }
0x3a0: {  	s26 =	sadd.s32 $0x50, s25;
	s2 =	simm.s32 $0xF7A8  }
0x3a1: {  	[hbm4b:s26+s3] =	stream.linear.scatter [tilespmem:s2], [sflag:$0x5], $0x80, $0x38;
	[tilespmem:$0x12800] =	vst v63  }
0x3a2: {  	s26 =	sadd.s32 $0x60, s25;
	s2 =	simm.s32 $0xF830  }
0x3a3: {  	[hbm4b:s26+s3] =	stream.linear.scatter [tilespmem:s2], [sflag:$0x5], $0x80, $0x38;
	[tilespmem:$0x12800] =	vst v63  }
0x3a4: {  	s25 =	sadd.s32 $0x70, s25;
	s26 =	simm.s32 $0xF8B8  }
0x3a5: {  	[hbm4b:s25+s3] =	stream.linear.scatter [tilespmem:s26], [sflag:$0x5], $0x80, $0x38;
	[tilespmem:$0x12800] =	vst v63  }
0x3a6: {  	s25 =	sadd.s32 s16, s11;
	s26 =	simm.s32 $0xF940  }
0x3a7: {  	[hbm4b:s25+s3] =	stream.linear.scatter [tilespmem:s26], [sflag:$0x5], $0x80, $0x38;
	[tilespmem:$0x12800] =	vst v63  }
0x3a8: {  	s2 =	simm.s32 $0xF9C8;
	s26 =	sadd.s32 $0x10, s25  }
0x3a9: {  	[hbm4b:s26+s3] =	stream.linear.scatter [tilespmem:s2], [sflag:$0x5], $0x80, $0x38;
	[tilespmem:$0x12800] =	vst v63  }
0x3aa: {  	s26 =	sadd.s32 $0x20, s25;
	s2 =	simm.s32 $0xFA50  }
0x3ab: {  	[hbm4b:s26+s3] =	stream.linear.scatter [tilespmem:s2], [sflag:$0x5], $0x80, $0x38;
	[tilespmem:$0x12800] =	vst v63  }
0x3ac: {  	s26 =	sadd.s32 $0x30, s25;
	s2 =	simm.s32 $0xFAD8  }
0x3ad: {  	[hbm4b:s26+s3] =	stream.linear.scatter [tilespmem:s2], [sflag:$0x5], $0x80, $0x38;
	[tilespmem:$0x12800] =	vst v63  }
0x3ae: {  	s26 =	sadd.s32 $0x40, s25;
	s2 =	simm.s32 $0xFB60  }
0x3af: {  	[hbm4b:s26+s3] =	stream.linear.scatter [tilespmem:s2], [sflag:$0x5], $0x80, $0x38;
	[tilespmem:$0x12800] =	vst v63  }
0x3b0: {  	s26 =	sadd.s32 $0x50, s25;
	s2 =	simm.s32 $0xFBE8  }
0x3b1: {  	[hbm4b:s26+s3] =	stream.linear.scatter [tilespmem:s2], [sflag:$0x5], $0x80, $0x38;
	[tilespmem:$0x12800] =	vst v63  }
0x3b2: {  	s26 =	sadd.s32 $0x60, s25;
	s2 =	simm.s32 $0xFC70  }
0x3b3: {  	[hbm4b:s26+s3] =	stream.linear.scatter [tilespmem:s2], [sflag:$0x5], $0x80, $0x38;
	[tilespmem:$0x12800] =	vst v63  }
0x3b4: {  	s25 =	sadd.s32 $0x70, s25;
	s26 =	simm.s32 $0xFCF8  }
0x3b5: {  	[hbm4b:s25+s3] =	stream.linear.scatter [tilespmem:s26], [sflag:$0x5], $0x80, $0x38;
	[tilespmem:$0x12800] =	vst v63  }
0x3b6: {  	s25 =	sadd.s32 s16, s12;
	s26 =	simm.s32 $0xFD80  }
0x3b7: {  	[hbm4b:s25+s3] =	stream.linear.scatter [tilespmem:s26], [sflag:$0x5], $0x80, $0x38;
	[tilespmem:$0x12800] =	vst v63  }
0x3b8: {  	s2 =	simm.s32 $0xFE08;
	s26 =	sadd.s32 $0x10, s25  }
0x3b9: {  	[hbm4b:s26+s3] =	stream.linear.scatter [tilespmem:s2], [sflag:$0x5], $0x80, $0x38;
	[tilespmem:$0x12800] =	vst v63  }
0x3ba: {  	s26 =	sadd.s32 $0x20, s25;
	s2 =	simm.s32 $0xFE90  }
0x3bb: {  	[hbm4b:s26+s3] =	stream.linear.scatter [tilespmem:s2], [sflag:$0x5], $0x80, $0x38;
	[tilespmem:$0x12800] =	vst v63  }
0x3bc: {  	s26 =	sadd.s32 $0x30, s25;
	s2 =	simm.s32 $0xFF18  }
0x3bd: {  	[hbm4b:s26+s3] =	stream.linear.scatter [tilespmem:s2], [sflag:$0x5], $0x80, $0x38;
	[tilespmem:$0x12800] =	vst v63  }
0x3be: {  	s26 =	sadd.s32 $0x40, s25;
	s2 =	simm.s32 $0xFFA0  }
0x3bf: {  	[hbm4b:s26+s3] =	stream.linear.scatter [tilespmem:s2], [sflag:$0x5], $0x80, $0x38;
	[tilespmem:$0x12800] =	vst v63  }
0x3c0: {  	s26 =	sadd.s32 $0x50, s25;
	s2 =	simm.s32 $0x10028  }
0x3c1: {  	[hbm4b:s26+s3] =	stream.linear.scatter [tilespmem:s2], [sflag:$0x5], $0x80, $0x38;
	[tilespmem:$0x12800] =	vst v63  }
0x3c2: {  	s26 =	sadd.s32 $0x60, s25;
	s2 =	simm.s32 $0x100B0  }
0x3c3: {  	[hbm4b:s26+s3] =	stream.linear.scatter [tilespmem:s2], [sflag:$0x5], $0x80, $0x38;
	[tilespmem:$0x12800] =	vst v63  }
0x3c4: {  	s25 =	sadd.s32 $0x70, s25;
	s26 =	simm.s32 $0x10138  }
0x3c5: {  	[hbm4b:s25+s3] =	stream.linear.scatter [tilespmem:s26], [sflag:$0x5], $0x80, $0x38;
	[tilespmem:$0x12800] =	vst v63  }
0x3c6: {  	s16 =	sadd.s32 s16, s13;
	s26 =	simm.s32 $0x101C0  }
0x3c7: {  	[hbm4b:s16+s3] =	stream.linear.scatter [tilespmem:s26], [sflag:$0x5], $0x80, $0x38;
	[tilespmem:$0x12800] =	vst v63  }
0x3c8: {  	s2 =	sadd.s32 $0x10, s16;
	s26 =	simm.s32 $0x10248  }
0x3c9: {  	[hbm4b:s2+s3] =	stream.linear.scatter [tilespmem:s26], [sflag:$0x5], $0x80, $0x38;
	[tilespmem:$0x12800] =	vst v63  }
0x3ca: {  	s2 =	sadd.s32 $0x20, s16;
	s26 =	simm.s32 $0x102D0  }
0x3cb: {  	[hbm4b:s2+s3] =	stream.linear.scatter [tilespmem:s26], [sflag:$0x5], $0x80, $0x38;
	[tilespmem:$0x12800] =	vst v63  }
0x3cc: {  	s2 =	sadd.s32 $0x30, s16;
	s26 =	simm.s32 $0x10358  }
0x3cd: {  	[hbm4b:s2+s3] =	stream.linear.scatter [tilespmem:s26], [sflag:$0x5], $0x80, $0x38;
	[tilespmem:$0x12800] =	vst v63  }
0x3ce: {  	s2 =	sadd.s32 $0x40, s16;
	s26 =	simm.s32 $0x103E0  }
0x3cf: {  	[hbm4b:s2+s3] =	stream.linear.scatter [tilespmem:s26], [sflag:$0x5], $0x80, $0x38;
	[tilespmem:$0x12800] =	vst v63  }
0x3d0: {  	s2 =	sadd.s32 $0x50, s16;
	s26 =	simm.s32 $0x10468  }
0x3d1: {  	[hbm4b:s2+s3] =	stream.linear.scatter [tilespmem:s26], [sflag:$0x5], $0x80, $0x38;
	[tilespmem:$0x12800] =	vst v63  }
0x3d2: {  	s2 =	sadd.s32 $0x60, s16;
	s26 =	simm.s32 $0x104F0  }
0x3d3: {  	[hbm4b:s2+s3] =	stream.linear.scatter [tilespmem:s26], [sflag:$0x5], $0x80, $0x38;
	[tilespmem:$0x12800] =	vst v63  }
0x3d4: {  	s16 =	sadd.s32 $0x70, s16;
	s26 =	simm.s32 $0x10578  }
0x3d5: {  	[hbm4b:s16+s3] =	stream.linear.scatter [tilespmem:s26], [sflag:$0x5], $0x80, $0x38;
	[tilespmem:$0x12800] =	vst v63  }
0x3d6: {  	s25 =	simm.s32 @!p0 $0xA400;
	s16 =	sadd.s32 @!p0 $0x300, s22;
	s22 =	simm.s32 @!p0 $0x80  }
0x3d7: {  	[tilespmem:s25], [sflag:$0x3] =	stream.indirect.gather @!p0 [hbm4b:s4+s22], $0x40, s16, s22, $0xb8;
	[tilespmem:$0x12800] =	vst v63  }
0x3d8: {  	s25 =	simm.s32 $0x4  }
0x3d9: {  	_ =	swait.ge [sflag:s25], $0x2000  }
0x3da: {  	[sflag:s25] =	ssyncset.done $0x0  }
0x3db: {  	[sflag:s25] =	ssyncadd.s32 $0xFFFFE000  }
0x3dc: {  	_ =	swait.ge [sflag:s5], $0x400  }
0x3dd: {  	[sflag:s5] =	ssyncset.done $0x0  }
0x3de: {  	[sflag:s5] =	ssyncadd.s32 $0xFFFFFC00  }
0x3df: {  	_ =	swait.ge [sflag:s5], $0x400  }
0x3e0: {  	[sflag:s5] =	ssyncset.done $0x0  }
0x3e1: {  	[sflag:s5] =	ssyncadd.s32 $0xFFFFFC00  }
0x3e2: {  	_ =	swait.ge [sflag:s5], $0x400  }
0x3e3: {  	[sflag:s5] =	ssyncset.done $0x0  }
0x3e4: {  	[sflag:s5] =	ssyncadd.s32 $0xFFFFFC00  }
0x3e5: {  	_ =	swait.ge [sflag:s5], $0x400  }
0x3e6: {  	[sflag:s5] =	ssyncset.done $0x0  }
0x3e7: {  	[sflag:s5] =	ssyncadd.s32 $0xFFFFFC00  }
0x3e8: {  	_ =	swait.ge [sflag:s5], $0x400  }
0x3e9: {  	[sflag:s5] =	ssyncset.done $0x0  }
0x3ea: {  	[sflag:s5] =	ssyncadd.s32 $0xFFFFFC00  }
0x3eb: {  	_ =	swait.ge [sflag:s5], $0x400  }
0x3ec: {  	[sflag:s5] =	ssyncset.done $0x0  }
0x3ed: {  	[sflag:s5] =	ssyncadd.s32 $0xFFFFFC00  }
0x3ee: {  	_ =	swait.ge [sflag:s5], $0x400  }
0x3ef: {  	[sflag:s5] =	ssyncset.done $0x0  }
0x3f0: {  	[sflag:s5] =	ssyncadd.s32 $0xFFFFFC00  }
0x3f1: {  	_ =	swait.ge [sflag:s5], $0x400  }
0x3f2: {  	[sflag:s5] =	ssyncset.done $0x0  }
0x3f3: {  	s26 =	simm.s32 $0x0;
	s16 =	simm.s32 $0xC480;
	[sflag:s5] =	ssyncadd.s32 $0xFFFFFC00  }
0x3f4: {  	v4 =	vmov s26;
	v5 =	vld [tilespmem:s16+$0xFFFFFF80]  }
0x3f5: {  	v4 =	vand.u32 $0x7C, v4  }
0x3f6: {  	v6 =	vadd.s32 v0, v4;
	_ =	sdelay $0x2  }
0x3f7: {  	v5 =	vmul.f32 $8.000000000e+00, v5;
	_ =	sdelay $0x1  }
0x3f8: {  	[tilespmem:v6+s19+$0x0] =	vst.idx.msk $0xffff, v5  }
0x3f9: {  	v5 =	vld [tilespmem:s16+$0xFFFFFF90];
	_ =	sdelay $0x1  }
0x3fa: {  	v6 =	vadd.s32 v1, v4;
	_ =	sdelay $0x2  }
0x3fb: {  	v5 =	vmul.f32 $8.000000000e+00, v5;
	_ =	sdelay $0x1  }
0x3fc: {  	[tilespmem:v6+s19+$0x0] =	vst.idx.msk $0xffff, v5  }
0x3fd: {  	v5 =	vld [tilespmem:s16+$0xFFFFFFA0];
	_ =	sdelay $0x1  }
0x3fe: {  	v6 =	vadd.s32 v2, v4;
	_ =	sdelay $0x2  }
0x3ff: {  	v5 =	vmul.f32 $8.000000000e+00, v5;
	_ =	sdelay $0x1  }
0x400: {  	[tilespmem:v6+s19+$0x0] =	vst.idx.msk $0xffff, v5  }
0x401: {  	v5 =	vld [tilespmem:s16+$0xFFFFFFB0];
	_ =	sdelay $0x1  }
0x402: {  	v4 =	vadd.s32 v3, v4;
	_ =	sdelay $0x2  }
0x403: {  	v5 =	vmul.f32 $8.000000000e+00, v5;
	_ =	sdelay $0x1  }
0x404: {  	s2 =	simm.s32 $0x1;
	[tilespmem:v4+s19+$0x0] =	vst.idx.msk $0xffff, v5  }
0x405: {  	v4 =	vmov s2;
	v5 =	vld [tilespmem:s16+$0xFFFFFFC0]  }
0x406: {  	v4 =	vand.u32 $0x7D, v4  }
0x407: {  	v6 =	vadd.s32 v0, v4;
	_ =	sdelay $0x2  }
0x408: {  	v5 =	vmul.f32 $8.000000000e+00, v5;
	_ =	sdelay $0x1  }
0x409: {  	[tilespmem:v6+s19+$0x0] =	vst.idx.msk $0xffff, v5  }
0x40a: {  	v5 =	vld [tilespmem:s16+$0xFFFFFFD0];
	_ =	sdelay $0x1  }
0x40b: {  	v6 =	vadd.s32 v1, v4;
	_ =	sdelay $0x2  }
0x40c: {  	v5 =	vmul.f32 $8.000000000e+00, v5;
	_ =	sdelay $0x1  }
0x40d: {  	[tilespmem:v6+s19+$0x0] =	vst.idx.msk $0xffff, v5  }
0x40e: {  	v5 =	vld [tilespmem:s16+$0xFFFFFFE0];
	_ =	sdelay $0x1  }
0x40f: {  	v6 =	vadd.s32 v2, v4;
	_ =	sdelay $0x2  }
0x410: {  	v5 =	vmul.f32 $8.000000000e+00, v5;
	_ =	sdelay $0x1  }
0x411: {  	[tilespmem:v6+s19+$0x0] =	vst.idx.msk $0xffff, v5  }
0x412: {  	v5 =	vld [tilespmem:s16+$0xFFFFFFF0];
	_ =	sdelay $0x1  }
0x413: {  	v4 =	vadd.s32 v3, v4;
	_ =	sdelay $0x2  }
0x414: {  	v5 =	vmul.f32 $8.000000000e+00, v5;
	_ =	sdelay $0x1  }
0x415: {  	s25 =	simm.s32 $0x2;
	[tilespmem:v4+s19+$0x0] =	vst.idx.msk $0xffff, v5  }
0x416: {  	v4 =	vmov s25;
	v5 =	vld [tilespmem:s16+$0x0]  }
0x417: {  	v4 =	vand.u32 $0x7E, v4  }
0x418: {  	v6 =	vadd.s32 v0, v4;
	_ =	sdelay $0x2  }
0x419: {  	v5 =	vmul.f32 $8.000000000e+00, v5;
	_ =	sdelay $0x1  }
0x41a: {  	[tilespmem:v6+s19+$0x0] =	vst.idx.msk $0xffff, v5  }
0x41b: {  	v5 =	vld [tilespmem:s16+$0x10];
	_ =	sdelay $0x1  }
0x41c: {  	v6 =	vadd.s32 v1, v4;
	_ =	sdelay $0x2  }
0x41d: {  	v5 =	vmul.f32 $8.000000000e+00, v5;
	_ =	sdelay $0x1  }
0x41e: {  	[tilespmem:v6+s19+$0x0] =	vst.idx.msk $0xffff, v5  }
0x41f: {  	v5 =	vld [tilespmem:s16+$0x20];
	_ =	sdelay $0x1  }
0x420: {  	v6 =	vadd.s32 v2, v4;
	_ =	sdelay $0x2  }
0x421: {  	v5 =	vmul.f32 $8.000000000e+00, v5;
	_ =	sdelay $0x1  }
0x422: {  	[tilespmem:v6+s19+$0x0] =	vst.idx.msk $0xffff, v5  }
0x423: {  	v5 =	vld [tilespmem:s16+$0x30];
	_ =	sdelay $0x1  }
0x424: {  	v4 =	vadd.s32 v3, v4;
	_ =	sdelay $0x2  }
0x425: {  	v5 =	vmul.f32 $8.000000000e+00, v5;
	_ =	sdelay $0x1  }
0x426: {  	s26 =	simm.s32 $0x3;
	[tilespmem:v4+s19+$0x0] =	vst.idx.msk $0xffff, v5  }
0x427: {  	v4 =	vmov s26;
	v5 =	vld [tilespmem:s16+$0x40]  }
0x428: {  	v4 =	vand.u32 $0x7F, v4  }
0x429: {  	v6 =	vadd.s32 v0, v4;
	_ =	sdelay $0x2  }
0x42a: {  	v5 =	vmul.f32 $8.000000000e+00, v5;
	_ =	sdelay $0x1  }
0x42b: {  	[tilespmem:v6+s19+$0x0] =	vst.idx.msk $0xffff, v5  }
0x42c: {  	v5 =	vld [tilespmem:s16+$0x50];
	_ =	sdelay $0x1  }
0x42d: {  	v6 =	vadd.s32 v1, v4;
	_ =	sdelay $0x2  }
0x42e: {  	v5 =	vmul.f32 $8.000000000e+00, v5;
	_ =	sdelay $0x1  }
0x42f: {  	[tilespmem:v6+s19+$0x0] =	vst.idx.msk $0xffff, v5  }
0x430: {  	v5 =	vld [tilespmem:s16+$0x60];
	_ =	sdelay $0x1  }
0x431: {  	v6 =	vadd.s32 v2, v4;
	_ =	sdelay $0x2  }
0x432: {  	v5 =	vmul.f32 $8.000000000e+00, v5;
	_ =	sdelay $0x1  }
0x433: {  	[tilespmem:v6+s19+$0x0] =	vst.idx.msk $0xffff, v5  }
0x434: {  	v5 =	vld [tilespmem:s16+$0x70];
	_ =	sdelay $0x1  }
0x435: {  	v4 =	vadd.s32 v3, v4;
	_ =	sdelay $0x2  }
0x436: {  	s22 =	simm.s32 $0x4;
	v5 =	vmul.f32 $8.000000000e+00, v5  }
.LBB2_9:
0x437: {  	p1 =	sne.s32 s22, $0x7C  }
0x438: {  	s16 =	sadd.s32 $0x100, s16;
	s25 =	smov.u32 s22;
	s22 =	sadd.s32 $0x4, s22;
	[tilespmem:v4+s19+$0x0] =	vst.idx.msk $0xffff, v5  }
0x439: {  	v4 =	vmov s25;
	v5 =	vld [tilespmem:s16+$0xFFFFFF80]  }
0x43a: {  	v4 =	vand.u32 $0x7C, v4  }
0x43b: {  	v6 =	vadd.s32 v0, v4;
	_ =	sdelay $0x2  }
0x43c: {  	v5 =	vmul.f32 $8.000000000e+00, v5;
	_ =	sdelay $0x1  }
0x43d: {  	[tilespmem:v6+s19+$0x0] =	vst.idx.msk $0xffff, v5  }
0x43e: {  	v5 =	vld [tilespmem:s16+$0xFFFFFF90];
	_ =	sdelay $0x1  }
0x43f: {  	v6 =	vadd.s32 v1, v4;
	_ =	sdelay $0x2  }
0x440: {  	v5 =	vmul.f32 $8.000000000e+00, v5;
	_ =	sdelay $0x1  }
0x441: {  	[tilespmem:v6+s19+$0x0] =	vst.idx.msk $0xffff, v5  }
0x442: {  	v5 =	vld [tilespmem:s16+$0xFFFFFFA0];
	_ =	sdelay $0x1  }
0x443: {  	v6 =	vadd.s32 v2, v4;
	_ =	sdelay $0x2  }
0x444: {  	v5 =	vmul.f32 $8.000000000e+00, v5;
	_ =	sdelay $0x1  }
0x445: {  	[tilespmem:v6+s19+$0x0] =	vst.idx.msk $0xffff, v5  }
0x446: {  	v5 =	vld [tilespmem:s16+$0xFFFFFFB0];
	_ =	sdelay $0x1  }
0x447: {  	v4 =	vadd.s32 v3, v4;
	_ =	sdelay $0x2  }
0x448: {  	v5 =	vmul.f32 $8.000000000e+00, v5;
	_ =	sdelay $0x1  }
0x449: {  	s26 =	sadd.s32 $0x1, s25;
	[tilespmem:v4+s19+$0x0] =	vst.idx.msk $0xffff, v5  }
0x44a: {  	v4 =	vmov s26;
	v5 =	vld [tilespmem:s16+$0xFFFFFFC0]  }
0x44b: {  	v4 =	vand.u32 $0x7D, v4  }
0x44c: {  	v6 =	vadd.s32 v0, v4;
	_ =	sdelay $0x2  }
0x44d: {  	v5 =	vmul.f32 $8.000000000e+00, v5;
	_ =	sdelay $0x1  }
0x44e: {  	[tilespmem:v6+s19+$0x0] =	vst.idx.msk $0xffff, v5  }
0x44f: {  	v5 =	vld [tilespmem:s16+$0xFFFFFFD0];
	_ =	sdelay $0x1  }
0x450: {  	v6 =	vadd.s32 v1, v4;
	_ =	sdelay $0x2  }
0x451: {  	v5 =	vmul.f32 $8.000000000e+00, v5;
	_ =	sdelay $0x1  }
0x452: {  	[tilespmem:v6+s19+$0x0] =	vst.idx.msk $0xffff, v5  }
0x453: {  	v5 =	vld [tilespmem:s16+$0xFFFFFFE0];
	_ =	sdelay $0x1  }
0x454: {  	v6 =	vadd.s32 v2, v4;
	_ =	sdelay $0x2  }
0x455: {  	v5 =	vmul.f32 $8.000000000e+00, v5;
	_ =	sdelay $0x1  }
0x456: {  	[tilespmem:v6+s19+$0x0] =	vst.idx.msk $0xffff, v5  }
0x457: {  	v5 =	vld [tilespmem:s16+$0xFFFFFFF0];
	_ =	sdelay $0x1  }
0x458: {  	v4 =	vadd.s32 v3, v4;
	_ =	sdelay $0x2  }
0x459: {  	v5 =	vmul.f32 $8.000000000e+00, v5;
	_ =	sdelay $0x1  }
0x45a: {  	s26 =	sadd.s32 $0x2, s25;
	[tilespmem:v4+s19+$0x0] =	vst.idx.msk $0xffff, v5  }
0x45b: {  	v4 =	vmov s26;
	v5 =	vld [tilespmem:s16+$0x0]  }
0x45c: {  	v4 =	vand.u32 $0x7E, v4  }
0x45d: {  	v6 =	vadd.s32 v0, v4;
	_ =	sdelay $0x2  }
0x45e: {  	v5 =	vmul.f32 $8.000000000e+00, v5;
	_ =	sdelay $0x1  }
0x45f: {  	[tilespmem:v6+s19+$0x0] =	vst.idx.msk $0xffff, v5  }
0x460: {  	v5 =	vld [tilespmem:s16+$0x10];
	_ =	sdelay $0x1  }
0x461: {  	v6 =	vadd.s32 v1, v4;
	_ =	sdelay $0x2  }
0x462: {  	v5 =	vmul.f32 $8.000000000e+00, v5;
	_ =	sdelay $0x1  }
0x463: {  	[tilespmem:v6+s19+$0x0] =	vst.idx.msk $0xffff, v5  }
0x464: {  	v5 =	vld [tilespmem:s16+$0x20];
	_ =	sdelay $0x1  }
0x465: {  	v6 =	vadd.s32 v2, v4;
	_ =	sdelay $0x2  }
0x466: {  	v5 =	vmul.f32 $8.000000000e+00, v5;
	_ =	sdelay $0x1  }
0x467: {  	[tilespmem:v6+s19+$0x0] =	vst.idx.msk $0xffff, v5  }
0x468: {  	v5 =	vld [tilespmem:s16+$0x30];
	_ =	sdelay $0x1  }
0x469: {  	v4 =	vadd.s32 v3, v4;
	_ =	sdelay $0x2  }
0x46a: {  	v5 =	vmul.f32 $8.000000000e+00, v5;
	_ =	sdelay $0x1  }
0x46b: {  	s25 =	sadd.s32 $0x3, s25;
	[tilespmem:v4+s19+$0x0] =	vst.idx.msk $0xffff, v5  }
0x46c: {  	v4 =	vmov s25;
	v5 =	vld [tilespmem:s16+$0x40]  }
0x46d: {  	v4 =	vand.u32 $0x7F, v4  }
0x46e: {  	v6 =	vadd.s32 v0, v4;
	_ =	sdelay $0x2  }
0x46f: {  	v5 =	vmul.f32 $8.000000000e+00, v5;
	_ =	sdelay $0x1  }
0x470: {  	[tilespmem:v6+s19+$0x0] =	vst.idx.msk $0xffff, v5  }
0x471: {  	v5 =	vld [tilespmem:s16+$0x50];
	_ =	sdelay $0x1  }
0x472: {  	v6 =	vadd.s32 v1, v4;
	_ =	sdelay $0x2  }
0x473: {  	v5 =	vmul.f32 $8.000000000e+00, v5;
	_ =	sdelay $0x1  }
0x474: {  	[tilespmem:v6+s19+$0x0] =	vst.idx.msk $0xffff, v5  }
0x475: {  	v5 =	vld [tilespmem:s16+$0x60];
	_ =	sdelay $0x1  }
0x476: {  	v6 =	vadd.s32 v2, v4;
	_ =	sdelay $0x2  }
0x477: {  	v5 =	vmul.f32 $8.000000000e+00, v5;
	_ =	sdelay $0x1  }
0x478: {  	[tilespmem:v6+s19+$0x0] =	vst.idx.msk $0xffff, v5  }
0x479: {  	v5 =	vld [tilespmem:s16+$0x70]  }
.Ltmp5:
0x47a: {  	(pc) =	sbr.rel @p1 .LBB2_9-.Ltmp5, $2  }
0x47b: {  	v4 =	vadd.s32 v3, v4;
	_ =	sdelay $0x2  }
0x47c: {  	v5 =	vmul.f32 $8.000000000e+00, v5  }
0x47d: {  	s15 =	sadd.s32 $0x3, s15  }
0x47e: {  	s16 =	sshll.u32 s15, $0xA;
	s15 =	sshll.u32 s15, $0x7  }
0x47f: {  	s16 =	sand.u32 $0xFFF8000, s16;
	s15 =	sand.u32 $0xF80, s15  }
0x480: {  	s15 =	sor.u32 s15, s16  }
0x481: {  	[tilespmem:v4+s19+$0x0] =	vst.idx.msk $0xffff, v5;
	s16 =	sadd.s32 s6, s15  }
0x482: {  	[hbm4b:s16+s3] =	stream.linear.scatter [tilespmem:s19], [sflag:$0x6], $0x80, $0x38;
	[tilespmem:$0x12800] =	vst v63  }
0x483: {  	s26 =	simm.s32 $0x10688;
	s22 =	sadd.s32 $0x10, s16  }
0x484: {  	[hbm4b:s22+s3] =	stream.linear.scatter [tilespmem:s26], [sflag:$0x6], $0x80, $0x38;
	[tilespmem:$0x12800] =	vst v63  }
0x485: {  	s25 =	sadd.s32 $0x20, s16;
	s26 =	simm.s32 $0x10710  }
0x486: {  	[hbm4b:s25+s3] =	stream.linear.scatter [tilespmem:s26], [sflag:$0x6], $0x80, $0x38;
	[tilespmem:$0x12800] =	vst v63  }
0x487: {  	s25 =	sadd.s32 $0x30, s16;
	s26 =	simm.s32 $0x10798  }
0x488: {  	[hbm4b:s25+s3] =	stream.linear.scatter [tilespmem:s26], [sflag:$0x6], $0x80, $0x38;
	[tilespmem:$0x12800] =	vst v63  }
0x489: {  	s25 =	sadd.s32 $0x40, s16;
	s26 =	simm.s32 $0x10820  }
0x48a: {  	[hbm4b:s25+s3] =	stream.linear.scatter [tilespmem:s26], [sflag:$0x6], $0x80, $0x38;
	[tilespmem:$0x12800] =	vst v63  }
0x48b: {  	s25 =	sadd.s32 $0x50, s16;
	s26 =	simm.s32 $0x108A8  }
0x48c: {  	[hbm4b:s25+s3] =	stream.linear.scatter [tilespmem:s26], [sflag:$0x6], $0x80, $0x38;
	[tilespmem:$0x12800] =	vst v63  }
0x48d: {  	s2 =	smov.u32 s6;
	s6 =	sadd.s32 $0x60, s16;
	s25 =	simm.s32 $0x10930  }
0x48e: {  	[hbm4b:s6+s3] =	stream.linear.scatter [tilespmem:s25], [sflag:$0x6], $0x80, $0x38;
	[tilespmem:$0x12800] =	vst v63  }
0x48f: {  	s16 =	sadd.s32 $0x70, s16;
	s26 =	simm.s32 $0x109B8  }
0x490: {  	[hbm4b:s16+s3] =	stream.linear.scatter [tilespmem:s26], [sflag:$0x6], $0x80, $0x38;
	[tilespmem:$0x12800] =	vst v63  }
0x491: {  	s16 =	rddreg [dreg:$0x5]  }
0x492: {  	s22 =	simm.s32 $0x10A40;
	s16 =	sadd.s32 s15, s16  }
0x493: {  	[hbm4b:s16+s3] =	stream.linear.scatter [tilespmem:s22], [sflag:$0x6], $0x80, $0x38;
	[tilespmem:$0x12800] =	vst v63  }
0x494: {  	s26 =	simm.s32 $0x10AC8;
	s25 =	sadd.s32 $0x10, s16  }
0x495: {  	[hbm4b:s25+s3] =	stream.linear.scatter [tilespmem:s26], [sflag:$0x6], $0x80, $0x38;
	[tilespmem:$0x12800] =	vst v63  }
0x496: {  	s25 =	sadd.s32 $0x20, s16;
	s26 =	simm.s32 $0x10B50  }
0x497: {  	[hbm4b:s25+s3] =	stream.linear.scatter [tilespmem:s26], [sflag:$0x6], $0x80, $0x38;
	[tilespmem:$0x12800] =	vst v63  }
0x498: {  	s25 =	sadd.s32 $0x30, s16;
	s26 =	simm.s32 $0x10BD8  }
0x499: {  	[hbm4b:s25+s3] =	stream.linear.scatter [tilespmem:s26], [sflag:$0x6], $0x80, $0x38;
	[tilespmem:$0x12800] =	vst v63  }
0x49a: {  	s25 =	sadd.s32 $0x40, s16;
	s26 =	simm.s32 $0x10C60  }
0x49b: {  	[hbm4b:s25+s3] =	stream.linear.scatter [tilespmem:s26], [sflag:$0x6], $0x80, $0x38;
	[tilespmem:$0x12800] =	vst v63  }
0x49c: {  	s25 =	sadd.s32 $0x50, s16;
	s26 =	simm.s32 $0x10CE8  }
0x49d: {  	[hbm4b:s25+s3] =	stream.linear.scatter [tilespmem:s26], [sflag:$0x6], $0x80, $0x38;
	[tilespmem:$0x12800] =	vst v63  }
0x49e: {  	s6 =	sadd.s32 $0x60, s16;
	s25 =	simm.s32 $0x10D70  }
0x49f: {  	[hbm4b:s6+s3] =	stream.linear.scatter [tilespmem:s25], [sflag:$0x6], $0x80, $0x38;
	[tilespmem:$0x12800] =	vst v63  }
0x4a0: {  	s16 =	sadd.s32 $0x70, s16;
	s26 =	simm.s32 $0x10DF8  }
0x4a1: {  	[hbm4b:s16+s3] =	stream.linear.scatter [tilespmem:s26], [sflag:$0x6], $0x80, $0x38;
	[tilespmem:$0x12800] =	vst v63  }
0x4a2: {  	s22 =	simm.s32 $0x10E80;
	s16 =	sadd.s32 s15, s8  }
0x4a3: {  	[hbm4b:s16+s3] =	stream.linear.scatter [tilespmem:s22], [sflag:$0x6], $0x80, $0x38;
	[tilespmem:$0x12800] =	vst v63  }
0x4a4: {  	s26 =	simm.s32 $0x10F08;
	s25 =	sadd.s32 $0x10, s16  }
0x4a5: {  	[hbm4b:s25+s3] =	stream.linear.scatter [tilespmem:s26], [sflag:$0x6], $0x80, $0x38;
	[tilespmem:$0x12800] =	vst v63  }
0x4a6: {  	s25 =	sadd.s32 $0x20, s16;
	s26 =	simm.s32 $0x10F90  }
0x4a7: {  	[hbm4b:s25+s3] =	stream.linear.scatter [tilespmem:s26], [sflag:$0x6], $0x80, $0x38;
	[tilespmem:$0x12800] =	vst v63  }
0x4a8: {  	s25 =	sadd.s32 $0x30, s16;
	s26 =	simm.s32 $0x11018  }
0x4a9: {  	[hbm4b:s25+s3] =	stream.linear.scatter [tilespmem:s26], [sflag:$0x6], $0x80, $0x38;
	[tilespmem:$0x12800] =	vst v63  }
0x4aa: {  	s25 =	sadd.s32 $0x40, s16;
	s26 =	simm.s32 $0x110A0  }
0x4ab: {  	[hbm4b:s25+s3] =	stream.linear.scatter [tilespmem:s26], [sflag:$0x6], $0x80, $0x38;
	[tilespmem:$0x12800] =	vst v63  }
0x4ac: {  	s25 =	sadd.s32 $0x50, s16;
	s26 =	simm.s32 $0x11128  }
0x4ad: {  	[hbm4b:s25+s3] =	stream.linear.scatter [tilespmem:s26], [sflag:$0x6], $0x80, $0x38;
	[tilespmem:$0x12800] =	vst v63  }
0x4ae: {  	s6 =	sadd.s32 $0x60, s16;
	s25 =	simm.s32 $0x111B0  }
0x4af: {  	[hbm4b:s6+s3] =	stream.linear.scatter [tilespmem:s25], [sflag:$0x6], $0x80, $0x38;
	[tilespmem:$0x12800] =	vst v63  }
0x4b0: {  	s16 =	sadd.s32 $0x70, s16;
	s26 =	simm.s32 $0x11238  }
0x4b1: {  	[hbm4b:s16+s3] =	stream.linear.scatter [tilespmem:s26], [sflag:$0x6], $0x80, $0x38;
	[tilespmem:$0x12800] =	vst v63  }
0x4b2: {  	s22 =	simm.s32 $0x112C0;
	s16 =	sadd.s32 s15, s9  }
0x4b3: {  	[hbm4b:s16+s3] =	stream.linear.scatter [tilespmem:s22], [sflag:$0x6], $0x80, $0x38;
	[tilespmem:$0x12800] =	vst v63  }
0x4b4: {  	s26 =	simm.s32 $0x11348;
	s25 =	sadd.s32 $0x10, s16  }
0x4b5: {  	[hbm4b:s25+s3] =	stream.linear.scatter [tilespmem:s26], [sflag:$0x6], $0x80, $0x38;
	[tilespmem:$0x12800] =	vst v63  }
0x4b6: {  	s25 =	sadd.s32 $0x20, s16;
	s26 =	simm.s32 $0x113D0  }
0x4b7: {  	[hbm4b:s25+s3] =	stream.linear.scatter [tilespmem:s26], [sflag:$0x6], $0x80, $0x38;
	[tilespmem:$0x12800] =	vst v63  }
0x4b8: {  	s25 =	sadd.s32 $0x30, s16;
	s26 =	simm.s32 $0x11458  }
0x4b9: {  	[hbm4b:s25+s3] =	stream.linear.scatter [tilespmem:s26], [sflag:$0x6], $0x80, $0x38;
	[tilespmem:$0x12800] =	vst v63  }
0x4ba: {  	s25 =	sadd.s32 $0x40, s16;
	s26 =	simm.s32 $0x114E0  }
0x4bb: {  	[hbm4b:s25+s3] =	stream.linear.scatter [tilespmem:s26], [sflag:$0x6], $0x80, $0x38;
	[tilespmem:$0x12800] =	vst v63  }
0x4bc: {  	s25 =	sadd.s32 $0x50, s16;
	s26 =	simm.s32 $0x11568  }
0x4bd: {  	[hbm4b:s25+s3] =	stream.linear.scatter [tilespmem:s26], [sflag:$0x6], $0x80, $0x38;
	[tilespmem:$0x12800] =	vst v63  }
0x4be: {  	s6 =	sadd.s32 $0x60, s16;
	s25 =	simm.s32 $0x115F0  }
0x4bf: {  	[hbm4b:s6+s3] =	stream.linear.scatter [tilespmem:s25], [sflag:$0x6], $0x80, $0x38;
	[tilespmem:$0x12800] =	vst v63  }
0x4c0: {  	s16 =	sadd.s32 $0x70, s16;
	s26 =	simm.s32 $0x11678  }
0x4c1: {  	[hbm4b:s16+s3] =	stream.linear.scatter [tilespmem:s26], [sflag:$0x6], $0x80, $0x38;
	[tilespmem:$0x12800] =	vst v63  }
0x4c2: {  	s22 =	simm.s32 $0x11700;
	s16 =	sadd.s32 s15, s10  }
0x4c3: {  	[hbm4b:s16+s3] =	stream.linear.scatter [tilespmem:s22], [sflag:$0x6], $0x80, $0x38;
	[tilespmem:$0x12800] =	vst v63  }
0x4c4: {  	s26 =	simm.s32 $0x11788;
	s25 =	sadd.s32 $0x10, s16  }
0x4c5: {  	[hbm4b:s25+s3] =	stream.linear.scatter [tilespmem:s26], [sflag:$0x6], $0x80, $0x38;
	[tilespmem:$0x12800] =	vst v63  }
0x4c6: {  	s25 =	sadd.s32 $0x20, s16;
	s26 =	simm.s32 $0x11810  }
0x4c7: {  	[hbm4b:s25+s3] =	stream.linear.scatter [tilespmem:s26], [sflag:$0x6], $0x80, $0x38;
	[tilespmem:$0x12800] =	vst v63  }
0x4c8: {  	s25 =	sadd.s32 $0x30, s16;
	s26 =	simm.s32 $0x11898  }
0x4c9: {  	[hbm4b:s25+s3] =	stream.linear.scatter [tilespmem:s26], [sflag:$0x6], $0x80, $0x38;
	[tilespmem:$0x12800] =	vst v63  }
0x4ca: {  	s25 =	sadd.s32 $0x40, s16;
	s26 =	simm.s32 $0x11920  }
0x4cb: {  	[hbm4b:s25+s3] =	stream.linear.scatter [tilespmem:s26], [sflag:$0x6], $0x80, $0x38;
	[tilespmem:$0x12800] =	vst v63  }
0x4cc: {  	s25 =	sadd.s32 $0x50, s16;
	s26 =	simm.s32 $0x119A8  }
0x4cd: {  	[hbm4b:s25+s3] =	stream.linear.scatter [tilespmem:s26], [sflag:$0x6], $0x80, $0x38;
	[tilespmem:$0x12800] =	vst v63  }
0x4ce: {  	s6 =	sadd.s32 $0x60, s16;
	s25 =	simm.s32 $0x11A30  }
0x4cf: {  	[hbm4b:s6+s3] =	stream.linear.scatter [tilespmem:s25], [sflag:$0x6], $0x80, $0x38;
	[tilespmem:$0x12800] =	vst v63  }
0x4d0: {  	s16 =	sadd.s32 $0x70, s16;
	s26 =	simm.s32 $0x11AB8  }
0x4d1: {  	[hbm4b:s16+s3] =	stream.linear.scatter [tilespmem:s26], [sflag:$0x6], $0x80, $0x38;
	[tilespmem:$0x12800] =	vst v63  }
0x4d2: {  	s22 =	simm.s32 $0x11B40;
	s16 =	sadd.s32 s15, s11  }
0x4d3: {  	[hbm4b:s16+s3] =	stream.linear.scatter [tilespmem:s22], [sflag:$0x6], $0x80, $0x38;
	[tilespmem:$0x12800] =	vst v63  }
0x4d4: {  	s26 =	simm.s32 $0x11BC8;
	s25 =	sadd.s32 $0x10, s16  }
0x4d5: {  	[hbm4b:s25+s3] =	stream.linear.scatter [tilespmem:s26], [sflag:$0x6], $0x80, $0x38;
	[tilespmem:$0x12800] =	vst v63  }
0x4d6: {  	s25 =	sadd.s32 $0x20, s16;
	s26 =	simm.s32 $0x11C50  }
0x4d7: {  	[hbm4b:s25+s3] =	stream.linear.scatter [tilespmem:s26], [sflag:$0x6], $0x80, $0x38;
	[tilespmem:$0x12800] =	vst v63  }
0x4d8: {  	s25 =	sadd.s32 $0x30, s16;
	s26 =	simm.s32 $0x11CD8  }
0x4d9: {  	[hbm4b:s25+s3] =	stream.linear.scatter [tilespmem:s26], [sflag:$0x6], $0x80, $0x38;
	[tilespmem:$0x12800] =	vst v63  }
0x4da: {  	s25 =	sadd.s32 $0x40, s16;
	s26 =	simm.s32 $0x11D60  }
0x4db: {  	[hbm4b:s25+s3] =	stream.linear.scatter [tilespmem:s26], [sflag:$0x6], $0x80, $0x38;
	[tilespmem:$0x12800] =	vst v63  }
0x4dc: {  	s25 =	sadd.s32 $0x50, s16;
	s26 =	simm.s32 $0x11DE8  }
0x4dd: {  	[hbm4b:s25+s3] =	stream.linear.scatter [tilespmem:s26], [sflag:$0x6], $0x80, $0x38;
	[tilespmem:$0x12800] =	vst v63  }
0x4de: {  	s6 =	sadd.s32 $0x60, s16;
	s25 =	simm.s32 $0x11E70  }
0x4df: {  	[hbm4b:s6+s3] =	stream.linear.scatter [tilespmem:s25], [sflag:$0x6], $0x80, $0x38;
	[tilespmem:$0x12800] =	vst v63  }
0x4e0: {  	s16 =	sadd.s32 $0x70, s16;
	s26 =	simm.s32 $0x11EF8  }
0x4e1: {  	[hbm4b:s16+s3] =	stream.linear.scatter [tilespmem:s26], [sflag:$0x6], $0x80, $0x38;
	[tilespmem:$0x12800] =	vst v63  }
0x4e2: {  	s22 =	simm.s32 $0x11F80;
	s16 =	sadd.s32 s15, s12  }
0x4e3: {  	[hbm4b:s16+s3] =	stream.linear.scatter [tilespmem:s22], [sflag:$0x6], $0x80, $0x38;
	[tilespmem:$0x12800] =	vst v63  }
0x4e4: {  	s26 =	simm.s32 $0x12008;
	s25 =	sadd.s32 $0x10, s16  }
0x4e5: {  	[hbm4b:s25+s3] =	stream.linear.scatter [tilespmem:s26], [sflag:$0x6], $0x80, $0x38;
	[tilespmem:$0x12800] =	vst v63  }
0x4e6: {  	s25 =	sadd.s32 $0x20, s16;
	s26 =	simm.s32 $0x12090  }
0x4e7: {  	[hbm4b:s25+s3] =	stream.linear.scatter [tilespmem:s26], [sflag:$0x6], $0x80, $0x38;
	[tilespmem:$0x12800] =	vst v63  }
0x4e8: {  	s25 =	sadd.s32 $0x30, s16;
	s26 =	simm.s32 $0x12118  }
0x4e9: {  	[hbm4b:s25+s3] =	stream.linear.scatter [tilespmem:s26], [sflag:$0x6], $0x80, $0x38;
	[tilespmem:$0x12800] =	vst v63  }
0x4ea: {  	s25 =	sadd.s32 $0x40, s16;
	s26 =	simm.s32 $0x121A0  }
0x4eb: {  	[hbm4b:s25+s3] =	stream.linear.scatter [tilespmem:s26], [sflag:$0x6], $0x80, $0x38;
	[tilespmem:$0x12800] =	vst v63  }
0x4ec: {  	s25 =	sadd.s32 $0x50, s16;
	s26 =	simm.s32 $0x12228  }
0x4ed: {  	[hbm4b:s25+s3] =	stream.linear.scatter [tilespmem:s26], [sflag:$0x6], $0x80, $0x38;
	[tilespmem:$0x12800] =	vst v63  }
0x4ee: {  	s6 =	sadd.s32 $0x60, s16;
	s25 =	simm.s32 $0x122B0  }
0x4ef: {  	[hbm4b:s6+s3] =	stream.linear.scatter [tilespmem:s25], [sflag:$0x6], $0x80, $0x38;
	[tilespmem:$0x12800] =	vst v63  }
0x4f0: {  	s16 =	sadd.s32 $0x70, s16;
	s26 =	simm.s32 $0x12338  }
0x4f1: {  	[hbm4b:s16+s3] =	stream.linear.scatter [tilespmem:s26], [sflag:$0x6], $0x80, $0x38;
	[tilespmem:$0x12800] =	vst v63  }
0x4f2: {  	s15 =	sadd.s32 s15, s13;
	s22 =	simm.s32 $0x123C0  }
0x4f3: {  	[hbm4b:s15+s3] =	stream.linear.scatter [tilespmem:s22], [sflag:$0x6], $0x80, $0x38;
	[tilespmem:$0x12800] =	vst v63  }
0x4f4: {  	s25 =	sadd.s32 $0x10, s15;
	s26 =	simm.s32 $0x12448  }
0x4f5: {  	[hbm4b:s25+s3] =	stream.linear.scatter [tilespmem:s26], [sflag:$0x6], $0x80, $0x38;
	[tilespmem:$0x12800] =	vst v63  }
0x4f6: {  	s6 =	sadd.s32 $0x20, s15;
	s22 =	simm.s32 $0x124D0  }
0x4f7: {  	[hbm4b:s6+s3] =	stream.linear.scatter [tilespmem:s22], [sflag:$0x6], $0x80, $0x38;
	[tilespmem:$0x12800] =	vst v63  }
0x4f8: {  	s25 =	sadd.s32 $0x30, s15;
	s26 =	simm.s32 $0x12558  }
0x4f9: {  	[hbm4b:s25+s3] =	stream.linear.scatter [tilespmem:s26], [sflag:$0x6], $0x80, $0x38;
	[tilespmem:$0x12800] =	vst v63  }
0x4fa: {  	s6 =	sadd.s32 $0x40, s15;
	s22 =	simm.s32 $0x125E0  }
0x4fb: {  	[hbm4b:s6+s3] =	stream.linear.scatter [tilespmem:s22], [sflag:$0x6], $0x80, $0x38;
	[tilespmem:$0x12800] =	vst v63  }
0x4fc: {  	s25 =	sadd.s32 $0x50, s15;
	s26 =	simm.s32 $0x12668  }
0x4fd: {  	[hbm4b:s25+s3] =	stream.linear.scatter [tilespmem:s26], [sflag:$0x6], $0x80, $0x38;
	[tilespmem:$0x12800] =	vst v63  }
.Ltmp6:
0x4fe: {  	_ = 	snop;
	(pc) =	sbr.rel @p0 .LBB2_12-.Ltmp6, $4  }
0x4ff: {  	s22 =	sadd.s32 $0x60, s15;
	s25 =	simm.s32 $0x126F0  }
0x500: {  	[hbm4b:s22+s3] =	stream.linear.scatter [tilespmem:s25], [sflag:$0x6], $0x80, $0x38;
	[tilespmem:$0x12800] =	vst v63  }
0x501: {  	s15 =	sadd.s32 $0x70, s15;
	s26 =	simm.s32 $0x12778  }
0x502: {  	[hbm4b:s15+s3] =	stream.linear.scatter [tilespmem:s26], [sflag:$0x6], $0x80, $0x38;
	[tilespmem:$0x12800] =	vst v63  }
.Ltmp7:
0x503: {  	(pc) =	sbr.rel .LBB2_2-.Ltmp7, $4  }
0x504: {  	s15 =	sshll.u32 s14, $0x9  }
0x505: {  	s16 =	simm.s32 $0x80;
	s22 =	simm.s32 $0xC400;
	s15 =	sand.u32 $0x3FFFFE00, s15  }
0x506: {  	s14 =	sadd.s32 $0x1, s14;
	s6 =	smov.u32 s7;
	s15 =	sadd.s32 $0x380, s15  }
0x507: {  	[tilespmem:s22], [sflag:$0x4] =	stream.indirect.gather [hbm4b:s4+s16], $0x40, s15, s16, $0xb8;
	[tilespmem:$0x12800] =	vst v63  }
.LBB2_13:
0x508: {  	_ =	sfence.sel $0x180000  }
0x509: {  	[bflag:$0x0] =	sbarrier.arrive $0xFFFF  }
0x50a: {  	_ =	strace $0x90000047  }
0x50b: {  	s0 =	stileid.u32;
	[bflag:$0x2] =	sbarrier.arrive $0xFFFF  }
0x50c: {  	p0 =	sne.s32 s0, $0x0;
	s0 =	rddreg [dreg:$0x2]  }
0x50d: {  	s0 =	sadd.s32 @!p0 $0x100000, s0  }
0x50e: {  	[sflag:s0] =	ssyncadd.tile.s32 @!p0 $0x1;
	_ =	shalt  }
.Lfunc_end2:
_tile_overlayer_lowered:
.L_overlay_start_2:
0x50f: {  	(tag) =	ssettag $0x2  }
0x510: {  	s0 =	rddreg [dreg:$0x0];
	s2 =	stileid.u32  }
0x511: {  	s1 =	rddreg [dreg:$0x1];
	p0 =	sne.s32 s2, $0x0  }
0x512: {  	s3 =	rddreg [dreg:$0x2];
	[bflag:$0x3] =	sbarrier.arrive $0xFFFF;
	s2 =	simm.s32 @!p0 $0x1C07  }
0x513: {  	[timem:s3], [sflag:s2] =	dma.local @!p0 [hbm:s0], s1  }
0x514: {  	s0 =	simm.s32 @!p0 $0x7  }
0x515: {  	_ =	swait.ge @!p0 [sflag:s0], s1  }
0x516: {  	s1 =	ssub.s32 @!p0 $0x0, s1;
	[sflag:s0] =	ssyncset.done @!p0 $0x0  }
0x517: {  	[sflag:s0] =	ssyncadd.s32 @!p0 s1  }
0x518: {  	[bflag:$0x3] =	sbarrier.arrive $0xFFFF  }
0x519: {  	_ =	shalt  }

</sc_bundles>
